<compile_context>
chip_gen: v7x
topology: tpu7x:2x2x1
jax: 0.10.2.dev20260603
libtpu: 0.0.44.dev20260713+nightly
codegen_flags: <defaults>
</compile_context>

<pallas_src>
import functools

import jax
import jax.numpy as jnp
from jax import lax
from jax.experimental import pallas as pl
from jax.experimental.pallas import tpu as pltpu
from jax.experimental.pallas import tpu_sc as plsc

N = 10000
E = 320000
D = 128
H = 32
C = 40

NC = 2
NS = 16
NW = NC * NS
K = 128
NCHUNK = E // K
CPW = NCHUNK // NW
NXTRA = NCHUNK - CPW * NW
NB = 6
RB = 1000
NRB = N // RB
DEGW = 16
RBF = RB // 4

_mesh = plsc.VectorSubcoreMesh(core_axis_name="c", subcore_axis_name="s")


@functools.partial(
    pl.kernel,
    out_type=jax.ShapeDtypeStruct((NC, N // 4, 128), jnp.float32),
    mesh=_mesh,
    compiler_params=pltpu.CompilerParams(use_tc_tiling_on_sc=False),
    scratch_types=[
        pltpu.VMEM_SHARED((N, DEGW), jnp.float32),
        pltpu.VMEM((RB, DEGW), jnp.float32),
        pltpu.VMEM((RBF, 128), jnp.float32),
        pltpu.VMEM((CPW, 2, K), jnp.int32),
        pltpu.VMEM((1, 2, K), jnp.int32),
        pltpu.SemaphoreType.DMA,
    ],
)
def _deg_kernel(ei_hbm, out_hbm, acc, ones_v, wb_v, ei_v, eix_v, sem):
    c = lax.axis_index("c")
    s = lax.axis_index("s")
    wid = s * NC + c
    ones_row = jnp.full((DEGW,), 1.0, dtype=jnp.float32)

    def fill(i, carry):
        ones_v[i, :] = ones_row
        return carry

    lax.fori_loop(0, RB, fill, 0)

    @pl.when(s < NRB)
    def _():
        pltpu.sync_copy(ones_v, acc.at[pl.ds(s * RB, RB)])

    pltpu.sync_copy(ei_hbm.at[pl.ds(wid * CPW, CPW)], ei_v)

    @pl.when(wid < NXTRA)
    def _():
        pltpu.sync_copy(ei_hbm.at[pl.ds(NW * CPW + wid, 1)], eix_v)

    plsc.subcore_barrier()

    def body(g, carry):
        pltpu.async_copy(ones_v.at[pl.ds(0, K)], acc.at[ei_v.at[g, 1]], sem, add=True)

        @pl.when(g >= 3)
        def _():
            pltpu.make_async_copy(
                ones_v.at[pl.ds(0, K)], acc.at[ei_v.at[g, 1]], sem
            ).wait()

        return carry

    lax.fori_loop(0, CPW, body, 0)

    @pl.when(wid < NXTRA)
    def _():
        pltpu.async_copy(ones_v.at[pl.ds(0, K)], acc.at[eix_v.at[0, 1]], sem, add=True)
        pltpu.make_async_copy(ones_v.at[pl.ds(0, K)], acc.at[eix_v.at[0, 1]], sem).wait()

    for _tail in range(3):
        pltpu.make_async_copy(
            ones_v.at[pl.ds(0, K)], acc.at[ei_v.at[CPW - 1, 1]], sem
        ).wait()
    plsc.subcore_barrier()

    @pl.when(s < NRB)
    def _():
        pltpu.sync_copy(acc.at[pl.ds(s * RB, RB)], ones_v)

        def repack(k, carry):
            v = ones_v[k, :]
            r = k // 4
            co = (k % 4) * 32
            wb_v[r, pl.ds(co, DEGW)] = v
            wb_v[r, pl.ds(co + DEGW, DEGW)] = v
            return carry

        lax.fori_loop(0, RB, repack, 0)
        pltpu.sync_copy(wb_v, out_hbm.at[c, pl.ds(s * RBF, RBF)])


@functools.partial(
    pl.kernel,
    out_type=jax.ShapeDtypeStruct((NC, N // 4, 128), jnp.float32),
    mesh=_mesh,
    compiler_params=pltpu.CompilerParams(use_tc_tiling_on_sc=False),
    scratch_types=[
        pltpu.VMEM_SHARED((N, H), jnp.float32),
        pltpu.VMEM((RB, H), jnp.float32),
        pltpu.VMEM((RBF, 128), jnp.float32),
        pltpu.VMEM((CPW, 2, K), jnp.int32),
        pltpu.VMEM((1, 2, K), jnp.int32),
        pltpu.VMEM((K, H), jnp.float32),
        pltpu.VMEM((K, H), jnp.float32),
        pltpu.VMEM((K, H), jnp.float32),
        pltpu.VMEM((K, H), jnp.float32),
        pltpu.VMEM((K, H), jnp.float32),
        pltpu.VMEM((K, H), jnp.float32),
        pltpu.SemaphoreType.DMA,
        pltpu.SemaphoreType.DMA,
        pltpu.SemaphoreType.DMA,
        pltpu.SemaphoreType.DMA,
        pltpu.SemaphoreType.DMA,
        pltpu.SemaphoreType.DMA,
        pltpu.SemaphoreType.DMA,
        pltpu.SemaphoreType.DMA,
        pltpu.SemaphoreType.DMA,
        pltpu.SemaphoreType.DMA,
        pltpu.SemaphoreType.DMA,
        pltpu.SemaphoreType.DMA,
    ],
)
def _agg_kernel(m_hbm, ei_hbm, out_hbm, acc, wb32_v, wb_v, ei_v, eix_v,
                r0, r1, r2, r3, r4, r5,
                g0, g1, g2, g3, g4, g5,
                s0, s1, s2, s3, s4, s5):
    c = lax.axis_index("c")
    s = lax.axis_index("s")
    wid = s * NC + c
    rows = (r0, r1, r2, r3, r4, r5)
    gsem = (g0, g1, g2, g3, g4, g5)
    ssem = (s0, s1, s2, s3, s4, s5)
    pltpu.sync_copy(ei_hbm.at[pl.ds(wid * CPW, CPW)], ei_v)

    @pl.when(wid < NXTRA)
    def _():
        pltpu.sync_copy(ei_hbm.at[pl.ds(NW * CPW + wid, 1)], eix_v)

    for b in range(NB):
        pltpu.async_copy(m_hbm.at[ei_v.at[b, 0]], rows[b], gsem[b])

    @pl.when(s < NRB)
    def _():
        pltpu.sync_copy(m_hbm.at[pl.ds(s * RB, RB)], acc.at[pl.ds(s * RB, RB)])

    plsc.subcore_barrier()

    def step(i, carry):
        g = NB * i
        for b in range(NB):
            pltpu.make_async_copy(m_hbm.at[ei_v.at[g + b, 0]], rows[b], gsem[b]).wait()
            pltpu.async_copy(rows[b], acc.at[ei_v.at[g + b, 1]], ssem[b], add=True)
        for b in range(NB):
            @pl.when(g + b + NB < CPW)
            def _(b=b):
                pltpu.make_async_copy(rows[b], acc.at[ei_v.at[g + b, 1]], ssem[b]).wait()
                pltpu.async_copy(m_hbm.at[ei_v.at[g + b + NB, 0]], rows[b], gsem[b])

        return carry

    lax.fori_loop(0, CPW // NB, step, 0)
    for b in range(NB):
        pltpu.make_async_copy(rows[b], acc.at[ei_v.at[CPW - NB + b, 1]], ssem[b]).wait()

    @pl.when(wid < NXTRA)
    def _():
        pltpu.async_copy(m_hbm.at[eix_v.at[0, 0]], rows[0], gsem[0])
        pltpu.make_async_copy(m_hbm.at[eix_v.at[0, 0]], rows[0], gsem[0]).wait()
        pltpu.async_copy(rows[0], acc.at[eix_v.at[0, 1]], ssem[0], add=True)
        pltpu.make_async_copy(rows[0], acc.at[eix_v.at[0, 1]], ssem[0]).wait()

    plsc.subcore_barrier()

    @pl.when(s < NRB)
    def _():
        pltpu.sync_copy(acc.at[pl.ds(s * RB, RB)], wb32_v)

        def repack(k, carry):
            r = k // 4
            co = (k % 4) * 32
            wb_v[r, pl.ds(co, 16)] = wb32_v[k, pl.ds(0, 16)]
            wb_v[r, pl.ds(co + 16, 16)] = wb32_v[k, pl.ds(16, 16)]
            return carry

        lax.fori_loop(0, RB, repack, 0)
        pltpu.sync_copy(wb_v, out_hbm.at[c, pl.ds(s * RBF, RBF)])


def _pre_body(x4_ref, w1d_ref, d_ref, m_ref, dinv_ref):
    dinv = lax.rsqrt(d_ref[0] + d_ref[1] - 1.0)
    m_ref[...] = jnp.dot(x4_ref[...], w1d_ref[...],
                         preferred_element_type=jnp.float32) * dinv
    dinv_ref[...] = dinv


_pre_call = pl.pallas_call(
    _pre_body,
    out_shape=[
        jax.ShapeDtypeStruct((N // 4, 128), jnp.float32),
        jax.ShapeDtypeStruct((N // 4, 128), jnp.float32),
    ],
)


def _mid1_body(a_ref, m1_ref, dinv_ref, b1_ref, w2d_ref, m2_ref):
    dinv = dinv_ref[...]
    t = jnp.maximum((a_ref[0] + a_ref[1] - m1_ref[...]) * dinv + b1_ref[...], 0.0)
    m2_ref[...] = jnp.dot(t, w2d_ref[...], preferred_element_type=jnp.float32) * dinv


_mid1_call = pl.pallas_call(
    _mid1_body,
    out_shape=jax.ShapeDtypeStruct((N // 4, 128), jnp.float32),
)


def _mid2_body(a_ref, m2_ref, dinv_ref, b2_ref, m3_ref):
    dinv = dinv_ref[...]
    m3_ref[...] = jnp.maximum(
        (a_ref[0] + a_ref[1] - m2_ref[...]) * dinv + b2_ref[...], 0.0) * dinv


_mid2_call = pl.pallas_call(
    _mid2_body,
    out_shape=jax.ShapeDtypeStruct((N // 4, 128), jnp.float32),
)


def _post_body(a_ref, m3_ref, dinv_ref, b3_ref, w3d_ref, o_ref):
    sf = (a_ref[0] + a_ref[1] - m3_ref[...]) * dinv_ref[...]
    o_ref[...] = jnp.dot(sf, w3d_ref[...],
                         preferred_element_type=jnp.float32) + b3_ref[...]


_post_call = pl.pallas_call(
    _post_body,
    out_shape=jax.ShapeDtypeStruct((N // 4, 4 * C), jnp.float32),
)


def _block_diag4(w):
    a, b = w.shape
    r = jnp.arange(4 * a) // a
    col = jnp.arange(4 * b) // b
    return jnp.where(r[:, None] == col[None, :], jnp.tile(w, (4, 4)), 0.0)


def kernel(x, edge_index, W1, b1, W2, b2, W3, b3):
    ei = edge_index.reshape(2, NCHUNK, K).transpose(1, 0, 2)
    x4 = x.reshape(N // 4, 4 * D)
    w1d = _block_diag4(W1)
    w2d = _block_diag4(W2)
    w3d = _block_diag4(W3)
    b1t = jnp.tile(b1, 4).reshape(1, 128)
    b2t = jnp.tile(b2, 4).reshape(1, 128)
    b3t = jnp.tile(b3, 4).reshape(1, 4 * C)

    degp = _deg_kernel(ei)
    m1f, dinvf = _pre_call(x4, w1d, degp)
    a1 = _agg_kernel(m1f.reshape(N, H), ei)
    m2f = _mid1_call(a1, m1f, dinvf, b1t, w2d)
    a2 = _agg_kernel(m2f.reshape(N, H), ei)
    m3f = _mid2_call(a2, m2f, dinvf, b2t)
    a3 = _agg_kernel(m3f.reshape(N, H), ei)
    out = _post_call(a3, m3f, dinvf, b3t, w3d)
    return out.reshape(N, C)

# --- scband reference (transcript-rebuilt; emitter-appended) ---
"""Pipeline reference for scband-gcnnode-classifier-24773371364082 (READ-ONLY COPY).

The authoritative reference and input builder live on the scoring server;
editing this copy changes nothing except your own understanding.
"""

import jax, jax.numpy as jnp
import numpy as np

N = 10000
E = 320000
D = 128
H = 32
C = 40


def setup_inputs(seed: int = 0) -> dict:
    key = jax.random.key(seed)
    ks = jax.random.split(key, 8)
    x = jax.random.normal(ks[0], (N, D), dtype=jnp.float32)
    edge_index = jax.random.randint(ks[1], (2, E), 0, N, dtype=jnp.int32)
    W1 = jax.random.normal(ks[2], (D, H), dtype=jnp.float32) * 0.1
    b1 = jnp.zeros((H,), dtype=jnp.float32)
    W2 = jax.random.normal(ks[3], (H, H), dtype=jnp.float32) * 0.1
    b2 = jnp.zeros((H,), dtype=jnp.float32)
    W3 = jax.random.normal(ks[4], (H, C), dtype=jnp.float32) * 0.1
    b3 = jnp.zeros((C,), dtype=jnp.float32)
    return {"x": x, "edge_index": edge_index, "W1": W1, "b1": b1, "W2": W2, "b2": b2, "W3": W3, "b3": b3}


def gcn_conv(x, edge_index, W, b):
    # GCNConv with add_self_loops=True, symmetric normalization, bias.
    n = x.shape[0]
    h = x @ W
    loop = jnp.arange(n, dtype=edge_index.dtype)
    src = jnp.concatenate([edge_index[0], loop])
    dst = jnp.concatenate([edge_index[1], loop])
    ones = jnp.ones(src.shape[0], dtype=h.dtype)
    deg = jnp.zeros((n,), dtype=h.dtype).at[dst].add(ones)
    deg_inv_sqrt = jnp.where(deg > 0, jax.lax.rsqrt(jnp.maximum(deg, 1e-12)), 0.0)
    norm = deg_inv_sqrt[src] * deg_inv_sqrt[dst]
    msg = h[src] * norm[:, None]
    out = jnp.zeros((n, h.shape[1]), dtype=h.dtype).at[dst].add(msg)
    return out + b


def reference(x, edge_index, W1, b1, W2, b2, W3, b3):
    # drop_edge with keep_ratio=1.0 keeps all edges (order irrelevant for scatter-add)
    h = jax.nn.relu(gcn_conv(x, edge_index, W1, b1))
    h = jax.nn.relu(gcn_conv(h, edge_index, W2, b2))
    out = gcn_conv(h, edge_index, W3, b3)
    return out

if __name__ == "__main__":
    import jax
    _d = setup_inputs()
    print(jax.jit(kernel)(*tuple(_d.values())))

</pallas_src>

<mosaic_0001>
#map = affine_map<(d0, d1) -> (0, 0, 0)>
module attributes {stable_mosaic.version = 14 : i64} {
  func.func @_deg_kernel(%arg0: i32, %arg1: i32, %arg2: memref<2500x2x128xi32, #tpu.memory_space<hbm>>, %arg3: memref<2x2500x128xf32, #tpu.memory_space<hbm>>, %arg4: memref<10000x16xf32, #tpu.memory_space<vmem_shared>>, %arg5: memref<1000x16xf32, #tpu.memory_space<vmem>>, %arg6: memref<250x128xf32, #tpu.memory_space<vmem>>, %arg7: memref<78x2x128xi32, #tpu.memory_space<vmem>>, %arg8: memref<1x2x128xi32, #tpu.memory_space<vmem>>, %arg9: memref<!tpu.dma_semaphore, #tpu.memory_space<semaphore_mem>>) attributes {dimension_semantics = [#tpu.dimension_semantics<core_parallel>, #tpu.dimension_semantics<subcore_parallel>], iteration_bounds = array<i64: 2, 16>, scalar_prefetch = 0 : i64, scratch_operands = 6 : i64, tpu.core_type = #tpu.core_type<sc_vector_subcore>, window_params = [{transform_indices = #map}, {transform_indices = #map}]} {
    %mul3A = arith.constant 2 : i32
    %mul3A_0 = arith.muli %arg1, %mul3A : i32
    %add3A = arith.addi %mul3A_0, %arg0 : i32
    %broadcast_in_dim3A = arith.constant 1.000000e+00 : f32
    %broadcast_in_dim3A_1 = vector.broadcast %broadcast_in_dim3A : f32 to vector<16xf32>
    %scan3A = arith.constant 0 : i32
    %scan3A_2 = arith.constant 0 : i32
    %scan3A_3 = arith.constant 1000 : i32
    %scan3A_4 = arith.addi %scan3A_2, %scan3A_3 : i32
    %scan3A_5 = arith.constant 1 : i32
    scf.for %scan3A_65 = %scan3A_2 to %scan3A_4 step %scan3A_5  : i32 {
      %swap3A = arith.index_cast %scan3A_65 : i32 to index
      %swap3A_66 = arith.constant 0 : index
      %swap3A_67 = tpu.vector_load %arg5[%swap3A, %swap3A_66] {strides = array<i32>} : memref<1000x16xf32, #tpu.memory_space<vmem>>, vector<1x16xf32>,
      %swap3A_68 = vector.shape_cast %swap3A_67 : vector<1x16xf32> to vector<16xf32>
      %swap3A_69 = vector.shape_cast %broadcast_in_dim3A_1 : vector<16xf32> to vector<1x16xf32>
      tpu.vector_store %arg5[%swap3A, %swap3A_66], %swap3A_69 {strides = array<i32>} : memref<1000x16xf32, #tpu.memory_space<vmem>>, vector<1x16xf32>,
    }
    %scan3A_6 = arith.constant 1000 : i32
    %lt3A = arith.constant 10 : i32
    %lt3A_7 = arith.cmpi slt, %arg1, %lt3A : i32
    %convert_element_type3A = arith.extui %lt3A_7 : i1 to i32
    %cond3A = arith.constant 0 : i32
    %cond3A_8 = arith.cmpi ne, %convert_element_type3A, %cond3A : i32
    scf.if %cond3A_8 {
      %mul3A_65 = arith.constant 1000 : i32
      %mul3A_66 = arith.muli %arg1, %mul3A_65 : i32
      "tpu.region"() ({
        %run_scoped3A = tpu.sem_alloc : memref<!tpu.dma_semaphore, #tpu.memory_space<semaphore_mem>>
        %dma_start3A = arith.constant 0 : i32
        %dma_start3A_67 = tpu.memref_slice %arg4[%mul3A_66, %dma_start3A] : memref<10000x16xf32, #tpu.memory_space<vmem_shared>> -> memref<1000x16xf32, #tpu.memory_space<vmem_shared>>
        %dma_start3A_68 = arith.constant 0 : i32
        %dma_start3A_69 = tpu.memref_slice %arg4[%mul3A_66, %dma_start3A_68] : memref<10000x16xf32, #tpu.memory_space<vmem_shared>> -> memref<1000x16xf32, #tpu.memory_space<vmem_shared>>
        tpu.enqueue_dma source(%arg5 : memref<1000x16xf32, #tpu.memory_space<vmem>>) target(%dma_start3A_69 : memref<1000x16xf32, #tpu.memory_space<vmem_shared>>) target_semaphore(%run_scoped3A : memref<!tpu.dma_semaphore, #tpu.memory_space<semaphore_mem>>)
        %dma_wait3A_70 = arith.constant 0 : i32
        %dma_wait3A_71 = tpu.memref_slice %arg4[%mul3A_66, %dma_wait3A_70] : memref<10000x16xf32, #tpu.memory_space<vmem_shared>> -> memref<1000x16xf32, #tpu.memory_space<vmem_shared>>
        %dma_wait3A_72 = arith.constant 0 : i32
        %dma_wait3A_73 = tpu.memref_slice %arg4[%mul3A_66, %dma_wait3A_72] : memref<10000x16xf32, #tpu.memory_space<vmem_shared>> -> memref<1000x16xf32, #tpu.memory_space<vmem_shared>>
        tpu.wait_dma2 semaphore(%run_scoped3A : memref<!tpu.dma_semaphore, #tpu.memory_space<semaphore_mem>>) src(%arg5 : memref<1000x16xf32, #tpu.memory_space<vmem>>) dst(%dma_wait3A_73 : memref<1000x16xf32, #tpu.memory_space<vmem_shared>>)
        tpu.yield
      }) : () -> ()
    } else {
    }
    %mul3A_9 = arith.constant 78 : i32
    %mul3A_10 = arith.muli %add3A, %mul3A_9 : i32
    "tpu.region"() ({
      %run_scoped3A = tpu.sem_alloc : memref<!tpu.dma_semaphore, #tpu.memory_space<semaphore_mem>>
      %dma_start3A = arith.constant 0 : i32
      %dma_start3A_65 = arith.constant 0 : i32
      %dma_start3A_66 = tpu.memref_slice %arg2[%mul3A_10, %dma_start3A, %dma_start3A_65] : memref<2500x2x128xi32, #tpu.memory_space<hbm>> -> memref<78x2x128xi32, #tpu.memory_space<hbm>>
      %dma_start3A_67 = arith.constant 0 : i32
      %dma_start3A_68 = arith.constant 0 : i32
      %dma_start3A_69 = tpu.memref_slice %arg2[%mul3A_10, %dma_start3A_67, %dma_start3A_68] : memref<2500x2x128xi32, #tpu.memory_space<hbm>> -> memref<78x2x128xi32, #tpu.memory_space<hbm>>
      tpu.enqueue_dma source(%dma_start3A_69 : memref<78x2x128xi32, #tpu.memory_space<hbm>>) target(%arg7 : memref<78x2x128xi32, #tpu.memory_space<vmem>>) target_semaphore(%run_scoped3A : memref<!tpu.dma_semaphore, #tpu.memory_space<semaphore_mem>>)
      %dma_wait3A_70 = arith.constant 0 : i32
      %dma_wait3A_71 = arith.constant 0 : i32
      %dma_wait3A_72 = tpu.memref_slice %arg2[%mul3A_10, %dma_wait3A_70, %dma_wait3A_71] : memref<2500x2x128xi32, #tpu.memory_space<hbm>> -> memref<78x2x128xi32, #tpu.memory_space<hbm>>
      %dma_wait3A_73 = arith.constant 0 : i32
      %dma_wait3A_74 = arith.constant 0 : i32
      %dma_wait3A_75 = tpu.memref_slice %arg2[%mul3A_10, %dma_wait3A_73, %dma_wait3A_74] : memref<2500x2x128xi32, #tpu.memory_space<hbm>> -> memref<78x2x128xi32, #tpu.memory_space<hbm>>
      tpu.wait_dma2 semaphore(%run_scoped3A : memref<!tpu.dma_semaphore, #tpu.memory_space<semaphore_mem>>) src(%dma_wait3A_75 : memref<78x2x128xi32, #tpu.memory_space<hbm>>) dst(%arg7 : memref<78x2x128xi32, #tpu.memory_space<vmem>>)
      tpu.yield
    }) : () -> ()
    %lt3A_11 = arith.constant 4 : i32
    %lt3A_12 = arith.cmpi slt, %add3A, %lt3A_11 : i32
    %convert_element_type3A_13 = arith.extui %lt3A_12 : i1 to i32
    %cond3A_14 = arith.constant 0 : i32
    %cond3A_15 = arith.cmpi ne, %convert_element_type3A_13, %cond3A_14 : i32
    scf.if %cond3A_15 {
      %add3A_65 = arith.constant 2496 : i32
      %add3A_66 = arith.addi %add3A_65, %add3A : i32
      "tpu.region"() ({
        %run_scoped3A = tpu.sem_alloc : memref<!tpu.dma_semaphore, #tpu.memory_space<semaphore_mem>>
        %dma_start3A = arith.constant 0 : i32
        %dma_start3A_67 = arith.constant 0 : i32
        %dma_start3A_68 = tpu.memref_slice %arg2[%add3A_66, %dma_start3A, %dma_start3A_67] : memref<2500x2x128xi32, #tpu.memory_space<hbm>> -> memref<1x2x128xi32, #tpu.memory_space<hbm>>
        %dma_start3A_69 = arith.constant 0 : i32
        %dma_start3A_70 = arith.constant 0 : i32
        %dma_start3A_71 = tpu.memref_slice %arg2[%add3A_66, %dma_start3A_69, %dma_start3A_70] : memref<2500x2x128xi32, #tpu.memory_space<hbm>> -> memref<1x2x128xi32, #tpu.memory_space<hbm>>
        tpu.enqueue_dma source(%dma_start3A_71 : memref<1x2x128xi32, #tpu.memory_space<hbm>>) target(%arg8 : memref<1x2x128xi32, #tpu.memory_space<vmem>>) target_semaphore(%run_scoped3A : memref<!tpu.dma_semaphore, #tpu.memory_space<semaphore_mem>>)
        %dma_wait3A_72 = arith.constant 0 : i32
        %dma_wait3A_73 = arith.constant 0 : i32
        %dma_wait3A_74 = tpu.memref_slice %arg2[%add3A_66, %dma_wait3A_72, %dma_wait3A_73] : memref<2500x2x128xi32, #tpu.memory_space<hbm>> -> memref<1x2x128xi32, #tpu.memory_space<hbm>>
        %dma_wait3A_75 = arith.constant 0 : i32
        %dma_wait3A_76 = arith.constant 0 : i32
        %dma_wait3A_77 = tpu.memref_slice %arg2[%add3A_66, %dma_wait3A_75, %dma_wait3A_76] : memref<2500x2x128xi32, #tpu.memory_space<hbm>> -> memref<1x2x128xi32, #tpu.memory_space<hbm>>
        tpu.wait_dma2 semaphore(%run_scoped3A : memref<!tpu.dma_semaphore, #tpu.memory_space<semaphore_mem>>) src(%dma_wait3A_77 : memref<1x2x128xi32, #tpu.memory_space<hbm>>) dst(%arg8 : memref<1x2x128xi32, #tpu.memory_space<vmem>>)
        tpu.yield
      }) : () -> ()
    } else {
    }
    %barrier3A = arith.constant 0 : index
    tpu.barrier barrier_id(%barrier3A)
    %scan3A_16 = arith.constant 0 : i32
    %scan3A_17 = arith.constant 0 : i32
    %scan3A_18 = arith.constant 78 : i32
    %scan3A_19 = arith.addi %scan3A_17, %scan3A_18 : i32
    %scan3A_20 = arith.constant 1 : i32
    scf.for %scan3A_65 = %scan3A_17 to %scan3A_19 step %scan3A_20  : i32 {
      %dma_start3A = arith.constant 1 : i32
      %dma_start3A_66 = arith.constant 0 : i32
      %dma_start3A_67 = arith.constant 0 : i32
      %dma_start3A_68 = tpu.memref_slice %arg5[%dma_start3A_66, %dma_start3A_67] : memref<1000x16xf32, #tpu.memory_space<vmem>> -> memref<128x16xf32, #tpu.memory_space<vmem>>
      %dma_start3A_69 = arith.constant 0 : i32
      %dma_start3A_70 = tpu.memref_slice %arg7[%scan3A_65, %dma_start3A, %dma_start3A_69] : memref<78x2x128xi32, #tpu.memory_space<vmem>> -> memref<1x1x128xi32, #tpu.memory_space<vmem>>
      %dma_start3A_71 = tpu.memref_squeeze %dma_start3A_70 : memref<1x1x128xi32, #tpu.memory_space<vmem>> -> memref<128xi32, #tpu.memory_space<vmem>>
      %dma_start3A_72 = arith.constant 0 : i32
      %dma_start3A_73 = arith.constant 0 : i32
      %dma_start3A_74 = tpu.memref_slice %arg4[%dma_start3A_72, %dma_start3A_73] : memref<10000x16xf32, #tpu.memory_space<vmem_shared>> -> memref<10000x16xf32, #tpu.memory_space<vmem_shared>>
      tpu.enqueue_indirect_dma source(%dma_start3A_68 : memref<128x16xf32, #tpu.memory_space<vmem>>) target(%dma_start3A_74 : memref<10000x16xf32, #tpu.memory_space<vmem_shared>>) offsets(%dma_start3A_71 : memref<128xi32, #tpu.memory_space<vmem>>) semaphore(%arg9 : memref<!tpu.dma_semaphore, #tpu.memory_space<semaphore_mem>>) {add = true}
      %ge3A = arith.constant 3 : i32
      %ge3A_75 = arith.cmpi sge, %scan3A_65, %ge3A : i32
      %convert_element_type3A_76 = arith.extui %ge3A_75 : i1 to i32
      %cond3A_77 = arith.constant 0 : i32
      %cond3A_78 = arith.cmpi ne, %convert_element_type3A_76, %cond3A_77 : i32
      scf.if %cond3A_78 {
        %dma_wait3A_79 = arith.constant 1 : i32
        %dma_wait3A_80 = arith.constant 0 : i32
        %dma_wait3A_81 = arith.constant 0 : i32
        %dma_wait3A_82 = tpu.memref_slice %arg5[%dma_wait3A_80, %dma_wait3A_81] : memref<1000x16xf32, #tpu.memory_space<vmem>> -> memref<128x16xf32, #tpu.memory_space<vmem>>
        %dma_wait3A_83 = arith.constant 0 : i32
        %dma_wait3A_84 = tpu.memref_slice %arg7[%scan3A_65, %dma_wait3A_79, %dma_wait3A_83] : memref<78x2x128xi32, #tpu.memory_space<vmem>> -> memref<1x1x128xi32, #tpu.memory_space<vmem>>
        %dma_wait3A_85 = tpu.memref_squeeze %dma_wait3A_84 : memref<1x1x128xi32, #tpu.memory_space<vmem>> -> memref<128xi32, #tpu.memory_space<vmem>>
        %dma_wait3A_86 = arith.constant 0 : i32
        %dma_wait3A_87 = arith.constant 0 : i32
        %dma_wait3A_88 = tpu.memref_slice %arg4[%dma_wait3A_86, %dma_wait3A_87] : memref<10000x16xf32, #tpu.memory_space<vmem_shared>> -> memref<10000x16xf32, #tpu.memory_space<vmem_shared>>
        tpu.wait_indirect_dma semaphore(%arg9 : memref<!tpu.dma_semaphore, #tpu.memory_space<semaphore_mem>>) src(%dma_wait3A_82 : memref<128x16xf32, #tpu.memory_space<vmem>>) dst(%dma_wait3A_88 : memref<10000x16xf32, #tpu.memory_space<vmem_shared>>)
      } else {
      }
    }
    %scan3A_21 = arith.constant 78 : i32
    %lt3A_22 = arith.constant 4 : i32
    %lt3A_23 = arith.cmpi slt, %add3A, %lt3A_22 : i32
    %convert_element_type3A_24 = arith.extui %lt3A_23 : i1 to i32
    %cond3A_25 = arith.constant 0 : i32
    %cond3A_26 = arith.cmpi ne, %convert_element_type3A_24, %cond3A_25 : i32
    scf.if %cond3A_26 {
      %dma_start3A = arith.constant 0 : i32
      %dma_start3A_65 = arith.constant 1 : i32
      %dma_start3A_66 = arith.constant 0 : i32
      %dma_start3A_67 = arith.constant 0 : i32
      %dma_start3A_68 = tpu.memref_slice %arg5[%dma_start3A_66, %dma_start3A_67] : memref<1000x16xf32, #tpu.memory_space<vmem>> -> memref<128x16xf32, #tpu.memory_space<vmem>>
      %dma_start3A_69 = arith.constant 0 : i32
      %dma_start3A_70 = tpu.memref_slice %arg8[%dma_start3A, %dma_start3A_65, %dma_start3A_69] : memref<1x2x128xi32, #tpu.memory_space<vmem>> -> memref<1x1x128xi32, #tpu.memory_space<vmem>>
      %dma_start3A_71 = tpu.memref_squeeze %dma_start3A_70 : memref<1x1x128xi32, #tpu.memory_space<vmem>> -> memref<128xi32, #tpu.memory_space<vmem>>
      %dma_start3A_72 = arith.constant 0 : i32
      %dma_start3A_73 = arith.constant 0 : i32
      %dma_start3A_74 = tpu.memref_slice %arg4[%dma_start3A_72, %dma_start3A_73] : memref<10000x16xf32, #tpu.memory_space<vmem_shared>> -> memref<10000x16xf32, #tpu.memory_space<vmem_shared>>
      tpu.enqueue_indirect_dma source(%dma_start3A_68 : memref<128x16xf32, #tpu.memory_space<vmem>>) target(%dma_start3A_74 : memref<10000x16xf32, #tpu.memory_space<vmem_shared>>) offsets(%dma_start3A_71 : memref<128xi32, #tpu.memory_space<vmem>>) semaphore(%arg9 : memref<!tpu.dma_semaphore, #tpu.memory_space<semaphore_mem>>) {add = true}
      %dma_wait3A_75 = arith.constant 0 : i32
      %dma_wait3A_76 = arith.constant 1 : i32
      %dma_wait3A_77 = arith.constant 0 : i32
      %dma_wait3A_78 = arith.constant 0 : i32
      %dma_wait3A_79 = tpu.memref_slice %arg5[%dma_wait3A_77, %dma_wait3A_78] : memref<1000x16xf32, #tpu.memory_space<vmem>> -> memref<128x16xf32, #tpu.memory_space<vmem>>
      %dma_wait3A_80 = arith.constant 0 : i32
      %dma_wait3A_81 = tpu.memref_slice %arg8[%dma_wait3A_75, %dma_wait3A_76, %dma_wait3A_80] : memref<1x2x128xi32, #tpu.memory_space<vmem>> -> memref<1x1x128xi32, #tpu.memory_space<vmem>>
      %dma_wait3A_82 = tpu.memref_squeeze %dma_wait3A_81 : memref<1x1x128xi32, #tpu.memory_space<vmem>> -> memref<128xi32, #tpu.memory_space<vmem>>
      %dma_wait3A_83 = arith.constant 0 : i32
      %dma_wait3A_84 = arith.constant 0 : i32
      %dma_wait3A_85 = tpu.memref_slice %arg4[%dma_wait3A_83, %dma_wait3A_84] : memref<10000x16xf32, #tpu.memory_space<vmem_shared>> -> memref<10000x16xf32, #tpu.memory_space<vmem_shared>>
      tpu.wait_indirect_dma semaphore(%arg9 : memref<!tpu.dma_semaphore, #tpu.memory_space<semaphore_mem>>) src(%dma_wait3A_79 : memref<128x16xf32, #tpu.memory_space<vmem>>) dst(%dma_wait3A_85 : memref<10000x16xf32, #tpu.memory_space<vmem_shared>>)
    } else {
    }
    %dma_wait3A = arith.constant 77 : i32
    %dma_wait3A_27 = arith.constant 1 : i32
    %dma_wait3A_28 = arith.constant 0 : i32
    %dma_wait3A_29 = arith.constant 0 : i32
    %dma_wait3A_30 = tpu.memref_slice %arg5[%dma_wait3A_28, %dma_wait3A_29] : memref<1000x16xf32, #tpu.memory_space<vmem>> -> memref<128x16xf32, #tpu.memory_space<vmem>>
    %dma_wait3A_31 = arith.constant 0 : i32
    %dma_wait3A_32 = tpu.memref_slice %arg7[%dma_wait3A, %dma_wait3A_27, %dma_wait3A_31] : memref<78x2x128xi32, #tpu.memory_space<vmem>> -> memref<1x1x128xi32, #tpu.memory_space<vmem>>
    %dma_wait3A_33 = tpu.memref_squeeze %dma_wait3A_32 : memref<1x1x128xi32, #tpu.memory_space<vmem>> -> memref<128xi32, #tpu.memory_space<vmem>>
    %dma_wait3A_34 = arith.constant 0 : i32
    %dma_wait3A_35 = arith.constant 0 : i32
    %dma_wait3A_36 = tpu.memref_slice %arg4[%dma_wait3A_34, %dma_wait3A_35] : memref<10000x16xf32, #tpu.memory_space<vmem_shared>> -> memref<10000x16xf32, #tpu.memory_space<vmem_shared>>
    tpu.wait_indirect_dma semaphore(%arg9 : memref<!tpu.dma_semaphore, #tpu.memory_space<semaphore_mem>>) src(%dma_wait3A_30 : memref<128x16xf32, #tpu.memory_space<vmem>>) dst(%dma_wait3A_36 : memref<10000x16xf32, #tpu.memory_space<vmem_shared>>)
    %dma_wait3A_37 = arith.constant 77 : i32
    %dma_wait3A_38 = arith.constant 1 : i32
    %dma_wait3A_39 = arith.constant 0 : i32
    %dma_wait3A_40 = arith.constant 0 : i32
    %dma_wait3A_41 = tpu.memref_slice %arg5[%dma_wait3A_39, %dma_wait3A_40] : memref<1000x16xf32, #tpu.memory_space<vmem>> -> memref<128x16xf32, #tpu.memory_space<vmem>>
    %dma_wait3A_42 = arith.constant 0 : i32
    %dma_wait3A_43 = tpu.memref_slice %arg7[%dma_wait3A_37, %dma_wait3A_38, %dma_wait3A_42] : memref<78x2x128xi32, #tpu.memory_space<vmem>> -> memref<1x1x128xi32, #tpu.memory_space<vmem>>
    %dma_wait3A_44 = tpu.memref_squeeze %dma_wait3A_43 : memref<1x1x128xi32, #tpu.memory_space<vmem>> -> memref<128xi32, #tpu.memory_space<vmem>>
    %dma_wait3A_45 = arith.constant 0 : i32
    %dma_wait3A_46 = arith.constant 0 : i32
    %dma_wait3A_47 = tpu.memref_slice %arg4[%dma_wait3A_45, %dma_wait3A_46] : memref<10000x16xf32, #tpu.memory_space<vmem_shared>> -> memref<10000x16xf32, #tpu.memory_space<vmem_shared>>
    tpu.wait_indirect_dma semaphore(%arg9 : memref<!tpu.dma_semaphore, #tpu.memory_space<semaphore_mem>>) src(%dma_wait3A_41 : memref<128x16xf32, #tpu.memory_space<vmem>>) dst(%dma_wait3A_47 : memref<10000x16xf32, #tpu.memory_space<vmem_shared>>)
    %dma_wait3A_48 = arith.constant 77 : i32
    %dma_wait3A_49 = arith.constant 1 : i32
    %dma_wait3A_50 = arith.constant 0 : i32
    %dma_wait3A_51 = arith.constant 0 : i32
    %dma_wait3A_52 = tpu.memref_slice %arg5[%dma_wait3A_50, %dma_wait3A_51] : memref<1000x16xf32, #tpu.memory_space<vmem>> -> memref<128x16xf32, #tpu.memory_space<vmem>>
    %dma_wait3A_53 = arith.constant 0 : i32
    %dma_wait3A_54 = tpu.memref_slice %arg7[%dma_wait3A_48, %dma_wait3A_49, %dma_wait3A_53] : memref<78x2x128xi32, #tpu.memory_space<vmem>> -> memref<1x1x128xi32, #tpu.memory_space<vmem>>
    %dma_wait3A_55 = tpu.memref_squeeze %dma_wait3A_54 : memref<1x1x128xi32, #tpu.memory_space<vmem>> -> memref<128xi32, #tpu.memory_space<vmem>>
    %dma_wait3A_56 = arith.constant 0 : i32
    %dma_wait3A_57 = arith.constant 0 : i32
    %dma_wait3A_58 = tpu.memref_slice %arg4[%dma_wait3A_56, %dma_wait3A_57] : memref<10000x16xf32, #tpu.memory_space<vmem_shared>> -> memref<10000x16xf32, #tpu.memory_space<vmem_shared>>
    tpu.wait_indirect_dma semaphore(%arg9 : memref<!tpu.dma_semaphore, #tpu.memory_space<semaphore_mem>>) src(%dma_wait3A_52 : memref<128x16xf32, #tpu.memory_space<vmem>>) dst(%dma_wait3A_58 : memref<10000x16xf32, #tpu.memory_space<vmem_shared>>)
    %barrier3A_59 = arith.constant 0 : index
    tpu.barrier barrier_id(%barrier3A_59)
    %lt3A_60 = arith.constant 10 : i32
    %lt3A_61 = arith.cmpi slt, %arg1, %lt3A_60 : i32
    %convert_element_type3A_62 = arith.extui %lt3A_61 : i1 to i32
    %cond3A_63 = arith.constant 0 : i32
    %cond3A_64 = arith.cmpi ne, %convert_element_type3A_62, %cond3A_63 : i32
    scf.if %cond3A_64 {
      %mul3A_65 = arith.constant 1000 : i32
      %mul3A_66 = arith.muli %arg1, %mul3A_65 : i32
      "tpu.region"() ({
        %run_scoped3A = tpu.sem_alloc : memref<!tpu.dma_semaphore, #tpu.memory_space<semaphore_mem>>
        %dma_start3A = arith.constant 0 : i32
        %dma_start3A_75 = tpu.memref_slice %arg4[%mul3A_66, %dma_start3A] : memref<10000x16xf32, #tpu.memory_space<vmem_shared>> -> memref<1000x16xf32, #tpu.memory_space<vmem_shared>>
        %dma_start3A_76 = arith.constant 0 : i32
        %dma_start3A_77 = tpu.memref_slice %arg4[%mul3A_66, %dma_start3A_76] : memref<10000x16xf32, #tpu.memory_space<vmem_shared>> -> memref<1000x16xf32, #tpu.memory_space<vmem_shared>>
        tpu.enqueue_dma source(%dma_start3A_77 : memref<1000x16xf32, #tpu.memory_space<vmem_shared>>) target(%arg5 : memref<1000x16xf32, #tpu.memory_space<vmem>>) target_semaphore(%run_scoped3A : memref<!tpu.dma_semaphore, #tpu.memory_space<semaphore_mem>>)
        %dma_wait3A_78 = arith.constant 0 : i32
        %dma_wait3A_79 = tpu.memref_slice %arg4[%mul3A_66, %dma_wait3A_78] : memref<10000x16xf32, #tpu.memory_space<vmem_shared>> -> memref<1000x16xf32, #tpu.memory_space<vmem_shared>>
        %dma_wait3A_80 = arith.constant 0 : i32
        %dma_wait3A_81 = tpu.memref_slice %arg4[%mul3A_66, %dma_wait3A_80] : memref<10000x16xf32, #tpu.memory_space<vmem_shared>> -> memref<1000x16xf32, #tpu.memory_space<vmem_shared>>
        tpu.wait_dma2 semaphore(%run_scoped3A : memref<!tpu.dma_semaphore, #tpu.memory_space<semaphore_mem>>) src(%dma_wait3A_81 : memref<1000x16xf32, #tpu.memory_space<vmem_shared>>) dst(%arg5 : memref<1000x16xf32, #tpu.memory_space<vmem>>)
        tpu.yield
      }) : () -> ()
      %scan3A_67 = arith.constant 0 : i32
      %scan3A_68 = arith.constant 0 : i32
      %scan3A_69 = arith.constant 1000 : i32
      %scan3A_70 = arith.addi %scan3A_68, %scan3A_69 : i32
      %scan3A_71 = arith.constant 1 : i32
      scf.for %scan3A_75 = %scan3A_68 to %scan3A_70 step %scan3A_71  : i32 {
        %get3A = arith.index_cast %scan3A_75 : i32 to index
        %get3A_76 = arith.constant 0 : index
        %get3A_77 = tpu.vector_load %arg5[%get3A, %get3A_76] {strides = array<i32>} : memref<1000x16xf32, #tpu.memory_space<vmem>>, vector<1x16xf32>,
        %get3A_78 = vector.shape_cast %get3A_77 : vector<1x16xf32> to vector<16xf32>
        %jit3A = arith.constant 4 : i32
        %div3A = arith.divsi %scan3A_75, %jit3A : i32
        %sign3A = arith.constant 0 : i32
        %sign3A_79 = arith.cmpi sgt, %scan3A_75, %sign3A : i32
        %sign3A_80 = arith.extui %sign3A_79 : i1 to i32
        %sign3A_81 = arith.constant 0 : i32
        %sign3A_82 = arith.cmpi slt, %scan3A_75, %sign3A_81 : i32
        %sign3A_83 = arith.extui %sign3A_82 : i1 to i32
        %sign3A_84 = arith.subi %sign3A_80, %sign3A_83 : i32
        %sign3A_85 = arith.constant 0 : i32
        %sign3A_86 = arith.cmpi sgt, %jit3A, %sign3A_85 : i32
        %sign3A_87 = arith.extui %sign3A_86 : i1 to i32
        %sign3A_88 = arith.constant 0 : i32
        %sign3A_89 = arith.cmpi slt, %jit3A, %sign3A_88 : i32
        %sign3A_90 = arith.extui %sign3A_89 : i1 to i32
        %sign3A_91 = arith.subi %sign3A_87, %sign3A_90 : i32
        %ne3A = arith.cmpi ne, %sign3A_84, %sign3A_91 : i32
        %rem3A = arith.remsi %scan3A_75, %jit3A : i32
        %ne3A_92 = arith.constant 0 : i32
        %ne3A_93 = arith.cmpi ne, %rem3A, %ne3A_92 : i32
        %and3A = arith.andi %ne3A, %ne3A_93 : i1
        %sub3A = arith.constant 1 : i32
        %sub3A_94 = arith.subi %div3A, %sub3A : i32
        %select_n3A = arith.select %and3A, %sub3A_94, %div3A : i32
        %jit3A_95 = arith.constant 4 : i32
        %eq3A = arith.constant 0 : i32
        %eq3A_96 = arith.cmpi eq, %jit3A_95, %eq3A : i32
        %jit3A_97 = arith.constant 1 : i32
        %select_n3A_98 = arith.select %eq3A_96, %jit3A_97, %jit3A_95 : i32
        %rem3A_99 = arith.remsi %scan3A_75, %select_n3A_98 : i32
        %ne3A_100 = arith.constant 0 : i32
        %ne3A_101 = arith.cmpi ne, %rem3A_99, %ne3A_100 : i32
        %lt3A_102 = arith.constant 0 : i32
        %lt3A_103 = arith.cmpi slt, %rem3A_99, %lt3A_102 : i32
        %lt3A_104 = arith.constant 0 : i32
        %lt3A_105 = arith.cmpi slt, %select_n3A_98, %lt3A_104 : i32
        %ne3A_106 = arith.xori %lt3A_103, %lt3A_105 : i1
        %and3A_107 = arith.andi %ne3A_106, %ne3A_101 : i1
        %add3A_108 = arith.addi %rem3A_99, %select_n3A_98 : i32
        %select_n3A_109 = arith.select %and3A_107, %add3A_108, %rem3A_99 : i32
        %mul3A_110 = arith.constant 32 : i32
        %mul3A_111 = arith.muli %select_n3A_109, %mul3A_110 : i32
        %swap3A = arith.index_cast %select_n3A : i32 to index
        %swap3A_112 = arith.index_cast %mul3A_111 : i32 to index
        %swap3A_113 = tpu.vector_load %arg6[%swap3A, %swap3A_112] {strides = array<i32>} : memref<250x128xf32, #tpu.memory_space<vmem>>, vector<1x16xf32>,
        %swap3A_114 = vector.shape_cast %swap3A_113 : vector<1x16xf32> to vector<16xf32>
        %swap3A_115 = vector.shape_cast %get3A_78 : vector<16xf32> to vector<1x16xf32>
        tpu.vector_store %arg6[%swap3A, %swap3A_112], %swap3A_115 {strides = array<i32>} : memref<250x128xf32, #tpu.memory_space<vmem>>, vector<1x16xf32>,
        %add3A_116 = arith.constant 16 : i32
        %add3A_117 = arith.addi %mul3A_111, %add3A_116 : i32
        %swap3A_118 = arith.index_cast %select_n3A : i32 to index
        %swap3A_119 = arith.index_cast %add3A_117 : i32 to index
        %swap3A_120 = tpu.vector_load %arg6[%swap3A_118, %swap3A_119] {strides = array<i32>} : memref<250x128xf32, #tpu.memory_space<vmem>>, vector<1x16xf32>,
        %swap3A_121 = vector.shape_cast %swap3A_120 : vector<1x16xf32> to vector<16xf32>
        %swap3A_122 = vector.shape_cast %get3A_78 : vector<16xf32> to vector<1x16xf32>
        tpu.vector_store %arg6[%swap3A_118, %swap3A_119], %swap3A_122 {strides = array<i32>} : memref<250x128xf32, #tpu.memory_space<vmem>>, vector<1x16xf32>,
      }
      %scan3A_72 = arith.constant 1000 : i32
      %mul3A_73 = arith.constant 250 : i32
      %mul3A_74 = arith.muli %arg1, %mul3A_73 : i32
      "tpu.region"() ({
        %run_scoped3A = tpu.sem_alloc : memref<!tpu.dma_semaphore, #tpu.memory_space<semaphore_mem>>
        %dma_start3A = arith.constant 0 : i32
        %dma_start3A_75 = tpu.memref_slice %arg3[%arg0, %mul3A_74, %dma_start3A] : memref<2x2500x128xf32, #tpu.memory_space<hbm>> -> memref<1x250x128xf32, #tpu.memory_space<hbm>>
        %dma_start3A_76 = tpu.memref_squeeze %dma_start3A_75 : memref<1x250x128xf32, #tpu.memory_space<hbm>> -> memref<250x128xf32, #tpu.memory_space<hbm>>
        %dma_start3A_77 = arith.constant 0 : i32
        %dma_start3A_78 = tpu.memref_slice %arg3[%arg0, %mul3A_74, %dma_start3A_77] : memref<2x2500x128xf32, #tpu.memory_space<hbm>> -> memref<1x250x128xf32, #tpu.memory_space<hbm>>
        %dma_start3A_79 = tpu.memref_squeeze %dma_start3A_78 : memref<1x250x128xf32, #tpu.memory_space<hbm>> -> memref<250x128xf32, #tpu.memory_space<hbm>>
        tpu.enqueue_dma source(%arg6 : memref<250x128xf32, #tpu.memory_space<vmem>>) target(%dma_start3A_79 : memref<250x128xf32, #tpu.memory_space<hbm>>) target_semaphore(%run_scoped3A : memref<!tpu.dma_semaphore, #tpu.memory_space<semaphore_mem>>)
        %dma_wait3A_80 = arith.constant 0 : i32
        %dma_wait3A_81 = tpu.memref_slice %arg3[%arg0, %mul3A_74, %dma_wait3A_80] : memref<2x2500x128xf32, #tpu.memory_space<hbm>> -> memref<1x250x128xf32, #tpu.memory_space<hbm>>
        %dma_wait3A_82 = tpu.memref_squeeze %dma_wait3A_81 : memref<1x250x128xf32, #tpu.memory_space<hbm>> -> memref<250x128xf32, #tpu.memory_space<hbm>>
        %dma_wait3A_83 = arith.constant 0 : i32
        %dma_wait3A_84 = tpu.memref_slice %arg3[%arg0, %mul3A_74, %dma_wait3A_83] : memref<2x2500x128xf32, #tpu.memory_space<hbm>> -> memref<1x250x128xf32, #tpu.memory_space<hbm>>
        %dma_wait3A_85 = tpu.memref_squeeze %dma_wait3A_84 : memref<1x250x128xf32, #tpu.memory_space<hbm>> -> memref<250x128xf32, #tpu.memory_space<hbm>>
        tpu.wait_dma2 semaphore(%run_scoped3A : memref<!tpu.dma_semaphore, #tpu.memory_space<semaphore_mem>>) src(%arg6 : memref<250x128xf32, #tpu.memory_space<vmem>>) dst(%dma_wait3A_85 : memref<250x128xf32, #tpu.memory_space<hbm>>)
        tpu.yield
      }) : () -> ()
    } else {
    }
    return
  }
}

#map = affine_map<(d0, d1) -> (0, 0)>
#map1 = affine_map<(d0, d1) -> (0, 0, 0)>
module attributes {stable_mosaic.version = 14 : i64} {
  func.func @_agg_kernel(%arg0: i32, %arg1: i32, %arg2: memref<10000x32xf32, #tpu.memory_space<hbm>>, %arg3: memref<2500x2x128xi32, #tpu.memory_space<hbm>>, %arg4: memref<2x2500x128xf32, #tpu.memory_space<hbm>>, %arg5: memref<10000x32xf32, #tpu.memory_space<vmem_shared>>, %arg6: memref<1000x32xf32, #tpu.memory_space<vmem>>, %arg7: memref<250x128xf32, #tpu.memory_space<vmem>>, %arg8: memref<78x2x128xi32, #tpu.memory_space<vmem>>, %arg9: memref<1x2x128xi32, #tpu.memory_space<vmem>>, %arg10: memref<128x32xf32, #tpu.memory_space<vmem>>, %arg11: memref<128x32xf32, #tpu.memory_space<vmem>>, %arg12: memref<128x32xf32, #tpu.memory_space<vmem>>, %arg13: memref<128x32xf32, #tpu.memory_space<vmem>>, %arg14: memref<128x32xf32, #tpu.memory_space<vmem>>, %arg15: memref<128x32xf32, #tpu.memory_space<vmem>>, %arg16: memref<!tpu.dma_semaphore, #tpu.memory_space<semaphore_mem>>, %arg17: memref<!tpu.dma_semaphore, #tpu.memory_space<semaphore_mem>>, %arg18: memref<!tpu.dma_semaphore, #tpu.memory_space<semaphore_mem>>, %arg19: memref<!tpu.dma_semaphore, #tpu.memory_space<semaphore_mem>>, %arg20: memref<!tpu.dma_semaphore, #tpu.memory_space<semaphore_mem>>, %arg21: memref<!tpu.dma_semaphore, #tpu.memory_space<semaphore_mem>>, %arg22: memref<!tpu.dma_semaphore, #tpu.memory_space<semaphore_mem>>, %arg23: memref<!tpu.dma_semaphore, #tpu.memory_space<semaphore_mem>>, %arg24: memref<!tpu.dma_semaphore, #tpu.memory_space<semaphore_mem>>, %arg25: memref<!tpu.dma_semaphore, #tpu.memory_space<semaphore_mem>>, %arg26: memref<!tpu.dma_semaphore, #tpu.memory_space<semaphore_mem>>, %arg27: memref<!tpu.dma_semaphore, #tpu.memory_space<semaphore_mem>>) attributes {dimension_semantics = [#tpu.dimension_semantics<core_parallel>, #tpu.dimension_semantics<subcore_parallel>], iteration_bounds = array<i64: 2, 16>, scalar_prefetch = 0 : i64, scratch_operands = 23 : i64, tpu.core_type = #tpu.core_type<sc_vector_subcore>, window_params = [{transform_indices = #map}, {transform_indices = #map1}, {transform_indices = #map1}]} {
    %mul3A = arith.constant 2 : i32
    %mul3A_0 = arith.muli %arg1, %mul3A : i32
    %add3A = arith.addi %mul3A_0, %arg0 : i32
    %mul3A_1 = arith.constant 78 : i32
    %mul3A_2 = arith.muli %add3A, %mul3A_1 : i32
    "tpu.region"() ({
      %run_scoped3A = tpu.sem_alloc : memref<!tpu.dma_semaphore, #tpu.memory_space<semaphore_mem>>
      %dma_start3A_120 = arith.constant 0 : i32
      %dma_start3A_121 = arith.constant 0 : i32
      %dma_start3A_122 = tpu.memref_slice %arg3[%mul3A_2, %dma_start3A_120, %dma_start3A_121] : memref<2500x2x128xi32, #tpu.memory_space<hbm>> -> memref<78x2x128xi32, #tpu.memory_space<hbm>>
      %dma_start3A_123 = arith.constant 0 : i32
      %dma_start3A_124 = arith.constant 0 : i32
      %dma_start3A_125 = tpu.memref_slice %arg3[%mul3A_2, %dma_start3A_123, %dma_start3A_124] : memref<2500x2x128xi32, #tpu.memory_space<hbm>> -> memref<78x2x128xi32, #tpu.memory_space<hbm>>
      tpu.enqueue_dma source(%dma_start3A_125 : memref<78x2x128xi32, #tpu.memory_space<hbm>>) target(%arg8 : memref<78x2x128xi32, #tpu.memory_space<vmem>>) target_semaphore(%run_scoped3A : memref<!tpu.dma_semaphore, #tpu.memory_space<semaphore_mem>>)
      %dma_wait3A_126 = arith.constant 0 : i32
      %dma_wait3A_127 = arith.constant 0 : i32
      %dma_wait3A_128 = tpu.memref_slice %arg3[%mul3A_2, %dma_wait3A_126, %dma_wait3A_127] : memref<2500x2x128xi32, #tpu.memory_space<hbm>> -> memref<78x2x128xi32, #tpu.memory_space<hbm>>
      %dma_wait3A_129 = arith.constant 0 : i32
      %dma_wait3A_130 = arith.constant 0 : i32
      %dma_wait3A_131 = tpu.memref_slice %arg3[%mul3A_2, %dma_wait3A_129, %dma_wait3A_130] : memref<2500x2x128xi32, #tpu.memory_space<hbm>> -> memref<78x2x128xi32, #tpu.memory_space<hbm>>
      tpu.wait_dma2 semaphore(%run_scoped3A : memref<!tpu.dma_semaphore, #tpu.memory_space<semaphore_mem>>) src(%dma_wait3A_131 : memref<78x2x128xi32, #tpu.memory_space<hbm>>) dst(%arg8 : memref<78x2x128xi32, #tpu.memory_space<vmem>>)
      tpu.yield
    }) : () -> ()
    %lt3A = arith.constant 4 : i32
    %lt3A_3 = arith.cmpi slt, %add3A, %lt3A : i32
    %convert_element_type3A = arith.extui %lt3A_3 : i1 to i32
    %cond3A = arith.constant 0 : i32
    %cond3A_4 = arith.cmpi ne, %convert_element_type3A, %cond3A : i32
    scf.if %cond3A_4 {
      %add3A_120 = arith.constant 2496 : i32
      %add3A_121 = arith.addi %add3A_120, %add3A : i32
      "tpu.region"() ({
        %run_scoped3A = tpu.sem_alloc : memref<!tpu.dma_semaphore, #tpu.memory_space<semaphore_mem>>
        %dma_start3A_122 = arith.constant 0 : i32
        %dma_start3A_123 = arith.constant 0 : i32
        %dma_start3A_124 = tpu.memref_slice %arg3[%add3A_121, %dma_start3A_122, %dma_start3A_123] : memref<2500x2x128xi32, #tpu.memory_space<hbm>> -> memref<1x2x128xi32, #tpu.memory_space<hbm>>
        %dma_start3A_125 = arith.constant 0 : i32
        %dma_start3A_126 = arith.constant 0 : i32
        %dma_start3A_127 = tpu.memref_slice %arg3[%add3A_121, %dma_start3A_125, %dma_start3A_126] : memref<2500x2x128xi32, #tpu.memory_space<hbm>> -> memref<1x2x128xi32, #tpu.memory_space<hbm>>
        tpu.enqueue_dma source(%dma_start3A_127 : memref<1x2x128xi32, #tpu.memory_space<hbm>>) target(%arg9 : memref<1x2x128xi32, #tpu.memory_space<vmem>>) target_semaphore(%run_scoped3A : memref<!tpu.dma_semaphore, #tpu.memory_space<semaphore_mem>>)
        %dma_wait3A_128 = arith.constant 0 : i32
        %dma_wait3A_129 = arith.constant 0 : i32
        %dma_wait3A_130 = tpu.memref_slice %arg3[%add3A_121, %dma_wait3A_128, %dma_wait3A_129] : memref<2500x2x128xi32, #tpu.memory_space<hbm>> -> memref<1x2x128xi32, #tpu.memory_space<hbm>>
        %dma_wait3A_131 = arith.constant 0 : i32
        %dma_wait3A_132 = arith.constant 0 : i32
        %dma_wait3A_133 = tpu.memref_slice %arg3[%add3A_121, %dma_wait3A_131, %dma_wait3A_132] : memref<2500x2x128xi32, #tpu.memory_space<hbm>> -> memref<1x2x128xi32, #tpu.memory_space<hbm>>
        tpu.wait_dma2 semaphore(%run_scoped3A : memref<!tpu.dma_semaphore, #tpu.memory_space<semaphore_mem>>) src(%dma_wait3A_133 : memref<1x2x128xi32, #tpu.memory_space<hbm>>) dst(%arg9 : memref<1x2x128xi32, #tpu.memory_space<vmem>>)
        tpu.yield
      }) : () -> ()
    } else {
    }
    %dma_start3A = arith.constant 0 : i32
    %dma_start3A_5 = arith.constant 0 : i32
    %dma_start3A_6 = arith.constant 0 : i32
    %dma_start3A_7 = tpu.memref_slice %arg8[%dma_start3A, %dma_start3A_5, %dma_start3A_6] : memref<78x2x128xi32, #tpu.memory_space<vmem>> -> memref<1x1x128xi32, #tpu.memory_space<vmem>>
    %dma_start3A_8 = tpu.memref_squeeze %dma_start3A_7 : memref<1x1x128xi32, #tpu.memory_space<vmem>> -> memref<128xi32, #tpu.memory_space<vmem>>
    %dma_start3A_9 = arith.constant 0 : i32
    %dma_start3A_10 = arith.constant 0 : i32
    %dma_start3A_11 = tpu.memref_slice %arg2[%dma_start3A_9, %dma_start3A_10] : memref<10000x32xf32, #tpu.memory_space<hbm>> -> memref<10000x32xf32, #tpu.memory_space<hbm>>
    tpu.enqueue_indirect_dma source(%dma_start3A_11 : memref<10000x32xf32, #tpu.memory_space<hbm>>) target(%arg10 : memref<128x32xf32, #tpu.memory_space<vmem>>) offsets(%dma_start3A_8 : memref<128xi32, #tpu.memory_space<vmem>>) semaphore(%arg16 : memref<!tpu.dma_semaphore, #tpu.memory_space<semaphore_mem>>)
    %dma_start3A_12 = arith.constant 1 : i32
    %dma_start3A_13 = arith.constant 0 : i32
    %dma_start3A_14 = arith.constant 0 : i32
    %dma_start3A_15 = tpu.memref_slice %arg8[%dma_start3A_12, %dma_start3A_13, %dma_start3A_14] : memref<78x2x128xi32, #tpu.memory_space<vmem>> -> memref<1x1x128xi32, #tpu.memory_space<vmem>>
    %dma_start3A_16 = tpu.memref_squeeze %dma_start3A_15 : memref<1x1x128xi32, #tpu.memory_space<vmem>> -> memref<128xi32, #tpu.memory_space<vmem>>
    %dma_start3A_17 = arith.constant 0 : i32
    %dma_start3A_18 = arith.constant 0 : i32
    %dma_start3A_19 = tpu.memref_slice %arg2[%dma_start3A_17, %dma_start3A_18] : memref<10000x32xf32, #tpu.memory_space<hbm>> -> memref<10000x32xf32, #tpu.memory_space<hbm>>
    tpu.enqueue_indirect_dma source(%dma_start3A_19 : memref<10000x32xf32, #tpu.memory_space<hbm>>) target(%arg11 : memref<128x32xf32, #tpu.memory_space<vmem>>) offsets(%dma_start3A_16 : memref<128xi32, #tpu.memory_space<vmem>>) semaphore(%arg17 : memref<!tpu.dma_semaphore, #tpu.memory_space<semaphore_mem>>)
    %dma_start3A_20 = arith.constant 2 : i32
    %dma_start3A_21 = arith.constant 0 : i32
    %dma_start3A_22 = arith.constant 0 : i32
    %dma_start3A_23 = tpu.memref_slice %arg8[%dma_start3A_20, %dma_start3A_21, %dma_start3A_22] : memref<78x2x128xi32, #tpu.memory_space<vmem>> -> memref<1x1x128xi32, #tpu.memory_space<vmem>>
    %dma_start3A_24 = tpu.memref_squeeze %dma_start3A_23 : memref<1x1x128xi32, #tpu.memory_space<vmem>> -> memref<128xi32, #tpu.memory_space<vmem>>
    %dma_start3A_25 = arith.constant 0 : i32
    %dma_start3A_26 = arith.constant 0 : i32
    %dma_start3A_27 = tpu.memref_slice %arg2[%dma_start3A_25, %dma_start3A_26] : memref<10000x32xf32, #tpu.memory_space<hbm>> -> memref<10000x32xf32, #tpu.memory_space<hbm>>
    tpu.enqueue_indirect_dma source(%dma_start3A_27 : memref<10000x32xf32, #tpu.memory_space<hbm>>) target(%arg12 : memref<128x32xf32, #tpu.memory_space<vmem>>) offsets(%dma_start3A_24 : memref<128xi32, #tpu.memory_space<vmem>>) semaphore(%arg18 : memref<!tpu.dma_semaphore, #tpu.memory_space<semaphore_mem>>)
    %dma_start3A_28 = arith.constant 3 : i32
    %dma_start3A_29 = arith.constant 0 : i32
    %dma_start3A_30 = arith.constant 0 : i32
    %dma_start3A_31 = tpu.memref_slice %arg8[%dma_start3A_28, %dma_start3A_29, %dma_start3A_30] : memref<78x2x128xi32, #tpu.memory_space<vmem>> -> memref<1x1x128xi32, #tpu.memory_space<vmem>>
    %dma_start3A_32 = tpu.memref_squeeze %dma_start3A_31 : memref<1x1x128xi32, #tpu.memory_space<vmem>> -> memref<128xi32, #tpu.memory_space<vmem>>
    %dma_start3A_33 = arith.constant 0 : i32
    %dma_start3A_34 = arith.constant 0 : i32
    %dma_start3A_35 = tpu.memref_slice %arg2[%dma_start3A_33, %dma_start3A_34] : memref<10000x32xf32, #tpu.memory_space<hbm>> -> memref<10000x32xf32, #tpu.memory_space<hbm>>
    tpu.enqueue_indirect_dma source(%dma_start3A_35 : memref<10000x32xf32, #tpu.memory_space<hbm>>) target(%arg13 : memref<128x32xf32, #tpu.memory_space<vmem>>) offsets(%dma_start3A_32 : memref<128xi32, #tpu.memory_space<vmem>>) semaphore(%arg19 : memref<!tpu.dma_semaphore, #tpu.memory_space<semaphore_mem>>)
    %dma_start3A_36 = arith.constant 4 : i32
    %dma_start3A_37 = arith.constant 0 : i32
    %dma_start3A_38 = arith.constant 0 : i32
    %dma_start3A_39 = tpu.memref_slice %arg8[%dma_start3A_36, %dma_start3A_37, %dma_start3A_38] : memref<78x2x128xi32, #tpu.memory_space<vmem>> -> memref<1x1x128xi32, #tpu.memory_space<vmem>>
    %dma_start3A_40 = tpu.memref_squeeze %dma_start3A_39 : memref<1x1x128xi32, #tpu.memory_space<vmem>> -> memref<128xi32, #tpu.memory_space<vmem>>
    %dma_start3A_41 = arith.constant 0 : i32
    %dma_start3A_42 = arith.constant 0 : i32
    %dma_start3A_43 = tpu.memref_slice %arg2[%dma_start3A_41, %dma_start3A_42] : memref<10000x32xf32, #tpu.memory_space<hbm>> -> memref<10000x32xf32, #tpu.memory_space<hbm>>
    tpu.enqueue_indirect_dma source(%dma_start3A_43 : memref<10000x32xf32, #tpu.memory_space<hbm>>) target(%arg14 : memref<128x32xf32, #tpu.memory_space<vmem>>) offsets(%dma_start3A_40 : memref<128xi32, #tpu.memory_space<vmem>>) semaphore(%arg20 : memref<!tpu.dma_semaphore, #tpu.memory_space<semaphore_mem>>)
    %dma_start3A_44 = arith.constant 5 : i32
    %dma_start3A_45 = arith.constant 0 : i32
    %dma_start3A_46 = arith.constant 0 : i32
    %dma_start3A_47 = tpu.memref_slice %arg8[%dma_start3A_44, %dma_start3A_45, %dma_start3A_46] : memref<78x2x128xi32, #tpu.memory_space<vmem>> -> memref<1x1x128xi32, #tpu.memory_space<vmem>>
    %dma_start3A_48 = tpu.memref_squeeze %dma_start3A_47 : memref<1x1x128xi32, #tpu.memory_space<vmem>> -> memref<128xi32, #tpu.memory_space<vmem>>
    %dma_start3A_49 = arith.constant 0 : i32
    %dma_start3A_50 = arith.constant 0 : i32
    %dma_start3A_51 = tpu.memref_slice %arg2[%dma_start3A_49, %dma_start3A_50] : memref<10000x32xf32, #tpu.memory_space<hbm>> -> memref<10000x32xf32, #tpu.memory_space<hbm>>
    tpu.enqueue_indirect_dma source(%dma_start3A_51 : memref<10000x32xf32, #tpu.memory_space<hbm>>) target(%arg15 : memref<128x32xf32, #tpu.memory_space<vmem>>) offsets(%dma_start3A_48 : memref<128xi32, #tpu.memory_space<vmem>>) semaphore(%arg21 : memref<!tpu.dma_semaphore, #tpu.memory_space<semaphore_mem>>)
    %lt3A_52 = arith.constant 10 : i32
    %lt3A_53 = arith.cmpi slt, %arg1, %lt3A_52 : i32
    %convert_element_type3A_54 = arith.extui %lt3A_53 : i1 to i32
    %cond3A_55 = arith.constant 0 : i32
    %cond3A_56 = arith.cmpi ne, %convert_element_type3A_54, %cond3A_55 : i32
    scf.if %cond3A_56 {
      %mul3A_120 = arith.constant 1000 : i32
      %mul3A_121 = arith.muli %arg1, %mul3A_120 : i32
      %mul3A_122 = arith.constant 1000 : i32
      %mul3A_123 = arith.muli %arg1, %mul3A_122 : i32
      "tpu.region"() ({
        %run_scoped3A = tpu.sem_alloc : memref<!tpu.dma_semaphore, #tpu.memory_space<semaphore_mem>>
        %dma_start3A_124 = arith.constant 0 : i32
        %dma_start3A_125 = tpu.memref_slice %arg5[%mul3A_123, %dma_start3A_124] : memref<10000x32xf32, #tpu.memory_space<vmem_shared>> -> memref<1000x32xf32, #tpu.memory_space<vmem_shared>>
        %dma_start3A_126 = arith.constant 0 : i32
        %dma_start3A_127 = tpu.memref_slice %arg2[%mul3A_121, %dma_start3A_126] : memref<10000x32xf32, #tpu.memory_space<hbm>> -> memref<1000x32xf32, #tpu.memory_space<hbm>>
        tpu.enqueue_dma source(%dma_start3A_127 : memref<1000x32xf32, #tpu.memory_space<hbm>>) target(%dma_start3A_125 : memref<1000x32xf32, #tpu.memory_space<vmem_shared>>) target_semaphore(%run_scoped3A : memref<!tpu.dma_semaphore, #tpu.memory_space<semaphore_mem>>)
        %dma_wait3A_128 = arith.constant 0 : i32
        %dma_wait3A_129 = tpu.memref_slice %arg5[%mul3A_123, %dma_wait3A_128] : memref<10000x32xf32, #tpu.memory_space<vmem_shared>> -> memref<1000x32xf32, #tpu.memory_space<vmem_shared>>
        %dma_wait3A_130 = arith.constant 0 : i32
        %dma_wait3A_131 = tpu.memref_slice %arg2[%mul3A_121, %dma_wait3A_130] : memref<10000x32xf32, #tpu.memory_space<hbm>> -> memref<1000x32xf32, #tpu.memory_space<hbm>>
        tpu.wait_dma2 semaphore(%run_scoped3A : memref<!tpu.dma_semaphore, #tpu.memory_space<semaphore_mem>>) src(%dma_wait3A_131 : memref<1000x32xf32, #tpu.memory_space<hbm>>) dst(%dma_wait3A_129 : memref<1000x32xf32, #tpu.memory_space<vmem_shared>>)
        tpu.yield
      }) : () -> ()
    } else {
    }
    %barrier3A = arith.constant 0 : index
    tpu.barrier barrier_id(%barrier3A)
    %scan3A = arith.constant 0 : i32
    %scan3A_57 = arith.constant 0 : i32
    %scan3A_58 = arith.constant 13 : i32
    %scan3A_59 = arith.addi %scan3A_57, %scan3A_58 : i32
    %scan3A_60 = arith.constant 1 : i32
    scf.for %scan3A_120 = %scan3A_57 to %scan3A_59 step %scan3A_60  : i32 {
      %mul3A_121 = arith.constant 6 : i32
      %mul3A_122 = arith.muli %mul3A_121, %scan3A_120 : i32
      %add3A_123 = arith.constant 0 : i32
      %add3A_124 = arith.addi %mul3A_122, %add3A_123 : i32
      %dma_wait3A_125 = arith.constant 0 : i32
      %dma_wait3A_126 = arith.constant 0 : i32
      %dma_wait3A_127 = tpu.memref_slice %arg8[%add3A_124, %dma_wait3A_125, %dma_wait3A_126] : memref<78x2x128xi32, #tpu.memory_space<vmem>> -> memref<1x1x128xi32, #tpu.memory_space<vmem>>
      %dma_wait3A_128 = tpu.memref_squeeze %dma_wait3A_127 : memref<1x1x128xi32, #tpu.memory_space<vmem>> -> memref<128xi32, #tpu.memory_space<vmem>>
      %dma_wait3A_129 = arith.constant 0 : i32
      %dma_wait3A_130 = arith.constant 0 : i32
      %dma_wait3A_131 = tpu.memref_slice %arg2[%dma_wait3A_129, %dma_wait3A_130] : memref<10000x32xf32, #tpu.memory_space<hbm>> -> memref<10000x32xf32, #tpu.memory_space<hbm>>
      tpu.wait_indirect_dma semaphore(%arg16 : memref<!tpu.dma_semaphore, #tpu.memory_space<semaphore_mem>>) src(%dma_wait3A_131 : memref<10000x32xf32, #tpu.memory_space<hbm>>) dst(%arg10 : memref<128x32xf32, #tpu.memory_space<vmem>>)
      %add3A_132 = arith.constant 0 : i32
      %add3A_133 = arith.addi %mul3A_122, %add3A_132 : i32
      %dma_start3A_134 = arith.constant 1 : i32
      %dma_start3A_135 = arith.constant 0 : i32
      %dma_start3A_136 = tpu.memref_slice %arg8[%add3A_133, %dma_start3A_134, %dma_start3A_135] : memref<78x2x128xi32, #tpu.memory_space<vmem>> -> memref<1x1x128xi32, #tpu.memory_space<vmem>>
      %dma_start3A_137 = tpu.memref_squeeze %dma_start3A_136 : memref<1x1x128xi32, #tpu.memory_space<vmem>> -> memref<128xi32, #tpu.memory_space<vmem>>
      %dma_start3A_138 = arith.constant 0 : i32
      %dma_start3A_139 = arith.constant 0 : i32
      %dma_start3A_140 = tpu.memref_slice %arg5[%dma_start3A_138, %dma_start3A_139] : memref<10000x32xf32, #tpu.memory_space<vmem_shared>> -> memref<10000x32xf32, #tpu.memory_space<vmem_shared>>
      tpu.enqueue_indirect_dma source(%arg10 : memref<128x32xf32, #tpu.memory_space<vmem>>) target(%dma_start3A_140 : memref<10000x32xf32, #tpu.memory_space<vmem_shared>>) offsets(%dma_start3A_137 : memref<128xi32, #tpu.memory_space<vmem>>) semaphore(%arg22 : memref<!tpu.dma_semaphore, #tpu.memory_space<semaphore_mem>>) {add = true}
      %add3A_141 = arith.constant 1 : i32
      %add3A_142 = arith.addi %mul3A_122, %add3A_141 : i32
      %dma_wait3A_143 = arith.constant 0 : i32
      %dma_wait3A_144 = arith.constant 0 : i32
      %dma_wait3A_145 = tpu.memref_slice %arg8[%add3A_142, %dma_wait3A_143, %dma_wait3A_144] : memref<78x2x128xi32, #tpu.memory_space<vmem>> -> memref<1x1x128xi32, #tpu.memory_space<vmem>>
      %dma_wait3A_146 = tpu.memref_squeeze %dma_wait3A_145 : memref<1x1x128xi32, #tpu.memory_space<vmem>> -> memref<128xi32, #tpu.memory_space<vmem>>
      %dma_wait3A_147 = arith.constant 0 : i32
      %dma_wait3A_148 = arith.constant 0 : i32
      %dma_wait3A_149 = tpu.memref_slice %arg2[%dma_wait3A_147, %dma_wait3A_148] : memref<10000x32xf32, #tpu.memory_space<hbm>> -> memref<10000x32xf32, #tpu.memory_space<hbm>>
      tpu.wait_indirect_dma semaphore(%arg17 : memref<!tpu.dma_semaphore, #tpu.memory_space<semaphore_mem>>) src(%dma_wait3A_149 : memref<10000x32xf32, #tpu.memory_space<hbm>>) dst(%arg11 : memref<128x32xf32, #tpu.memory_space<vmem>>)
      %add3A_150 = arith.constant 1 : i32
      %add3A_151 = arith.addi %mul3A_122, %add3A_150 : i32
      %dma_start3A_152 = arith.constant 1 : i32
      %dma_start3A_153 = arith.constant 0 : i32
      %dma_start3A_154 = tpu.memref_slice %arg8[%add3A_151, %dma_start3A_152, %dma_start3A_153] : memref<78x2x128xi32, #tpu.memory_space<vmem>> -> memref<1x1x128xi32, #tpu.memory_space<vmem>>
      %dma_start3A_155 = tpu.memref_squeeze %dma_start3A_154 : memref<1x1x128xi32, #tpu.memory_space<vmem>> -> memref<128xi32, #tpu.memory_space<vmem>>
      %dma_start3A_156 = arith.constant 0 : i32
      %dma_start3A_157 = arith.constant 0 : i32
      %dma_start3A_158 = tpu.memref_slice %arg5[%dma_start3A_156, %dma_start3A_157] : memref<10000x32xf32, #tpu.memory_space<vmem_shared>> -> memref<10000x32xf32, #tpu.memory_space<vmem_shared>>
      tpu.enqueue_indirect_dma source(%arg11 : memref<128x32xf32, #tpu.memory_space<vmem>>) target(%dma_start3A_158 : memref<10000x32xf32, #tpu.memory_space<vmem_shared>>) offsets(%dma_start3A_155 : memref<128xi32, #tpu.memory_space<vmem>>) semaphore(%arg23 : memref<!tpu.dma_semaphore, #tpu.memory_space<semaphore_mem>>) {add = true}
      %add3A_159 = arith.constant 2 : i32
      %add3A_160 = arith.addi %mul3A_122, %add3A_159 : i32
      %dma_wait3A_161 = arith.constant 0 : i32
      %dma_wait3A_162 = arith.constant 0 : i32
      %dma_wait3A_163 = tpu.memref_slice %arg8[%add3A_160, %dma_wait3A_161, %dma_wait3A_162] : memref<78x2x128xi32, #tpu.memory_space<vmem>> -> memref<1x1x128xi32, #tpu.memory_space<vmem>>
      %dma_wait3A_164 = tpu.memref_squeeze %dma_wait3A_163 : memref<1x1x128xi32, #tpu.memory_space<vmem>> -> memref<128xi32, #tpu.memory_space<vmem>>
      %dma_wait3A_165 = arith.constant 0 : i32
      %dma_wait3A_166 = arith.constant 0 : i32
      %dma_wait3A_167 = tpu.memref_slice %arg2[%dma_wait3A_165, %dma_wait3A_166] : memref<10000x32xf32, #tpu.memory_space<hbm>> -> memref<10000x32xf32, #tpu.memory_space<hbm>>
      tpu.wait_indirect_dma semaphore(%arg18 : memref<!tpu.dma_semaphore, #tpu.memory_space<semaphore_mem>>) src(%dma_wait3A_167 : memref<10000x32xf32, #tpu.memory_space<hbm>>) dst(%arg12 : memref<128x32xf32, #tpu.memory_space<vmem>>)
      %add3A_168 = arith.constant 2 : i32
      %add3A_169 = arith.addi %mul3A_122, %add3A_168 : i32
      %dma_start3A_170 = arith.constant 1 : i32
      %dma_start3A_171 = arith.constant 0 : i32
      %dma_start3A_172 = tpu.memref_slice %arg8[%add3A_169, %dma_start3A_170, %dma_start3A_171] : memref<78x2x128xi32, #tpu.memory_space<vmem>> -> memref<1x1x128xi32, #tpu.memory_space<vmem>>
      %dma_start3A_173 = tpu.memref_squeeze %dma_start3A_172 : memref<1x1x128xi32, #tpu.memory_space<vmem>> -> memref<128xi32, #tpu.memory_space<vmem>>
      %dma_start3A_174 = arith.constant 0 : i32
      %dma_start3A_175 = arith.constant 0 : i32
      %dma_start3A_176 = tpu.memref_slice %arg5[%dma_start3A_174, %dma_start3A_175] : memref<10000x32xf32, #tpu.memory_space<vmem_shared>> -> memref<10000x32xf32, #tpu.memory_space<vmem_shared>>
      tpu.enqueue_indirect_dma source(%arg12 : memref<128x32xf32, #tpu.memory_space<vmem>>) target(%dma_start3A_176 : memref<10000x32xf32, #tpu.memory_space<vmem_shared>>) offsets(%dma_start3A_173 : memref<128xi32, #tpu.memory_space<vmem>>) semaphore(%arg24 : memref<!tpu.dma_semaphore, #tpu.memory_space<semaphore_mem>>) {add = true}
      %add3A_177 = arith.constant 3 : i32
      %add3A_178 = arith.addi %mul3A_122, %add3A_177 : i32
      %dma_wait3A_179 = arith.constant 0 : i32
      %dma_wait3A_180 = arith.constant 0 : i32
      %dma_wait3A_181 = tpu.memref_slice %arg8[%add3A_178, %dma_wait3A_179, %dma_wait3A_180] : memref<78x2x128xi32, #tpu.memory_space<vmem>> -> memref<1x1x128xi32, #tpu.memory_space<vmem>>
      %dma_wait3A_182 = tpu.memref_squeeze %dma_wait3A_181 : memref<1x1x128xi32, #tpu.memory_space<vmem>> -> memref<128xi32, #tpu.memory_space<vmem>>
      %dma_wait3A_183 = arith.constant 0 : i32
      %dma_wait3A_184 = arith.constant 0 : i32
      %dma_wait3A_185 = tpu.memref_slice %arg2[%dma_wait3A_183, %dma_wait3A_184] : memref<10000x32xf32, #tpu.memory_space<hbm>> -> memref<10000x32xf32, #tpu.memory_space<hbm>>
      tpu.wait_indirect_dma semaphore(%arg19 : memref<!tpu.dma_semaphore, #tpu.memory_space<semaphore_mem>>) src(%dma_wait3A_185 : memref<10000x32xf32, #tpu.memory_space<hbm>>) dst(%arg13 : memref<128x32xf32, #tpu.memory_space<vmem>>)
      %add3A_186 = arith.constant 3 : i32
      %add3A_187 = arith.addi %mul3A_122, %add3A_186 : i32
      %dma_start3A_188 = arith.constant 1 : i32
      %dma_start3A_189 = arith.constant 0 : i32
      %dma_start3A_190 = tpu.memref_slice %arg8[%add3A_187, %dma_start3A_188, %dma_start3A_189] : memref<78x2x128xi32, #tpu.memory_space<vmem>> -> memref<1x1x128xi32, #tpu.memory_space<vmem>>
      %dma_start3A_191 = tpu.memref_squeeze %dma_start3A_190 : memref<1x1x128xi32, #tpu.memory_space<vmem>> -> memref<128xi32, #tpu.memory_space<vmem>>
      %dma_start3A_192 = arith.constant 0 : i32
      %dma_start3A_193 = arith.constant 0 : i32
      %dma_start3A_194 = tpu.memref_slice %arg5[%dma_start3A_192, %dma_start3A_193] : memref<10000x32xf32, #tpu.memory_space<vmem_shared>> -> memref<10000x32xf32, #tpu.memory_space<vmem_shared>>
      tpu.enqueue_indirect_dma source(%arg13 : memref<128x32xf32, #tpu.memory_space<vmem>>) target(%dma_start3A_194 : memref<10000x32xf32, #tpu.memory_space<vmem_shared>>) offsets(%dma_start3A_191 : memref<128xi32, #tpu.memory_space<vmem>>) semaphore(%arg25 : memref<!tpu.dma_semaphore, #tpu.memory_space<semaphore_mem>>) {add = true}
      %add3A_195 = arith.constant 4 : i32
      %add3A_196 = arith.addi %mul3A_122, %add3A_195 : i32
      %dma_wait3A_197 = arith.constant 0 : i32
      %dma_wait3A_198 = arith.constant 0 : i32
      %dma_wait3A_199 = tpu.memref_slice %arg8[%add3A_196, %dma_wait3A_197, %dma_wait3A_198] : memref<78x2x128xi32, #tpu.memory_space<vmem>> -> memref<1x1x128xi32, #tpu.memory_space<vmem>>
      %dma_wait3A_200 = tpu.memref_squeeze %dma_wait3A_199 : memref<1x1x128xi32, #tpu.memory_space<vmem>> -> memref<128xi32, #tpu.memory_space<vmem>>
      %dma_wait3A_201 = arith.constant 0 : i32
      %dma_wait3A_202 = arith.constant 0 : i32
      %dma_wait3A_203 = tpu.memref_slice %arg2[%dma_wait3A_201, %dma_wait3A_202] : memref<10000x32xf32, #tpu.memory_space<hbm>> -> memref<10000x32xf32, #tpu.memory_space<hbm>>
      tpu.wait_indirect_dma semaphore(%arg20 : memref<!tpu.dma_semaphore, #tpu.memory_space<semaphore_mem>>) src(%dma_wait3A_203 : memref<10000x32xf32, #tpu.memory_space<hbm>>) dst(%arg14 : memref<128x32xf32, #tpu.memory_space<vmem>>)
      %add3A_204 = arith.constant 4 : i32
      %add3A_205 = arith.addi %mul3A_122, %add3A_204 : i32
      %dma_start3A_206 = arith.constant 1 : i32
      %dma_start3A_207 = arith.constant 0 : i32
      %dma_start3A_208 = tpu.memref_slice %arg8[%add3A_205, %dma_start3A_206, %dma_start3A_207] : memref<78x2x128xi32, #tpu.memory_space<vmem>> -> memref<1x1x128xi32, #tpu.memory_space<vmem>>
      %dma_start3A_209 = tpu.memref_squeeze %dma_start3A_208 : memref<1x1x128xi32, #tpu.memory_space<vmem>> -> memref<128xi32, #tpu.memory_space<vmem>>
      %dma_start3A_210 = arith.constant 0 : i32
      %dma_start3A_211 = arith.constant 0 : i32
      %dma_start3A_212 = tpu.memref_slice %arg5[%dma_start3A_210, %dma_start3A_211] : memref<10000x32xf32, #tpu.memory_space<vmem_shared>> -> memref<10000x32xf32, #tpu.memory_space<vmem_shared>>
      tpu.enqueue_indirect_dma source(%arg14 : memref<128x32xf32, #tpu.memory_space<vmem>>) target(%dma_start3A_212 : memref<10000x32xf32, #tpu.memory_space<vmem_shared>>) offsets(%dma_start3A_209 : memref<128xi32, #tpu.memory_space<vmem>>) semaphore(%arg26 : memref<!tpu.dma_semaphore, #tpu.memory_space<semaphore_mem>>) {add = true}
      %add3A_213 = arith.constant 5 : i32
      %add3A_214 = arith.addi %mul3A_122, %add3A_213 : i32
      %dma_wait3A_215 = arith.constant 0 : i32
      %dma_wait3A_216 = arith.constant 0 : i32
      %dma_wait3A_217 = tpu.memref_slice %arg8[%add3A_214, %dma_wait3A_215, %dma_wait3A_216] : memref<78x2x128xi32, #tpu.memory_space<vmem>> -> memref<1x1x128xi32, #tpu.memory_space<vmem>>
      %dma_wait3A_218 = tpu.memref_squeeze %dma_wait3A_217 : memref<1x1x128xi32, #tpu.memory_space<vmem>> -> memref<128xi32, #tpu.memory_space<vmem>>
      %dma_wait3A_219 = arith.constant 0 : i32
      %dma_wait3A_220 = arith.constant 0 : i32
      %dma_wait3A_221 = tpu.memref_slice %arg2[%dma_wait3A_219, %dma_wait3A_220] : memref<10000x32xf32, #tpu.memory_space<hbm>> -> memref<10000x32xf32, #tpu.memory_space<hbm>>
      tpu.wait_indirect_dma semaphore(%arg21 : memref<!tpu.dma_semaphore, #tpu.memory_space<semaphore_mem>>) src(%dma_wait3A_221 : memref<10000x32xf32, #tpu.memory_space<hbm>>) dst(%arg15 : memref<128x32xf32, #tpu.memory_space<vmem>>)
      %add3A_222 = arith.constant 5 : i32
      %add3A_223 = arith.addi %mul3A_122, %add3A_222 : i32
      %dma_start3A_224 = arith.constant 1 : i32
      %dma_start3A_225 = arith.constant 0 : i32
      %dma_start3A_226 = tpu.memref_slice %arg8[%add3A_223, %dma_start3A_224, %dma_start3A_225] : memref<78x2x128xi32, #tpu.memory_space<vmem>> -> memref<1x1x128xi32, #tpu.memory_space<vmem>>
      %dma_start3A_227 = tpu.memref_squeeze %dma_start3A_226 : memref<1x1x128xi32, #tpu.memory_space<vmem>> -> memref<128xi32, #tpu.memory_space<vmem>>
      %dma_start3A_228 = arith.constant 0 : i32
      %dma_start3A_229 = arith.constant 0 : i32
      %dma_start3A_230 = tpu.memref_slice %arg5[%dma_start3A_228, %dma_start3A_229] : memref<10000x32xf32, #tpu.memory_space<vmem_shared>> -> memref<10000x32xf32, #tpu.memory_space<vmem_shared>>
      tpu.enqueue_indirect_dma source(%arg15 : memref<128x32xf32, #tpu.memory_space<vmem>>) target(%dma_start3A_230 : memref<10000x32xf32, #tpu.memory_space<vmem_shared>>) offsets(%dma_start3A_227 : memref<128xi32, #tpu.memory_space<vmem>>) semaphore(%arg27 : memref<!tpu.dma_semaphore, #tpu.memory_space<semaphore_mem>>) {add = true}
      %add3A_231 = arith.constant 0 : i32
      %add3A_232 = arith.addi %mul3A_122, %add3A_231 : i32
      %add3A_233 = arith.constant 6 : i32
      %add3A_234 = arith.addi %add3A_232, %add3A_233 : i32
      %lt3A_235 = arith.constant 78 : i32
      %lt3A_236 = arith.cmpi slt, %add3A_234, %lt3A_235 : i32
      %convert_element_type3A_237 = arith.extui %lt3A_236 : i1 to i32
      %cond3A_238 = arith.constant 0 : i32
      %cond3A_239 = arith.cmpi ne, %convert_element_type3A_237, %cond3A_238 : i32
      scf.if %cond3A_239 {
        %add3A_285 = arith.constant 0 : i32
        %add3A_286 = arith.addi %mul3A_122, %add3A_285 : i32
        %dma_wait3A_287 = arith.constant 1 : i32
        %dma_wait3A_288 = arith.constant 0 : i32
        %dma_wait3A_289 = tpu.memref_slice %arg8[%add3A_286, %dma_wait3A_287, %dma_wait3A_288] : memref<78x2x128xi32, #tpu.memory_space<vmem>> -> memref<1x1x128xi32, #tpu.memory_space<vmem>>
        %dma_wait3A_290 = tpu.memref_squeeze %dma_wait3A_289 : memref<1x1x128xi32, #tpu.memory_space<vmem>> -> memref<128xi32, #tpu.memory_space<vmem>>
        %dma_wait3A_291 = arith.constant 0 : i32
        %dma_wait3A_292 = arith.constant 0 : i32
        %dma_wait3A_293 = tpu.memref_slice %arg5[%dma_wait3A_291, %dma_wait3A_292] : memref<10000x32xf32, #tpu.memory_space<vmem_shared>> -> memref<10000x32xf32, #tpu.memory_space<vmem_shared>>
        tpu.wait_indirect_dma semaphore(%arg22 : memref<!tpu.dma_semaphore, #tpu.memory_space<semaphore_mem>>) src(%arg10 : memref<128x32xf32, #tpu.memory_space<vmem>>) dst(%dma_wait3A_293 : memref<10000x32xf32, #tpu.memory_space<vmem_shared>>)
        %add3A_294 = arith.constant 0 : i32
        %add3A_295 = arith.addi %mul3A_122, %add3A_294 : i32
        %add3A_296 = arith.constant 6 : i32
        %add3A_297 = arith.addi %add3A_295, %add3A_296 : i32
        %dma_start3A_298 = arith.constant 0 : i32
        %dma_start3A_299 = arith.constant 0 : i32
        %dma_start3A_300 = tpu.memref_slice %arg8[%add3A_297, %dma_start3A_298, %dma_start3A_299] : memref<78x2x128xi32, #tpu.memory_space<vmem>> -> memref<1x1x128xi32, #tpu.memory_space<vmem>>
        %dma_start3A_301 = tpu.memref_squeeze %dma_start3A_300 : memref<1x1x128xi32, #tpu.memory_space<vmem>> -> memref<128xi32, #tpu.memory_space<vmem>>
        %dma_start3A_302 = arith.constant 0 : i32
        %dma_start3A_303 = arith.constant 0 : i32
        %dma_start3A_304 = tpu.memref_slice %arg2[%dma_start3A_302, %dma_start3A_303] : memref<10000x32xf32, #tpu.memory_space<hbm>> -> memref<10000x32xf32, #tpu.memory_space<hbm>>
        tpu.enqueue_indirect_dma source(%dma_start3A_304 : memref<10000x32xf32, #tpu.memory_space<hbm>>) target(%arg10 : memref<128x32xf32, #tpu.memory_space<vmem>>) offsets(%dma_start3A_301 : memref<128xi32, #tpu.memory_space<vmem>>) semaphore(%arg16 : memref<!tpu.dma_semaphore, #tpu.memory_space<semaphore_mem>>)
      } else {
      }
      %add3A_240 = arith.constant 1 : i32
      %add3A_241 = arith.addi %mul3A_122, %add3A_240 : i32
      %add3A_242 = arith.constant 6 : i32
      %add3A_243 = arith.addi %add3A_241, %add3A_242 : i32
      %lt3A_244 = arith.constant 78 : i32
      %lt3A_245 = arith.cmpi slt, %add3A_243, %lt3A_244 : i32
      %convert_element_type3A_246 = arith.extui %lt3A_245 : i1 to i32
      %cond3A_247 = arith.constant 0 : i32
      %cond3A_248 = arith.cmpi ne, %convert_element_type3A_246, %cond3A_247 : i32
      scf.if %cond3A_248 {
        %add3A_285 = arith.constant 1 : i32
        %add3A_286 = arith.addi %mul3A_122, %add3A_285 : i32
        %dma_wait3A_287 = arith.constant 1 : i32
        %dma_wait3A_288 = arith.constant 0 : i32
        %dma_wait3A_289 = tpu.memref_slice %arg8[%add3A_286, %dma_wait3A_287, %dma_wait3A_288] : memref<78x2x128xi32, #tpu.memory_space<vmem>> -> memref<1x1x128xi32, #tpu.memory_space<vmem>>
        %dma_wait3A_290 = tpu.memref_squeeze %dma_wait3A_289 : memref<1x1x128xi32, #tpu.memory_space<vmem>> -> memref<128xi32, #tpu.memory_space<vmem>>
        %dma_wait3A_291 = arith.constant 0 : i32
        %dma_wait3A_292 = arith.constant 0 : i32
        %dma_wait3A_293 = tpu.memref_slice %arg5[%dma_wait3A_291, %dma_wait3A_292] : memref<10000x32xf32, #tpu.memory_space<vmem_shared>> -> memref<10000x32xf32, #tpu.memory_space<vmem_shared>>
        tpu.wait_indirect_dma semaphore(%arg23 : memref<!tpu.dma_semaphore, #tpu.memory_space<semaphore_mem>>) src(%arg11 : memref<128x32xf32, #tpu.memory_space<vmem>>) dst(%dma_wait3A_293 : memref<10000x32xf32, #tpu.memory_space<vmem_shared>>)
        %add3A_294 = arith.constant 1 : i32
        %add3A_295 = arith.addi %mul3A_122, %add3A_294 : i32
        %add3A_296 = arith.constant 6 : i32
        %add3A_297 = arith.addi %add3A_295, %add3A_296 : i32
        %dma_start3A_298 = arith.constant 0 : i32
        %dma_start3A_299 = arith.constant 0 : i32
        %dma_start3A_300 = tpu.memref_slice %arg8[%add3A_297, %dma_start3A_298, %dma_start3A_299] : memref<78x2x128xi32, #tpu.memory_space<vmem>> -> memref<1x1x128xi32, #tpu.memory_space<vmem>>
        %dma_start3A_301 = tpu.memref_squeeze %dma_start3A_300 : memref<1x1x128xi32, #tpu.memory_space<vmem>> -> memref<128xi32, #tpu.memory_space<vmem>>
        %dma_start3A_302 = arith.constant 0 : i32
        %dma_start3A_303 = arith.constant 0 : i32
        %dma_start3A_304 = tpu.memref_slice %arg2[%dma_start3A_302, %dma_start3A_303] : memref<10000x32xf32, #tpu.memory_space<hbm>> -> memref<10000x32xf32, #tpu.memory_space<hbm>>
        tpu.enqueue_indirect_dma source(%dma_start3A_304 : memref<10000x32xf32, #tpu.memory_space<hbm>>) target(%arg11 : memref<128x32xf32, #tpu.memory_space<vmem>>) offsets(%dma_start3A_301 : memref<128xi32, #tpu.memory_space<vmem>>) semaphore(%arg17 : memref<!tpu.dma_semaphore, #tpu.memory_space<semaphore_mem>>)
      } else {
      }
      %add3A_249 = arith.constant 2 : i32
      %add3A_250 = arith.addi %mul3A_122, %add3A_249 : i32
      %add3A_251 = arith.constant 6 : i32
      %add3A_252 = arith.addi %add3A_250, %add3A_251 : i32
      %lt3A_253 = arith.constant 78 : i32
      %lt3A_254 = arith.cmpi slt, %add3A_252, %lt3A_253 : i32
      %convert_element_type3A_255 = arith.extui %lt3A_254 : i1 to i32
      %cond3A_256 = arith.constant 0 : i32
      %cond3A_257 = arith.cmpi ne, %convert_element_type3A_255, %cond3A_256 : i32
      scf.if %cond3A_257 {
        %add3A_285 = arith.constant 2 : i32
        %add3A_286 = arith.addi %mul3A_122, %add3A_285 : i32
        %dma_wait3A_287 = arith.constant 1 : i32
        %dma_wait3A_288 = arith.constant 0 : i32
        %dma_wait3A_289 = tpu.memref_slice %arg8[%add3A_286, %dma_wait3A_287, %dma_wait3A_288] : memref<78x2x128xi32, #tpu.memory_space<vmem>> -> memref<1x1x128xi32, #tpu.memory_space<vmem>>
        %dma_wait3A_290 = tpu.memref_squeeze %dma_wait3A_289 : memref<1x1x128xi32, #tpu.memory_space<vmem>> -> memref<128xi32, #tpu.memory_space<vmem>>
        %dma_wait3A_291 = arith.constant 0 : i32
        %dma_wait3A_292 = arith.constant 0 : i32
        %dma_wait3A_293 = tpu.memref_slice %arg5[%dma_wait3A_291, %dma_wait3A_292] : memref<10000x32xf32, #tpu.memory_space<vmem_shared>> -> memref<10000x32xf32, #tpu.memory_space<vmem_shared>>
        tpu.wait_indirect_dma semaphore(%arg24 : memref<!tpu.dma_semaphore, #tpu.memory_space<semaphore_mem>>) src(%arg12 : memref<128x32xf32, #tpu.memory_space<vmem>>) dst(%dma_wait3A_293 : memref<10000x32xf32, #tpu.memory_space<vmem_shared>>)
        %add3A_294 = arith.constant 2 : i32
        %add3A_295 = arith.addi %mul3A_122, %add3A_294 : i32
        %add3A_296 = arith.constant 6 : i32
        %add3A_297 = arith.addi %add3A_295, %add3A_296 : i32
        %dma_start3A_298 = arith.constant 0 : i32
        %dma_start3A_299 = arith.constant 0 : i32
        %dma_start3A_300 = tpu.memref_slice %arg8[%add3A_297, %dma_start3A_298, %dma_start3A_299] : memref<78x2x128xi32, #tpu.memory_space<vmem>> -> memref<1x1x128xi32, #tpu.memory_space<vmem>>
        %dma_start3A_301 = tpu.memref_squeeze %dma_start3A_300 : memref<1x1x128xi32, #tpu.memory_space<vmem>> -> memref<128xi32, #tpu.memory_space<vmem>>
        %dma_start3A_302 = arith.constant 0 : i32
        %dma_start3A_303 = arith.constant 0 : i32
        %dma_start3A_304 = tpu.memref_slice %arg2[%dma_start3A_302, %dma_start3A_303] : memref<10000x32xf32, #tpu.memory_space<hbm>> -> memref<10000x32xf32, #tpu.memory_space<hbm>>
        tpu.enqueue_indirect_dma source(%dma_start3A_304 : memref<10000x32xf32, #tpu.memory_space<hbm>>) target(%arg12 : memref<128x32xf32, #tpu.memory_space<vmem>>) offsets(%dma_start3A_301 : memref<128xi32, #tpu.memory_space<vmem>>) semaphore(%arg18 : memref<!tpu.dma_semaphore, #tpu.memory_space<semaphore_mem>>)
      } else {
      }
      %add3A_258 = arith.constant 3 : i32
      %add3A_259 = arith.addi %mul3A_122, %add3A_258 : i32
      %add3A_260 = arith.constant 6 : i32
      %add3A_261 = arith.addi %add3A_259, %add3A_260 : i32
      %lt3A_262 = arith.constant 78 : i32
      %lt3A_263 = arith.cmpi slt, %add3A_261, %lt3A_262 : i32
      %convert_element_type3A_264 = arith.extui %lt3A_263 : i1 to i32
      %cond3A_265 = arith.constant 0 : i32
      %cond3A_266 = arith.cmpi ne, %convert_element_type3A_264, %cond3A_265 : i32
      scf.if %cond3A_266 {
        %add3A_285 = arith.constant 3 : i32
        %add3A_286 = arith.addi %mul3A_122, %add3A_285 : i32
        %dma_wait3A_287 = arith.constant 1 : i32
        %dma_wait3A_288 = arith.constant 0 : i32
        %dma_wait3A_289 = tpu.memref_slice %arg8[%add3A_286, %dma_wait3A_287, %dma_wait3A_288] : memref<78x2x128xi32, #tpu.memory_space<vmem>> -> memref<1x1x128xi32, #tpu.memory_space<vmem>>
        %dma_wait3A_290 = tpu.memref_squeeze %dma_wait3A_289 : memref<1x1x128xi32, #tpu.memory_space<vmem>> -> memref<128xi32, #tpu.memory_space<vmem>>
        %dma_wait3A_291 = arith.constant 0 : i32
        %dma_wait3A_292 = arith.constant 0 : i32
        %dma_wait3A_293 = tpu.memref_slice %arg5[%dma_wait3A_291, %dma_wait3A_292] : memref<10000x32xf32, #tpu.memory_space<vmem_shared>> -> memref<10000x32xf32, #tpu.memory_space<vmem_shared>>
        tpu.wait_indirect_dma semaphore(%arg25 : memref<!tpu.dma_semaphore, #tpu.memory_space<semaphore_mem>>) src(%arg13 : memref<128x32xf32, #tpu.memory_space<vmem>>) dst(%dma_wait3A_293 : memref<10000x32xf32, #tpu.memory_space<vmem_shared>>)
        %add3A_294 = arith.constant 3 : i32
        %add3A_295 = arith.addi %mul3A_122, %add3A_294 : i32
        %add3A_296 = arith.constant 6 : i32
        %add3A_297 = arith.addi %add3A_295, %add3A_296 : i32
        %dma_start3A_298 = arith.constant 0 : i32
        %dma_start3A_299 = arith.constant 0 : i32
        %dma_start3A_300 = tpu.memref_slice %arg8[%add3A_297, %dma_start3A_298, %dma_start3A_299] : memref<78x2x128xi32, #tpu.memory_space<vmem>> -> memref<1x1x128xi32, #tpu.memory_space<vmem>>
        %dma_start3A_301 = tpu.memref_squeeze %dma_start3A_300 : memref<1x1x128xi32, #tpu.memory_space<vmem>> -> memref<128xi32, #tpu.memory_space<vmem>>
        %dma_start3A_302 = arith.constant 0 : i32
        %dma_start3A_303 = arith.constant 0 : i32
        %dma_start3A_304 = tpu.memref_slice %arg2[%dma_start3A_302, %dma_start3A_303] : memref<10000x32xf32, #tpu.memory_space<hbm>> -> memref<10000x32xf32, #tpu.memory_space<hbm>>
        tpu.enqueue_indirect_dma source(%dma_start3A_304 : memref<10000x32xf32, #tpu.memory_space<hbm>>) target(%arg13 : memref<128x32xf32, #tpu.memory_space<vmem>>) offsets(%dma_start3A_301 : memref<128xi32, #tpu.memory_space<vmem>>) semaphore(%arg19 : memref<!tpu.dma_semaphore, #tpu.memory_space<semaphore_mem>>)
      } else {
      }
      %add3A_267 = arith.constant 4 : i32
      %add3A_268 = arith.addi %mul3A_122, %add3A_267 : i32
      %add3A_269 = arith.constant 6 : i32
      %add3A_270 = arith.addi %add3A_268, %add3A_269 : i32
      %lt3A_271 = arith.constant 78 : i32
      %lt3A_272 = arith.cmpi slt, %add3A_270, %lt3A_271 : i32
      %convert_element_type3A_273 = arith.extui %lt3A_272 : i1 to i32
      %cond3A_274 = arith.constant 0 : i32
      %cond3A_275 = arith.cmpi ne, %convert_element_type3A_273, %cond3A_274 : i32
      scf.if %cond3A_275 {
        %add3A_285 = arith.constant 4 : i32
        %add3A_286 = arith.addi %mul3A_122, %add3A_285 : i32
        %dma_wait3A_287 = arith.constant 1 : i32
        %dma_wait3A_288 = arith.constant 0 : i32
        %dma_wait3A_289 = tpu.memref_slice %arg8[%add3A_286, %dma_wait3A_287, %dma_wait3A_288] : memref<78x2x128xi32, #tpu.memory_space<vmem>> -> memref<1x1x128xi32, #tpu.memory_space<vmem>>
        %dma_wait3A_290 = tpu.memref_squeeze %dma_wait3A_289 : memref<1x1x128xi32, #tpu.memory_space<vmem>> -> memref<128xi32, #tpu.memory_space<vmem>>
        %dma_wait3A_291 = arith.constant 0 : i32
        %dma_wait3A_292 = arith.constant 0 : i32
        %dma_wait3A_293 = tpu.memref_slice %arg5[%dma_wait3A_291, %dma_wait3A_292] : memref<10000x32xf32, #tpu.memory_space<vmem_shared>> -> memref<10000x32xf32, #tpu.memory_space<vmem_shared>>
        tpu.wait_indirect_dma semaphore(%arg26 : memref<!tpu.dma_semaphore, #tpu.memory_space<semaphore_mem>>) src(%arg14 : memref<128x32xf32, #tpu.memory_space<vmem>>) dst(%dma_wait3A_293 : memref<10000x32xf32, #tpu.memory_space<vmem_shared>>)
        %add3A_294 = arith.constant 4 : i32
        %add3A_295 = arith.addi %mul3A_122, %add3A_294 : i32
        %add3A_296 = arith.constant 6 : i32
        %add3A_297 = arith.addi %add3A_295, %add3A_296 : i32
        %dma_start3A_298 = arith.constant 0 : i32
        %dma_start3A_299 = arith.constant 0 : i32
        %dma_start3A_300 = tpu.memref_slice %arg8[%add3A_297, %dma_start3A_298, %dma_start3A_299] : memref<78x2x128xi32, #tpu.memory_space<vmem>> -> memref<1x1x128xi32, #tpu.memory_space<vmem>>
        %dma_start3A_301 = tpu.memref_squeeze %dma_start3A_300 : memref<1x1x128xi32, #tpu.memory_space<vmem>> -> memref<128xi32, #tpu.memory_space<vmem>>
        %dma_start3A_302 = arith.constant 0 : i32
        %dma_start3A_303 = arith.constant 0 : i32
        %dma_start3A_304 = tpu.memref_slice %arg2[%dma_start3A_302, %dma_start3A_303] : memref<10000x32xf32, #tpu.memory_space<hbm>> -> memref<10000x32xf32, #tpu.memory_space<hbm>>
        tpu.enqueue_indirect_dma source(%dma_start3A_304 : memref<10000x32xf32, #tpu.memory_space<hbm>>) target(%arg14 : memref<128x32xf32, #tpu.memory_space<vmem>>) offsets(%dma_start3A_301 : memref<128xi32, #tpu.memory_space<vmem>>) semaphore(%arg20 : memref<!tpu.dma_semaphore, #tpu.memory_space<semaphore_mem>>)
      } else {
      }
      %add3A_276 = arith.constant 5 : i32
      %add3A_277 = arith.addi %mul3A_122, %add3A_276 : i32
      %add3A_278 = arith.constant 6 : i32
      %add3A_279 = arith.addi %add3A_277, %add3A_278 : i32
      %lt3A_280 = arith.constant 78 : i32
      %lt3A_281 = arith.cmpi slt, %add3A_279, %lt3A_280 : i32
      %convert_element_type3A_282 = arith.extui %lt3A_281 : i1 to i32
      %cond3A_283 = arith.constant 0 : i32
      %cond3A_284 = arith.cmpi ne, %convert_element_type3A_282, %cond3A_283 : i32
      scf.if %cond3A_284 {
        %add3A_285 = arith.constant 5 : i32
        %add3A_286 = arith.addi %mul3A_122, %add3A_285 : i32
        %dma_wait3A_287 = arith.constant 1 : i32
        %dma_wait3A_288 = arith.constant 0 : i32
        %dma_wait3A_289 = tpu.memref_slice %arg8[%add3A_286, %dma_wait3A_287, %dma_wait3A_288] : memref<78x2x128xi32, #tpu.memory_space<vmem>> -> memref<1x1x128xi32, #tpu.memory_space<vmem>>
        %dma_wait3A_290 = tpu.memref_squeeze %dma_wait3A_289 : memref<1x1x128xi32, #tpu.memory_space<vmem>> -> memref<128xi32, #tpu.memory_space<vmem>>
        %dma_wait3A_291 = arith.constant 0 : i32
        %dma_wait3A_292 = arith.constant 0 : i32
        %dma_wait3A_293 = tpu.memref_slice %arg5[%dma_wait3A_291, %dma_wait3A_292] : memref<10000x32xf32, #tpu.memory_space<vmem_shared>> -> memref<10000x32xf32, #tpu.memory_space<vmem_shared>>
        tpu.wait_indirect_dma semaphore(%arg27 : memref<!tpu.dma_semaphore, #tpu.memory_space<semaphore_mem>>) src(%arg15 : memref<128x32xf32, #tpu.memory_space<vmem>>) dst(%dma_wait3A_293 : memref<10000x32xf32, #tpu.memory_space<vmem_shared>>)
        %add3A_294 = arith.constant 5 : i32
        %add3A_295 = arith.addi %mul3A_122, %add3A_294 : i32
        %add3A_296 = arith.constant 6 : i32
        %add3A_297 = arith.addi %add3A_295, %add3A_296 : i32
        %dma_start3A_298 = arith.constant 0 : i32
        %dma_start3A_299 = arith.constant 0 : i32
        %dma_start3A_300 = tpu.memref_slice %arg8[%add3A_297, %dma_start3A_298, %dma_start3A_299] : memref<78x2x128xi32, #tpu.memory_space<vmem>> -> memref<1x1x128xi32, #tpu.memory_space<vmem>>
        %dma_start3A_301 = tpu.memref_squeeze %dma_start3A_300 : memref<1x1x128xi32, #tpu.memory_space<vmem>> -> memref<128xi32, #tpu.memory_space<vmem>>
        %dma_start3A_302 = arith.constant 0 : i32
        %dma_start3A_303 = arith.constant 0 : i32
        %dma_start3A_304 = tpu.memref_slice %arg2[%dma_start3A_302, %dma_start3A_303] : memref<10000x32xf32, #tpu.memory_space<hbm>> -> memref<10000x32xf32, #tpu.memory_space<hbm>>
        tpu.enqueue_indirect_dma source(%dma_start3A_304 : memref<10000x32xf32, #tpu.memory_space<hbm>>) target(%arg15 : memref<128x32xf32, #tpu.memory_space<vmem>>) offsets(%dma_start3A_301 : memref<128xi32, #tpu.memory_space<vmem>>) semaphore(%arg21 : memref<!tpu.dma_semaphore, #tpu.memory_space<semaphore_mem>>)
      } else {
      }
    }
    %scan3A_61 = arith.constant 13 : i32
    %dma_wait3A = arith.constant 72 : i32
    %dma_wait3A_62 = arith.constant 1 : i32
    %dma_wait3A_63 = arith.constant 0 : i32
    %dma_wait3A_64 = tpu.memref_slice %arg8[%dma_wait3A, %dma_wait3A_62, %dma_wait3A_63] : memref<78x2x128xi32, #tpu.memory_space<vmem>> -> memref<1x1x128xi32, #tpu.memory_space<vmem>>
    %dma_wait3A_65 = tpu.memref_squeeze %dma_wait3A_64 : memref<1x1x128xi32, #tpu.memory_space<vmem>> -> memref<128xi32, #tpu.memory_space<vmem>>
    %dma_wait3A_66 = arith.constant 0 : i32
    %dma_wait3A_67 = arith.constant 0 : i32
    %dma_wait3A_68 = tpu.memref_slice %arg5[%dma_wait3A_66, %dma_wait3A_67] : memref<10000x32xf32, #tpu.memory_space<vmem_shared>> -> memref<10000x32xf32, #tpu.memory_space<vmem_shared>>
    tpu.wait_indirect_dma semaphore(%arg22 : memref<!tpu.dma_semaphore, #tpu.memory_space<semaphore_mem>>) src(%arg10 : memref<128x32xf32, #tpu.memory_space<vmem>>) dst(%dma_wait3A_68 : memref<10000x32xf32, #tpu.memory_space<vmem_shared>>)
    %dma_wait3A_69 = arith.constant 73 : i32
    %dma_wait3A_70 = arith.constant 1 : i32
    %dma_wait3A_71 = arith.constant 0 : i32
    %dma_wait3A_72 = tpu.memref_slice %arg8[%dma_wait3A_69, %dma_wait3A_70, %dma_wait3A_71] : memref<78x2x128xi32, #tpu.memory_space<vmem>> -> memref<1x1x128xi32, #tpu.memory_space<vmem>>
    %dma_wait3A_73 = tpu.memref_squeeze %dma_wait3A_72 : memref<1x1x128xi32, #tpu.memory_space<vmem>> -> memref<128xi32, #tpu.memory_space<vmem>>
    %dma_wait3A_74 = arith.constant 0 : i32
    %dma_wait3A_75 = arith.constant 0 : i32
    %dma_wait3A_76 = tpu.memref_slice %arg5[%dma_wait3A_74, %dma_wait3A_75] : memref<10000x32xf32, #tpu.memory_space<vmem_shared>> -> memref<10000x32xf32, #tpu.memory_space<vmem_shared>>
    tpu.wait_indirect_dma semaphore(%arg23 : memref<!tpu.dma_semaphore, #tpu.memory_space<semaphore_mem>>) src(%arg11 : memref<128x32xf32, #tpu.memory_space<vmem>>) dst(%dma_wait3A_76 : memref<10000x32xf32, #tpu.memory_space<vmem_shared>>)
    %dma_wait3A_77 = arith.constant 74 : i32
    %dma_wait3A_78 = arith.constant 1 : i32
    %dma_wait3A_79 = arith.constant 0 : i32
    %dma_wait3A_80 = tpu.memref_slice %arg8[%dma_wait3A_77, %dma_wait3A_78, %dma_wait3A_79] : memref<78x2x128xi32, #tpu.memory_space<vmem>> -> memref<1x1x128xi32, #tpu.memory_space<vmem>>
    %dma_wait3A_81 = tpu.memref_squeeze %dma_wait3A_80 : memref<1x1x128xi32, #tpu.memory_space<vmem>> -> memref<128xi32, #tpu.memory_space<vmem>>
    %dma_wait3A_82 = arith.constant 0 : i32
    %dma_wait3A_83 = arith.constant 0 : i32
    %dma_wait3A_84 = tpu.memref_slice %arg5[%dma_wait3A_82, %dma_wait3A_83] : memref<10000x32xf32, #tpu.memory_space<vmem_shared>> -> memref<10000x32xf32, #tpu.memory_space<vmem_shared>>
    tpu.wait_indirect_dma semaphore(%arg24 : memref<!tpu.dma_semaphore, #tpu.memory_space<semaphore_mem>>) src(%arg12 : memref<128x32xf32, #tpu.memory_space<vmem>>) dst(%dma_wait3A_84 : memref<10000x32xf32, #tpu.memory_space<vmem_shared>>)
    %dma_wait3A_85 = arith.constant 75 : i32
    %dma_wait3A_86 = arith.constant 1 : i32
    %dma_wait3A_87 = arith.constant 0 : i32
    %dma_wait3A_88 = tpu.memref_slice %arg8[%dma_wait3A_85, %dma_wait3A_86, %dma_wait3A_87] : memref<78x2x128xi32, #tpu.memory_space<vmem>> -> memref<1x1x128xi32, #tpu.memory_space<vmem>>
    %dma_wait3A_89 = tpu.memref_squeeze %dma_wait3A_88 : memref<1x1x128xi32, #tpu.memory_space<vmem>> -> memref<128xi32, #tpu.memory_space<vmem>>
    %dma_wait3A_90 = arith.constant 0 : i32
    %dma_wait3A_91 = arith.constant 0 : i32
    %dma_wait3A_92 = tpu.memref_slice %arg5[%dma_wait3A_90, %dma_wait3A_91] : memref<10000x32xf32, #tpu.memory_space<vmem_shared>> -> memref<10000x32xf32, #tpu.memory_space<vmem_shared>>
    tpu.wait_indirect_dma semaphore(%arg25 : memref<!tpu.dma_semaphore, #tpu.memory_space<semaphore_mem>>) src(%arg13 : memref<128x32xf32, #tpu.memory_space<vmem>>) dst(%dma_wait3A_92 : memref<10000x32xf32, #tpu.memory_space<vmem_shared>>)
    %dma_wait3A_93 = arith.constant 76 : i32
    %dma_wait3A_94 = arith.constant 1 : i32
    %dma_wait3A_95 = arith.constant 0 : i32
    %dma_wait3A_96 = tpu.memref_slice %arg8[%dma_wait3A_93, %dma_wait3A_94, %dma_wait3A_95] : memref<78x2x128xi32, #tpu.memory_space<vmem>> -> memref<1x1x128xi32, #tpu.memory_space<vmem>>
    %dma_wait3A_97 = tpu.memref_squeeze %dma_wait3A_96 : memref<1x1x128xi32, #tpu.memory_space<vmem>> -> memref<128xi32, #tpu.memory_space<vmem>>
    %dma_wait3A_98 = arith.constant 0 : i32
    %dma_wait3A_99 = arith.constant 0 : i32
    %dma_wait3A_100 = tpu.memref_slice %arg5[%dma_wait3A_98, %dma_wait3A_99] : memref<10000x32xf32, #tpu.memory_space<vmem_shared>> -> memref<10000x32xf32, #tpu.memory_space<vmem_shared>>
    tpu.wait_indirect_dma semaphore(%arg26 : memref<!tpu.dma_semaphore, #tpu.memory_space<semaphore_mem>>) src(%arg14 : memref<128x32xf32, #tpu.memory_space<vmem>>) dst(%dma_wait3A_100 : memref<10000x32xf32, #tpu.memory_space<vmem_shared>>)
    %dma_wait3A_101 = arith.constant 77 : i32
    %dma_wait3A_102 = arith.constant 1 : i32
    %dma_wait3A_103 = arith.constant 0 : i32
    %dma_wait3A_104 = tpu.memref_slice %arg8[%dma_wait3A_101, %dma_wait3A_102, %dma_wait3A_103] : memref<78x2x128xi32, #tpu.memory_space<vmem>> -> memref<1x1x128xi32, #tpu.memory_space<vmem>>
    %dma_wait3A_105 = tpu.memref_squeeze %dma_wait3A_104 : memref<1x1x128xi32, #tpu.memory_space<vmem>> -> memref<128xi32, #tpu.memory_space<vmem>>
    %dma_wait3A_106 = arith.constant 0 : i32
    %dma_wait3A_107 = arith.constant 0 : i32
    %dma_wait3A_108 = tpu.memref_slice %arg5[%dma_wait3A_106, %dma_wait3A_107] : memref<10000x32xf32, #tpu.memory_space<vmem_shared>> -> memref<10000x32xf32, #tpu.memory_space<vmem_shared>>
    tpu.wait_indirect_dma semaphore(%arg27 : memref<!tpu.dma_semaphore, #tpu.memory_space<semaphore_mem>>) src(%arg15 : memref<128x32xf32, #tpu.memory_space<vmem>>) dst(%dma_wait3A_108 : memref<10000x32xf32, #tpu.memory_space<vmem_shared>>)
    %lt3A_109 = arith.constant 4 : i32
    %lt3A_110 = arith.cmpi slt, %add3A, %lt3A_109 : i32
    %convert_element_type3A_111 = arith.extui %lt3A_110 : i1 to i32
    %cond3A_112 = arith.constant 0 : i32
    %cond3A_113 = arith.cmpi ne, %convert_element_type3A_111, %cond3A_112 : i32
    scf.if %cond3A_113 {
      %dma_start3A_120 = arith.constant 0 : i32
      %dma_start3A_121 = arith.constant 0 : i32
      %dma_start3A_122 = arith.constant 0 : i32
      %dma_start3A_123 = tpu.memref_slice %arg9[%dma_start3A_120, %dma_start3A_121, %dma_start3A_122] : memref<1x2x128xi32, #tpu.memory_space<vmem>> -> memref<1x1x128xi32, #tpu.memory_space<vmem>>
      %dma_start3A_124 = tpu.memref_squeeze %dma_start3A_123 : memref<1x1x128xi32, #tpu.memory_space<vmem>> -> memref<128xi32, #tpu.memory_space<vmem>>
      %dma_start3A_125 = arith.constant 0 : i32
      %dma_start3A_126 = arith.constant 0 : i32
      %dma_start3A_127 = tpu.memref_slice %arg2[%dma_start3A_125, %dma_start3A_126] : memref<10000x32xf32, #tpu.memory_space<hbm>> -> memref<10000x32xf32, #tpu.memory_space<hbm>>
      tpu.enqueue_indirect_dma source(%dma_start3A_127 : memref<10000x32xf32, #tpu.memory_space<hbm>>) target(%arg10 : memref<128x32xf32, #tpu.memory_space<vmem>>) offsets(%dma_start3A_124 : memref<128xi32, #tpu.memory_space<vmem>>) semaphore(%arg16 : memref<!tpu.dma_semaphore, #tpu.memory_space<semaphore_mem>>)
      %dma_wait3A_128 = arith.constant 0 : i32
      %dma_wait3A_129 = arith.constant 0 : i32
      %dma_wait3A_130 = arith.constant 0 : i32
      %dma_wait3A_131 = tpu.memref_slice %arg9[%dma_wait3A_128, %dma_wait3A_129, %dma_wait3A_130] : memref<1x2x128xi32, #tpu.memory_space<vmem>> -> memref<1x1x128xi32, #tpu.memory_space<vmem>>
      %dma_wait3A_132 = tpu.memref_squeeze %dma_wait3A_131 : memref<1x1x128xi32, #tpu.memory_space<vmem>> -> memref<128xi32, #tpu.memory_space<vmem>>
      %dma_wait3A_133 = arith.constant 0 : i32
      %dma_wait3A_134 = arith.constant 0 : i32
      %dma_wait3A_135 = tpu.memref_slice %arg2[%dma_wait3A_133, %dma_wait3A_134] : memref<10000x32xf32, #tpu.memory_space<hbm>> -> memref<10000x32xf32, #tpu.memory_space<hbm>>
      tpu.wait_indirect_dma semaphore(%arg16 : memref<!tpu.dma_semaphore, #tpu.memory_space<semaphore_mem>>) src(%dma_wait3A_135 : memref<10000x32xf32, #tpu.memory_space<hbm>>) dst(%arg10 : memref<128x32xf32, #tpu.memory_space<vmem>>)
      %dma_start3A_136 = arith.constant 0 : i32
      %dma_start3A_137 = arith.constant 1 : i32
      %dma_start3A_138 = arith.constant 0 : i32
      %dma_start3A_139 = tpu.memref_slice %arg9[%dma_start3A_136, %dma_start3A_137, %dma_start3A_138] : memref<1x2x128xi32, #tpu.memory_space<vmem>> -> memref<1x1x128xi32, #tpu.memory_space<vmem>>
      %dma_start3A_140 = tpu.memref_squeeze %dma_start3A_139 : memref<1x1x128xi32, #tpu.memory_space<vmem>> -> memref<128xi32, #tpu.memory_space<vmem>>
      %dma_start3A_141 = arith.constant 0 : i32
      %dma_start3A_142 = arith.constant 0 : i32
      %dma_start3A_143 = tpu.memref_slice %arg5[%dma_start3A_141, %dma_start3A_142] : memref<10000x32xf32, #tpu.memory_space<vmem_shared>> -> memref<10000x32xf32, #tpu.memory_space<vmem_shared>>
      tpu.enqueue_indirect_dma source(%arg10 : memref<128x32xf32, #tpu.memory_space<vmem>>) target(%dma_start3A_143 : memref<10000x32xf32, #tpu.memory_space<vmem_shared>>) offsets(%dma_start3A_140 : memref<128xi32, #tpu.memory_space<vmem>>) semaphore(%arg22 : memref<!tpu.dma_semaphore, #tpu.memory_space<semaphore_mem>>) {add = true}
      %dma_wait3A_144 = arith.constant 0 : i32
      %dma_wait3A_145 = arith.constant 1 : i32
      %dma_wait3A_146 = arith.constant 0 : i32
      %dma_wait3A_147 = tpu.memref_slice %arg9[%dma_wait3A_144, %dma_wait3A_145, %dma_wait3A_146] : memref<1x2x128xi32, #tpu.memory_space<vmem>> -> memref<1x1x128xi32, #tpu.memory_space<vmem>>
      %dma_wait3A_148 = tpu.memref_squeeze %dma_wait3A_147 : memref<1x1x128xi32, #tpu.memory_space<vmem>> -> memref<128xi32, #tpu.memory_space<vmem>>
      %dma_wait3A_149 = arith.constant 0 : i32
      %dma_wait3A_150 = arith.constant 0 : i32
      %dma_wait3A_151 = tpu.memref_slice %arg5[%dma_wait3A_149, %dma_wait3A_150] : memref<10000x32xf32, #tpu.memory_space<vmem_shared>> -> memref<10000x32xf32, #tpu.memory_space<vmem_shared>>
      tpu.wait_indirect_dma semaphore(%arg22 : memref<!tpu.dma_semaphore, #tpu.memory_space<semaphore_mem>>) src(%arg10 : memref<128x32xf32, #tpu.memory_space<vmem>>) dst(%dma_wait3A_151 : memref<10000x32xf32, #tpu.memory_space<vmem_shared>>)
    } else {
    }
    %barrier3A_114 = arith.constant 0 : index
    tpu.barrier barrier_id(%barrier3A_114)
    %lt3A_115 = arith.constant 10 : i32
    %lt3A_116 = arith.cmpi slt, %arg1, %lt3A_115 : i32
    %convert_element_type3A_117 = arith.extui %lt3A_116 : i1 to i32
    %cond3A_118 = arith.constant 0 : i32
    %cond3A_119 = arith.cmpi ne, %convert_element_type3A_117, %cond3A_118 : i32
    scf.if %cond3A_119 {
      %mul3A_120 = arith.constant 1000 : i32
      %mul3A_121 = arith.muli %arg1, %mul3A_120 : i32
      "tpu.region"() ({
        %run_scoped3A = tpu.sem_alloc : memref<!tpu.dma_semaphore, #tpu.memory_space<semaphore_mem>>
        %dma_start3A_130 = arith.constant 0 : i32
        %dma_start3A_131 = tpu.memref_slice %arg5[%mul3A_121, %dma_start3A_130] : memref<10000x32xf32, #tpu.memory_space<vmem_shared>> -> memref<1000x32xf32, #tpu.memory_space<vmem_shared>>
        %dma_start3A_132 = arith.constant 0 : i32
        %dma_start3A_133 = tpu.memref_slice %arg5[%mul3A_121, %dma_start3A_132] : memref<10000x32xf32, #tpu.memory_space<vmem_shared>> -> memref<1000x32xf32, #tpu.memory_space<vmem_shared>>
        tpu.enqueue_dma source(%dma_start3A_133 : memref<1000x32xf32, #tpu.memory_space<vmem_shared>>) target(%arg6 : memref<1000x32xf32, #tpu.memory_space<vmem>>) target_semaphore(%run_scoped3A : memref<!tpu.dma_semaphore, #tpu.memory_space<semaphore_mem>>)
        %dma_wait3A_134 = arith.constant 0 : i32
        %dma_wait3A_135 = tpu.memref_slice %arg5[%mul3A_121, %dma_wait3A_134] : memref<10000x32xf32, #tpu.memory_space<vmem_shared>> -> memref<1000x32xf32, #tpu.memory_space<vmem_shared>>
        %dma_wait3A_136 = arith.constant 0 : i32
        %dma_wait3A_137 = tpu.memref_slice %arg5[%mul3A_121, %dma_wait3A_136] : memref<10000x32xf32, #tpu.memory_space<vmem_shared>> -> memref<1000x32xf32, #tpu.memory_space<vmem_shared>>
        tpu.wait_dma2 semaphore(%run_scoped3A : memref<!tpu.dma_semaphore, #tpu.memory_space<semaphore_mem>>) src(%dma_wait3A_137 : memref<1000x32xf32, #tpu.memory_space<vmem_shared>>) dst(%arg6 : memref<1000x32xf32, #tpu.memory_space<vmem>>)
        tpu.yield
      }) : () -> ()
      %scan3A_122 = arith.constant 0 : i32
      %scan3A_123 = arith.constant 0 : i32
      %scan3A_124 = arith.constant 1000 : i32
      %scan3A_125 = arith.addi %scan3A_123, %scan3A_124 : i32
      %scan3A_126 = arith.constant 1 : i32
      scf.for %scan3A_130 = %scan3A_123 to %scan3A_125 step %scan3A_126  : i32 {
        %jit3A = arith.constant 4 : i32
        %div3A = arith.divsi %scan3A_130, %jit3A : i32
        %sign3A = arith.constant 0 : i32
        %sign3A_131 = arith.cmpi sgt, %scan3A_130, %sign3A : i32
        %sign3A_132 = arith.extui %sign3A_131 : i1 to i32
        %sign3A_133 = arith.constant 0 : i32
        %sign3A_134 = arith.cmpi slt, %scan3A_130, %sign3A_133 : i32
        %sign3A_135 = arith.extui %sign3A_134 : i1 to i32
        %sign3A_136 = arith.subi %sign3A_132, %sign3A_135 : i32
        %sign3A_137 = arith.constant 0 : i32
        %sign3A_138 = arith.cmpi sgt, %jit3A, %sign3A_137 : i32
        %sign3A_139 = arith.extui %sign3A_138 : i1 to i32
        %sign3A_140 = arith.constant 0 : i32
        %sign3A_141 = arith.cmpi slt, %jit3A, %sign3A_140 : i32
        %sign3A_142 = arith.extui %sign3A_141 : i1 to i32
        %sign3A_143 = arith.subi %sign3A_139, %sign3A_142 : i32
        %ne3A = arith.cmpi ne, %sign3A_136, %sign3A_143 : i32
        %rem3A = arith.remsi %scan3A_130, %jit3A : i32
        %ne3A_144 = arith.constant 0 : i32
        %ne3A_145 = arith.cmpi ne, %rem3A, %ne3A_144 : i32
        %and3A = arith.andi %ne3A, %ne3A_145 : i1
        %sub3A = arith.constant 1 : i32
        %sub3A_146 = arith.subi %div3A, %sub3A : i32
        %select_n3A = arith.select %and3A, %sub3A_146, %div3A : i32
        %jit3A_147 = arith.constant 4 : i32
        %eq3A = arith.constant 0 : i32
        %eq3A_148 = arith.cmpi eq, %jit3A_147, %eq3A : i32
        %jit3A_149 = arith.constant 1 : i32
        %select_n3A_150 = arith.select %eq3A_148, %jit3A_149, %jit3A_147 : i32
        %rem3A_151 = arith.remsi %scan3A_130, %select_n3A_150 : i32
        %ne3A_152 = arith.constant 0 : i32
        %ne3A_153 = arith.cmpi ne, %rem3A_151, %ne3A_152 : i32
        %lt3A_154 = arith.constant 0 : i32
        %lt3A_155 = arith.cmpi slt, %rem3A_151, %lt3A_154 : i32
        %lt3A_156 = arith.constant 0 : i32
        %lt3A_157 = arith.cmpi slt, %select_n3A_150, %lt3A_156 : i32
        %ne3A_158 = arith.xori %lt3A_155, %lt3A_157 : i1
        %and3A_159 = arith.andi %ne3A_158, %ne3A_153 : i1
        %add3A_160 = arith.addi %rem3A_151, %select_n3A_150 : i32
        %select_n3A_161 = arith.select %and3A_159, %add3A_160, %rem3A_151 : i32
        %mul3A_162 = arith.constant 32 : i32
        %mul3A_163 = arith.muli %select_n3A_161, %mul3A_162 : i32
        %get3A = arith.index_cast %scan3A_130 : i32 to index
        %get3A_164 = arith.constant 0 : index
        %get3A_165 = tpu.vector_load %arg6[%get3A, %get3A_164] {strides = array<i32>} : memref<1000x32xf32, #tpu.memory_space<vmem>>, vector<1x16xf32>,
        %get3A_166 = vector.shape_cast %get3A_165 : vector<1x16xf32> to vector<16xf32>
        %swap3A = arith.index_cast %select_n3A : i32 to index
        %swap3A_167 = arith.index_cast %mul3A_163 : i32 to index
        %swap3A_168 = tpu.vector_load %arg7[%swap3A, %swap3A_167] {strides = array<i32>} : memref<250x128xf32, #tpu.memory_space<vmem>>, vector<1x16xf32>,
        %swap3A_169 = vector.shape_cast %swap3A_168 : vector<1x16xf32> to vector<16xf32>
        %swap3A_170 = vector.shape_cast %get3A_166 : vector<16xf32> to vector<1x16xf32>
        tpu.vector_store %arg7[%swap3A, %swap3A_167], %swap3A_170 {strides = array<i32>} : memref<250x128xf32, #tpu.memory_space<vmem>>, vector<1x16xf32>,
        %get3A_171 = arith.index_cast %scan3A_130 : i32 to index
        %get3A_172 = arith.constant 16 : index
        %get3A_173 = tpu.vector_load %arg6[%get3A_171, %get3A_172] {strides = array<i32>} : memref<1000x32xf32, #tpu.memory_space<vmem>>, vector<1x16xf32>,
        %get3A_174 = vector.shape_cast %get3A_173 : vector<1x16xf32> to vector<16xf32>
        %add3A_175 = arith.constant 16 : i32
        %add3A_176 = arith.addi %mul3A_163, %add3A_175 : i32
        %swap3A_177 = arith.index_cast %select_n3A : i32 to index
        %swap3A_178 = arith.index_cast %add3A_176 : i32 to index
        %swap3A_179 = tpu.vector_load %arg7[%swap3A_177, %swap3A_178] {strides = array<i32>} : memref<250x128xf32, #tpu.memory_space<vmem>>, vector<1x16xf32>,
        %swap3A_180 = vector.shape_cast %swap3A_179 : vector<1x16xf32> to vector<16xf32>
        %swap3A_181 = vector.shape_cast %get3A_174 : vector<16xf32> to vector<1x16xf32>
        tpu.vector_store %arg7[%swap3A_177, %swap3A_178], %swap3A_181 {strides = array<i32>} : memref<250x128xf32, #tpu.memory_space<vmem>>, vector<1x16xf32>,
      }
      %scan3A_127 = arith.constant 1000 : i32
      %mul3A_128 = arith.constant 250 : i32
      %mul3A_129 = arith.muli %arg1, %mul3A_128 : i32
      "tpu.region"() ({
        %run_scoped3A = tpu.sem_alloc : memref<!tpu.dma_semaphore, #tpu.memory_space<semaphore_mem>>
        %dma_start3A_130 = arith.constant 0 : i32
        %dma_start3A_131 = tpu.memref_slice %arg4[%arg0, %mul3A_129, %dma_start3A_130] : memref<2x2500x128xf32, #tpu.memory_space<hbm>> -> memref<1x250x128xf32, #tpu.memory_space<hbm>>
        %dma_start3A_132 = tpu.memref_squeeze %dma_start3A_131 : memref<1x250x128xf32, #tpu.memory_space<hbm>> -> memref<250x128xf32, #tpu.memory_space<hbm>>
        %dma_start3A_133 = arith.constant 0 : i32
        %dma_start3A_134 = tpu.memref_slice %arg4[%arg0, %mul3A_129, %dma_start3A_133] : memref<2x2500x128xf32, #tpu.memory_space<hbm>> -> memref<1x250x128xf32, #tpu.memory_space<hbm>>
        %dma_start3A_135 = tpu.memref_squeeze %dma_start3A_134 : memref<1x250x128xf32, #tpu.memory_space<hbm>> -> memref<250x128xf32, #tpu.memory_space<hbm>>
        tpu.enqueue_dma source(%arg7 : memref<250x128xf32, #tpu.memory_space<vmem>>) target(%dma_start3A_135 : memref<250x128xf32, #tpu.memory_space<hbm>>) target_semaphore(%run_scoped3A : memref<!tpu.dma_semaphore, #tpu.memory_space<semaphore_mem>>)
        %dma_wait3A_136 = arith.constant 0 : i32
        %dma_wait3A_137 = tpu.memref_slice %arg4[%arg0, %mul3A_129, %dma_wait3A_136] : memref<2x2500x128xf32, #tpu.memory_space<hbm>> -> memref<1x250x128xf32, #tpu.memory_space<hbm>>
        %dma_wait3A_138 = tpu.memref_squeeze %dma_wait3A_137 : memref<1x250x128xf32, #tpu.memory_space<hbm>> -> memref<250x128xf32, #tpu.memory_space<hbm>>
        %dma_wait3A_139 = arith.constant 0 : i32
        %dma_wait3A_140 = tpu.memref_slice %arg4[%arg0, %mul3A_129, %dma_wait3A_139] : memref<2x2500x128xf32, #tpu.memory_space<hbm>> -> memref<1x250x128xf32, #tpu.memory_space<hbm>>
        %dma_wait3A_141 = tpu.memref_squeeze %dma_wait3A_140 : memref<1x250x128xf32, #tpu.memory_space<hbm>> -> memref<250x128xf32, #tpu.memory_space<hbm>>
        tpu.wait_dma2 semaphore(%run_scoped3A : memref<!tpu.dma_semaphore, #tpu.memory_space<semaphore_mem>>) src(%arg7 : memref<250x128xf32, #tpu.memory_space<vmem>>) dst(%dma_wait3A_141 : memref<250x128xf32, #tpu.memory_space<hbm>>)
        tpu.yield
      }) : () -> ()
    } else {
    }
    return
  }
}

#map = affine_map<(d0, d1) -> (0, 0)>
#map1 = affine_map<(d0, d1) -> (0, 0, 0)>
module attributes {stable_mosaic.version = 14 : i64} {
  func.func @_agg_kernel(%arg0: i32, %arg1: i32, %arg2: memref<10000x32xf32, #tpu.memory_space<hbm>>, %arg3: memref<2500x2x128xi32, #tpu.memory_space<hbm>>, %arg4: memref<2x2500x128xf32, #tpu.memory_space<hbm>>, %arg5: memref<10000x32xf32, #tpu.memory_space<vmem_shared>>, %arg6: memref<1000x32xf32, #tpu.memory_space<vmem>>, %arg7: memref<250x128xf32, #tpu.memory_space<vmem>>, %arg8: memref<78x2x128xi32, #tpu.memory_space<vmem>>, %arg9: memref<1x2x128xi32, #tpu.memory_space<vmem>>, %arg10: memref<128x32xf32, #tpu.memory_space<vmem>>, %arg11: memref<128x32xf32, #tpu.memory_space<vmem>>, %arg12: memref<128x32xf32, #tpu.memory_space<vmem>>, %arg13: memref<128x32xf32, #tpu.memory_space<vmem>>, %arg14: memref<128x32xf32, #tpu.memory_space<vmem>>, %arg15: memref<128x32xf32, #tpu.memory_space<vmem>>, %arg16: memref<!tpu.dma_semaphore, #tpu.memory_space<semaphore_mem>>, %arg17: memref<!tpu.dma_semaphore, #tpu.memory_space<semaphore_mem>>, %arg18: memref<!tpu.dma_semaphore, #tpu.memory_space<semaphore_mem>>, %arg19: memref<!tpu.dma_semaphore, #tpu.memory_space<semaphore_mem>>, %arg20: memref<!tpu.dma_semaphore, #tpu.memory_space<semaphore_mem>>, %arg21: memref<!tpu.dma_semaphore, #tpu.memory_space<semaphore_mem>>, %arg22: memref<!tpu.dma_semaphore, #tpu.memory_space<semaphore_mem>>, %arg23: memref<!tpu.dma_semaphore, #tpu.memory_space<semaphore_mem>>, %arg24: memref<!tpu.dma_semaphore, #tpu.memory_space<semaphore_mem>>, %arg25: memref<!tpu.dma_semaphore, #tpu.memory_space<semaphore_mem>>, %arg26: memref<!tpu.dma_semaphore, #tpu.memory_space<semaphore_mem>>, %arg27: memref<!tpu.dma_semaphore, #tpu.memory_space<semaphore_mem>>) attributes {dimension_semantics = [#tpu.dimension_semantics<core_parallel>, #tpu.dimension_semantics<subcore_parallel>], iteration_bounds = array<i64: 2, 16>, scalar_prefetch = 0 : i64, scratch_operands = 23 : i64, tpu.core_type = #tpu.core_type<sc_vector_subcore>, window_params = [{transform_indices = #map}, {transform_indices = #map1}, {transform_indices = #map1}]} {
    %mul3A = arith.constant 2 : i32
    %mul3A_0 = arith.muli %arg1, %mul3A : i32
    %add3A = arith.addi %mul3A_0, %arg0 : i32
    %mul3A_1 = arith.constant 78 : i32
    %mul3A_2 = arith.muli %add3A, %mul3A_1 : i32
    "tpu.region"() ({
      %run_scoped3A = tpu.sem_alloc : memref<!tpu.dma_semaphore, #tpu.memory_space<semaphore_mem>>
      %dma_start3A_120 = arith.constant 0 : i32
      %dma_start3A_121 = arith.constant 0 : i32
      %dma_start3A_122 = tpu.memref_slice %arg3[%mul3A_2, %dma_start3A_120, %dma_start3A_121] : memref<2500x2x128xi32, #tpu.memory_space<hbm>> -> memref<78x2x128xi32, #tpu.memory_space<hbm>>
      %dma_start3A_123 = arith.constant 0 : i32
      %dma_start3A_124 = arith.constant 0 : i32
      %dma_start3A_125 = tpu.memref_slice %arg3[%mul3A_2, %dma_start3A_123, %dma_start3A_124] : memref<2500x2x128xi32, #tpu.memory_space<hbm>> -> memref<78x2x128xi32, #tpu.memory_space<hbm>>
      tpu.enqueue_dma source(%dma_start3A_125 : memref<78x2x128xi32, #tpu.memory_space<hbm>>) target(%arg8 : memref<78x2x128xi32, #tpu.memory_space<vmem>>) target_semaphore(%run_scoped3A : memref<!tpu.dma_semaphore, #tpu.memory_space<semaphore_mem>>)
      %dma_wait3A_126 = arith.constant 0 : i32
      %dma_wait3A_127 = arith.constant 0 : i32
      %dma_wait3A_128 = tpu.memref_slice %arg3[%mul3A_2, %dma_wait3A_126, %dma_wait3A_127] : memref<2500x2x128xi32, #tpu.memory_space<hbm>> -> memref<78x2x128xi32, #tpu.memory_space<hbm>>
      %dma_wait3A_129 = arith.constant 0 : i32
      %dma_wait3A_130 = arith.constant 0 : i32
      %dma_wait3A_131 = tpu.memref_slice %arg3[%mul3A_2, %dma_wait3A_129, %dma_wait3A_130] : memref<2500x2x128xi32, #tpu.memory_space<hbm>> -> memref<78x2x128xi32, #tpu.memory_space<hbm>>
      tpu.wait_dma2 semaphore(%run_scoped3A : memref<!tpu.dma_semaphore, #tpu.memory_space<semaphore_mem>>) src(%dma_wait3A_131 : memref<78x2x128xi32, #tpu.memory_space<hbm>>) dst(%arg8 : memref<78x2x128xi32, #tpu.memory_space<vmem>>)
      tpu.yield
    }) : () -> ()
    %lt3A = arith.constant 4 : i32
    %lt3A_3 = arith.cmpi slt, %add3A, %lt3A : i32
    %convert_element_type3A = arith.extui %lt3A_3 : i1 to i32
    %cond3A = arith.constant 0 : i32
    %cond3A_4 = arith.cmpi ne, %convert_element_type3A, %cond3A : i32
    scf.if %cond3A_4 {
      %add3A_120 = arith.constant 2496 : i32
      %add3A_121 = arith.addi %add3A_120, %add3A : i32
      "tpu.region"() ({
        %run_scoped3A = tpu.sem_alloc : memref<!tpu.dma_semaphore, #tpu.memory_space<semaphore_mem>>
        %dma_start3A_122 = arith.constant 0 : i32
        %dma_start3A_123 = arith.constant 0 : i32
        %dma_start3A_124 = tpu.memref_slice %arg3[%add3A_121, %dma_start3A_122, %dma_start3A_123] : memref<2500x2x128xi32, #tpu.memory_space<hbm>> -> memref<1x2x128xi32, #tpu.memory_space<hbm>>
        %dma_start3A_125 = arith.constant 0 : i32
        %dma_start3A_126 = arith.constant 0 : i32
        %dma_start3A_127 = tpu.memref_slice %arg3[%add3A_121, %dma_start3A_125, %dma_start3A_126] : memref<2500x2x128xi32, #tpu.memory_space<hbm>> -> memref<1x2x128xi32, #tpu.memory_space<hbm>>
        tpu.enqueue_dma source(%dma_start3A_127 : memref<1x2x128xi32, #tpu.memory_space<hbm>>) target(%arg9 : memref<1x2x128xi32, #tpu.memory_space<vmem>>) target_semaphore(%run_scoped3A : memref<!tpu.dma_semaphore, #tpu.memory_space<semaphore_mem>>)
        %dma_wait3A_128 = arith.constant 0 : i32
        %dma_wait3A_129 = arith.constant 0 : i32
        %dma_wait3A_130 = tpu.memref_slice %arg3[%add3A_121, %dma_wait3A_128, %dma_wait3A_129] : memref<2500x2x128xi32, #tpu.memory_space<hbm>> -> memref<1x2x128xi32, #tpu.memory_space<hbm>>
        %dma_wait3A_131 = arith.constant 0 : i32
        %dma_wait3A_132 = arith.constant 0 : i32
        %dma_wait3A_133 = tpu.memref_slice %arg3[%add3A_121, %dma_wait3A_131, %dma_wait3A_132] : memref<2500x2x128xi32, #tpu.memory_space<hbm>> -> memref<1x2x128xi32, #tpu.memory_space<hbm>>
        tpu.wait_dma2 semaphore(%run_scoped3A : memref<!tpu.dma_semaphore, #tpu.memory_space<semaphore_mem>>) src(%dma_wait3A_133 : memref<1x2x128xi32, #tpu.memory_space<hbm>>) dst(%arg9 : memref<1x2x128xi32, #tpu.memory_space<vmem>>)
        tpu.yield
      }) : () -> ()
    } else {
    }
    %dma_start3A = arith.constant 0 : i32
    %dma_start3A_5 = arith.constant 0 : i32
    %dma_start3A_6 = arith.constant 0 : i32
    %dma_start3A_7 = tpu.memref_slice %arg8[%dma_start3A, %dma_start3A_5, %dma_start3A_6] : memref<78x2x128xi32, #tpu.memory_space<vmem>> -> memref<1x1x128xi32, #tpu.memory_space<vmem>>
    %dma_start3A_8 = tpu.memref_squeeze %dma_start3A_7 : memref<1x1x128xi32, #tpu.memory_space<vmem>> -> memref<128xi32, #tpu.memory_space<vmem>>
    %dma_start3A_9 = arith.constant 0 : i32
    %dma_start3A_10 = arith.constant 0 : i32
    %dma_start3A_11 = tpu.memref_slice %arg2[%dma_start3A_9, %dma_start3A_10] : memref<10000x32xf32, #tpu.memory_space<hbm>> -> memref<10000x32xf32, #tpu.memory_space<hbm>>
    tpu.enqueue_indirect_dma source(%dma_start3A_11 : memref<10000x32xf32, #tpu.memory_space<hbm>>) target(%arg10 : memref<128x32xf32, #tpu.memory_space<vmem>>) offsets(%dma_start3A_8 : memref<128xi32, #tpu.memory_space<vmem>>) semaphore(%arg16 : memref<!tpu.dma_semaphore, #tpu.memory_space<semaphore_mem>>)
    %dma_start3A_12 = arith.constant 1 : i32
    %dma_start3A_13 = arith.constant 0 : i32
    %dma_start3A_14 = arith.constant 0 : i32
    %dma_start3A_15 = tpu.memref_slice %arg8[%dma_start3A_12, %dma_start3A_13, %dma_start3A_14] : memref<78x2x128xi32, #tpu.memory_space<vmem>> -> memref<1x1x128xi32, #tpu.memory_space<vmem>>
    %dma_start3A_16 = tpu.memref_squeeze %dma_start3A_15 : memref<1x1x128xi32, #tpu.memory_space<vmem>> -> memref<128xi32, #tpu.memory_space<vmem>>
    %dma_start3A_17 = arith.constant 0 : i32
    %dma_start3A_18 = arith.constant 0 : i32
    %dma_start3A_19 = tpu.memref_slice %arg2[%dma_start3A_17, %dma_start3A_18] : memref<10000x32xf32, #tpu.memory_space<hbm>> -> memref<10000x32xf32, #tpu.memory_space<hbm>>
    tpu.enqueue_indirect_dma source(%dma_start3A_19 : memref<10000x32xf32, #tpu.memory_space<hbm>>) target(%arg11 : memref<128x32xf32, #tpu.memory_space<vmem>>) offsets(%dma_start3A_16 : memref<128xi32, #tpu.memory_space<vmem>>) semaphore(%arg17 : memref<!tpu.dma_semaphore, #tpu.memory_space<semaphore_mem>>)
    %dma_start3A_20 = arith.constant 2 : i32
    %dma_start3A_21 = arith.constant 0 : i32
    %dma_start3A_22 = arith.constant 0 : i32
    %dma_start3A_23 = tpu.memref_slice %arg8[%dma_start3A_20, %dma_start3A_21, %dma_start3A_22] : memref<78x2x128xi32, #tpu.memory_space<vmem>> -> memref<1x1x128xi32, #tpu.memory_space<vmem>>
    %dma_start3A_24 = tpu.memref_squeeze %dma_start3A_23 : memref<1x1x128xi32, #tpu.memory_space<vmem>> -> memref<128xi32, #tpu.memory_space<vmem>>
    %dma_start3A_25 = arith.constant 0 : i32
    %dma_start3A_26 = arith.constant 0 : i32
    %dma_start3A_27 = tpu.memref_slice %arg2[%dma_start3A_25, %dma_start3A_26] : memref<10000x32xf32, #tpu.memory_space<hbm>> -> memref<10000x32xf32, #tpu.memory_space<hbm>>
    tpu.enqueue_indirect_dma source(%dma_start3A_27 : memref<10000x32xf32, #tpu.memory_space<hbm>>) target(%arg12 : memref<128x32xf32, #tpu.memory_space<vmem>>) offsets(%dma_start3A_24 : memref<128xi32, #tpu.memory_space<vmem>>) semaphore(%arg18 : memref<!tpu.dma_semaphore, #tpu.memory_space<semaphore_mem>>)
    %dma_start3A_28 = arith.constant 3 : i32
    %dma_start3A_29 = arith.constant 0 : i32
    %dma_start3A_30 = arith.constant 0 : i32
    %dma_start3A_31 = tpu.memref_slice %arg8[%dma_start3A_28, %dma_start3A_29, %dma_start3A_30] : memref<78x2x128xi32, #tpu.memory_space<vmem>> -> memref<1x1x128xi32, #tpu.memory_space<vmem>>
    %dma_start3A_32 = tpu.memref_squeeze %dma_start3A_31 : memref<1x1x128xi32, #tpu.memory_space<vmem>> -> memref<128xi32, #tpu.memory_space<vmem>>
    %dma_start3A_33 = arith.constant 0 : i32
    %dma_start3A_34 = arith.constant 0 : i32
    %dma_start3A_35 = tpu.memref_slice %arg2[%dma_start3A_33, %dma_start3A_34] : memref<10000x32xf32, #tpu.memory_space<hbm>> -> memref<10000x32xf32, #tpu.memory_space<hbm>>
    tpu.enqueue_indirect_dma source(%dma_start3A_35 : memref<10000x32xf32, #tpu.memory_space<hbm>>) target(%arg13 : memref<128x32xf32, #tpu.memory_space<vmem>>) offsets(%dma_start3A_32 : memref<128xi32, #tpu.memory_space<vmem>>) semaphore(%arg19 : memref<!tpu.dma_semaphore, #tpu.memory_space<semaphore_mem>>)
    %dma_start3A_36 = arith.constant 4 : i32
    %dma_start3A_37 = arith.constant 0 : i32
    %dma_start3A_38 = arith.constant 0 : i32
    %dma_start3A_39 = tpu.memref_slice %arg8[%dma_start3A_36, %dma_start3A_37, %dma_start3A_38] : memref<78x2x128xi32, #tpu.memory_space<vmem>> -> memref<1x1x128xi32, #tpu.memory_space<vmem>>
    %dma_start3A_40 = tpu.memref_squeeze %dma_start3A_39 : memref<1x1x128xi32, #tpu.memory_space<vmem>> -> memref<128xi32, #tpu.memory_space<vmem>>
    %dma_start3A_41 = arith.constant 0 : i32
    %dma_start3A_42 = arith.constant 0 : i32
    %dma_start3A_43 = tpu.memref_slice %arg2[%dma_start3A_41, %dma_start3A_42] : memref<10000x32xf32, #tpu.memory_space<hbm>> -> memref<10000x32xf32, #tpu.memory_space<hbm>>
    tpu.enqueue_indirect_dma source(%dma_start3A_43 : memref<10000x32xf32, #tpu.memory_space<hbm>>) target(%arg14 : memref<128x32xf32, #tpu.memory_space<vmem>>) offsets(%dma_start3A_40 : memref<128xi32, #tpu.memory_space<vmem>>) semaphore(%arg20 : memref<!tpu.dma_semaphore, #tpu.memory_space<semaphore_mem>>)
    %dma_start3A_44 = arith.constant 5 : i32
    %dma_start3A_45 = arith.constant 0 : i32
    %dma_start3A_46 = arith.constant 0 : i32
    %dma_start3A_47 = tpu.memref_slice %arg8[%dma_start3A_44, %dma_start3A_45, %dma_start3A_46] : memref<78x2x128xi32, #tpu.memory_space<vmem>> -> memref<1x1x128xi32, #tpu.memory_space<vmem>>
    %dma_start3A_48 = tpu.memref_squeeze %dma_start3A_47 : memref<1x1x128xi32, #tpu.memory_space<vmem>> -> memref<128xi32, #tpu.memory_space<vmem>>
    %dma_start3A_49 = arith.constant 0 : i32
    %dma_start3A_50 = arith.constant 0 : i32
    %dma_start3A_51 = tpu.memref_slice %arg2[%dma_start3A_49, %dma_start3A_50] : memref<10000x32xf32, #tpu.memory_space<hbm>> -> memref<10000x32xf32, #tpu.memory_space<hbm>>
    tpu.enqueue_indirect_dma source(%dma_start3A_51 : memref<10000x32xf32, #tpu.memory_space<hbm>>) target(%arg15 : memref<128x32xf32, #tpu.memory_space<vmem>>) offsets(%dma_start3A_48 : memref<128xi32, #tpu.memory_space<vmem>>) semaphore(%arg21 : memref<!tpu.dma_semaphore, #tpu.memory_space<semaphore_mem>>)
    %lt3A_52 = arith.constant 10 : i32
    %lt3A_53 = arith.cmpi slt, %arg1, %lt3A_52 : i32
    %convert_element_type3A_54 = arith.extui %lt3A_53 : i1 to i32
    %cond3A_55 = arith.constant 0 : i32
    %cond3A_56 = arith.cmpi ne, %convert_element_type3A_54, %cond3A_55 : i32
    scf.if %cond3A_56 {
      %mul3A_120 = arith.constant 1000 : i32
      %mul3A_121 = arith.muli %arg1, %mul3A_120 : i32
      %mul3A_122 = arith.constant 1000 : i32
      %mul3A_123 = arith.muli %arg1, %mul3A_122 : i32
      "tpu.region"() ({
        %run_scoped3A = tpu.sem_alloc : memref<!tpu.dma_semaphore, #tpu.memory_space<semaphore_mem>>
        %dma_start3A_124 = arith.constant 0 : i32
        %dma_start3A_125 = tpu.memref_slice %arg5[%mul3A_123, %dma_start3A_124] : memref<10000x32xf32, #tpu.memory_space<vmem_shared>> -> memref<1000x32xf32, #tpu.memory_space<vmem_shared>>
        %dma_start3A_126 = arith.constant 0 : i32
        %dma_start3A_127 = tpu.memref_slice %arg2[%mul3A_121, %dma_start3A_126] : memref<10000x32xf32, #tpu.memory_space<hbm>> -> memref<1000x32xf32, #tpu.memory_space<hbm>>
        tpu.enqueue_dma source(%dma_start3A_127 : memref<1000x32xf32, #tpu.memory_space<hbm>>) target(%dma_start3A_125 : memref<1000x32xf32, #tpu.memory_space<vmem_shared>>) target_semaphore(%run_scoped3A : memref<!tpu.dma_semaphore, #tpu.memory_space<semaphore_mem>>)
        %dma_wait3A_128 = arith.constant 0 : i32
        %dma_wait3A_129 = tpu.memref_slice %arg5[%mul3A_123, %dma_wait3A_128] : memref<10000x32xf32, #tpu.memory_space<vmem_shared>> -> memref<1000x32xf32, #tpu.memory_space<vmem_shared>>
        %dma_wait3A_130 = arith.constant 0 : i32
        %dma_wait3A_131 = tpu.memref_slice %arg2[%mul3A_121, %dma_wait3A_130] : memref<10000x32xf32, #tpu.memory_space<hbm>> -> memref<1000x32xf32, #tpu.memory_space<hbm>>
        tpu.wait_dma2 semaphore(%run_scoped3A : memref<!tpu.dma_semaphore, #tpu.memory_space<semaphore_mem>>) src(%dma_wait3A_131 : memref<1000x32xf32, #tpu.memory_space<hbm>>) dst(%dma_wait3A_129 : memref<1000x32xf32, #tpu.memory_space<vmem_shared>>)
        tpu.yield
      }) : () -> ()
    } else {
    }
    %barrier3A = arith.constant 0 : index
    tpu.barrier barrier_id(%barrier3A)
    %scan3A = arith.constant 0 : i32
    %scan3A_57 = arith.constant 0 : i32
    %scan3A_58 = arith.constant 13 : i32
    %scan3A_59 = arith.addi %scan3A_57, %scan3A_58 : i32
    %scan3A_60 = arith.constant 1 : i32
    scf.for %scan3A_120 = %scan3A_57 to %scan3A_59 step %scan3A_60  : i32 {
      %mul3A_121 = arith.constant 6 : i32
      %mul3A_122 = arith.muli %mul3A_121, %scan3A_120 : i32
      %add3A_123 = arith.constant 0 : i32
      %add3A_124 = arith.addi %mul3A_122, %add3A_123 : i32
      %dma_wait3A_125 = arith.constant 0 : i32
      %dma_wait3A_126 = arith.constant 0 : i32
      %dma_wait3A_127 = tpu.memref_slice %arg8[%add3A_124, %dma_wait3A_125, %dma_wait3A_126] : memref<78x2x128xi32, #tpu.memory_space<vmem>> -> memref<1x1x128xi32, #tpu.memory_space<vmem>>
      %dma_wait3A_128 = tpu.memref_squeeze %dma_wait3A_127 : memref<1x1x128xi32, #tpu.memory_space<vmem>> -> memref<128xi32, #tpu.memory_space<vmem>>
      %dma_wait3A_129 = arith.constant 0 : i32
      %dma_wait3A_130 = arith.constant 0 : i32
      %dma_wait3A_131 = tpu.memref_slice %arg2[%dma_wait3A_129, %dma_wait3A_130] : memref<10000x32xf32, #tpu.memory_space<hbm>> -> memref<10000x32xf32, #tpu.memory_space<hbm>>
      tpu.wait_indirect_dma semaphore(%arg16 : memref<!tpu.dma_semaphore, #tpu.memory_space<semaphore_mem>>) src(%dma_wait3A_131 : memref<10000x32xf32, #tpu.memory_space<hbm>>) dst(%arg10 : memref<128x32xf32, #tpu.memory_space<vmem>>)
      %add3A_132 = arith.constant 0 : i32
      %add3A_133 = arith.addi %mul3A_122, %add3A_132 : i32
      %dma_start3A_134 = arith.constant 1 : i32
      %dma_start3A_135 = arith.constant 0 : i32
      %dma_start3A_136 = tpu.memref_slice %arg8[%add3A_133, %dma_start3A_134, %dma_start3A_135] : memref<78x2x128xi32, #tpu.memory_space<vmem>> -> memref<1x1x128xi32, #tpu.memory_space<vmem>>
      %dma_start3A_137 = tpu.memref_squeeze %dma_start3A_136 : memref<1x1x128xi32, #tpu.memory_space<vmem>> -> memref<128xi32, #tpu.memory_space<vmem>>
      %dma_start3A_138 = arith.constant 0 : i32
      %dma_start3A_139 = arith.constant 0 : i32
      %dma_start3A_140 = tpu.memref_slice %arg5[%dma_start3A_138, %dma_start3A_139] : memref<10000x32xf32, #tpu.memory_space<vmem_shared>> -> memref<10000x32xf32, #tpu.memory_space<vmem_shared>>
      tpu.enqueue_indirect_dma source(%arg10 : memref<128x32xf32, #tpu.memory_space<vmem>>) target(%dma_start3A_140 : memref<10000x32xf32, #tpu.memory_space<vmem_shared>>) offsets(%dma_start3A_137 : memref<128xi32, #tpu.memory_space<vmem>>) semaphore(%arg22 : memref<!tpu.dma_semaphore, #tpu.memory_space<semaphore_mem>>) {add = true}
      %add3A_141 = arith.constant 1 : i32
      %add3A_142 = arith.addi %mul3A_122, %add3A_141 : i32
      %dma_wait3A_143 = arith.constant 0 : i32
      %dma_wait3A_144 = arith.constant 0 : i32
      %dma_wait3A_145 = tpu.memref_slice %arg8[%add3A_142, %dma_wait3A_143, %dma_wait3A_144] : memref<78x2x128xi32, #tpu.memory_space<vmem>> -> memref<1x1x128xi32, #tpu.memory_space<vmem>>
      %dma_wait3A_146 = tpu.memref_squeeze %dma_wait3A_145 : memref<1x1x128xi32, #tpu.memory_space<vmem>> -> memref<128xi32, #tpu.memory_space<vmem>>
      %dma_wait3A_147 = arith.constant 0 : i32
      %dma_wait3A_148 = arith.constant 0 : i32
      %dma_wait3A_149 = tpu.memref_slice %arg2[%dma_wait3A_147, %dma_wait3A_148] : memref<10000x32xf32, #tpu.memory_space<hbm>> -> memref<10000x32xf32, #tpu.memory_space<hbm>>
      tpu.wait_indirect_dma semaphore(%arg17 : memref<!tpu.dma_semaphore, #tpu.memory_space<semaphore_mem>>) src(%dma_wait3A_149 : memref<10000x32xf32, #tpu.memory_space<hbm>>) dst(%arg11 : memref<128x32xf32, #tpu.memory_space<vmem>>)
      %add3A_150 = arith.constant 1 : i32
      %add3A_151 = arith.addi %mul3A_122, %add3A_150 : i32
      %dma_start3A_152 = arith.constant 1 : i32
      %dma_start3A_153 = arith.constant 0 : i32
      %dma_start3A_154 = tpu.memref_slice %arg8[%add3A_151, %dma_start3A_152, %dma_start3A_153] : memref<78x2x128xi32, #tpu.memory_space<vmem>> -> memref<1x1x128xi32, #tpu.memory_space<vmem>>
      %dma_start3A_155 = tpu.memref_squeeze %dma_start3A_154 : memref<1x1x128xi32, #tpu.memory_space<vmem>> -> memref<128xi32, #tpu.memory_space<vmem>>
      %dma_start3A_156 = arith.constant 0 : i32
      %dma_start3A_157 = arith.constant 0 : i32
      %dma_start3A_158 = tpu.memref_slice %arg5[%dma_start3A_156, %dma_start3A_157] : memref<10000x32xf32, #tpu.memory_space<vmem_shared>> -> memref<10000x32xf32, #tpu.memory_space<vmem_shared>>
      tpu.enqueue_indirect_dma source(%arg11 : memref<128x32xf32, #tpu.memory_space<vmem>>) target(%dma_start3A_158 : memref<10000x32xf32, #tpu.memory_space<vmem_shared>>) offsets(%dma_start3A_155 : memref<128xi32, #tpu.memory_space<vmem>>) semaphore(%arg23 : memref<!tpu.dma_semaphore, #tpu.memory_space<semaphore_mem>>) {add = true}
      %add3A_159 = arith.constant 2 : i32
      %add3A_160 = arith.addi %mul3A_122, %add3A_159 : i32
      %dma_wait3A_161 = arith.constant 0 : i32
      %dma_wait3A_162 = arith.constant 0 : i32
      %dma_wait3A_163 = tpu.memref_slice %arg8[%add3A_160, %dma_wait3A_161, %dma_wait3A_162] : memref<78x2x128xi32, #tpu.memory_space<vmem>> -> memref<1x1x128xi32, #tpu.memory_space<vmem>>
      %dma_wait3A_164 = tpu.memref_squeeze %dma_wait3A_163 : memref<1x1x128xi32, #tpu.memory_space<vmem>> -> memref<128xi32, #tpu.memory_space<vmem>>
      %dma_wait3A_165 = arith.constant 0 : i32
      %dma_wait3A_166 = arith.constant 0 : i32
      %dma_wait3A_167 = tpu.memref_slice %arg2[%dma_wait3A_165, %dma_wait3A_166] : memref<10000x32xf32, #tpu.memory_space<hbm>> -> memref<10000x32xf32, #tpu.memory_space<hbm>>
      tpu.wait_indirect_dma semaphore(%arg18 : memref<!tpu.dma_semaphore, #tpu.memory_space<semaphore_mem>>) src(%dma_wait3A_167 : memref<10000x32xf32, #tpu.memory_space<hbm>>) dst(%arg12 : memref<128x32xf32, #tpu.memory_space<vmem>>)
      %add3A_168 = arith.constant 2 : i32
      %add3A_169 = arith.addi %mul3A_122, %add3A_168 : i32
      %dma_start3A_170 = arith.constant 1 : i32
      %dma_start3A_171 = arith.constant 0 : i32
      %dma_start3A_172 = tpu.memref_slice %arg8[%add3A_169, %dma_start3A_170, %dma_start3A_171] : memref<78x2x128xi32, #tpu.memory_space<vmem>> -> memref<1x1x128xi32, #tpu.memory_space<vmem>>
      %dma_start3A_173 = tpu.memref_squeeze %dma_start3A_172 : memref<1x1x128xi32, #tpu.memory_space<vmem>> -> memref<128xi32, #tpu.memory_space<vmem>>
      %dma_start3A_174 = arith.constant 0 : i32
      %dma_start3A_175 = arith.constant 0 : i32
      %dma_start3A_176 = tpu.memref_slice %arg5[%dma_start3A_174, %dma_start3A_175] : memref<10000x32xf32, #tpu.memory_space<vmem_shared>> -> memref<10000x32xf32, #tpu.memory_space<vmem_shared>>
      tpu.enqueue_indirect_dma source(%arg12 : memref<128x32xf32, #tpu.memory_space<vmem>>) target(%dma_start3A_176 : memref<10000x32xf32, #tpu.memory_space<vmem_shared>>) offsets(%dma_start3A_173 : memref<128xi32, #tpu.memory_space<vmem>>) semaphore(%arg24 : memref<!tpu.dma_semaphore, #tpu.memory_space<semaphore_mem>>) {add = true}
      %add3A_177 = arith.constant 3 : i32
      %add3A_178 = arith.addi %mul3A_122, %add3A_177 : i32
      %dma_wait3A_179 = arith.constant 0 : i32
      %dma_wait3A_180 = arith.constant 0 : i32
      %dma_wait3A_181 = tpu.memref_slice %arg8[%add3A_178, %dma_wait3A_179, %dma_wait3A_180] : memref<78x2x128xi32, #tpu.memory_space<vmem>> -> memref<1x1x128xi32, #tpu.memory_space<vmem>>
      %dma_wait3A_182 = tpu.memref_squeeze %dma_wait3A_181 : memref<1x1x128xi32, #tpu.memory_space<vmem>> -> memref<128xi32, #tpu.memory_space<vmem>>
      %dma_wait3A_183 = arith.constant 0 : i32
      %dma_wait3A_184 = arith.constant 0 : i32
      %dma_wait3A_185 = tpu.memref_slice %arg2[%dma_wait3A_183, %dma_wait3A_184] : memref<10000x32xf32, #tpu.memory_space<hbm>> -> memref<10000x32xf32, #tpu.memory_space<hbm>>
      tpu.wait_indirect_dma semaphore(%arg19 : memref<!tpu.dma_semaphore, #tpu.memory_space<semaphore_mem>>) src(%dma_wait3A_185 : memref<10000x32xf32, #tpu.memory_space<hbm>>) dst(%arg13 : memref<128x32xf32, #tpu.memory_space<vmem>>)
      %add3A_186 = arith.constant 3 : i32
      %add3A_187 = arith.addi %mul3A_122, %add3A_186 : i32
      %dma_start3A_188 = arith.constant 1 : i32
      %dma_start3A_189 = arith.constant 0 : i32
      %dma_start3A_190 = tpu.memref_slice %arg8[%add3A_187, %dma_start3A_188, %dma_start3A_189] : memref<78x2x128xi32, #tpu.memory_space<vmem>> -> memref<1x1x128xi32, #tpu.memory_space<vmem>>
      %dma_start3A_191 = tpu.memref_squeeze %dma_start3A_190 : memref<1x1x128xi32, #tpu.memory_space<vmem>> -> memref<128xi32, #tpu.memory_space<vmem>>
      %dma_start3A_192 = arith.constant 0 : i32
      %dma_start3A_193 = arith.constant 0 : i32
      %dma_start3A_194 = tpu.memref_slice %arg5[%dma_start3A_192, %dma_start3A_193] : memref<10000x32xf32, #tpu.memory_space<vmem_shared>> -> memref<10000x32xf32, #tpu.memory_space<vmem_shared>>
      tpu.enqueue_indirect_dma source(%arg13 : memref<128x32xf32, #tpu.memory_space<vmem>>) target(%dma_start3A_194 : memref<10000x32xf32, #tpu.memory_space<vmem_shared>>) offsets(%dma_start3A_191 : memref<128xi32, #tpu.memory_space<vmem>>) semaphore(%arg25 : memref<!tpu.dma_semaphore, #tpu.memory_space<semaphore_mem>>) {add = true}
      %add3A_195 = arith.constant 4 : i32
      %add3A_196 = arith.addi %mul3A_122, %add3A_195 : i32
      %dma_wait3A_197 = arith.constant 0 : i32
      %dma_wait3A_198 = arith.constant 0 : i32
      %dma_wait3A_199 = tpu.memref_slice %arg8[%add3A_196, %dma_wait3A_197, %dma_wait3A_198] : memref<78x2x128xi32, #tpu.memory_space<vmem>> -> memref<1x1x128xi32, #tpu.memory_space<vmem>>
      %dma_wait3A_200 = tpu.memref_squeeze %dma_wait3A_199 : memref<1x1x128xi32, #tpu.memory_space<vmem>> -> memref<128xi32, #tpu.memory_space<vmem>>
      %dma_wait3A_201 = arith.constant 0 : i32
      %dma_wait3A_202 = arith.constant 0 : i32
      %dma_wait3A_203 = tpu.memref_slice %arg2[%dma_wait3A_201, %dma_wait3A_202] : memref<10000x32xf32, #tpu.memory_space<hbm>> -> memref<10000x32xf32, #tpu.memory_space<hbm>>
      tpu.wait_indirect_dma semaphore(%arg20 : memref<!tpu.dma_semaphore, #tpu.memory_space<semaphore_mem>>) src(%dma_wait3A_203 : memref<10000x32xf32, #tpu.memory_space<hbm>>) dst(%arg14 : memref<128x32xf32, #tpu.memory_space<vmem>>)
      %add3A_204 = arith.constant 4 : i32
      %add3A_205 = arith.addi %mul3A_122, %add3A_204 : i32
      %dma_start3A_206 = arith.constant 1 : i32
      %dma_start3A_207 = arith.constant 0 : i32
      %dma_start3A_208 = tpu.memref_slice %arg8[%add3A_205, %dma_start3A_206, %dma_start3A_207] : memref<78x2x128xi32, #tpu.memory_space<vmem>> -> memref<1x1x128xi32, #tpu.memory_space<vmem>>
      %dma_start3A_209 = tpu.memref_squeeze %dma_start3A_208 : memref<1x1x128xi32, #tpu.memory_space<vmem>> -> memref<128xi32, #tpu.memory_space<vmem>>
      %dma_start3A_210 = arith.constant 0 : i32
      %dma_start3A_211 = arith.constant 0 : i32
      %dma_start3A_212 = tpu.memref_slice %arg5[%dma_start3A_210, %dma_start3A_211] : memref<10000x32xf32, #tpu.memory_space<vmem_shared>> -> memref<10000x32xf32, #tpu.memory_space<vmem_shared>>
      tpu.enqueue_indirect_dma source(%arg14 : memref<128x32xf32, #tpu.memory_space<vmem>>) target(%dma_start3A_212 : memref<10000x32xf32, #tpu.memory_space<vmem_shared>>) offsets(%dma_start3A_209 : memref<128xi32, #tpu.memory_space<vmem>>) semaphore(%arg26 : memref<!tpu.dma_semaphore, #tpu.memory_space<semaphore_mem>>) {add = true}
      %add3A_213 = arith.constant 5 : i32
      %add3A_214 = arith.addi %mul3A_122, %add3A_213 : i32
      %dma_wait3A_215 = arith.constant 0 : i32
      %dma_wait3A_216 = arith.constant 0 : i32
      %dma_wait3A_217 = tpu.memref_slice %arg8[%add3A_214, %dma_wait3A_215, %dma_wait3A_216] : memref<78x2x128xi32, #tpu.memory_space<vmem>> -> memref<1x1x128xi32, #tpu.memory_space<vmem>>
      %dma_wait3A_218 = tpu.memref_squeeze %dma_wait3A_217 : memref<1x1x128xi32, #tpu.memory_space<vmem>> -> memref<128xi32, #tpu.memory_space<vmem>>
      %dma_wait3A_219 = arith.constant 0 : i32
      %dma_wait3A_220 = arith.constant 0 : i32
      %dma_wait3A_221 = tpu.memref_slice %arg2[%dma_wait3A_219, %dma_wait3A_220] : memref<10000x32xf32, #tpu.memory_space<hbm>> -> memref<10000x32xf32, #tpu.memory_space<hbm>>
      tpu.wait_indirect_dma semaphore(%arg21 : memref<!tpu.dma_semaphore, #tpu.memory_space<semaphore_mem>>) src(%dma_wait3A_221 : memref<10000x32xf32, #tpu.memory_space<hbm>>) dst(%arg15 : memref<128x32xf32, #tpu.memory_space<vmem>>)
      %add3A_222 = arith.constant 5 : i32
      %add3A_223 = arith.addi %mul3A_122, %add3A_222 : i32
      %dma_start3A_224 = arith.constant 1 : i32
      %dma_start3A_225 = arith.constant 0 : i32
      %dma_start3A_226 = tpu.memref_slice %arg8[%add3A_223, %dma_start3A_224, %dma_start3A_225] : memref<78x2x128xi32, #tpu.memory_space<vmem>> -> memref<1x1x128xi32, #tpu.memory_space<vmem>>
      %dma_start3A_227 = tpu.memref_squeeze %dma_start3A_226 : memref<1x1x128xi32, #tpu.memory_space<vmem>> -> memref<128xi32, #tpu.memory_space<vmem>>
      %dma_start3A_228 = arith.constant 0 : i32
      %dma_start3A_229 = arith.constant 0 : i32
      %dma_start3A_230 = tpu.memref_slice %arg5[%dma_start3A_228, %dma_start3A_229] : memref<10000x32xf32, #tpu.memory_space<vmem_shared>> -> memref<10000x32xf32, #tpu.memory_space<vmem_shared>>
      tpu.enqueue_indirect_dma source(%arg15 : memref<128x32xf32, #tpu.memory_space<vmem>>) target(%dma_start3A_230 : memref<10000x32xf32, #tpu.memory_space<vmem_shared>>) offsets(%dma_start3A_227 : memref<128xi32, #tpu.memory_space<vmem>>) semaphore(%arg27 : memref<!tpu.dma_semaphore, #tpu.memory_space<semaphore_mem>>) {add = true}
      %add3A_231 = arith.constant 0 : i32
      %add3A_232 = arith.addi %mul3A_122, %add3A_231 : i32
      %add3A_233 = arith.constant 6 : i32
      %add3A_234 = arith.addi %add3A_232, %add3A_233 : i32
      %lt3A_235 = arith.constant 78 : i32
      %lt3A_236 = arith.cmpi slt, %add3A_234, %lt3A_235 : i32
      %convert_element_type3A_237 = arith.extui %lt3A_236 : i1 to i32
      %cond3A_238 = arith.constant 0 : i32
      %cond3A_239 = arith.cmpi ne, %convert_element_type3A_237, %cond3A_238 : i32
      scf.if %cond3A_239 {
        %add3A_285 = arith.constant 0 : i32
        %add3A_286 = arith.addi %mul3A_122, %add3A_285 : i32
        %dma_wait3A_287 = arith.constant 1 : i32
        %dma_wait3A_288 = arith.constant 0 : i32
        %dma_wait3A_289 = tpu.memref_slice %arg8[%add3A_286, %dma_wait3A_287, %dma_wait3A_288] : memref<78x2x128xi32, #tpu.memory_space<vmem>> -> memref<1x1x128xi32, #tpu.memory_space<vmem>>
        %dma_wait3A_290 = tpu.memref_squeeze %dma_wait3A_289 : memref<1x1x128xi32, #tpu.memory_space<vmem>> -> memref<128xi32, #tpu.memory_space<vmem>>
        %dma_wait3A_291 = arith.constant 0 : i32
        %dma_wait3A_292 = arith.constant 0 : i32
        %dma_wait3A_293 = tpu.memref_slice %arg5[%dma_wait3A_291, %dma_wait3A_292] : memref<10000x32xf32, #tpu.memory_space<vmem_shared>> -> memref<10000x32xf32, #tpu.memory_space<vmem_shared>>
        tpu.wait_indirect_dma semaphore(%arg22 : memref<!tpu.dma_semaphore, #tpu.memory_space<semaphore_mem>>) src(%arg10 : memref<128x32xf32, #tpu.memory_space<vmem>>) dst(%dma_wait3A_293 : memref<10000x32xf32, #tpu.memory_space<vmem_shared>>)
        %add3A_294 = arith.constant 0 : i32
        %add3A_295 = arith.addi %mul3A_122, %add3A_294 : i32
        %add3A_296 = arith.constant 6 : i32
        %add3A_297 = arith.addi %add3A_295, %add3A_296 : i32
        %dma_start3A_298 = arith.constant 0 : i32
        %dma_start3A_299 = arith.constant 0 : i32
        %dma_start3A_300 = tpu.memref_slice %arg8[%add3A_297, %dma_start3A_298, %dma_start3A_299] : memref<78x2x128xi32, #tpu.memory_space<vmem>> -> memref<1x1x128xi32, #tpu.memory_space<vmem>>
        %dma_start3A_301 = tpu.memref_squeeze %dma_start3A_300 : memref<1x1x128xi32, #tpu.memory_space<vmem>> -> memref<128xi32, #tpu.memory_space<vmem>>
        %dma_start3A_302 = arith.constant 0 : i32
        %dma_start3A_303 = arith.constant 0 : i32
        %dma_start3A_304 = tpu.memref_slice %arg2[%dma_start3A_302, %dma_start3A_303] : memref<10000x32xf32, #tpu.memory_space<hbm>> -> memref<10000x32xf32, #tpu.memory_space<hbm>>
        tpu.enqueue_indirect_dma source(%dma_start3A_304 : memref<10000x32xf32, #tpu.memory_space<hbm>>) target(%arg10 : memref<128x32xf32, #tpu.memory_space<vmem>>) offsets(%dma_start3A_301 : memref<128xi32, #tpu.memory_space<vmem>>) semaphore(%arg16 : memref<!tpu.dma_semaphore, #tpu.memory_space<semaphore_mem>>)
      } else {
      }
      %add3A_240 = arith.constant 1 : i32
      %add3A_241 = arith.addi %mul3A_122, %add3A_240 : i32
      %add3A_242 = arith.constant 6 : i32
      %add3A_243 = arith.addi %add3A_241, %add3A_242 : i32
      %lt3A_244 = arith.constant 78 : i32
      %lt3A_245 = arith.cmpi slt, %add3A_243, %lt3A_244 : i32
      %convert_element_type3A_246 = arith.extui %lt3A_245 : i1 to i32
      %cond3A_247 = arith.constant 0 : i32
      %cond3A_248 = arith.cmpi ne, %convert_element_type3A_246, %cond3A_247 : i32
      scf.if %cond3A_248 {
        %add3A_285 = arith.constant 1 : i32
        %add3A_286 = arith.addi %mul3A_122, %add3A_285 : i32
        %dma_wait3A_287 = arith.constant 1 : i32
        %dma_wait3A_288 = arith.constant 0 : i32
        %dma_wait3A_289 = tpu.memref_slice %arg8[%add3A_286, %dma_wait3A_287, %dma_wait3A_288] : memref<78x2x128xi32, #tpu.memory_space<vmem>> -> memref<1x1x128xi32, #tpu.memory_space<vmem>>
        %dma_wait3A_290 = tpu.memref_squeeze %dma_wait3A_289 : memref<1x1x128xi32, #tpu.memory_space<vmem>> -> memref<128xi32, #tpu.memory_space<vmem>>
        %dma_wait3A_291 = arith.constant 0 : i32
        %dma_wait3A_292 = arith.constant 0 : i32
        %dma_wait3A_293 = tpu.memref_slice %arg5[%dma_wait3A_291, %dma_wait3A_292] : memref<10000x32xf32, #tpu.memory_space<vmem_shared>> -> memref<10000x32xf32, #tpu.memory_space<vmem_shared>>
        tpu.wait_indirect_dma semaphore(%arg23 : memref<!tpu.dma_semaphore, #tpu.memory_space<semaphore_mem>>) src(%arg11 : memref<128x32xf32, #tpu.memory_space<vmem>>) dst(%dma_wait3A_293 : memref<10000x32xf32, #tpu.memory_space<vmem_shared>>)
        %add3A_294 = arith.constant 1 : i32
        %add3A_295 = arith.addi %mul3A_122, %add3A_294 : i32
        %add3A_296 = arith.constant 6 : i32
        %add3A_297 = arith.addi %add3A_295, %add3A_296 : i32
        %dma_start3A_298 = arith.constant 0 : i32
        %dma_start3A_299 = arith.constant 0 : i32
        %dma_start3A_300 = tpu.memref_slice %arg8[%add3A_297, %dma_start3A_298, %dma_start3A_299] : memref<78x2x128xi32, #tpu.memory_space<vmem>> -> memref<1x1x128xi32, #tpu.memory_space<vmem>>
        %dma_start3A_301 = tpu.memref_squeeze %dma_start3A_300 : memref<1x1x128xi32, #tpu.memory_space<vmem>> -> memref<128xi32, #tpu.memory_space<vmem>>
        %dma_start3A_302 = arith.constant 0 : i32
        %dma_start3A_303 = arith.constant 0 : i32
        %dma_start3A_304 = tpu.memref_slice %arg2[%dma_start3A_302, %dma_start3A_303] : memref<10000x32xf32, #tpu.memory_space<hbm>> -> memref<10000x32xf32, #tpu.memory_space<hbm>>
        tpu.enqueue_indirect_dma source(%dma_start3A_304 : memref<10000x32xf32, #tpu.memory_space<hbm>>) target(%arg11 : memref<128x32xf32, #tpu.memory_space<vmem>>) offsets(%dma_start3A_301 : memref<128xi32, #tpu.memory_space<vmem>>) semaphore(%arg17 : memref<!tpu.dma_semaphore, #tpu.memory_space<semaphore_mem>>)
      } else {
      }
      %add3A_249 = arith.constant 2 : i32
      %add3A_250 = arith.addi %mul3A_122, %add3A_249 : i32
      %add3A_251 = arith.constant 6 : i32
      %add3A_252 = arith.addi %add3A_250, %add3A_251 : i32
      %lt3A_253 = arith.constant 78 : i32
      %lt3A_254 = arith.cmpi slt, %add3A_252, %lt3A_253 : i32
      %convert_element_type3A_255 = arith.extui %lt3A_254 : i1 to i32
      %cond3A_256 = arith.constant 0 : i32
      %cond3A_257 = arith.cmpi ne, %convert_element_type3A_255, %cond3A_256 : i32
      scf.if %cond3A_257 {
        %add3A_285 = arith.constant 2 : i32
        %add3A_286 = arith.addi %mul3A_122, %add3A_285 : i32
        %dma_wait3A_287 = arith.constant 1 : i32
        %dma_wait3A_288 = arith.constant 0 : i32
        %dma_wait3A_289 = tpu.memref_slice %arg8[%add3A_286, %dma_wait3A_287, %dma_wait3A_288] : memref<78x2x128xi32, #tpu.memory_space<vmem>> -> memref<1x1x128xi32, #tpu.memory_space<vmem>>
        %dma_wait3A_290 = tpu.memref_squeeze %dma_wait3A_289 : memref<1x1x128xi32, #tpu.memory_space<vmem>> -> memref<128xi32, #tpu.memory_space<vmem>>
        %dma_wait3A_291 = arith.constant 0 : i32
        %dma_wait3A_292 = arith.constant 0 : i32
        %dma_wait3A_293 = tpu.memref_slice %arg5[%dma_wait3A_291, %dma_wait3A_292] : memref<10000x32xf32, #tpu.memory_space<vmem_shared>> -> memref<10000x32xf32, #tpu.memory_space<vmem_shared>>
        tpu.wait_indirect_dma semaphore(%arg24 : memref<!tpu.dma_semaphore, #tpu.memory_space<semaphore_mem>>) src(%arg12 : memref<128x32xf32, #tpu.memory_space<vmem>>) dst(%dma_wait3A_293 : memref<10000x32xf32, #tpu.memory_space<vmem_shared>>)
        %add3A_294 = arith.constant 2 : i32
        %add3A_295 = arith.addi %mul3A_122, %add3A_294 : i32
        %add3A_296 = arith.constant 6 : i32
        %add3A_297 = arith.addi %add3A_295, %add3A_296 : i32
        %dma_start3A_298 = arith.constant 0 : i32
        %dma_start3A_299 = arith.constant 0 : i32
        %dma_start3A_300 = tpu.memref_slice %arg8[%add3A_297, %dma_start3A_298, %dma_start3A_299] : memref<78x2x128xi32, #tpu.memory_space<vmem>> -> memref<1x1x128xi32, #tpu.memory_space<vmem>>
        %dma_start3A_301 = tpu.memref_squeeze %dma_start3A_300 : memref<1x1x128xi32, #tpu.memory_space<vmem>> -> memref<128xi32, #tpu.memory_space<vmem>>
        %dma_start3A_302 = arith.constant 0 : i32
        %dma_start3A_303 = arith.constant 0 : i32
        %dma_start3A_304 = tpu.memref_slice %arg2[%dma_start3A_302, %dma_start3A_303] : memref<10000x32xf32, #tpu.memory_space<hbm>> -> memref<10000x32xf32, #tpu.memory_space<hbm>>
        tpu.enqueue_indirect_dma source(%dma_start3A_304 : memref<10000x32xf32, #tpu.memory_space<hbm>>) target(%arg12 : memref<128x32xf32, #tpu.memory_space<vmem>>) offsets(%dma_start3A_301 : memref<128xi32, #tpu.memory_space<vmem>>) semaphore(%arg18 : memref<!tpu.dma_semaphore, #tpu.memory_space<semaphore_mem>>)
      } else {
      }
      %add3A_258 = arith.constant 3 : i32
      %add3A_259 = arith.addi %mul3A_122, %add3A_258 : i32
      %add3A_260 = arith.constant 6 : i32
      %add3A_261 = arith.addi %add3A_259, %add3A_260 : i32
      %lt3A_262 = arith.constant 78 : i32
      %lt3A_263 = arith.cmpi slt, %add3A_261, %lt3A_262 : i32
      %convert_element_type3A_264 = arith.extui %lt3A_263 : i1 to i32
      %cond3A_265 = arith.constant 0 : i32
      %cond3A_266 = arith.cmpi ne, %convert_element_type3A_264, %cond3A_265 : i32
      scf.if %cond3A_266 {
        %add3A_285 = arith.constant 3 : i32
        %add3A_286 = arith.addi %mul3A_122, %add3A_285 : i32
        %dma_wait3A_287 = arith.constant 1 : i32
        %dma_wait3A_288 = arith.constant 0 : i32
        %dma_wait3A_289 = tpu.memref_slice %arg8[%add3A_286, %dma_wait3A_287, %dma_wait3A_288] : memref<78x2x128xi32, #tpu.memory_space<vmem>> -> memref<1x1x128xi32, #tpu.memory_space<vmem>>
        %dma_wait3A_290 = tpu.memref_squeeze %dma_wait3A_289 : memref<1x1x128xi32, #tpu.memory_space<vmem>> -> memref<128xi32, #tpu.memory_space<vmem>>
        %dma_wait3A_291 = arith.constant 0 : i32
        %dma_wait3A_292 = arith.constant 0 : i32
        %dma_wait3A_293 = tpu.memref_slice %arg5[%dma_wait3A_291, %dma_wait3A_292] : memref<10000x32xf32, #tpu.memory_space<vmem_shared>> -> memref<10000x32xf32, #tpu.memory_space<vmem_shared>>
        tpu.wait_indirect_dma semaphore(%arg25 : memref<!tpu.dma_semaphore, #tpu.memory_space<semaphore_mem>>) src(%arg13 : memref<128x32xf32, #tpu.memory_space<vmem>>) dst(%dma_wait3A_293 : memref<10000x32xf32, #tpu.memory_space<vmem_shared>>)
        %add3A_294 = arith.constant 3 : i32
        %add3A_295 = arith.addi %mul3A_122, %add3A_294 : i32
        %add3A_296 = arith.constant 6 : i32
        %add3A_297 = arith.addi %add3A_295, %add3A_296 : i32
        %dma_start3A_298 = arith.constant 0 : i32
        %dma_start3A_299 = arith.constant 0 : i32
        %dma_start3A_300 = tpu.memref_slice %arg8[%add3A_297, %dma_start3A_298, %dma_start3A_299] : memref<78x2x128xi32, #tpu.memory_space<vmem>> -> memref<1x1x128xi32, #tpu.memory_space<vmem>>
        %dma_start3A_301 = tpu.memref_squeeze %dma_start3A_300 : memref<1x1x128xi32, #tpu.memory_space<vmem>> -> memref<128xi32, #tpu.memory_space<vmem>>
        %dma_start3A_302 = arith.constant 0 : i32
        %dma_start3A_303 = arith.constant 0 : i32
        %dma_start3A_304 = tpu.memref_slice %arg2[%dma_start3A_302, %dma_start3A_303] : memref<10000x32xf32, #tpu.memory_space<hbm>> -> memref<10000x32xf32, #tpu.memory_space<hbm>>
        tpu.enqueue_indirect_dma source(%dma_start3A_304 : memref<10000x32xf32, #tpu.memory_space<hbm>>) target(%arg13 : memref<128x32xf32, #tpu.memory_space<vmem>>) offsets(%dma_start3A_301 : memref<128xi32, #tpu.memory_space<vmem>>) semaphore(%arg19 : memref<!tpu.dma_semaphore, #tpu.memory_space<semaphore_mem>>)
      } else {
      }
      %add3A_267 = arith.constant 4 : i32
      %add3A_268 = arith.addi %mul3A_122, %add3A_267 : i32
      %add3A_269 = arith.constant 6 : i32
      %add3A_270 = arith.addi %add3A_268, %add3A_269 : i32
      %lt3A_271 = arith.constant 78 : i32
      %lt3A_272 = arith.cmpi slt, %add3A_270, %lt3A_271 : i32
      %convert_element_type3A_273 = arith.extui %lt3A_272 : i1 to i32
      %cond3A_274 = arith.constant 0 : i32
      %cond3A_275 = arith.cmpi ne, %convert_element_type3A_273, %cond3A_274 : i32
      scf.if %cond3A_275 {
        %add3A_285 = arith.constant 4 : i32
        %add3A_286 = arith.addi %mul3A_122, %add3A_285 : i32
        %dma_wait3A_287 = arith.constant 1 : i32
        %dma_wait3A_288 = arith.constant 0 : i32
        %dma_wait3A_289 = tpu.memref_slice %arg8[%add3A_286, %dma_wait3A_287, %dma_wait3A_288] : memref<78x2x128xi32, #tpu.memory_space<vmem>> -> memref<1x1x128xi32, #tpu.memory_space<vmem>>
        %dma_wait3A_290 = tpu.memref_squeeze %dma_wait3A_289 : memref<1x1x128xi32, #tpu.memory_space<vmem>> -> memref<128xi32, #tpu.memory_space<vmem>>
        %dma_wait3A_291 = arith.constant 0 : i32
        %dma_wait3A_292 = arith.constant 0 : i32
        %dma_wait3A_293 = tpu.memref_slice %arg5[%dma_wait3A_291, %dma_wait3A_292] : memref<10000x32xf32, #tpu.memory_space<vmem_shared>> -> memref<10000x32xf32, #tpu.memory_space<vmem_shared>>
        tpu.wait_indirect_dma semaphore(%arg26 : memref<!tpu.dma_semaphore, #tpu.memory_space<semaphore_mem>>) src(%arg14 : memref<128x32xf32, #tpu.memory_space<vmem>>) dst(%dma_wait3A_293 : memref<10000x32xf32, #tpu.memory_space<vmem_shared>>)
        %add3A_294 = arith.constant 4 : i32
        %add3A_295 = arith.addi %mul3A_122, %add3A_294 : i32
        %add3A_296 = arith.constant 6 : i32
        %add3A_297 = arith.addi %add3A_295, %add3A_296 : i32
        %dma_start3A_298 = arith.constant 0 : i32
        %dma_start3A_299 = arith.constant 0 : i32
        %dma_start3A_300 = tpu.memref_slice %arg8[%add3A_297, %dma_start3A_298, %dma_start3A_299] : memref<78x2x128xi32, #tpu.memory_space<vmem>> -> memref<1x1x128xi32, #tpu.memory_space<vmem>>
        %dma_start3A_301 = tpu.memref_squeeze %dma_start3A_300 : memref<1x1x128xi32, #tpu.memory_space<vmem>> -> memref<128xi32, #tpu.memory_space<vmem>>
        %dma_start3A_302 = arith.constant 0 : i32
        %dma_start3A_303 = arith.constant 0 : i32
        %dma_start3A_304 = tpu.memref_slice %arg2[%dma_start3A_302, %dma_start3A_303] : memref<10000x32xf32, #tpu.memory_space<hbm>> -> memref<10000x32xf32, #tpu.memory_space<hbm>>
        tpu.enqueue_indirect_dma source(%dma_start3A_304 : memref<10000x32xf32, #tpu.memory_space<hbm>>) target(%arg14 : memref<128x32xf32, #tpu.memory_space<vmem>>) offsets(%dma_start3A_301 : memref<128xi32, #tpu.memory_space<vmem>>) semaphore(%arg20 : memref<!tpu.dma_semaphore, #tpu.memory_space<semaphore_mem>>)
      } else {
      }
      %add3A_276 = arith.constant 5 : i32
      %add3A_277 = arith.addi %mul3A_122, %add3A_276 : i32
      %add3A_278 = arith.constant 6 : i32
      %add3A_279 = arith.addi %add3A_277, %add3A_278 : i32
      %lt3A_280 = arith.constant 78 : i32
      %lt3A_281 = arith.cmpi slt, %add3A_279, %lt3A_280 : i32
      %convert_element_type3A_282 = arith.extui %lt3A_281 : i1 to i32
      %cond3A_283 = arith.constant 0 : i32
      %cond3A_284 = arith.cmpi ne, %convert_element_type3A_282, %cond3A_283 : i32
      scf.if %cond3A_284 {
        %add3A_285 = arith.constant 5 : i32
        %add3A_286 = arith.addi %mul3A_122, %add3A_285 : i32
        %dma_wait3A_287 = arith.constant 1 : i32
        %dma_wait3A_288 = arith.constant 0 : i32
        %dma_wait3A_289 = tpu.memref_slice %arg8[%add3A_286, %dma_wait3A_287, %dma_wait3A_288] : memref<78x2x128xi32, #tpu.memory_space<vmem>> -> memref<1x1x128xi32, #tpu.memory_space<vmem>>
        %dma_wait3A_290 = tpu.memref_squeeze %dma_wait3A_289 : memref<1x1x128xi32, #tpu.memory_space<vmem>> -> memref<128xi32, #tpu.memory_space<vmem>>
        %dma_wait3A_291 = arith.constant 0 : i32
        %dma_wait3A_292 = arith.constant 0 : i32
        %dma_wait3A_293 = tpu.memref_slice %arg5[%dma_wait3A_291, %dma_wait3A_292] : memref<10000x32xf32, #tpu.memory_space<vmem_shared>> -> memref<10000x32xf32, #tpu.memory_space<vmem_shared>>
        tpu.wait_indirect_dma semaphore(%arg27 : memref<!tpu.dma_semaphore, #tpu.memory_space<semaphore_mem>>) src(%arg15 : memref<128x32xf32, #tpu.memory_space<vmem>>) dst(%dma_wait3A_293 : memref<10000x32xf32, #tpu.memory_space<vmem_shared>>)
        %add3A_294 = arith.constant 5 : i32
        %add3A_295 = arith.addi %mul3A_122, %add3A_294 : i32
        %add3A_296 = arith.constant 6 : i32
        %add3A_297 = arith.addi %add3A_295, %add3A_296 : i32
        %dma_start3A_298 = arith.constant 0 : i32
        %dma_start3A_299 = arith.constant 0 : i32
        %dma_start3A_300 = tpu.memref_slice %arg8[%add3A_297, %dma_start3A_298, %dma_start3A_299] : memref<78x2x128xi32, #tpu.memory_space<vmem>> -> memref<1x1x128xi32, #tpu.memory_space<vmem>>
        %dma_start3A_301 = tpu.memref_squeeze %dma_start3A_300 : memref<1x1x128xi32, #tpu.memory_space<vmem>> -> memref<128xi32, #tpu.memory_space<vmem>>
        %dma_start3A_302 = arith.constant 0 : i32
        %dma_start3A_303 = arith.constant 0 : i32
        %dma_start3A_304 = tpu.memref_slice %arg2[%dma_start3A_302, %dma_start3A_303] : memref<10000x32xf32, #tpu.memory_space<hbm>> -> memref<10000x32xf32, #tpu.memory_space<hbm>>
        tpu.enqueue_indirect_dma source(%dma_start3A_304 : memref<10000x32xf32, #tpu.memory_space<hbm>>) target(%arg15 : memref<128x32xf32, #tpu.memory_space<vmem>>) offsets(%dma_start3A_301 : memref<128xi32, #tpu.memory_space<vmem>>) semaphore(%arg21 : memref<!tpu.dma_semaphore, #tpu.memory_space<semaphore_mem>>)
      } else {
      }
    }
    %scan3A_61 = arith.constant 13 : i32
    %dma_wait3A = arith.constant 72 : i32
    %dma_wait3A_62 = arith.constant 1 : i32
    %dma_wait3A_63 = arith.constant 0 : i32
    %dma_wait3A_64 = tpu.memref_slice %arg8[%dma_wait3A, %dma_wait3A_62, %dma_wait3A_63] : memref<78x2x128xi32, #tpu.memory_space<vmem>> -> memref<1x1x128xi32, #tpu.memory_space<vmem>>
    %dma_wait3A_65 = tpu.memref_squeeze %dma_wait3A_64 : memref<1x1x128xi32, #tpu.memory_space<vmem>> -> memref<128xi32, #tpu.memory_space<vmem>>
    %dma_wait3A_66 = arith.constant 0 : i32
    %dma_wait3A_67 = arith.constant 0 : i32
    %dma_wait3A_68 = tpu.memref_slice %arg5[%dma_wait3A_66, %dma_wait3A_67] : memref<10000x32xf32, #tpu.memory_space<vmem_shared>> -> memref<10000x32xf32, #tpu.memory_space<vmem_shared>>
    tpu.wait_indirect_dma semaphore(%arg22 : memref<!tpu.dma_semaphore, #tpu.memory_space<semaphore_mem>>) src(%arg10 : memref<128x32xf32, #tpu.memory_space<vmem>>) dst(%dma_wait3A_68 : memref<10000x32xf32, #tpu.memory_space<vmem_shared>>)
    %dma_wait3A_69 = arith.constant 73 : i32
    %dma_wait3A_70 = arith.constant 1 : i32
    %dma_wait3A_71 = arith.constant 0 : i32
    %dma_wait3A_72 = tpu.memref_slice %arg8[%dma_wait3A_69, %dma_wait3A_70, %dma_wait3A_71] : memref<78x2x128xi32, #tpu.memory_space<vmem>> -> memref<1x1x128xi32, #tpu.memory_space<vmem>>
    %dma_wait3A_73 = tpu.memref_squeeze %dma_wait3A_72 : memref<1x1x128xi32, #tpu.memory_space<vmem>> -> memref<128xi32, #tpu.memory_space<vmem>>
    %dma_wait3A_74 = arith.constant 0 : i32
    %dma_wait3A_75 = arith.constant 0 : i32
    %dma_wait3A_76 = tpu.memref_slice %arg5[%dma_wait3A_74, %dma_wait3A_75] : memref<10000x32xf32, #tpu.memory_space<vmem_shared>> -> memref<10000x32xf32, #tpu.memory_space<vmem_shared>>
    tpu.wait_indirect_dma semaphore(%arg23 : memref<!tpu.dma_semaphore, #tpu.memory_space<semaphore_mem>>) src(%arg11 : memref<128x32xf32, #tpu.memory_space<vmem>>) dst(%dma_wait3A_76 : memref<10000x32xf32, #tpu.memory_space<vmem_shared>>)
    %dma_wait3A_77 = arith.constant 74 : i32
    %dma_wait3A_78 = arith.constant 1 : i32
    %dma_wait3A_79 = arith.constant 0 : i32
    %dma_wait3A_80 = tpu.memref_slice %arg8[%dma_wait3A_77, %dma_wait3A_78, %dma_wait3A_79] : memref<78x2x128xi32, #tpu.memory_space<vmem>> -> memref<1x1x128xi32, #tpu.memory_space<vmem>>
    %dma_wait3A_81 = tpu.memref_squeeze %dma_wait3A_80 : memref<1x1x128xi32, #tpu.memory_space<vmem>> -> memref<128xi32, #tpu.memory_space<vmem>>
    %dma_wait3A_82 = arith.constant 0 : i32
    %dma_wait3A_83 = arith.constant 0 : i32
    %dma_wait3A_84 = tpu.memref_slice %arg5[%dma_wait3A_82, %dma_wait3A_83] : memref<10000x32xf32, #tpu.memory_space<vmem_shared>> -> memref<10000x32xf32, #tpu.memory_space<vmem_shared>>
    tpu.wait_indirect_dma semaphore(%arg24 : memref<!tpu.dma_semaphore, #tpu.memory_space<semaphore_mem>>) src(%arg12 : memref<128x32xf32, #tpu.memory_space<vmem>>) dst(%dma_wait3A_84 : memref<10000x32xf32, #tpu.memory_space<vmem_shared>>)
    %dma_wait3A_85 = arith.constant 75 : i32
    %dma_wait3A_86 = arith.constant 1 : i32
    %dma_wait3A_87 = arith.constant 0 : i32
    %dma_wait3A_88 = tpu.memref_slice %arg8[%dma_wait3A_85, %dma_wait3A_86, %dma_wait3A_87] : memref<78x2x128xi32, #tpu.memory_space<vmem>> -> memref<1x1x128xi32, #tpu.memory_space<vmem>>
    %dma_wait3A_89 = tpu.memref_squeeze %dma_wait3A_88 : memref<1x1x128xi32, #tpu.memory_space<vmem>> -> memref<128xi32, #tpu.memory_space<vmem>>
    %dma_wait3A_90 = arith.constant 0 : i32
    %dma_wait3A_91 = arith.constant 0 : i32
    %dma_wait3A_92 = tpu.memref_slice %arg5[%dma_wait3A_90, %dma_wait3A_91] : memref<10000x32xf32, #tpu.memory_space<vmem_shared>> -> memref<10000x32xf32, #tpu.memory_space<vmem_shared>>
    tpu.wait_indirect_dma semaphore(%arg25 : memref<!tpu.dma_semaphore, #tpu.memory_space<semaphore_mem>>) src(%arg13 : memref<128x32xf32, #tpu.memory_space<vmem>>) dst(%dma_wait3A_92 : memref<10000x32xf32, #tpu.memory_space<vmem_shared>>)
    %dma_wait3A_93 = arith.constant 76 : i32
    %dma_wait3A_94 = arith.constant 1 : i32
    %dma_wait3A_95 = arith.constant 0 : i32
    %dma_wait3A_96 = tpu.memref_slice %arg8[%dma_wait3A_93, %dma_wait3A_94, %dma_wait3A_95] : memref<78x2x128xi32, #tpu.memory_space<vmem>> -> memref<1x1x128xi32, #tpu.memory_space<vmem>>
    %dma_wait3A_97 = tpu.memref_squeeze %dma_wait3A_96 : memref<1x1x128xi32, #tpu.memory_space<vmem>> -> memref<128xi32, #tpu.memory_space<vmem>>
    %dma_wait3A_98 = arith.constant 0 : i32
    %dma_wait3A_99 = arith.constant 0 : i32
    %dma_wait3A_100 = tpu.memref_slice %arg5[%dma_wait3A_98, %dma_wait3A_99] : memref<10000x32xf32, #tpu.memory_space<vmem_shared>> -> memref<10000x32xf32, #tpu.memory_space<vmem_shared>>
    tpu.wait_indirect_dma semaphore(%arg26 : memref<!tpu.dma_semaphore, #tpu.memory_space<semaphore_mem>>) src(%arg14 : memref<128x32xf32, #tpu.memory_space<vmem>>) dst(%dma_wait3A_100 : memref<10000x32xf32, #tpu.memory_space<vmem_shared>>)
    %dma_wait3A_101 = arith.constant 77 : i32
    %dma_wait3A_102 = arith.constant 1 : i32
    %dma_wait3A_103 = arith.constant 0 : i32
    %dma_wait3A_104 = tpu.memref_slice %arg8[%dma_wait3A_101, %dma_wait3A_102, %dma_wait3A_103] : memref<78x2x128xi32, #tpu.memory_space<vmem>> -> memref<1x1x128xi32, #tpu.memory_space<vmem>>
    %dma_wait3A_105 = tpu.memref_squeeze %dma_wait3A_104 : memref<1x1x128xi32, #tpu.memory_space<vmem>> -> memref<128xi32, #tpu.memory_space<vmem>>
    %dma_wait3A_106 = arith.constant 0 : i32
    %dma_wait3A_107 = arith.constant 0 : i32
    %dma_wait3A_108 = tpu.memref_slice %arg5[%dma_wait3A_106, %dma_wait3A_107] : memref<10000x32xf32, #tpu.memory_space<vmem_shared>> -> memref<10000x32xf32, #tpu.memory_space<vmem_shared>>
    tpu.wait_indirect_dma semaphore(%arg27 : memref<!tpu.dma_semaphore, #tpu.memory_space<semaphore_mem>>) src(%arg15 : memref<128x32xf32, #tpu.memory_space<vmem>>) dst(%dma_wait3A_108 : memref<10000x32xf32, #tpu.memory_space<vmem_shared>>)
    %lt3A_109 = arith.constant 4 : i32
    %lt3A_110 = arith.cmpi slt, %add3A, %lt3A_109 : i32
    %convert_element_type3A_111 = arith.extui %lt3A_110 : i1 to i32
    %cond3A_112 = arith.constant 0 : i32
    %cond3A_113 = arith.cmpi ne, %convert_element_type3A_111, %cond3A_112 : i32
    scf.if %cond3A_113 {
      %dma_start3A_120 = arith.constant 0 : i32
      %dma_start3A_121 = arith.constant 0 : i32
      %dma_start3A_122 = arith.constant 0 : i32
      %dma_start3A_123 = tpu.memref_slice %arg9[%dma_start3A_120, %dma_start3A_121, %dma_start3A_122] : memref<1x2x128xi32, #tpu.memory_space<vmem>> -> memref<1x1x128xi32, #tpu.memory_space<vmem>>
      %dma_start3A_124 = tpu.memref_squeeze %dma_start3A_123 : memref<1x1x128xi32, #tpu.memory_space<vmem>> -> memref<128xi32, #tpu.memory_space<vmem>>
      %dma_start3A_125 = arith.constant 0 : i32
      %dma_start3A_126 = arith.constant 0 : i32
      %dma_start3A_127 = tpu.memref_slice %arg2[%dma_start3A_125, %dma_start3A_126] : memref<10000x32xf32, #tpu.memory_space<hbm>> -> memref<10000x32xf32, #tpu.memory_space<hbm>>
      tpu.enqueue_indirect_dma source(%dma_start3A_127 : memref<10000x32xf32, #tpu.memory_space<hbm>>) target(%arg10 : memref<128x32xf32, #tpu.memory_space<vmem>>) offsets(%dma_start3A_124 : memref<128xi32, #tpu.memory_space<vmem>>) semaphore(%arg16 : memref<!tpu.dma_semaphore, #tpu.memory_space<semaphore_mem>>)
      %dma_wait3A_128 = arith.constant 0 : i32
      %dma_wait3A_129 = arith.constant 0 : i32
      %dma_wait3A_130 = arith.constant 0 : i32
      %dma_wait3A_131 = tpu.memref_slice %arg9[%dma_wait3A_128, %dma_wait3A_129, %dma_wait3A_130] : memref<1x2x128xi32, #tpu.memory_space<vmem>> -> memref<1x1x128xi32, #tpu.memory_space<vmem>>
      %dma_wait3A_132 = tpu.memref_squeeze %dma_wait3A_131 : memref<1x1x128xi32, #tpu.memory_space<vmem>> -> memref<128xi32, #tpu.memory_space<vmem>>
      %dma_wait3A_133 = arith.constant 0 : i32
      %dma_wait3A_134 = arith.constant 0 : i32
      %dma_wait3A_135 = tpu.memref_slice %arg2[%dma_wait3A_133, %dma_wait3A_134] : memref<10000x32xf32, #tpu.memory_space<hbm>> -> memref<10000x32xf32, #tpu.memory_space<hbm>>
      tpu.wait_indirect_dma semaphore(%arg16 : memref<!tpu.dma_semaphore, #tpu.memory_space<semaphore_mem>>) src(%dma_wait3A_135 : memref<10000x32xf32, #tpu.memory_space<hbm>>) dst(%arg10 : memref<128x32xf32, #tpu.memory_space<vmem>>)
      %dma_start3A_136 = arith.constant 0 : i32
      %dma_start3A_137 = arith.constant 1 : i32
      %dma_start3A_138 = arith.constant 0 : i32
      %dma_start3A_139 = tpu.memref_slice %arg9[%dma_start3A_136, %dma_start3A_137, %dma_start3A_138] : memref<1x2x128xi32, #tpu.memory_space<vmem>> -> memref<1x1x128xi32, #tpu.memory_space<vmem>>
      %dma_start3A_140 = tpu.memref_squeeze %dma_start3A_139 : memref<1x1x128xi32, #tpu.memory_space<vmem>> -> memref<128xi32, #tpu.memory_space<vmem>>
      %dma_start3A_141 = arith.constant 0 : i32
      %dma_start3A_142 = arith.constant 0 : i32
      %dma_start3A_143 = tpu.memref_slice %arg5[%dma_start3A_141, %dma_start3A_142] : memref<10000x32xf32, #tpu.memory_space<vmem_shared>> -> memref<10000x32xf32, #tpu.memory_space<vmem_shared>>
      tpu.enqueue_indirect_dma source(%arg10 : memref<128x32xf32, #tpu.memory_space<vmem>>) target(%dma_start3A_143 : memref<10000x32xf32, #tpu.memory_space<vmem_shared>>) offsets(%dma_start3A_140 : memref<128xi32, #tpu.memory_space<vmem>>) semaphore(%arg22 : memref<!tpu.dma_semaphore, #tpu.memory_space<semaphore_mem>>) {add = true}
      %dma_wait3A_144 = arith.constant 0 : i32
      %dma_wait3A_145 = arith.constant 1 : i32
      %dma_wait3A_146 = arith.constant 0 : i32
      %dma_wait3A_147 = tpu.memref_slice %arg9[%dma_wait3A_144, %dma_wait3A_145, %dma_wait3A_146] : memref<1x2x128xi32, #tpu.memory_space<vmem>> -> memref<1x1x128xi32, #tpu.memory_space<vmem>>
      %dma_wait3A_148 = tpu.memref_squeeze %dma_wait3A_147 : memref<1x1x128xi32, #tpu.memory_space<vmem>> -> memref<128xi32, #tpu.memory_space<vmem>>
      %dma_wait3A_149 = arith.constant 0 : i32
      %dma_wait3A_150 = arith.constant 0 : i32
      %dma_wait3A_151 = tpu.memref_slice %arg5[%dma_wait3A_149, %dma_wait3A_150] : memref<10000x32xf32, #tpu.memory_space<vmem_shared>> -> memref<10000x32xf32, #tpu.memory_space<vmem_shared>>
      tpu.wait_indirect_dma semaphore(%arg22 : memref<!tpu.dma_semaphore, #tpu.memory_space<semaphore_mem>>) src(%arg10 : memref<128x32xf32, #tpu.memory_space<vmem>>) dst(%dma_wait3A_151 : memref<10000x32xf32, #tpu.memory_space<vmem_shared>>)
    } else {
    }
    %barrier3A_114 = arith.constant 0 : index
    tpu.barrier barrier_id(%barrier3A_114)
    %lt3A_115 = arith.constant 10 : i32
    %lt3A_116 = arith.cmpi slt, %arg1, %lt3A_115 : i32
    %convert_element_type3A_117 = arith.extui %lt3A_116 : i1 to i32
    %cond3A_118 = arith.constant 0 : i32
    %cond3A_119 = arith.cmpi ne, %convert_element_type3A_117, %cond3A_118 : i32
    scf.if %cond3A_119 {
      %mul3A_120 = arith.constant 1000 : i32
      %mul3A_121 = arith.muli %arg1, %mul3A_120 : i32
      "tpu.region"() ({
        %run_scoped3A = tpu.sem_alloc : memref<!tpu.dma_semaphore, #tpu.memory_space<semaphore_mem>>
        %dma_start3A_130 = arith.constant 0 : i32
        %dma_start3A_131 = tpu.memref_slice %arg5[%mul3A_121, %dma_start3A_130] : memref<10000x32xf32, #tpu.memory_space<vmem_shared>> -> memref<1000x32xf32, #tpu.memory_space<vmem_shared>>
        %dma_start3A_132 = arith.constant 0 : i32
        %dma_start3A_133 = tpu.memref_slice %arg5[%mul3A_121, %dma_start3A_132] : memref<10000x32xf32, #tpu.memory_space<vmem_shared>> -> memref<1000x32xf32, #tpu.memory_space<vmem_shared>>
        tpu.enqueue_dma source(%dma_start3A_133 : memref<1000x32xf32, #tpu.memory_space<vmem_shared>>) target(%arg6 : memref<1000x32xf32, #tpu.memory_space<vmem>>) target_semaphore(%run_scoped3A : memref<!tpu.dma_semaphore, #tpu.memory_space<semaphore_mem>>)
        %dma_wait3A_134 = arith.constant 0 : i32
        %dma_wait3A_135 = tpu.memref_slice %arg5[%mul3A_121, %dma_wait3A_134] : memref<10000x32xf32, #tpu.memory_space<vmem_shared>> -> memref<1000x32xf32, #tpu.memory_space<vmem_shared>>
        %dma_wait3A_136 = arith.constant 0 : i32
        %dma_wait3A_137 = tpu.memref_slice %arg5[%mul3A_121, %dma_wait3A_136] : memref<10000x32xf32, #tpu.memory_space<vmem_shared>> -> memref<1000x32xf32, #tpu.memory_space<vmem_shared>>
        tpu.wait_dma2 semaphore(%run_scoped3A : memref<!tpu.dma_semaphore, #tpu.memory_space<semaphore_mem>>) src(%dma_wait3A_137 : memref<1000x32xf32, #tpu.memory_space<vmem_shared>>) dst(%arg6 : memref<1000x32xf32, #tpu.memory_space<vmem>>)
        tpu.yield
      }) : () -> ()
      %scan3A_122 = arith.constant 0 : i32
      %scan3A_123 = arith.constant 0 : i32
      %scan3A_124 = arith.constant 1000 : i32
      %scan3A_125 = arith.addi %scan3A_123, %scan3A_124 : i32
      %scan3A_126 = arith.constant 1 : i32
      scf.for %scan3A_130 = %scan3A_123 to %scan3A_125 step %scan3A_126  : i32 {
        %jit3A = arith.constant 4 : i32
        %div3A = arith.divsi %scan3A_130, %jit3A : i32
        %sign3A = arith.constant 0 : i32
        %sign3A_131 = arith.cmpi sgt, %scan3A_130, %sign3A : i32
        %sign3A_132 = arith.extui %sign3A_131 : i1 to i32
        %sign3A_133 = arith.constant 0 : i32
        %sign3A_134 = arith.cmpi slt, %scan3A_130, %sign3A_133 : i32
        %sign3A_135 = arith.extui %sign3A_134 : i1 to i32
        %sign3A_136 = arith.subi %sign3A_132, %sign3A_135 : i32
        %sign3A_137 = arith.constant 0 : i32
        %sign3A_138 = arith.cmpi sgt, %jit3A, %sign3A_137 : i32
        %sign3A_139 = arith.extui %sign3A_138 : i1 to i32
        %sign3A_140 = arith.constant 0 : i32
        %sign3A_141 = arith.cmpi slt, %jit3A, %sign3A_140 : i32
        %sign3A_142 = arith.extui %sign3A_141 : i1 to i32
        %sign3A_143 = arith.subi %sign3A_139, %sign3A_142 : i32
        %ne3A = arith.cmpi ne, %sign3A_136, %sign3A_143 : i32
        %rem3A = arith.remsi %scan3A_130, %jit3A : i32
        %ne3A_144 = arith.constant 0 : i32
        %ne3A_145 = arith.cmpi ne, %rem3A, %ne3A_144 : i32
        %and3A = arith.andi %ne3A, %ne3A_145 : i1
        %sub3A = arith.constant 1 : i32
        %sub3A_146 = arith.subi %div3A, %sub3A : i32
        %select_n3A = arith.select %and3A, %sub3A_146, %div3A : i32
        %jit3A_147 = arith.constant 4 : i32
        %eq3A = arith.constant 0 : i32
        %eq3A_148 = arith.cmpi eq, %jit3A_147, %eq3A : i32
        %jit3A_149 = arith.constant 1 : i32
        %select_n3A_150 = arith.select %eq3A_148, %jit3A_149, %jit3A_147 : i32
        %rem3A_151 = arith.remsi %scan3A_130, %select_n3A_150 : i32
        %ne3A_152 = arith.constant 0 : i32
        %ne3A_153 = arith.cmpi ne, %rem3A_151, %ne3A_152 : i32
        %lt3A_154 = arith.constant 0 : i32
        %lt3A_155 = arith.cmpi slt, %rem3A_151, %lt3A_154 : i32
        %lt3A_156 = arith.constant 0 : i32
        %lt3A_157 = arith.cmpi slt, %select_n3A_150, %lt3A_156 : i32
        %ne3A_158 = arith.xori %lt3A_155, %lt3A_157 : i1
        %and3A_159 = arith.andi %ne3A_158, %ne3A_153 : i1
        %add3A_160 = arith.addi %rem3A_151, %select_n3A_150 : i32
        %select_n3A_161 = arith.select %and3A_159, %add3A_160, %rem3A_151 : i32
        %mul3A_162 = arith.constant 32 : i32
        %mul3A_163 = arith.muli %select_n3A_161, %mul3A_162 : i32
        %get3A = arith.index_cast %scan3A_130 : i32 to index
        %get3A_164 = arith.constant 0 : index
        %get3A_165 = tpu.vector_load %arg6[%get3A, %get3A_164] {strides = array<i32>} : memref<1000x32xf32, #tpu.memory_space<vmem>>, vector<1x16xf32>,
        %get3A_166 = vector.shape_cast %get3A_165 : vector<1x16xf32> to vector<16xf32>
        %swap3A = arith.index_cast %select_n3A : i32 to index
        %swap3A_167 = arith.index_cast %mul3A_163 : i32 to index
        %swap3A_168 = tpu.vector_load %arg7[%swap3A, %swap3A_167] {strides = array<i32>} : memref<250x128xf32, #tpu.memory_space<vmem>>, vector<1x16xf32>,
        %swap3A_169 = vector.shape_cast %swap3A_168 : vector<1x16xf32> to vector<16xf32>
        %swap3A_170 = vector.shape_cast %get3A_166 : vector<16xf32> to vector<1x16xf32>
        tpu.vector_store %arg7[%swap3A, %swap3A_167], %swap3A_170 {strides = array<i32>} : memref<250x128xf32, #tpu.memory_space<vmem>>, vector<1x16xf32>,
        %get3A_171 = arith.index_cast %scan3A_130 : i32 to index
        %get3A_172 = arith.constant 16 : index
        %get3A_173 = tpu.vector_load %arg6[%get3A_171, %get3A_172] {strides = array<i32>} : memref<1000x32xf32, #tpu.memory_space<vmem>>, vector<1x16xf32>,
        %get3A_174 = vector.shape_cast %get3A_173 : vector<1x16xf32> to vector<16xf32>
        %add3A_175 = arith.constant 16 : i32
        %add3A_176 = arith.addi %mul3A_163, %add3A_175 : i32
        %swap3A_177 = arith.index_cast %select_n3A : i32 to index
        %swap3A_178 = arith.index_cast %add3A_176 : i32 to index
        %swap3A_179 = tpu.vector_load %arg7[%swap3A_177, %swap3A_178] {strides = array<i32>} : memref<250x128xf32, #tpu.memory_space<vmem>>, vector<1x16xf32>,
        %swap3A_180 = vector.shape_cast %swap3A_179 : vector<1x16xf32> to vector<16xf32>
        %swap3A_181 = vector.shape_cast %get3A_174 : vector<16xf32> to vector<1x16xf32>
        tpu.vector_store %arg7[%swap3A_177, %swap3A_178], %swap3A_181 {strides = array<i32>} : memref<250x128xf32, #tpu.memory_space<vmem>>, vector<1x16xf32>,
      }
      %scan3A_127 = arith.constant 1000 : i32
      %mul3A_128 = arith.constant 250 : i32
      %mul3A_129 = arith.muli %arg1, %mul3A_128 : i32
      "tpu.region"() ({
        %run_scoped3A = tpu.sem_alloc : memref<!tpu.dma_semaphore, #tpu.memory_space<semaphore_mem>>
        %dma_start3A_130 = arith.constant 0 : i32
        %dma_start3A_131 = tpu.memref_slice %arg4[%arg0, %mul3A_129, %dma_start3A_130] : memref<2x2500x128xf32, #tpu.memory_space<hbm>> -> memref<1x250x128xf32, #tpu.memory_space<hbm>>
        %dma_start3A_132 = tpu.memref_squeeze %dma_start3A_131 : memref<1x250x128xf32, #tpu.memory_space<hbm>> -> memref<250x128xf32, #tpu.memory_space<hbm>>
        %dma_start3A_133 = arith.constant 0 : i32
        %dma_start3A_134 = tpu.memref_slice %arg4[%arg0, %mul3A_129, %dma_start3A_133] : memref<2x2500x128xf32, #tpu.memory_space<hbm>> -> memref<1x250x128xf32, #tpu.memory_space<hbm>>
        %dma_start3A_135 = tpu.memref_squeeze %dma_start3A_134 : memref<1x250x128xf32, #tpu.memory_space<hbm>> -> memref<250x128xf32, #tpu.memory_space<hbm>>
        tpu.enqueue_dma source(%arg7 : memref<250x128xf32, #tpu.memory_space<vmem>>) target(%dma_start3A_135 : memref<250x128xf32, #tpu.memory_space<hbm>>) target_semaphore(%run_scoped3A : memref<!tpu.dma_semaphore, #tpu.memory_space<semaphore_mem>>)
        %dma_wait3A_136 = arith.constant 0 : i32
        %dma_wait3A_137 = tpu.memref_slice %arg4[%arg0, %mul3A_129, %dma_wait3A_136] : memref<2x2500x128xf32, #tpu.memory_space<hbm>> -> memref<1x250x128xf32, #tpu.memory_space<hbm>>
        %dma_wait3A_138 = tpu.memref_squeeze %dma_wait3A_137 : memref<1x250x128xf32, #tpu.memory_space<hbm>> -> memref<250x128xf32, #tpu.memory_space<hbm>>
        %dma_wait3A_139 = arith.constant 0 : i32
        %dma_wait3A_140 = tpu.memref_slice %arg4[%arg0, %mul3A_129, %dma_wait3A_139] : memref<2x2500x128xf32, #tpu.memory_space<hbm>> -> memref<1x250x128xf32, #tpu.memory_space<hbm>>
        %dma_wait3A_141 = tpu.memref_squeeze %dma_wait3A_140 : memref<1x250x128xf32, #tpu.memory_space<hbm>> -> memref<250x128xf32, #tpu.memory_space<hbm>>
        tpu.wait_dma2 semaphore(%run_scoped3A : memref<!tpu.dma_semaphore, #tpu.memory_space<semaphore_mem>>) src(%arg7 : memref<250x128xf32, #tpu.memory_space<vmem>>) dst(%dma_wait3A_141 : memref<250x128xf32, #tpu.memory_space<hbm>>)
        tpu.yield
      }) : () -> ()
    } else {
    }
    return
  }
}

#map = affine_map<(d0, d1) -> (0, 0)>
#map1 = affine_map<(d0, d1) -> (0, 0, 0)>
module attributes {stable_mosaic.version = 14 : i64} {
  func.func @_agg_kernel(%arg0: i32, %arg1: i32, %arg2: memref<10000x32xf32, #tpu.memory_space<hbm>>, %arg3: memref<2500x2x128xi32, #tpu.memory_space<hbm>>, %arg4: memref<2x2500x128xf32, #tpu.memory_space<hbm>>, %arg5: memref<10000x32xf32, #tpu.memory_space<vmem_shared>>, %arg6: memref<1000x32xf32, #tpu.memory_space<vmem>>, %arg7: memref<250x128xf32, #tpu.memory_space<vmem>>, %arg8: memref<78x2x128xi32, #tpu.memory_space<vmem>>, %arg9: memref<1x2x128xi32, #tpu.memory_space<vmem>>, %arg10: memref<128x32xf32, #tpu.memory_space<vmem>>, %arg11: memref<128x32xf32, #tpu.memory_space<vmem>>, %arg12: memref<128x32xf32, #tpu.memory_space<vmem>>, %arg13: memref<128x32xf32, #tpu.memory_space<vmem>>, %arg14: memref<128x32xf32, #tpu.memory_space<vmem>>, %arg15: memref<128x32xf32, #tpu.memory_space<vmem>>, %arg16: memref<!tpu.dma_semaphore, #tpu.memory_space<semaphore_mem>>, %arg17: memref<!tpu.dma_semaphore, #tpu.memory_space<semaphore_mem>>, %arg18: memref<!tpu.dma_semaphore, #tpu.memory_space<semaphore_mem>>, %arg19: memref<!tpu.dma_semaphore, #tpu.memory_space<semaphore_mem>>, %arg20: memref<!tpu.dma_semaphore, #tpu.memory_space<semaphore_mem>>, %arg21: memref<!tpu.dma_semaphore, #tpu.memory_space<semaphore_mem>>, %arg22: memref<!tpu.dma_semaphore, #tpu.memory_space<semaphore_mem>>, %arg23: memref<!tpu.dma_semaphore, #tpu.memory_space<semaphore_mem>>, %arg24: memref<!tpu.dma_semaphore, #tpu.memory_space<semaphore_mem>>, %arg25: memref<!tpu.dma_semaphore, #tpu.memory_space<semaphore_mem>>, %arg26: memref<!tpu.dma_semaphore, #tpu.memory_space<semaphore_mem>>, %arg27: memref<!tpu.dma_semaphore, #tpu.memory_space<semaphore_mem>>) attributes {dimension_semantics = [#tpu.dimension_semantics<core_parallel>, #tpu.dimension_semantics<subcore_parallel>], iteration_bounds = array<i64: 2, 16>, scalar_prefetch = 0 : i64, scratch_operands = 23 : i64, tpu.core_type = #tpu.core_type<sc_vector_subcore>, window_params = [{transform_indices = #map}, {transform_indices = #map1}, {transform_indices = #map1}]} {
    %mul3A = arith.constant 2 : i32
    %mul3A_0 = arith.muli %arg1, %mul3A : i32
    %add3A = arith.addi %mul3A_0, %arg0 : i32
    %mul3A_1 = arith.constant 78 : i32
    %mul3A_2 = arith.muli %add3A, %mul3A_1 : i32
    "tpu.region"() ({
      %run_scoped3A = tpu.sem_alloc : memref<!tpu.dma_semaphore, #tpu.memory_space<semaphore_mem>>
      %dma_start3A_120 = arith.constant 0 : i32
      %dma_start3A_121 = arith.constant 0 : i32
      %dma_start3A_122 = tpu.memref_slice %arg3[%mul3A_2, %dma_start3A_120, %dma_start3A_121] : memref<2500x2x128xi32, #tpu.memory_space<hbm>> -> memref<78x2x128xi32, #tpu.memory_space<hbm>>
      %dma_start3A_123 = arith.constant 0 : i32
      %dma_start3A_124 = arith.constant 0 : i32
      %dma_start3A_125 = tpu.memref_slice %arg3[%mul3A_2, %dma_start3A_123, %dma_start3A_124] : memref<2500x2x128xi32, #tpu.memory_space<hbm>> -> memref<78x2x128xi32, #tpu.memory_space<hbm>>
      tpu.enqueue_dma source(%dma_start3A_125 : memref<78x2x128xi32, #tpu.memory_space<hbm>>) target(%arg8 : memref<78x2x128xi32, #tpu.memory_space<vmem>>) target_semaphore(%run_scoped3A : memref<!tpu.dma_semaphore, #tpu.memory_space<semaphore_mem>>)
      %dma_wait3A_126 = arith.constant 0 : i32
      %dma_wait3A_127 = arith.constant 0 : i32
      %dma_wait3A_128 = tpu.memref_slice %arg3[%mul3A_2, %dma_wait3A_126, %dma_wait3A_127] : memref<2500x2x128xi32, #tpu.memory_space<hbm>> -> memref<78x2x128xi32, #tpu.memory_space<hbm>>
      %dma_wait3A_129 = arith.constant 0 : i32
      %dma_wait3A_130 = arith.constant 0 : i32
      %dma_wait3A_131 = tpu.memref_slice %arg3[%mul3A_2, %dma_wait3A_129, %dma_wait3A_130] : memref<2500x2x128xi32, #tpu.memory_space<hbm>> -> memref<78x2x128xi32, #tpu.memory_space<hbm>>
      tpu.wait_dma2 semaphore(%run_scoped3A : memref<!tpu.dma_semaphore, #tpu.memory_space<semaphore_mem>>) src(%dma_wait3A_131 : memref<78x2x128xi32, #tpu.memory_space<hbm>>) dst(%arg8 : memref<78x2x128xi32, #tpu.memory_space<vmem>>)
      tpu.yield
    }) : () -> ()
    %lt3A = arith.constant 4 : i32
    %lt3A_3 = arith.cmpi slt, %add3A, %lt3A : i32
    %convert_element_type3A = arith.extui %lt3A_3 : i1 to i32
    %cond3A = arith.constant 0 : i32
    %cond3A_4 = arith.cmpi ne, %convert_element_type3A, %cond3A : i32
    scf.if %cond3A_4 {
      %add3A_120 = arith.constant 2496 : i32
      %add3A_121 = arith.addi %add3A_120, %add3A : i32
      "tpu.region"() ({
        %run_scoped3A = tpu.sem_alloc : memref<!tpu.dma_semaphore, #tpu.memory_space<semaphore_mem>>
        %dma_start3A_122 = arith.constant 0 : i32
        %dma_start3A_123 = arith.constant 0 : i32
        %dma_start3A_124 = tpu.memref_slice %arg3[%add3A_121, %dma_start3A_122, %dma_start3A_123] : memref<2500x2x128xi32, #tpu.memory_space<hbm>> -> memref<1x2x128xi32, #tpu.memory_space<hbm>>
        %dma_start3A_125 = arith.constant 0 : i32
        %dma_start3A_126 = arith.constant 0 : i32
        %dma_start3A_127 = tpu.memref_slice %arg3[%add3A_121, %dma_start3A_125, %dma_start3A_126] : memref<2500x2x128xi32, #tpu.memory_space<hbm>> -> memref<1x2x128xi32, #tpu.memory_space<hbm>>
        tpu.enqueue_dma source(%dma_start3A_127 : memref<1x2x128xi32, #tpu.memory_space<hbm>>) target(%arg9 : memref<1x2x128xi32, #tpu.memory_space<vmem>>) target_semaphore(%run_scoped3A : memref<!tpu.dma_semaphore, #tpu.memory_space<semaphore_mem>>)
        %dma_wait3A_128 = arith.constant 0 : i32
        %dma_wait3A_129 = arith.constant 0 : i32
        %dma_wait3A_130 = tpu.memref_slice %arg3[%add3A_121, %dma_wait3A_128, %dma_wait3A_129] : memref<2500x2x128xi32, #tpu.memory_space<hbm>> -> memref<1x2x128xi32, #tpu.memory_space<hbm>>
        %dma_wait3A_131 = arith.constant 0 : i32
        %dma_wait3A_132 = arith.constant 0 : i32
        %dma_wait3A_133 = tpu.memref_slice %arg3[%add3A_121, %dma_wait3A_131, %dma_wait3A_132] : memref<2500x2x128xi32, #tpu.memory_space<hbm>> -> memref<1x2x128xi32, #tpu.memory_space<hbm>>
        tpu.wait_dma2 semaphore(%run_scoped3A : memref<!tpu.dma_semaphore, #tpu.memory_space<semaphore_mem>>) src(%dma_wait3A_133 : memref<1x2x128xi32, #tpu.memory_space<hbm>>) dst(%arg9 : memref<1x2x128xi32, #tpu.memory_space<vmem>>)
        tpu.yield
      }) : () -> ()
    } else {
    }
    %dma_start3A = arith.constant 0 : i32
    %dma_start3A_5 = arith.constant 0 : i32
    %dma_start3A_6 = arith.constant 0 : i32
    %dma_start3A_7 = tpu.memref_slice %arg8[%dma_start3A, %dma_start3A_5, %dma_start3A_6] : memref<78x2x128xi32, #tpu.memory_space<vmem>> -> memref<1x1x128xi32, #tpu.memory_space<vmem>>
    %dma_start3A_8 = tpu.memref_squeeze %dma_start3A_7 : memref<1x1x128xi32, #tpu.memory_space<vmem>> -> memref<128xi32, #tpu.memory_space<vmem>>
    %dma_start3A_9 = arith.constant 0 : i32
    %dma_start3A_10 = arith.constant 0 : i32
    %dma_start3A_11 = tpu.memref_slice %arg2[%dma_start3A_9, %dma_start3A_10] : memref<10000x32xf32, #tpu.memory_space<hbm>> -> memref<10000x32xf32, #tpu.memory_space<hbm>>
    tpu.enqueue_indirect_dma source(%dma_start3A_11 : memref<10000x32xf32, #tpu.memory_space<hbm>>) target(%arg10 : memref<128x32xf32, #tpu.memory_space<vmem>>) offsets(%dma_start3A_8 : memref<128xi32, #tpu.memory_space<vmem>>) semaphore(%arg16 : memref<!tpu.dma_semaphore, #tpu.memory_space<semaphore_mem>>)
    %dma_start3A_12 = arith.constant 1 : i32
    %dma_start3A_13 = arith.constant 0 : i32
    %dma_start3A_14 = arith.constant 0 : i32
    %dma_start3A_15 = tpu.memref_slice %arg8[%dma_start3A_12, %dma_start3A_13, %dma_start3A_14] : memref<78x2x128xi32, #tpu.memory_space<vmem>> -> memref<1x1x128xi32, #tpu.memory_space<vmem>>
    %dma_start3A_16 = tpu.memref_squeeze %dma_start3A_15 : memref<1x1x128xi32, #tpu.memory_space<vmem>> -> memref<128xi32, #tpu.memory_space<vmem>>
    %dma_start3A_17 = arith.constant 0 : i32
    %dma_start3A_18 = arith.constant 0 : i32
    %dma_start3A_19 = tpu.memref_slice %arg2[%dma_start3A_17, %dma_start3A_18] : memref<10000x32xf32, #tpu.memory_space<hbm>> -> memref<10000x32xf32, #tpu.memory_space<hbm>>
    tpu.enqueue_indirect_dma source(%dma_start3A_19 : memref<10000x32xf32, #tpu.memory_space<hbm>>) target(%arg11 : memref<128x32xf32, #tpu.memory_space<vmem>>) offsets(%dma_start3A_16 : memref<128xi32, #tpu.memory_space<vmem>>) semaphore(%arg17 : memref<!tpu.dma_semaphore, #tpu.memory_space<semaphore_mem>>)
    %dma_start3A_20 = arith.constant 2 : i32
    %dma_start3A_21 = arith.constant 0 : i32
    %dma_start3A_22 = arith.constant 0 : i32
    %dma_start3A_23 = tpu.memref_slice %arg8[%dma_start3A_20, %dma_start3A_21, %dma_start3A_22] : memref<78x2x128xi32, #tpu.memory_space<vmem>> -> memref<1x1x128xi32, #tpu.memory_space<vmem>>
    %dma_start3A_24 = tpu.memref_squeeze %dma_start3A_23 : memref<1x1x128xi32, #tpu.memory_space<vmem>> -> memref<128xi32, #tpu.memory_space<vmem>>
    %dma_start3A_25 = arith.constant 0 : i32
    %dma_start3A_26 = arith.constant 0 : i32
    %dma_start3A_27 = tpu.memref_slice %arg2[%dma_start3A_25, %dma_start3A_26] : memref<10000x32xf32, #tpu.memory_space<hbm>> -> memref<10000x32xf32, #tpu.memory_space<hbm>>
    tpu.enqueue_indirect_dma source(%dma_start3A_27 : memref<10000x32xf32, #tpu.memory_space<hbm>>) target(%arg12 : memref<128x32xf32, #tpu.memory_space<vmem>>) offsets(%dma_start3A_24 : memref<128xi32, #tpu.memory_space<vmem>>) semaphore(%arg18 : memref<!tpu.dma_semaphore, #tpu.memory_space<semaphore_mem>>)
    %dma_start3A_28 = arith.constant 3 : i32
    %dma_start3A_29 = arith.constant 0 : i32
    %dma_start3A_30 = arith.constant 0 : i32
    %dma_start3A_31 = tpu.memref_slice %arg8[%dma_start3A_28, %dma_start3A_29, %dma_start3A_30] : memref<78x2x128xi32, #tpu.memory_space<vmem>> -> memref<1x1x128xi32, #tpu.memory_space<vmem>>
    %dma_start3A_32 = tpu.memref_squeeze %dma_start3A_31 : memref<1x1x128xi32, #tpu.memory_space<vmem>> -> memref<128xi32, #tpu.memory_space<vmem>>
    %dma_start3A_33 = arith.constant 0 : i32
    %dma_start3A_34 = arith.constant 0 : i32
    %dma_start3A_35 = tpu.memref_slice %arg2[%dma_start3A_33, %dma_start3A_34] : memref<10000x32xf32, #tpu.memory_space<hbm>> -> memref<10000x32xf32, #tpu.memory_space<hbm>>
    tpu.enqueue_indirect_dma source(%dma_start3A_35 : memref<10000x32xf32, #tpu.memory_space<hbm>>) target(%arg13 : memref<128x32xf32, #tpu.memory_space<vmem>>) offsets(%dma_start3A_32 : memref<128xi32, #tpu.memory_space<vmem>>) semaphore(%arg19 : memref<!tpu.dma_semaphore, #tpu.memory_space<semaphore_mem>>)
    %dma_start3A_36 = arith.constant 4 : i32
    %dma_start3A_37 = arith.constant 0 : i32
    %dma_start3A_38 = arith.constant 0 : i32
    %dma_start3A_39 = tpu.memref_slice %arg8[%dma_start3A_36, %dma_start3A_37, %dma_start3A_38] : memref<78x2x128xi32, #tpu.memory_space<vmem>> -> memref<1x1x128xi32, #tpu.memory_space<vmem>>
    %dma_start3A_40 = tpu.memref_squeeze %dma_start3A_39 : memref<1x1x128xi32, #tpu.memory_space<vmem>> -> memref<128xi32, #tpu.memory_space<vmem>>
    %dma_start3A_41 = arith.constant 0 : i32
    %dma_start3A_42 = arith.constant 0 : i32
    %dma_start3A_43 = tpu.memref_slice %arg2[%dma_start3A_41, %dma_start3A_42] : memref<10000x32xf32, #tpu.memory_space<hbm>> -> memref<10000x32xf32, #tpu.memory_space<hbm>>
    tpu.enqueue_indirect_dma source(%dma_start3A_43 : memref<10000x32xf32, #tpu.memory_space<hbm>>) target(%arg14 : memref<128x32xf32, #tpu.memory_space<vmem>>) offsets(%dma_start3A_40 : memref<128xi32, #tpu.memory_space<vmem>>) semaphore(%arg20 : memref<!tpu.dma_semaphore, #tpu.memory_space<semaphore_mem>>)
    %dma_start3A_44 = arith.constant 5 : i32
    %dma_start3A_45 = arith.constant 0 : i32
    %dma_start3A_46 = arith.constant 0 : i32
    %dma_start3A_47 = tpu.memref_slice %arg8[%dma_start3A_44, %dma_start3A_45, %dma_start3A_46] : memref<78x2x128xi32, #tpu.memory_space<vmem>> -> memref<1x1x128xi32, #tpu.memory_space<vmem>>
    %dma_start3A_48 = tpu.memref_squeeze %dma_start3A_47 : memref<1x1x128xi32, #tpu.memory_space<vmem>> -> memref<128xi32, #tpu.memory_space<vmem>>
    %dma_start3A_49 = arith.constant 0 : i32
    %dma_start3A_50 = arith.constant 0 : i32
    %dma_start3A_51 = tpu.memref_slice %arg2[%dma_start3A_49, %dma_start3A_50] : memref<10000x32xf32, #tpu.memory_space<hbm>> -> memref<10000x32xf32, #tpu.memory_space<hbm>>
    tpu.enqueue_indirect_dma source(%dma_start3A_51 : memref<10000x32xf32, #tpu.memory_space<hbm>>) target(%arg15 : memref<128x32xf32, #tpu.memory_space<vmem>>) offsets(%dma_start3A_48 : memref<128xi32, #tpu.memory_space<vmem>>) semaphore(%arg21 : memref<!tpu.dma_semaphore, #tpu.memory_space<semaphore_mem>>)
    %lt3A_52 = arith.constant 10 : i32
    %lt3A_53 = arith.cmpi slt, %arg1, %lt3A_52 : i32
    %convert_element_type3A_54 = arith.extui %lt3A_53 : i1 to i32
    %cond3A_55 = arith.constant 0 : i32
    %cond3A_56 = arith.cmpi ne, %convert_element_type3A_54, %cond3A_55 : i32
    scf.if %cond3A_56 {
      %mul3A_120 = arith.constant 1000 : i32
      %mul3A_121 = arith.muli %arg1, %mul3A_120 : i32
      %mul3A_122 = arith.constant 1000 : i32
      %mul3A_123 = arith.muli %arg1, %mul3A_122 : i32
      "tpu.region"() ({
        %run_scoped3A = tpu.sem_alloc : memref<!tpu.dma_semaphore, #tpu.memory_space<semaphore_mem>>
        %dma_start3A_124 = arith.constant 0 : i32
        %dma_start3A_125 = tpu.memref_slice %arg5[%mul3A_123, %dma_start3A_124] : memref<10000x32xf32, #tpu.memory_space<vmem_shared>> -> memref<1000x32xf32, #tpu.memory_space<vmem_shared>>
        %dma_start3A_126 = arith.constant 0 : i32
        %dma_start3A_127 = tpu.memref_slice %arg2[%mul3A_121, %dma_start3A_126] : memref<10000x32xf32, #tpu.memory_space<hbm>> -> memref<1000x32xf32, #tpu.memory_space<hbm>>
        tpu.enqueue_dma source(%dma_start3A_127 : memref<1000x32xf32, #tpu.memory_space<hbm>>) target(%dma_start3A_125 : memref<1000x32xf32, #tpu.memory_space<vmem_shared>>) target_semaphore(%run_scoped3A : memref<!tpu.dma_semaphore, #tpu.memory_space<semaphore_mem>>)
        %dma_wait3A_128 = arith.constant 0 : i32
        %dma_wait3A_129 = tpu.memref_slice %arg5[%mul3A_123, %dma_wait3A_128] : memref<10000x32xf32, #tpu.memory_space<vmem_shared>> -> memref<1000x32xf32, #tpu.memory_space<vmem_shared>>
        %dma_wait3A_130 = arith.constant 0 : i32
        %dma_wait3A_131 = tpu.memref_slice %arg2[%mul3A_121, %dma_wait3A_130] : memref<10000x32xf32, #tpu.memory_space<hbm>> -> memref<1000x32xf32, #tpu.memory_space<hbm>>
        tpu.wait_dma2 semaphore(%run_scoped3A : memref<!tpu.dma_semaphore, #tpu.memory_space<semaphore_mem>>) src(%dma_wait3A_131 : memref<1000x32xf32, #tpu.memory_space<hbm>>) dst(%dma_wait3A_129 : memref<1000x32xf32, #tpu.memory_space<vmem_shared>>)
        tpu.yield
      }) : () -> ()
    } else {
    }
    %barrier3A = arith.constant 0 : index
    tpu.barrier barrier_id(%barrier3A)
    %scan3A = arith.constant 0 : i32
    %scan3A_57 = arith.constant 0 : i32
    %scan3A_58 = arith.constant 13 : i32
    %scan3A_59 = arith.addi %scan3A_57, %scan3A_58 : i32
    %scan3A_60 = arith.constant 1 : i32
    scf.for %scan3A_120 = %scan3A_57 to %scan3A_59 step %scan3A_60  : i32 {
      %mul3A_121 = arith.constant 6 : i32
      %mul3A_122 = arith.muli %mul3A_121, %scan3A_120 : i32
      %add3A_123 = arith.constant 0 : i32
      %add3A_124 = arith.addi %mul3A_122, %add3A_123 : i32
      %dma_wait3A_125 = arith.constant 0 : i32
      %dma_wait3A_126 = arith.constant 0 : i32
      %dma_wait3A_127 = tpu.memref_slice %arg8[%add3A_124, %dma_wait3A_125, %dma_wait3A_126] : memref<78x2x128xi32, #tpu.memory_space<vmem>> -> memref<1x1x128xi32, #tpu.memory_space<vmem>>
      %dma_wait3A_128 = tpu.memref_squeeze %dma_wait3A_127 : memref<1x1x128xi32, #tpu.memory_space<vmem>> -> memref<128xi32, #tpu.memory_space<vmem>>
      %dma_wait3A_129 = arith.constant 0 : i32
      %dma_wait3A_130 = arith.constant 0 : i32
      %dma_wait3A_131 = tpu.memref_slice %arg2[%dma_wait3A_129, %dma_wait3A_130] : memref<10000x32xf32, #tpu.memory_space<hbm>> -> memref<10000x32xf32, #tpu.memory_space<hbm>>
      tpu.wait_indirect_dma semaphore(%arg16 : memref<!tpu.dma_semaphore, #tpu.memory_space<semaphore_mem>>) src(%dma_wait3A_131 : memref<10000x32xf32, #tpu.memory_space<hbm>>) dst(%arg10 : memref<128x32xf32, #tpu.memory_space<vmem>>)
      %add3A_132 = arith.constant 0 : i32
      %add3A_133 = arith.addi %mul3A_122, %add3A_132 : i32
      %dma_start3A_134 = arith.constant 1 : i32
      %dma_start3A_135 = arith.constant 0 : i32
      %dma_start3A_136 = tpu.memref_slice %arg8[%add3A_133, %dma_start3A_134, %dma_start3A_135] : memref<78x2x128xi32, #tpu.memory_space<vmem>> -> memref<1x1x128xi32, #tpu.memory_space<vmem>>
      %dma_start3A_137 = tpu.memref_squeeze %dma_start3A_136 : memref<1x1x128xi32, #tpu.memory_space<vmem>> -> memref<128xi32, #tpu.memory_space<vmem>>
      %dma_start3A_138 = arith.constant 0 : i32
      %dma_start3A_139 = arith.constant 0 : i32
      %dma_start3A_140 = tpu.memref_slice %arg5[%dma_start3A_138, %dma_start3A_139] : memref<10000x32xf32, #tpu.memory_space<vmem_shared>> -> memref<10000x32xf32, #tpu.memory_space<vmem_shared>>
      tpu.enqueue_indirect_dma source(%arg10 : memref<128x32xf32, #tpu.memory_space<vmem>>) target(%dma_start3A_140 : memref<10000x32xf32, #tpu.memory_space<vmem_shared>>) offsets(%dma_start3A_137 : memref<128xi32, #tpu.memory_space<vmem>>) semaphore(%arg22 : memref<!tpu.dma_semaphore, #tpu.memory_space<semaphore_mem>>) {add = true}
      %add3A_141 = arith.constant 1 : i32
      %add3A_142 = arith.addi %mul3A_122, %add3A_141 : i32
      %dma_wait3A_143 = arith.constant 0 : i32
      %dma_wait3A_144 = arith.constant 0 : i32
      %dma_wait3A_145 = tpu.memref_slice %arg8[%add3A_142, %dma_wait3A_143, %dma_wait3A_144] : memref<78x2x128xi32, #tpu.memory_space<vmem>> -> memref<1x1x128xi32, #tpu.memory_space<vmem>>
      %dma_wait3A_146 = tpu.memref_squeeze %dma_wait3A_145 : memref<1x1x128xi32, #tpu.memory_space<vmem>> -> memref<128xi32, #tpu.memory_space<vmem>>
      %dma_wait3A_147 = arith.constant 0 : i32
      %dma_wait3A_148 = arith.constant 0 : i32
      %dma_wait3A_149 = tpu.memref_slice %arg2[%dma_wait3A_147, %dma_wait3A_148] : memref<10000x32xf32, #tpu.memory_space<hbm>> -> memref<10000x32xf32, #tpu.memory_space<hbm>>
      tpu.wait_indirect_dma semaphore(%arg17 : memref<!tpu.dma_semaphore, #tpu.memory_space<semaphore_mem>>) src(%dma_wait3A_149 : memref<10000x32xf32, #tpu.memory_space<hbm>>) dst(%arg11 : memref<128x32xf32, #tpu.memory_space<vmem>>)
      %add3A_150 = arith.constant 1 : i32
      %add3A_151 = arith.addi %mul3A_122, %add3A_150 : i32
      %dma_start3A_152 = arith.constant 1 : i32
      %dma_start3A_153 = arith.constant 0 : i32
      %dma_start3A_154 = tpu.memref_slice %arg8[%add3A_151, %dma_start3A_152, %dma_start3A_153] : memref<78x2x128xi32, #tpu.memory_space<vmem>> -> memref<1x1x128xi32, #tpu.memory_space<vmem>>
      %dma_start3A_155 = tpu.memref_squeeze %dma_start3A_154 : memref<1x1x128xi32, #tpu.memory_space<vmem>> -> memref<128xi32, #tpu.memory_space<vmem>>
      %dma_start3A_156 = arith.constant 0 : i32
      %dma_start3A_157 = arith.constant 0 : i32
      %dma_start3A_158 = tpu.memref_slice %arg5[%dma_start3A_156, %dma_start3A_157] : memref<10000x32xf32, #tpu.memory_space<vmem_shared>> -> memref<10000x32xf32, #tpu.memory_space<vmem_shared>>
      tpu.enqueue_indirect_dma source(%arg11 : memref<128x32xf32, #tpu.memory_space<vmem>>) target(%dma_start3A_158 : memref<10000x32xf32, #tpu.memory_space<vmem_shared>>) offsets(%dma_start3A_155 : memref<128xi32, #tpu.memory_space<vmem>>) semaphore(%arg23 : memref<!tpu.dma_semaphore, #tpu.memory_space<semaphore_mem>>) {add = true}
      %add3A_159 = arith.constant 2 : i32
      %add3A_160 = arith.addi %mul3A_122, %add3A_159 : i32
      %dma_wait3A_161 = arith.constant 0 : i32
      %dma_wait3A_162 = arith.constant 0 : i32
      %dma_wait3A_163 = tpu.memref_slice %arg8[%add3A_160, %dma_wait3A_161, %dma_wait3A_162] : memref<78x2x128xi32, #tpu.memory_space<vmem>> -> memref<1x1x128xi32, #tpu.memory_space<vmem>>
      %dma_wait3A_164 = tpu.memref_squeeze %dma_wait3A_163 : memref<1x1x128xi32, #tpu.memory_space<vmem>> -> memref<128xi32, #tpu.memory_space<vmem>>
      %dma_wait3A_165 = arith.constant 0 : i32
      %dma_wait3A_166 = arith.constant 0 : i32
      %dma_wait3A_167 = tpu.memref_slice %arg2[%dma_wait3A_165, %dma_wait3A_166] : memref<10000x32xf32, #tpu.memory_space<hbm>> -> memref<10000x32xf32, #tpu.memory_space<hbm>>
      tpu.wait_indirect_dma semaphore(%arg18 : memref<!tpu.dma_semaphore, #tpu.memory_space<semaphore_mem>>) src(%dma_wait3A_167 : memref<10000x32xf32, #tpu.memory_space<hbm>>) dst(%arg12 : memref<128x32xf32, #tpu.memory_space<vmem>>)
      %add3A_168 = arith.constant 2 : i32
      %add3A_169 = arith.addi %mul3A_122, %add3A_168 : i32
      %dma_start3A_170 = arith.constant 1 : i32
      %dma_start3A_171 = arith.constant 0 : i32
      %dma_start3A_172 = tpu.memref_slice %arg8[%add3A_169, %dma_start3A_170, %dma_start3A_171] : memref<78x2x128xi32, #tpu.memory_space<vmem>> -> memref<1x1x128xi32, #tpu.memory_space<vmem>>
      %dma_start3A_173 = tpu.memref_squeeze %dma_start3A_172 : memref<1x1x128xi32, #tpu.memory_space<vmem>> -> memref<128xi32, #tpu.memory_space<vmem>>
      %dma_start3A_174 = arith.constant 0 : i32
      %dma_start3A_175 = arith.constant 0 : i32
      %dma_start3A_176 = tpu.memref_slice %arg5[%dma_start3A_174, %dma_start3A_175] : memref<10000x32xf32, #tpu.memory_space<vmem_shared>> -> memref<10000x32xf32, #tpu.memory_space<vmem_shared>>
      tpu.enqueue_indirect_dma source(%arg12 : memref<128x32xf32, #tpu.memory_space<vmem>>) target(%dma_start3A_176 : memref<10000x32xf32, #tpu.memory_space<vmem_shared>>) offsets(%dma_start3A_173 : memref<128xi32, #tpu.memory_space<vmem>>) semaphore(%arg24 : memref<!tpu.dma_semaphore, #tpu.memory_space<semaphore_mem>>) {add = true}
      %add3A_177 = arith.constant 3 : i32
      %add3A_178 = arith.addi %mul3A_122, %add3A_177 : i32
      %dma_wait3A_179 = arith.constant 0 : i32
      %dma_wait3A_180 = arith.constant 0 : i32
      %dma_wait3A_181 = tpu.memref_slice %arg8[%add3A_178, %dma_wait3A_179, %dma_wait3A_180] : memref<78x2x128xi32, #tpu.memory_space<vmem>> -> memref<1x1x128xi32, #tpu.memory_space<vmem>>
      %dma_wait3A_182 = tpu.memref_squeeze %dma_wait3A_181 : memref<1x1x128xi32, #tpu.memory_space<vmem>> -> memref<128xi32, #tpu.memory_space<vmem>>
      %dma_wait3A_183 = arith.constant 0 : i32
      %dma_wait3A_184 = arith.constant 0 : i32
      %dma_wait3A_185 = tpu.memref_slice %arg2[%dma_wait3A_183, %dma_wait3A_184] : memref<10000x32xf32, #tpu.memory_space<hbm>> -> memref<10000x32xf32, #tpu.memory_space<hbm>>
      tpu.wait_indirect_dma semaphore(%arg19 : memref<!tpu.dma_semaphore, #tpu.memory_space<semaphore_mem>>) src(%dma_wait3A_185 : memref<10000x32xf32, #tpu.memory_space<hbm>>) dst(%arg13 : memref<128x32xf32, #tpu.memory_space<vmem>>)
      %add3A_186 = arith.constant 3 : i32
      %add3A_187 = arith.addi %mul3A_122, %add3A_186 : i32
      %dma_start3A_188 = arith.constant 1 : i32
      %dma_start3A_189 = arith.constant 0 : i32
      %dma_start3A_190 = tpu.memref_slice %arg8[%add3A_187, %dma_start3A_188, %dma_start3A_189] : memref<78x2x128xi32, #tpu.memory_space<vmem>> -> memref<1x1x128xi32, #tpu.memory_space<vmem>>
      %dma_start3A_191 = tpu.memref_squeeze %dma_start3A_190 : memref<1x1x128xi32, #tpu.memory_space<vmem>> -> memref<128xi32, #tpu.memory_space<vmem>>
      %dma_start3A_192 = arith.constant 0 : i32
      %dma_start3A_193 = arith.constant 0 : i32
      %dma_start3A_194 = tpu.memref_slice %arg5[%dma_start3A_192, %dma_start3A_193] : memref<10000x32xf32, #tpu.memory_space<vmem_shared>> -> memref<10000x32xf32, #tpu.memory_space<vmem_shared>>
      tpu.enqueue_indirect_dma source(%arg13 : memref<128x32xf32, #tpu.memory_space<vmem>>) target(%dma_start3A_194 : memref<10000x32xf32, #tpu.memory_space<vmem_shared>>) offsets(%dma_start3A_191 : memref<128xi32, #tpu.memory_space<vmem>>) semaphore(%arg25 : memref<!tpu.dma_semaphore, #tpu.memory_space<semaphore_mem>>) {add = true}
      %add3A_195 = arith.constant 4 : i32
      %add3A_196 = arith.addi %mul3A_122, %add3A_195 : i32
      %dma_wait3A_197 = arith.constant 0 : i32
      %dma_wait3A_198 = arith.constant 0 : i32
      %dma_wait3A_199 = tpu.memref_slice %arg8[%add3A_196, %dma_wait3A_197, %dma_wait3A_198] : memref<78x2x128xi32, #tpu.memory_space<vmem>> -> memref<1x1x128xi32, #tpu.memory_space<vmem>>
      %dma_wait3A_200 = tpu.memref_squeeze %dma_wait3A_199 : memref<1x1x128xi32, #tpu.memory_space<vmem>> -> memref<128xi32, #tpu.memory_space<vmem>>
      %dma_wait3A_201 = arith.constant 0 : i32
      %dma_wait3A_202 = arith.constant 0 : i32
      %dma_wait3A_203 = tpu.memref_slice %arg2[%dma_wait3A_201, %dma_wait3A_202] : memref<10000x32xf32, #tpu.memory_space<hbm>> -> memref<10000x32xf32, #tpu.memory_space<hbm>>
      tpu.wait_indirect_dma semaphore(%arg20 : memref<!tpu.dma_semaphore, #tpu.memory_space<semaphore_mem>>) src(%dma_wait3A_203 : memref<10000x32xf32, #tpu.memory_space<hbm>>) dst(%arg14 : memref<128x32xf32, #tpu.memory_space<vmem>>)
      %add3A_204 = arith.constant 4 : i32
      %add3A_205 = arith.addi %mul3A_122, %add3A_204 : i32
      %dma_start3A_206 = arith.constant 1 : i32
      %dma_start3A_207 = arith.constant 0 : i32
      %dma_start3A_208 = tpu.memref_slice %arg8[%add3A_205, %dma_start3A_206, %dma_start3A_207] : memref<78x2x128xi32, #tpu.memory_space<vmem>> -> memref<1x1x128xi32, #tpu.memory_space<vmem>>
      %dma_start3A_209 = tpu.memref_squeeze %dma_start3A_208 : memref<1x1x128xi32, #tpu.memory_space<vmem>> -> memref<128xi32, #tpu.memory_space<vmem>>
      %dma_start3A_210 = arith.constant 0 : i32
      %dma_start3A_211 = arith.constant 0 : i32
      %dma_start3A_212 = tpu.memref_slice %arg5[%dma_start3A_210, %dma_start3A_211] : memref<10000x32xf32, #tpu.memory_space<vmem_shared>> -> memref<10000x32xf32, #tpu.memory_space<vmem_shared>>
      tpu.enqueue_indirect_dma source(%arg14 : memref<128x32xf32, #tpu.memory_space<vmem>>) target(%dma_start3A_212 : memref<10000x32xf32, #tpu.memory_space<vmem_shared>>) offsets(%dma_start3A_209 : memref<128xi32, #tpu.memory_space<vmem>>) semaphore(%arg26 : memref<!tpu.dma_semaphore, #tpu.memory_space<semaphore_mem>>) {add = true}
      %add3A_213 = arith.constant 5 : i32
      %add3A_214 = arith.addi %mul3A_122, %add3A_213 : i32
      %dma_wait3A_215 = arith.constant 0 : i32
      %dma_wait3A_216 = arith.constant 0 : i32
      %dma_wait3A_217 = tpu.memref_slice %arg8[%add3A_214, %dma_wait3A_215, %dma_wait3A_216] : memref<78x2x128xi32, #tpu.memory_space<vmem>> -> memref<1x1x128xi32, #tpu.memory_space<vmem>>
      %dma_wait3A_218 = tpu.memref_squeeze %dma_wait3A_217 : memref<1x1x128xi32, #tpu.memory_space<vmem>> -> memref<128xi32, #tpu.memory_space<vmem>>
      %dma_wait3A_219 = arith.constant 0 : i32
      %dma_wait3A_220 = arith.constant 0 : i32
      %dma_wait3A_221 = tpu.memref_slice %arg2[%dma_wait3A_219, %dma_wait3A_220] : memref<10000x32xf32, #tpu.memory_space<hbm>> -> memref<10000x32xf32, #tpu.memory_space<hbm>>
      tpu.wait_indirect_dma semaphore(%arg21 : memref<!tpu.dma_semaphore, #tpu.memory_space<semaphore_mem>>) src(%dma_wait3A_221 : memref<10000x32xf32, #tpu.memory_space<hbm>>) dst(%arg15 : memref<128x32xf32, #tpu.memory_space<vmem>>)
      %add3A_222 = arith.constant 5 : i32
      %add3A_223 = arith.addi %mul3A_122, %add3A_222 : i32
      %dma_start3A_224 = arith.constant 1 : i32
      %dma_start3A_225 = arith.constant 0 : i32
      %dma_start3A_226 = tpu.memref_slice %arg8[%add3A_223, %dma_start3A_224, %dma_start3A_225] : memref<78x2x128xi32, #tpu.memory_space<vmem>> -> memref<1x1x128xi32, #tpu.memory_space<vmem>>
      %dma_start3A_227 = tpu.memref_squeeze %dma_start3A_226 : memref<1x1x128xi32, #tpu.memory_space<vmem>> -> memref<128xi32, #tpu.memory_space<vmem>>
      %dma_start3A_228 = arith.constant 0 : i32
      %dma_start3A_229 = arith.constant 0 : i32
      %dma_start3A_230 = tpu.memref_slice %arg5[%dma_start3A_228, %dma_start3A_229] : memref<10000x32xf32, #tpu.memory_space<vmem_shared>> -> memref<10000x32xf32, #tpu.memory_space<vmem_shared>>
      tpu.enqueue_indirect_dma source(%arg15 : memref<128x32xf32, #tpu.memory_space<vmem>>) target(%dma_start3A_230 : memref<10000x32xf32, #tpu.memory_space<vmem_shared>>) offsets(%dma_start3A_227 : memref<128xi32, #tpu.memory_space<vmem>>) semaphore(%arg27 : memref<!tpu.dma_semaphore, #tpu.memory_space<semaphore_mem>>) {add = true}
      %add3A_231 = arith.constant 0 : i32
      %add3A_232 = arith.addi %mul3A_122, %add3A_231 : i32
      %add3A_233 = arith.constant 6 : i32
      %add3A_234 = arith.addi %add3A_232, %add3A_233 : i32
      %lt3A_235 = arith.constant 78 : i32
      %lt3A_236 = arith.cmpi slt, %add3A_234, %lt3A_235 : i32
      %convert_element_type3A_237 = arith.extui %lt3A_236 : i1 to i32
      %cond3A_238 = arith.constant 0 : i32
      %cond3A_239 = arith.cmpi ne, %convert_element_type3A_237, %cond3A_238 : i32
      scf.if %cond3A_239 {
        %add3A_285 = arith.constant 0 : i32
        %add3A_286 = arith.addi %mul3A_122, %add3A_285 : i32
        %dma_wait3A_287 = arith.constant 1 : i32
        %dma_wait3A_288 = arith.constant 0 : i32
        %dma_wait3A_289 = tpu.memref_slice %arg8[%add3A_286, %dma_wait3A_287, %dma_wait3A_288] : memref<78x2x128xi32, #tpu.memory_space<vmem>> -> memref<1x1x128xi32, #tpu.memory_space<vmem>>
        %dma_wait3A_290 = tpu.memref_squeeze %dma_wait3A_289 : memref<1x1x128xi32, #tpu.memory_space<vmem>> -> memref<128xi32, #tpu.memory_space<vmem>>
        %dma_wait3A_291 = arith.constant 0 : i32
        %dma_wait3A_292 = arith.constant 0 : i32
        %dma_wait3A_293 = tpu.memref_slice %arg5[%dma_wait3A_291, %dma_wait3A_292] : memref<10000x32xf32, #tpu.memory_space<vmem_shared>> -> memref<10000x32xf32, #tpu.memory_space<vmem_shared>>
        tpu.wait_indirect_dma semaphore(%arg22 : memref<!tpu.dma_semaphore, #tpu.memory_space<semaphore_mem>>) src(%arg10 : memref<128x32xf32, #tpu.memory_space<vmem>>) dst(%dma_wait3A_293 : memref<10000x32xf32, #tpu.memory_space<vmem_shared>>)
        %add3A_294 = arith.constant 0 : i32
        %add3A_295 = arith.addi %mul3A_122, %add3A_294 : i32
        %add3A_296 = arith.constant 6 : i32
        %add3A_297 = arith.addi %add3A_295, %add3A_296 : i32
        %dma_start3A_298 = arith.constant 0 : i32
        %dma_start3A_299 = arith.constant 0 : i32
        %dma_start3A_300 = tpu.memref_slice %arg8[%add3A_297, %dma_start3A_298, %dma_start3A_299] : memref<78x2x128xi32, #tpu.memory_space<vmem>> -> memref<1x1x128xi32, #tpu.memory_space<vmem>>
        %dma_start3A_301 = tpu.memref_squeeze %dma_start3A_300 : memref<1x1x128xi32, #tpu.memory_space<vmem>> -> memref<128xi32, #tpu.memory_space<vmem>>
        %dma_start3A_302 = arith.constant 0 : i32
        %dma_start3A_303 = arith.constant 0 : i32
        %dma_start3A_304 = tpu.memref_slice %arg2[%dma_start3A_302, %dma_start3A_303] : memref<10000x32xf32, #tpu.memory_space<hbm>> -> memref<10000x32xf32, #tpu.memory_space<hbm>>
        tpu.enqueue_indirect_dma source(%dma_start3A_304 : memref<10000x32xf32, #tpu.memory_space<hbm>>) target(%arg10 : memref<128x32xf32, #tpu.memory_space<vmem>>) offsets(%dma_start3A_301 : memref<128xi32, #tpu.memory_space<vmem>>) semaphore(%arg16 : memref<!tpu.dma_semaphore, #tpu.memory_space<semaphore_mem>>)
      } else {
      }
      %add3A_240 = arith.constant 1 : i32
      %add3A_241 = arith.addi %mul3A_122, %add3A_240 : i32
      %add3A_242 = arith.constant 6 : i32
      %add3A_243 = arith.addi %add3A_241, %add3A_242 : i32
      %lt3A_244 = arith.constant 78 : i32
      %lt3A_245 = arith.cmpi slt, %add3A_243, %lt3A_244 : i32
      %convert_element_type3A_246 = arith.extui %lt3A_245 : i1 to i32
      %cond3A_247 = arith.constant 0 : i32
      %cond3A_248 = arith.cmpi ne, %convert_element_type3A_246, %cond3A_247 : i32
      scf.if %cond3A_248 {
        %add3A_285 = arith.constant 1 : i32
        %add3A_286 = arith.addi %mul3A_122, %add3A_285 : i32
        %dma_wait3A_287 = arith.constant 1 : i32
        %dma_wait3A_288 = arith.constant 0 : i32
        %dma_wait3A_289 = tpu.memref_slice %arg8[%add3A_286, %dma_wait3A_287, %dma_wait3A_288] : memref<78x2x128xi32, #tpu.memory_space<vmem>> -> memref<1x1x128xi32, #tpu.memory_space<vmem>>
        %dma_wait3A_290 = tpu.memref_squeeze %dma_wait3A_289 : memref<1x1x128xi32, #tpu.memory_space<vmem>> -> memref<128xi32, #tpu.memory_space<vmem>>
        %dma_wait3A_291 = arith.constant 0 : i32
        %dma_wait3A_292 = arith.constant 0 : i32
        %dma_wait3A_293 = tpu.memref_slice %arg5[%dma_wait3A_291, %dma_wait3A_292] : memref<10000x32xf32, #tpu.memory_space<vmem_shared>> -> memref<10000x32xf32, #tpu.memory_space<vmem_shared>>
        tpu.wait_indirect_dma semaphore(%arg23 : memref<!tpu.dma_semaphore, #tpu.memory_space<semaphore_mem>>) src(%arg11 : memref<128x32xf32, #tpu.memory_space<vmem>>) dst(%dma_wait3A_293 : memref<10000x32xf32, #tpu.memory_space<vmem_shared>>)
        %add3A_294 = arith.constant 1 : i32
        %add3A_295 = arith.addi %mul3A_122, %add3A_294 : i32
        %add3A_296 = arith.constant 6 : i32
        %add3A_297 = arith.addi %add3A_295, %add3A_296 : i32
        %dma_start3A_298 = arith.constant 0 : i32
        %dma_start3A_299 = arith.constant 0 : i32
        %dma_start3A_300 = tpu.memref_slice %arg8[%add3A_297, %dma_start3A_298, %dma_start3A_299] : memref<78x2x128xi32, #tpu.memory_space<vmem>> -> memref<1x1x128xi32, #tpu.memory_space<vmem>>
        %dma_start3A_301 = tpu.memref_squeeze %dma_start3A_300 : memref<1x1x128xi32, #tpu.memory_space<vmem>> -> memref<128xi32, #tpu.memory_space<vmem>>
        %dma_start3A_302 = arith.constant 0 : i32
        %dma_start3A_303 = arith.constant 0 : i32
        %dma_start3A_304 = tpu.memref_slice %arg2[%dma_start3A_302, %dma_start3A_303] : memref<10000x32xf32, #tpu.memory_space<hbm>> -> memref<10000x32xf32, #tpu.memory_space<hbm>>
        tpu.enqueue_indirect_dma source(%dma_start3A_304 : memref<10000x32xf32, #tpu.memory_space<hbm>>) target(%arg11 : memref<128x32xf32, #tpu.memory_space<vmem>>) offsets(%dma_start3A_301 : memref<128xi32, #tpu.memory_space<vmem>>) semaphore(%arg17 : memref<!tpu.dma_semaphore, #tpu.memory_space<semaphore_mem>>)
      } else {
      }
      %add3A_249 = arith.constant 2 : i32
      %add3A_250 = arith.addi %mul3A_122, %add3A_249 : i32
      %add3A_251 = arith.constant 6 : i32
      %add3A_252 = arith.addi %add3A_250, %add3A_251 : i32
      %lt3A_253 = arith.constant 78 : i32
      %lt3A_254 = arith.cmpi slt, %add3A_252, %lt3A_253 : i32
      %convert_element_type3A_255 = arith.extui %lt3A_254 : i1 to i32
      %cond3A_256 = arith.constant 0 : i32
      %cond3A_257 = arith.cmpi ne, %convert_element_type3A_255, %cond3A_256 : i32
      scf.if %cond3A_257 {
        %add3A_285 = arith.constant 2 : i32
        %add3A_286 = arith.addi %mul3A_122, %add3A_285 : i32
        %dma_wait3A_287 = arith.constant 1 : i32
        %dma_wait3A_288 = arith.constant 0 : i32
        %dma_wait3A_289 = tpu.memref_slice %arg8[%add3A_286, %dma_wait3A_287, %dma_wait3A_288] : memref<78x2x128xi32, #tpu.memory_space<vmem>> -> memref<1x1x128xi32, #tpu.memory_space<vmem>>
        %dma_wait3A_290 = tpu.memref_squeeze %dma_wait3A_289 : memref<1x1x128xi32, #tpu.memory_space<vmem>> -> memref<128xi32, #tpu.memory_space<vmem>>
        %dma_wait3A_291 = arith.constant 0 : i32
        %dma_wait3A_292 = arith.constant 0 : i32
        %dma_wait3A_293 = tpu.memref_slice %arg5[%dma_wait3A_291, %dma_wait3A_292] : memref<10000x32xf32, #tpu.memory_space<vmem_shared>> -> memref<10000x32xf32, #tpu.memory_space<vmem_shared>>
        tpu.wait_indirect_dma semaphore(%arg24 : memref<!tpu.dma_semaphore, #tpu.memory_space<semaphore_mem>>) src(%arg12 : memref<128x32xf32, #tpu.memory_space<vmem>>) dst(%dma_wait3A_293 : memref<10000x32xf32, #tpu.memory_space<vmem_shared>>)
        %add3A_294 = arith.constant 2 : i32
        %add3A_295 = arith.addi %mul3A_122, %add3A_294 : i32
        %add3A_296 = arith.constant 6 : i32
        %add3A_297 = arith.addi %add3A_295, %add3A_296 : i32
        %dma_start3A_298 = arith.constant 0 : i32
        %dma_start3A_299 = arith.constant 0 : i32
        %dma_start3A_300 = tpu.memref_slice %arg8[%add3A_297, %dma_start3A_298, %dma_start3A_299] : memref<78x2x128xi32, #tpu.memory_space<vmem>> -> memref<1x1x128xi32, #tpu.memory_space<vmem>>
        %dma_start3A_301 = tpu.memref_squeeze %dma_start3A_300 : memref<1x1x128xi32, #tpu.memory_space<vmem>> -> memref<128xi32, #tpu.memory_space<vmem>>
        %dma_start3A_302 = arith.constant 0 : i32
        %dma_start3A_303 = arith.constant 0 : i32
        %dma_start3A_304 = tpu.memref_slice %arg2[%dma_start3A_302, %dma_start3A_303] : memref<10000x32xf32, #tpu.memory_space<hbm>> -> memref<10000x32xf32, #tpu.memory_space<hbm>>
        tpu.enqueue_indirect_dma source(%dma_start3A_304 : memref<10000x32xf32, #tpu.memory_space<hbm>>) target(%arg12 : memref<128x32xf32, #tpu.memory_space<vmem>>) offsets(%dma_start3A_301 : memref<128xi32, #tpu.memory_space<vmem>>) semaphore(%arg18 : memref<!tpu.dma_semaphore, #tpu.memory_space<semaphore_mem>>)
      } else {
      }
      %add3A_258 = arith.constant 3 : i32
      %add3A_259 = arith.addi %mul3A_122, %add3A_258 : i32
      %add3A_260 = arith.constant 6 : i32
      %add3A_261 = arith.addi %add3A_259, %add3A_260 : i32
      %lt3A_262 = arith.constant 78 : i32
      %lt3A_263 = arith.cmpi slt, %add3A_261, %lt3A_262 : i32
      %convert_element_type3A_264 = arith.extui %lt3A_263 : i1 to i32
      %cond3A_265 = arith.constant 0 : i32
      %cond3A_266 = arith.cmpi ne, %convert_element_type3A_264, %cond3A_265 : i32
      scf.if %cond3A_266 {
        %add3A_285 = arith.constant 3 : i32
        %add3A_286 = arith.addi %mul3A_122, %add3A_285 : i32
        %dma_wait3A_287 = arith.constant 1 : i32
        %dma_wait3A_288 = arith.constant 0 : i32
        %dma_wait3A_289 = tpu.memref_slice %arg8[%add3A_286, %dma_wait3A_287, %dma_wait3A_288] : memref<78x2x128xi32, #tpu.memory_space<vmem>> -> memref<1x1x128xi32, #tpu.memory_space<vmem>>
        %dma_wait3A_290 = tpu.memref_squeeze %dma_wait3A_289 : memref<1x1x128xi32, #tpu.memory_space<vmem>> -> memref<128xi32, #tpu.memory_space<vmem>>
        %dma_wait3A_291 = arith.constant 0 : i32
        %dma_wait3A_292 = arith.constant 0 : i32
        %dma_wait3A_293 = tpu.memref_slice %arg5[%dma_wait3A_291, %dma_wait3A_292] : memref<10000x32xf32, #tpu.memory_space<vmem_shared>> -> memref<10000x32xf32, #tpu.memory_space<vmem_shared>>
        tpu.wait_indirect_dma semaphore(%arg25 : memref<!tpu.dma_semaphore, #tpu.memory_space<semaphore_mem>>) src(%arg13 : memref<128x32xf32, #tpu.memory_space<vmem>>) dst(%dma_wait3A_293 : memref<10000x32xf32, #tpu.memory_space<vmem_shared>>)
        %add3A_294 = arith.constant 3 : i32
        %add3A_295 = arith.addi %mul3A_122, %add3A_294 : i32
        %add3A_296 = arith.constant 6 : i32
        %add3A_297 = arith.addi %add3A_295, %add3A_296 : i32
        %dma_start3A_298 = arith.constant 0 : i32
        %dma_start3A_299 = arith.constant 0 : i32
        %dma_start3A_300 = tpu.memref_slice %arg8[%add3A_297, %dma_start3A_298, %dma_start3A_299] : memref<78x2x128xi32, #tpu.memory_space<vmem>> -> memref<1x1x128xi32, #tpu.memory_space<vmem>>
        %dma_start3A_301 = tpu.memref_squeeze %dma_start3A_300 : memref<1x1x128xi32, #tpu.memory_space<vmem>> -> memref<128xi32, #tpu.memory_space<vmem>>
        %dma_start3A_302 = arith.constant 0 : i32
        %dma_start3A_303 = arith.constant 0 : i32
        %dma_start3A_304 = tpu.memref_slice %arg2[%dma_start3A_302, %dma_start3A_303] : memref<10000x32xf32, #tpu.memory_space<hbm>> -> memref<10000x32xf32, #tpu.memory_space<hbm>>
        tpu.enqueue_indirect_dma source(%dma_start3A_304 : memref<10000x32xf32, #tpu.memory_space<hbm>>) target(%arg13 : memref<128x32xf32, #tpu.memory_space<vmem>>) offsets(%dma_start3A_301 : memref<128xi32, #tpu.memory_space<vmem>>) semaphore(%arg19 : memref<!tpu.dma_semaphore, #tpu.memory_space<semaphore_mem>>)
      } else {
      }
      %add3A_267 = arith.constant 4 : i32
      %add3A_268 = arith.addi %mul3A_122, %add3A_267 : i32
      %add3A_269 = arith.constant 6 : i32
      %add3A_270 = arith.addi %add3A_268, %add3A_269 : i32
      %lt3A_271 = arith.constant 78 : i32
      %lt3A_272 = arith.cmpi slt, %add3A_270, %lt3A_271 : i32
      %convert_element_type3A_273 = arith.extui %lt3A_272 : i1 to i32
      %cond3A_274 = arith.constant 0 : i32
      %cond3A_275 = arith.cmpi ne, %convert_element_type3A_273, %cond3A_274 : i32
      scf.if %cond3A_275 {
        %add3A_285 = arith.constant 4 : i32
        %add3A_286 = arith.addi %mul3A_122, %add3A_285 : i32
        %dma_wait3A_287 = arith.constant 1 : i32
        %dma_wait3A_288 = arith.constant 0 : i32
        %dma_wait3A_289 = tpu.memref_slice %arg8[%add3A_286, %dma_wait3A_287, %dma_wait3A_288] : memref<78x2x128xi32, #tpu.memory_space<vmem>> -> memref<1x1x128xi32, #tpu.memory_space<vmem>>
        %dma_wait3A_290 = tpu.memref_squeeze %dma_wait3A_289 : memref<1x1x128xi32, #tpu.memory_space<vmem>> -> memref<128xi32, #tpu.memory_space<vmem>>
        %dma_wait3A_291 = arith.constant 0 : i32
        %dma_wait3A_292 = arith.constant 0 : i32
        %dma_wait3A_293 = tpu.memref_slice %arg5[%dma_wait3A_291, %dma_wait3A_292] : memref<10000x32xf32, #tpu.memory_space<vmem_shared>> -> memref<10000x32xf32, #tpu.memory_space<vmem_shared>>
        tpu.wait_indirect_dma semaphore(%arg26 : memref<!tpu.dma_semaphore, #tpu.memory_space<semaphore_mem>>) src(%arg14 : memref<128x32xf32, #tpu.memory_space<vmem>>) dst(%dma_wait3A_293 : memref<10000x32xf32, #tpu.memory_space<vmem_shared>>)
        %add3A_294 = arith.constant 4 : i32
        %add3A_295 = arith.addi %mul3A_122, %add3A_294 : i32
        %add3A_296 = arith.constant 6 : i32
        %add3A_297 = arith.addi %add3A_295, %add3A_296 : i32
        %dma_start3A_298 = arith.constant 0 : i32
        %dma_start3A_299 = arith.constant 0 : i32
        %dma_start3A_300 = tpu.memref_slice %arg8[%add3A_297, %dma_start3A_298, %dma_start3A_299] : memref<78x2x128xi32, #tpu.memory_space<vmem>> -> memref<1x1x128xi32, #tpu.memory_space<vmem>>
        %dma_start3A_301 = tpu.memref_squeeze %dma_start3A_300 : memref<1x1x128xi32, #tpu.memory_space<vmem>> -> memref<128xi32, #tpu.memory_space<vmem>>
        %dma_start3A_302 = arith.constant 0 : i32
        %dma_start3A_303 = arith.constant 0 : i32
        %dma_start3A_304 = tpu.memref_slice %arg2[%dma_start3A_302, %dma_start3A_303] : memref<10000x32xf32, #tpu.memory_space<hbm>> -> memref<10000x32xf32, #tpu.memory_space<hbm>>
        tpu.enqueue_indirect_dma source(%dma_start3A_304 : memref<10000x32xf32, #tpu.memory_space<hbm>>) target(%arg14 : memref<128x32xf32, #tpu.memory_space<vmem>>) offsets(%dma_start3A_301 : memref<128xi32, #tpu.memory_space<vmem>>) semaphore(%arg20 : memref<!tpu.dma_semaphore, #tpu.memory_space<semaphore_mem>>)
      } else {
      }
      %add3A_276 = arith.constant 5 : i32
      %add3A_277 = arith.addi %mul3A_122, %add3A_276 : i32
      %add3A_278 = arith.constant 6 : i32
      %add3A_279 = arith.addi %add3A_277, %add3A_278 : i32
      %lt3A_280 = arith.constant 78 : i32
      %lt3A_281 = arith.cmpi slt, %add3A_279, %lt3A_280 : i32
      %convert_element_type3A_282 = arith.extui %lt3A_281 : i1 to i32
      %cond3A_283 = arith.constant 0 : i32
      %cond3A_284 = arith.cmpi ne, %convert_element_type3A_282, %cond3A_283 : i32
      scf.if %cond3A_284 {
        %add3A_285 = arith.constant 5 : i32
        %add3A_286 = arith.addi %mul3A_122, %add3A_285 : i32
        %dma_wait3A_287 = arith.constant 1 : i32
        %dma_wait3A_288 = arith.constant 0 : i32
        %dma_wait3A_289 = tpu.memref_slice %arg8[%add3A_286, %dma_wait3A_287, %dma_wait3A_288] : memref<78x2x128xi32, #tpu.memory_space<vmem>> -> memref<1x1x128xi32, #tpu.memory_space<vmem>>
        %dma_wait3A_290 = tpu.memref_squeeze %dma_wait3A_289 : memref<1x1x128xi32, #tpu.memory_space<vmem>> -> memref<128xi32, #tpu.memory_space<vmem>>
        %dma_wait3A_291 = arith.constant 0 : i32
        %dma_wait3A_292 = arith.constant 0 : i32
        %dma_wait3A_293 = tpu.memref_slice %arg5[%dma_wait3A_291, %dma_wait3A_292] : memref<10000x32xf32, #tpu.memory_space<vmem_shared>> -> memref<10000x32xf32, #tpu.memory_space<vmem_shared>>
        tpu.wait_indirect_dma semaphore(%arg27 : memref<!tpu.dma_semaphore, #tpu.memory_space<semaphore_mem>>) src(%arg15 : memref<128x32xf32, #tpu.memory_space<vmem>>) dst(%dma_wait3A_293 : memref<10000x32xf32, #tpu.memory_space<vmem_shared>>)
        %add3A_294 = arith.constant 5 : i32
        %add3A_295 = arith.addi %mul3A_122, %add3A_294 : i32
        %add3A_296 = arith.constant 6 : i32
        %add3A_297 = arith.addi %add3A_295, %add3A_296 : i32
        %dma_start3A_298 = arith.constant 0 : i32
        %dma_start3A_299 = arith.constant 0 : i32
        %dma_start3A_300 = tpu.memref_slice %arg8[%add3A_297, %dma_start3A_298, %dma_start3A_299] : memref<78x2x128xi32, #tpu.memory_space<vmem>> -> memref<1x1x128xi32, #tpu.memory_space<vmem>>
        %dma_start3A_301 = tpu.memref_squeeze %dma_start3A_300 : memref<1x1x128xi32, #tpu.memory_space<vmem>> -> memref<128xi32, #tpu.memory_space<vmem>>
        %dma_start3A_302 = arith.constant 0 : i32
        %dma_start3A_303 = arith.constant 0 : i32
        %dma_start3A_304 = tpu.memref_slice %arg2[%dma_start3A_302, %dma_start3A_303] : memref<10000x32xf32, #tpu.memory_space<hbm>> -> memref<10000x32xf32, #tpu.memory_space<hbm>>
        tpu.enqueue_indirect_dma source(%dma_start3A_304 : memref<10000x32xf32, #tpu.memory_space<hbm>>) target(%arg15 : memref<128x32xf32, #tpu.memory_space<vmem>>) offsets(%dma_start3A_301 : memref<128xi32, #tpu.memory_space<vmem>>) semaphore(%arg21 : memref<!tpu.dma_semaphore, #tpu.memory_space<semaphore_mem>>)
      } else {
      }
    }
    %scan3A_61 = arith.constant 13 : i32
    %dma_wait3A = arith.constant 72 : i32
    %dma_wait3A_62 = arith.constant 1 : i32
    %dma_wait3A_63 = arith.constant 0 : i32
    %dma_wait3A_64 = tpu.memref_slice %arg8[%dma_wait3A, %dma_wait3A_62, %dma_wait3A_63] : memref<78x2x128xi32, #tpu.memory_space<vmem>> -> memref<1x1x128xi32, #tpu.memory_space<vmem>>
    %dma_wait3A_65 = tpu.memref_squeeze %dma_wait3A_64 : memref<1x1x128xi32, #tpu.memory_space<vmem>> -> memref<128xi32, #tpu.memory_space<vmem>>
    %dma_wait3A_66 = arith.constant 0 : i32
    %dma_wait3A_67 = arith.constant 0 : i32
    %dma_wait3A_68 = tpu.memref_slice %arg5[%dma_wait3A_66, %dma_wait3A_67] : memref<10000x32xf32, #tpu.memory_space<vmem_shared>> -> memref<10000x32xf32, #tpu.memory_space<vmem_shared>>
    tpu.wait_indirect_dma semaphore(%arg22 : memref<!tpu.dma_semaphore, #tpu.memory_space<semaphore_mem>>) src(%arg10 : memref<128x32xf32, #tpu.memory_space<vmem>>) dst(%dma_wait3A_68 : memref<10000x32xf32, #tpu.memory_space<vmem_shared>>)
    %dma_wait3A_69 = arith.constant 73 : i32
    %dma_wait3A_70 = arith.constant 1 : i32
    %dma_wait3A_71 = arith.constant 0 : i32
    %dma_wait3A_72 = tpu.memref_slice %arg8[%dma_wait3A_69, %dma_wait3A_70, %dma_wait3A_71] : memref<78x2x128xi32, #tpu.memory_space<vmem>> -> memref<1x1x128xi32, #tpu.memory_space<vmem>>
    %dma_wait3A_73 = tpu.memref_squeeze %dma_wait3A_72 : memref<1x1x128xi32, #tpu.memory_space<vmem>> -> memref<128xi32, #tpu.memory_space<vmem>>
    %dma_wait3A_74 = arith.constant 0 : i32
    %dma_wait3A_75 = arith.constant 0 : i32
    %dma_wait3A_76 = tpu.memref_slice %arg5[%dma_wait3A_74, %dma_wait3A_75] : memref<10000x32xf32, #tpu.memory_space<vmem_shared>> -> memref<10000x32xf32, #tpu.memory_space<vmem_shared>>
    tpu.wait_indirect_dma semaphore(%arg23 : memref<!tpu.dma_semaphore, #tpu.memory_space<semaphore_mem>>) src(%arg11 : memref<128x32xf32, #tpu.memory_space<vmem>>) dst(%dma_wait3A_76 : memref<10000x32xf32, #tpu.memory_space<vmem_shared>>)
    %dma_wait3A_77 = arith.constant 74 : i32
    %dma_wait3A_78 = arith.constant 1 : i32
    %dma_wait3A_79 = arith.constant 0 : i32
    %dma_wait3A_80 = tpu.memref_slice %arg8[%dma_wait3A_77, %dma_wait3A_78, %dma_wait3A_79] : memref<78x2x128xi32, #tpu.memory_space<vmem>> -> memref<1x1x128xi32, #tpu.memory_space<vmem>>
    %dma_wait3A_81 = tpu.memref_squeeze %dma_wait3A_80 : memref<1x1x128xi32, #tpu.memory_space<vmem>> -> memref<128xi32, #tpu.memory_space<vmem>>
    %dma_wait3A_82 = arith.constant 0 : i32
    %dma_wait3A_83 = arith.constant 0 : i32
    %dma_wait3A_84 = tpu.memref_slice %arg5[%dma_wait3A_82, %dma_wait3A_83] : memref<10000x32xf32, #tpu.memory_space<vmem_shared>> -> memref<10000x32xf32, #tpu.memory_space<vmem_shared>>
    tpu.wait_indirect_dma semaphore(%arg24 : memref<!tpu.dma_semaphore, #tpu.memory_space<semaphore_mem>>) src(%arg12 : memref<128x32xf32, #tpu.memory_space<vmem>>) dst(%dma_wait3A_84 : memref<10000x32xf32, #tpu.memory_space<vmem_shared>>)
    %dma_wait3A_85 = arith.constant 75 : i32
    %dma_wait3A_86 = arith.constant 1 : i32
    %dma_wait3A_87 = arith.constant 0 : i32
    %dma_wait3A_88 = tpu.memref_slice %arg8[%dma_wait3A_85, %dma_wait3A_86, %dma_wait3A_87] : memref<78x2x128xi32, #tpu.memory_space<vmem>> -> memref<1x1x128xi32, #tpu.memory_space<vmem>>
    %dma_wait3A_89 = tpu.memref_squeeze %dma_wait3A_88 : memref<1x1x128xi32, #tpu.memory_space<vmem>> -> memref<128xi32, #tpu.memory_space<vmem>>
    %dma_wait3A_90 = arith.constant 0 : i32
    %dma_wait3A_91 = arith.constant 0 : i32
    %dma_wait3A_92 = tpu.memref_slice %arg5[%dma_wait3A_90, %dma_wait3A_91] : memref<10000x32xf32, #tpu.memory_space<vmem_shared>> -> memref<10000x32xf32, #tpu.memory_space<vmem_shared>>
    tpu.wait_indirect_dma semaphore(%arg25 : memref<!tpu.dma_semaphore, #tpu.memory_space<semaphore_mem>>) src(%arg13 : memref<128x32xf32, #tpu.memory_space<vmem>>) dst(%dma_wait3A_92 : memref<10000x32xf32, #tpu.memory_space<vmem_shared>>)
    %dma_wait3A_93 = arith.constant 76 : i32
    %dma_wait3A_94 = arith.constant 1 : i32
    %dma_wait3A_95 = arith.constant 0 : i32
    %dma_wait3A_96 = tpu.memref_slice %arg8[%dma_wait3A_93, %dma_wait3A_94, %dma_wait3A_95] : memref<78x2x128xi32, #tpu.memory_space<vmem>> -> memref<1x1x128xi32, #tpu.memory_space<vmem>>
    %dma_wait3A_97 = tpu.memref_squeeze %dma_wait3A_96 : memref<1x1x128xi32, #tpu.memory_space<vmem>> -> memref<128xi32, #tpu.memory_space<vmem>>
    %dma_wait3A_98 = arith.constant 0 : i32
    %dma_wait3A_99 = arith.constant 0 : i32
    %dma_wait3A_100 = tpu.memref_slice %arg5[%dma_wait3A_98, %dma_wait3A_99] : memref<10000x32xf32, #tpu.memory_space<vmem_shared>> -> memref<10000x32xf32, #tpu.memory_space<vmem_shared>>
    tpu.wait_indirect_dma semaphore(%arg26 : memref<!tpu.dma_semaphore, #tpu.memory_space<semaphore_mem>>) src(%arg14 : memref<128x32xf32, #tpu.memory_space<vmem>>) dst(%dma_wait3A_100 : memref<10000x32xf32, #tpu.memory_space<vmem_shared>>)
    %dma_wait3A_101 = arith.constant 77 : i32
    %dma_wait3A_102 = arith.constant 1 : i32
    %dma_wait3A_103 = arith.constant 0 : i32
    %dma_wait3A_104 = tpu.memref_slice %arg8[%dma_wait3A_101, %dma_wait3A_102, %dma_wait3A_103] : memref<78x2x128xi32, #tpu.memory_space<vmem>> -> memref<1x1x128xi32, #tpu.memory_space<vmem>>
    %dma_wait3A_105 = tpu.memref_squeeze %dma_wait3A_104 : memref<1x1x128xi32, #tpu.memory_space<vmem>> -> memref<128xi32, #tpu.memory_space<vmem>>
    %dma_wait3A_106 = arith.constant 0 : i32
    %dma_wait3A_107 = arith.constant 0 : i32
    %dma_wait3A_108 = tpu.memref_slice %arg5[%dma_wait3A_106, %dma_wait3A_107] : memref<10000x32xf32, #tpu.memory_space<vmem_shared>> -> memref<10000x32xf32, #tpu.memory_space<vmem_shared>>
    tpu.wait_indirect_dma semaphore(%arg27 : memref<!tpu.dma_semaphore, #tpu.memory_space<semaphore_mem>>) src(%arg15 : memref<128x32xf32, #tpu.memory_space<vmem>>) dst(%dma_wait3A_108 : memref<10000x32xf32, #tpu.memory_space<vmem_shared>>)
    %lt3A_109 = arith.constant 4 : i32
    %lt3A_110 = arith.cmpi slt, %add3A, %lt3A_109 : i32
    %convert_element_type3A_111 = arith.extui %lt3A_110 : i1 to i32
    %cond3A_112 = arith.constant 0 : i32
    %cond3A_113 = arith.cmpi ne, %convert_element_type3A_111, %cond3A_112 : i32
    scf.if %cond3A_113 {
      %dma_start3A_120 = arith.constant 0 : i32
      %dma_start3A_121 = arith.constant 0 : i32
      %dma_start3A_122 = arith.constant 0 : i32
      %dma_start3A_123 = tpu.memref_slice %arg9[%dma_start3A_120, %dma_start3A_121, %dma_start3A_122] : memref<1x2x128xi32, #tpu.memory_space<vmem>> -> memref<1x1x128xi32, #tpu.memory_space<vmem>>
      %dma_start3A_124 = tpu.memref_squeeze %dma_start3A_123 : memref<1x1x128xi32, #tpu.memory_space<vmem>> -> memref<128xi32, #tpu.memory_space<vmem>>
      %dma_start3A_125 = arith.constant 0 : i32
      %dma_start3A_126 = arith.constant 0 : i32
      %dma_start3A_127 = tpu.memref_slice %arg2[%dma_start3A_125, %dma_start3A_126] : memref<10000x32xf32, #tpu.memory_space<hbm>> -> memref<10000x32xf32, #tpu.memory_space<hbm>>
      tpu.enqueue_indirect_dma source(%dma_start3A_127 : memref<10000x32xf32, #tpu.memory_space<hbm>>) target(%arg10 : memref<128x32xf32, #tpu.memory_space<vmem>>) offsets(%dma_start3A_124 : memref<128xi32, #tpu.memory_space<vmem>>) semaphore(%arg16 : memref<!tpu.dma_semaphore, #tpu.memory_space<semaphore_mem>>)
      %dma_wait3A_128 = arith.constant 0 : i32
      %dma_wait3A_129 = arith.constant 0 : i32
      %dma_wait3A_130 = arith.constant 0 : i32
      %dma_wait3A_131 = tpu.memref_slice %arg9[%dma_wait3A_128, %dma_wait3A_129, %dma_wait3A_130] : memref<1x2x128xi32, #tpu.memory_space<vmem>> -> memref<1x1x128xi32, #tpu.memory_space<vmem>>
      %dma_wait3A_132 = tpu.memref_squeeze %dma_wait3A_131 : memref<1x1x128xi32, #tpu.memory_space<vmem>> -> memref<128xi32, #tpu.memory_space<vmem>>
      %dma_wait3A_133 = arith.constant 0 : i32
      %dma_wait3A_134 = arith.constant 0 : i32
      %dma_wait3A_135 = tpu.memref_slice %arg2[%dma_wait3A_133, %dma_wait3A_134] : memref<10000x32xf32, #tpu.memory_space<hbm>> -> memref<10000x32xf32, #tpu.memory_space<hbm>>
      tpu.wait_indirect_dma semaphore(%arg16 : memref<!tpu.dma_semaphore, #tpu.memory_space<semaphore_mem>>) src(%dma_wait3A_135 : memref<10000x32xf32, #tpu.memory_space<hbm>>) dst(%arg10 : memref<128x32xf32, #tpu.memory_space<vmem>>)
      %dma_start3A_136 = arith.constant 0 : i32
      %dma_start3A_137 = arith.constant 1 : i32
      %dma_start3A_138 = arith.constant 0 : i32
      %dma_start3A_139 = tpu.memref_slice %arg9[%dma_start3A_136, %dma_start3A_137, %dma_start3A_138] : memref<1x2x128xi32, #tpu.memory_space<vmem>> -> memref<1x1x128xi32, #tpu.memory_space<vmem>>
      %dma_start3A_140 = tpu.memref_squeeze %dma_start3A_139 : memref<1x1x128xi32, #tpu.memory_space<vmem>> -> memref<128xi32, #tpu.memory_space<vmem>>
      %dma_start3A_141 = arith.constant 0 : i32
      %dma_start3A_142 = arith.constant 0 : i32
      %dma_start3A_143 = tpu.memref_slice %arg5[%dma_start3A_141, %dma_start3A_142] : memref<10000x32xf32, #tpu.memory_space<vmem_shared>> -> memref<10000x32xf32, #tpu.memory_space<vmem_shared>>
      tpu.enqueue_indirect_dma source(%arg10 : memref<128x32xf32, #tpu.memory_space<vmem>>) target(%dma_start3A_143 : memref<10000x32xf32, #tpu.memory_space<vmem_shared>>) offsets(%dma_start3A_140 : memref<128xi32, #tpu.memory_space<vmem>>) semaphore(%arg22 : memref<!tpu.dma_semaphore, #tpu.memory_space<semaphore_mem>>) {add = true}
      %dma_wait3A_144 = arith.constant 0 : i32
      %dma_wait3A_145 = arith.constant 1 : i32
      %dma_wait3A_146 = arith.constant 0 : i32
      %dma_wait3A_147 = tpu.memref_slice %arg9[%dma_wait3A_144, %dma_wait3A_145, %dma_wait3A_146] : memref<1x2x128xi32, #tpu.memory_space<vmem>> -> memref<1x1x128xi32, #tpu.memory_space<vmem>>
      %dma_wait3A_148 = tpu.memref_squeeze %dma_wait3A_147 : memref<1x1x128xi32, #tpu.memory_space<vmem>> -> memref<128xi32, #tpu.memory_space<vmem>>
      %dma_wait3A_149 = arith.constant 0 : i32
      %dma_wait3A_150 = arith.constant 0 : i32
      %dma_wait3A_151 = tpu.memref_slice %arg5[%dma_wait3A_149, %dma_wait3A_150] : memref<10000x32xf32, #tpu.memory_space<vmem_shared>> -> memref<10000x32xf32, #tpu.memory_space<vmem_shared>>
      tpu.wait_indirect_dma semaphore(%arg22 : memref<!tpu.dma_semaphore, #tpu.memory_space<semaphore_mem>>) src(%arg10 : memref<128x32xf32, #tpu.memory_space<vmem>>) dst(%dma_wait3A_151 : memref<10000x32xf32, #tpu.memory_space<vmem_shared>>)
    } else {
    }
    %barrier3A_114 = arith.constant 0 : index
    tpu.barrier barrier_id(%barrier3A_114)
    %lt3A_115 = arith.constant 10 : i32
    %lt3A_116 = arith.cmpi slt, %arg1, %lt3A_115 : i32
    %convert_element_type3A_117 = arith.extui %lt3A_116 : i1 to i32
    %cond3A_118 = arith.constant 0 : i32
    %cond3A_119 = arith.cmpi ne, %convert_element_type3A_117, %cond3A_118 : i32
    scf.if %cond3A_119 {
      %mul3A_120 = arith.constant 1000 : i32
      %mul3A_121 = arith.muli %arg1, %mul3A_120 : i32
      "tpu.region"() ({
        %run_scoped3A = tpu.sem_alloc : memref<!tpu.dma_semaphore, #tpu.memory_space<semaphore_mem>>
        %dma_start3A_130 = arith.constant 0 : i32
        %dma_start3A_131 = tpu.memref_slice %arg5[%mul3A_121, %dma_start3A_130] : memref<10000x32xf32, #tpu.memory_space<vmem_shared>> -> memref<1000x32xf32, #tpu.memory_space<vmem_shared>>
        %dma_start3A_132 = arith.constant 0 : i32
        %dma_start3A_133 = tpu.memref_slice %arg5[%mul3A_121, %dma_start3A_132] : memref<10000x32xf32, #tpu.memory_space<vmem_shared>> -> memref<1000x32xf32, #tpu.memory_space<vmem_shared>>
        tpu.enqueue_dma source(%dma_start3A_133 : memref<1000x32xf32, #tpu.memory_space<vmem_shared>>) target(%arg6 : memref<1000x32xf32, #tpu.memory_space<vmem>>) target_semaphore(%run_scoped3A : memref<!tpu.dma_semaphore, #tpu.memory_space<semaphore_mem>>)
        %dma_wait3A_134 = arith.constant 0 : i32
        %dma_wait3A_135 = tpu.memref_slice %arg5[%mul3A_121, %dma_wait3A_134] : memref<10000x32xf32, #tpu.memory_space<vmem_shared>> -> memref<1000x32xf32, #tpu.memory_space<vmem_shared>>
        %dma_wait3A_136 = arith.constant 0 : i32
        %dma_wait3A_137 = tpu.memref_slice %arg5[%mul3A_121, %dma_wait3A_136] : memref<10000x32xf32, #tpu.memory_space<vmem_shared>> -> memref<1000x32xf32, #tpu.memory_space<vmem_shared>>
        tpu.wait_dma2 semaphore(%run_scoped3A : memref<!tpu.dma_semaphore, #tpu.memory_space<semaphore_mem>>) src(%dma_wait3A_137 : memref<1000x32xf32, #tpu.memory_space<vmem_shared>>) dst(%arg6 : memref<1000x32xf32, #tpu.memory_space<vmem>>)
        tpu.yield
      }) : () -> ()
      %scan3A_122 = arith.constant 0 : i32
      %scan3A_123 = arith.constant 0 : i32
      %scan3A_124 = arith.constant 1000 : i32
      %scan3A_125 = arith.addi %scan3A_123, %scan3A_124 : i32
      %scan3A_126 = arith.constant 1 : i32
      scf.for %scan3A_130 = %scan3A_123 to %scan3A_125 step %scan3A_126  : i32 {
        %jit3A = arith.constant 4 : i32
        %div3A = arith.divsi %scan3A_130, %jit3A : i32
        %sign3A = arith.constant 0 : i32
        %sign3A_131 = arith.cmpi sgt, %scan3A_130, %sign3A : i32
        %sign3A_132 = arith.extui %sign3A_131 : i1 to i32
        %sign3A_133 = arith.constant 0 : i32
        %sign3A_134 = arith.cmpi slt, %scan3A_130, %sign3A_133 : i32
        %sign3A_135 = arith.extui %sign3A_134 : i1 to i32
        %sign3A_136 = arith.subi %sign3A_132, %sign3A_135 : i32
        %sign3A_137 = arith.constant 0 : i32
        %sign3A_138 = arith.cmpi sgt, %jit3A, %sign3A_137 : i32
        %sign3A_139 = arith.extui %sign3A_138 : i1 to i32
        %sign3A_140 = arith.constant 0 : i32
        %sign3A_141 = arith.cmpi slt, %jit3A, %sign3A_140 : i32
        %sign3A_142 = arith.extui %sign3A_141 : i1 to i32
        %sign3A_143 = arith.subi %sign3A_139, %sign3A_142 : i32
        %ne3A = arith.cmpi ne, %sign3A_136, %sign3A_143 : i32
        %rem3A = arith.remsi %scan3A_130, %jit3A : i32
        %ne3A_144 = arith.constant 0 : i32
        %ne3A_145 = arith.cmpi ne, %rem3A, %ne3A_144 : i32
        %and3A = arith.andi %ne3A, %ne3A_145 : i1
        %sub3A = arith.constant 1 : i32
        %sub3A_146 = arith.subi %div3A, %sub3A : i32
        %select_n3A = arith.select %and3A, %sub3A_146, %div3A : i32
        %jit3A_147 = arith.constant 4 : i32
        %eq3A = arith.constant 0 : i32
        %eq3A_148 = arith.cmpi eq, %jit3A_147, %eq3A : i32
        %jit3A_149 = arith.constant 1 : i32
        %select_n3A_150 = arith.select %eq3A_148, %jit3A_149, %jit3A_147 : i32
        %rem3A_151 = arith.remsi %scan3A_130, %select_n3A_150 : i32
        %ne3A_152 = arith.constant 0 : i32
        %ne3A_153 = arith.cmpi ne, %rem3A_151, %ne3A_152 : i32
        %lt3A_154 = arith.constant 0 : i32
        %lt3A_155 = arith.cmpi slt, %rem3A_151, %lt3A_154 : i32
        %lt3A_156 = arith.constant 0 : i32
        %lt3A_157 = arith.cmpi slt, %select_n3A_150, %lt3A_156 : i32
        %ne3A_158 = arith.xori %lt3A_155, %lt3A_157 : i1
        %and3A_159 = arith.andi %ne3A_158, %ne3A_153 : i1
        %add3A_160 = arith.addi %rem3A_151, %select_n3A_150 : i32
        %select_n3A_161 = arith.select %and3A_159, %add3A_160, %rem3A_151 : i32
        %mul3A_162 = arith.constant 32 : i32
        %mul3A_163 = arith.muli %select_n3A_161, %mul3A_162 : i32
        %get3A = arith.index_cast %scan3A_130 : i32 to index
        %get3A_164 = arith.constant 0 : index
        %get3A_165 = tpu.vector_load %arg6[%get3A, %get3A_164] {strides = array<i32>} : memref<1000x32xf32, #tpu.memory_space<vmem>>, vector<1x16xf32>,
        %get3A_166 = vector.shape_cast %get3A_165 : vector<1x16xf32> to vector<16xf32>
        %swap3A = arith.index_cast %select_n3A : i32 to index
        %swap3A_167 = arith.index_cast %mul3A_163 : i32 to index
        %swap3A_168 = tpu.vector_load %arg7[%swap3A, %swap3A_167] {strides = array<i32>} : memref<250x128xf32, #tpu.memory_space<vmem>>, vector<1x16xf32>,
        %swap3A_169 = vector.shape_cast %swap3A_168 : vector<1x16xf32> to vector<16xf32>
        %swap3A_170 = vector.shape_cast %get3A_166 : vector<16xf32> to vector<1x16xf32>
        tpu.vector_store %arg7[%swap3A, %swap3A_167], %swap3A_170 {strides = array<i32>} : memref<250x128xf32, #tpu.memory_space<vmem>>, vector<1x16xf32>,
        %get3A_171 = arith.index_cast %scan3A_130 : i32 to index
        %get3A_172 = arith.constant 16 : index
        %get3A_173 = tpu.vector_load %arg6[%get3A_171, %get3A_172] {strides = array<i32>} : memref<1000x32xf32, #tpu.memory_space<vmem>>, vector<1x16xf32>,
        %get3A_174 = vector.shape_cast %get3A_173 : vector<1x16xf32> to vector<16xf32>
        %add3A_175 = arith.constant 16 : i32
        %add3A_176 = arith.addi %mul3A_163, %add3A_175 : i32
        %swap3A_177 = arith.index_cast %select_n3A : i32 to index
        %swap3A_178 = arith.index_cast %add3A_176 : i32 to index
        %swap3A_179 = tpu.vector_load %arg7[%swap3A_177, %swap3A_178] {strides = array<i32>} : memref<250x128xf32, #tpu.memory_space<vmem>>, vector<1x16xf32>,
        %swap3A_180 = vector.shape_cast %swap3A_179 : vector<1x16xf32> to vector<16xf32>
        %swap3A_181 = vector.shape_cast %get3A_174 : vector<16xf32> to vector<1x16xf32>
        tpu.vector_store %arg7[%swap3A_177, %swap3A_178], %swap3A_181 {strides = array<i32>} : memref<250x128xf32, #tpu.memory_space<vmem>>, vector<1x16xf32>,
      }
      %scan3A_127 = arith.constant 1000 : i32
      %mul3A_128 = arith.constant 250 : i32
      %mul3A_129 = arith.muli %arg1, %mul3A_128 : i32
      "tpu.region"() ({
        %run_scoped3A = tpu.sem_alloc : memref<!tpu.dma_semaphore, #tpu.memory_space<semaphore_mem>>
        %dma_start3A_130 = arith.constant 0 : i32
        %dma_start3A_131 = tpu.memref_slice %arg4[%arg0, %mul3A_129, %dma_start3A_130] : memref<2x2500x128xf32, #tpu.memory_space<hbm>> -> memref<1x250x128xf32, #tpu.memory_space<hbm>>
        %dma_start3A_132 = tpu.memref_squeeze %dma_start3A_131 : memref<1x250x128xf32, #tpu.memory_space<hbm>> -> memref<250x128xf32, #tpu.memory_space<hbm>>
        %dma_start3A_133 = arith.constant 0 : i32
        %dma_start3A_134 = tpu.memref_slice %arg4[%arg0, %mul3A_129, %dma_start3A_133] : memref<2x2500x128xf32, #tpu.memory_space<hbm>> -> memref<1x250x128xf32, #tpu.memory_space<hbm>>
        %dma_start3A_135 = tpu.memref_squeeze %dma_start3A_134 : memref<1x250x128xf32, #tpu.memory_space<hbm>> -> memref<250x128xf32, #tpu.memory_space<hbm>>
        tpu.enqueue_dma source(%arg7 : memref<250x128xf32, #tpu.memory_space<vmem>>) target(%dma_start3A_135 : memref<250x128xf32, #tpu.memory_space<hbm>>) target_semaphore(%run_scoped3A : memref<!tpu.dma_semaphore, #tpu.memory_space<semaphore_mem>>)
        %dma_wait3A_136 = arith.constant 0 : i32
        %dma_wait3A_137 = tpu.memref_slice %arg4[%arg0, %mul3A_129, %dma_wait3A_136] : memref<2x2500x128xf32, #tpu.memory_space<hbm>> -> memref<1x250x128xf32, #tpu.memory_space<hbm>>
        %dma_wait3A_138 = tpu.memref_squeeze %dma_wait3A_137 : memref<1x250x128xf32, #tpu.memory_space<hbm>> -> memref<250x128xf32, #tpu.memory_space<hbm>>
        %dma_wait3A_139 = arith.constant 0 : i32
        %dma_wait3A_140 = tpu.memref_slice %arg4[%arg0, %mul3A_129, %dma_wait3A_139] : memref<2x2500x128xf32, #tpu.memory_space<hbm>> -> memref<1x250x128xf32, #tpu.memory_space<hbm>>
        %dma_wait3A_141 = tpu.memref_squeeze %dma_wait3A_140 : memref<1x250x128xf32, #tpu.memory_space<hbm>> -> memref<250x128xf32, #tpu.memory_space<hbm>>
        tpu.wait_dma2 semaphore(%run_scoped3A : memref<!tpu.dma_semaphore, #tpu.memory_space<semaphore_mem>>) src(%arg7 : memref<250x128xf32, #tpu.memory_space<vmem>>) dst(%dma_wait3A_141 : memref<250x128xf32, #tpu.memory_space<hbm>>)
        tpu.yield
      }) : () -> ()
    } else {
    }
    return
  }
}

module attributes {stable_mosaic.version = 14 : i64} {
  func.func @_pre_body(%arg0: memref<2500x512xf32, #tpu.memory_space<vmem>>, %arg1: memref<512x128xf32, #tpu.memory_space<vmem>>, %arg2: memref<2x2500x128xf32, #tpu.memory_space<vmem>>, %arg3: memref<2500x128xf32, #tpu.memory_space<vmem>>, %arg4: memref<2500x128xf32, #tpu.memory_space<vmem>>) attributes {dimension_semantics = [], scalar_prefetch = 0 : i64, scratch_operands = 0 : i64, tpu.core_type = #tpu.core_type<tc>} {
    %get3A = arith.constant 0 : index
    %get3A_0 = arith.constant 0 : index
    %get3A_1 = arith.constant 0 : index
    %get3A_2 = vector.load %arg2[%get3A, %get3A_0, %get3A_1] : memref<2x2500x128xf32, #tpu.memory_space<vmem>>, vector<1x2500x128xf32>
    %get3A_3 = vector.shape_cast %get3A_2 : vector<1x2500x128xf32> to vector<2500x128xf32>
    %get3A_4 = arith.constant 1 : index
    %get3A_5 = arith.constant 0 : index
    %get3A_6 = arith.constant 0 : index
    %get3A_7 = vector.load %arg2[%get3A_4, %get3A_5, %get3A_6] : memref<2x2500x128xf32, #tpu.memory_space<vmem>>, vector<1x2500x128xf32>
    %get3A_8 = vector.shape_cast %get3A_7 : vector<1x2500x128xf32> to vector<2500x128xf32>
    %add3A = arith.addf %get3A_3, %get3A_8 : vector<2500x128xf32>
    %sub3A = arith.constant 1.000000e+00 : f32
    %sub3A_9 = vector.broadcast %sub3A : f32 to vector<2500x128xf32>
    %sub3A_10 = arith.subf %add3A, %sub3A_9 : vector<2500x128xf32>
    %rsqrt3A = math.rsqrt %sub3A_10 : vector<2500x128xf32>
    %get3A_11 = arith.constant 0 : index
    %get3A_12 = arith.constant 0 : index
    %get3A_13 = vector.load %arg0[%get3A_11, %get3A_12] : memref<2500x512xf32, #tpu.memory_space<vmem>>, vector<2500x512xf32>
    %get3A_14 = arith.constant 0 : index
    %get3A_15 = arith.constant 0 : index
    %get3A_16 = vector.load %arg1[%get3A_14, %get3A_15] : memref<512x128xf32, #tpu.memory_space<vmem>>, vector<512x128xf32>
    %dot_general3A = arith.constant dense<0.000000e+00> : vector<2500x128xf32>
    %dot_general3A_17 = tpu.matmul %get3A_13, %get3A_16, %dot_general3A {dimension_numbers = #tpu.dot_dimension_numbers<[1], [0], [0], [1], [0, 0, 1, 1], [], []>, transpose_lhs_hint = false} : vector<2500x512xf32>, vector<512x128xf32>, vector<2500x128xf32> -> vector<2500x128xf32>
    %mul3A = arith.mulf %dot_general3A_17, %rsqrt3A : vector<2500x128xf32>
    %swap3A = arith.constant 0 : index
    %swap3A_18 = arith.constant 0 : index
    %swap3A_19 = vector.load %arg3[%swap3A, %swap3A_18] : memref<2500x128xf32, #tpu.memory_space<vmem>>, vector<2500x128xf32>
    tpu.vector_store %arg3[%swap3A, %swap3A_18], %mul3A {strides = array<i32>} : memref<2500x128xf32, #tpu.memory_space<vmem>>, vector<2500x128xf32>,
    %swap3A_20 = arith.constant 0 : index
    %swap3A_21 = arith.constant 0 : index
    %swap3A_22 = vector.load %arg4[%swap3A_20, %swap3A_21] : memref<2500x128xf32, #tpu.memory_space<vmem>>, vector<2500x128xf32>
    tpu.vector_store %arg4[%swap3A_20, %swap3A_21], %rsqrt3A {strides = array<i32>} : memref<2500x128xf32, #tpu.memory_space<vmem>>, vector<2500x128xf32>,
    return
  }
}

module attributes {stable_mosaic.version = 14 : i64} {
  func.func @_mid1_body(%arg0: memref<2x2500x128xf32, #tpu.memory_space<vmem>>, %arg1: memref<2500x128xf32, #tpu.memory_space<vmem>>, %arg2: memref<2500x128xf32, #tpu.memory_space<vmem>>, %arg3: memref<1x128xf32, #tpu.memory_space<vmem>>, %arg4: memref<128x128xf32, #tpu.memory_space<vmem>>, %arg5: memref<2500x128xf32, #tpu.memory_space<vmem>>) attributes {dimension_semantics = [], scalar_prefetch = 0 : i64, scratch_operands = 0 : i64, tpu.core_type = #tpu.core_type<tc>} {
    %get3A = arith.constant 0 : index
    %get3A_0 = arith.constant 0 : index
    %get3A_1 = vector.load %arg2[%get3A, %get3A_0] : memref<2500x128xf32, #tpu.memory_space<vmem>>, vector<2500x128xf32>
    %get3A_2 = arith.constant 0 : index
    %get3A_3 = arith.constant 0 : index
    %get3A_4 = arith.constant 0 : index
    %get3A_5 = vector.load %arg0[%get3A_2, %get3A_3, %get3A_4] : memref<2x2500x128xf32, #tpu.memory_space<vmem>>, vector<1x2500x128xf32>
    %get3A_6 = vector.shape_cast %get3A_5 : vector<1x2500x128xf32> to vector<2500x128xf32>
    %get3A_7 = arith.constant 1 : index
    %get3A_8 = arith.constant 0 : index
    %get3A_9 = arith.constant 0 : index
    %get3A_10 = vector.load %arg0[%get3A_7, %get3A_8, %get3A_9] : memref<2x2500x128xf32, #tpu.memory_space<vmem>>, vector<1x2500x128xf32>
    %get3A_11 = vector.shape_cast %get3A_10 : vector<1x2500x128xf32> to vector<2500x128xf32>
    %add3A = arith.addf %get3A_6, %get3A_11 : vector<2500x128xf32>
    %get3A_12 = arith.constant 0 : index
    %get3A_13 = arith.constant 0 : index
    %get3A_14 = vector.load %arg1[%get3A_12, %get3A_13] : memref<2500x128xf32, #tpu.memory_space<vmem>>, vector<2500x128xf32>
    %sub3A = arith.subf %add3A, %get3A_14 : vector<2500x128xf32>
    %mul3A = arith.mulf %sub3A, %get3A_1 : vector<2500x128xf32>
    %get3A_15 = arith.constant 0 : index
    %get3A_16 = arith.constant 0 : index
    %get3A_17 = vector.load %arg3[%get3A_15, %get3A_16] : memref<1x128xf32, #tpu.memory_space<vmem>>, vector<1x128xf32>
    %add3A_18 = vector.broadcast %get3A_17 : vector<1x128xf32> to vector<2500x128xf32>
    %add3A_19 = arith.addf %mul3A, %add3A_18 : vector<2500x128xf32>
    %max3A = arith.constant 0.000000e+00 : f32
    %max3A_20 = vector.broadcast %max3A : f32 to vector<2500x128xf32>
    %max3A_21 = arith.maximumf %add3A_19, %max3A_20 : vector<2500x128xf32>
    %get3A_22 = arith.constant 0 : index
    %get3A_23 = arith.constant 0 : index
    %get3A_24 = vector.load %arg4[%get3A_22, %get3A_23] : memref<128x128xf32, #tpu.memory_space<vmem>>, vector<128x128xf32>
    %dot_general3A = arith.constant dense<0.000000e+00> : vector<2500x128xf32>
    %dot_general3A_25 = tpu.matmul %max3A_21, %get3A_24, %dot_general3A {dimension_numbers = #tpu.dot_dimension_numbers<[1], [0], [0], [1], [0, 0, 1, 1], [], []>, transpose_lhs_hint = false} : vector<2500x128xf32>, vector<128x128xf32>, vector<2500x128xf32> -> vector<2500x128xf32>
    %mul3A_26 = arith.mulf %dot_general3A_25, %get3A_1 : vector<2500x128xf32>
    %swap3A = arith.constant 0 : index
    %swap3A_27 = arith.constant 0 : index
    %swap3A_28 = vector.load %arg5[%swap3A, %swap3A_27] : memref<2500x128xf32, #tpu.memory_space<vmem>>, vector<2500x128xf32>
    tpu.vector_store %arg5[%swap3A, %swap3A_27], %mul3A_26 {strides = array<i32>} : memref<2500x128xf32, #tpu.memory_space<vmem>>, vector<2500x128xf32>,
    return
  }
}

module attributes {stable_mosaic.version = 14 : i64} {
  func.func @_mid2_body(%arg0: memref<2x2500x128xf32, #tpu.memory_space<vmem>>, %arg1: memref<2500x128xf32, #tpu.memory_space<vmem>>, %arg2: memref<2500x128xf32, #tpu.memory_space<vmem>>, %arg3: memref<1x128xf32, #tpu.memory_space<vmem>>, %arg4: memref<2500x128xf32, #tpu.memory_space<vmem>>) attributes {dimension_semantics = [], scalar_prefetch = 0 : i64, scratch_operands = 0 : i64, tpu.core_type = #tpu.core_type<tc>} {
    %get3A = arith.constant 0 : index
    %get3A_0 = arith.constant 0 : index
    %get3A_1 = vector.load %arg2[%get3A, %get3A_0] : memref<2500x128xf32, #tpu.memory_space<vmem>>, vector<2500x128xf32>
    %get3A_2 = arith.constant 0 : index
    %get3A_3 = arith.constant 0 : index
    %get3A_4 = arith.constant 0 : index
    %get3A_5 = vector.load %arg0[%get3A_2, %get3A_3, %get3A_4] : memref<2x2500x128xf32, #tpu.memory_space<vmem>>, vector<1x2500x128xf32>
    %get3A_6 = vector.shape_cast %get3A_5 : vector<1x2500x128xf32> to vector<2500x128xf32>
    %get3A_7 = arith.constant 1 : index
    %get3A_8 = arith.constant 0 : index
    %get3A_9 = arith.constant 0 : index
    %get3A_10 = vector.load %arg0[%get3A_7, %get3A_8, %get3A_9] : memref<2x2500x128xf32, #tpu.memory_space<vmem>>, vector<1x2500x128xf32>
    %get3A_11 = vector.shape_cast %get3A_10 : vector<1x2500x128xf32> to vector<2500x128xf32>
    %add3A = arith.addf %get3A_6, %get3A_11 : vector<2500x128xf32>
    %get3A_12 = arith.constant 0 : index
    %get3A_13 = arith.constant 0 : index
    %get3A_14 = vector.load %arg1[%get3A_12, %get3A_13] : memref<2500x128xf32, #tpu.memory_space<vmem>>, vector<2500x128xf32>
    %sub3A = arith.subf %add3A, %get3A_14 : vector<2500x128xf32>
    %mul3A = arith.mulf %sub3A, %get3A_1 : vector<2500x128xf32>
    %get3A_15 = arith.constant 0 : index
    %get3A_16 = arith.constant 0 : index
    %get3A_17 = vector.load %arg3[%get3A_15, %get3A_16] : memref<1x128xf32, #tpu.memory_space<vmem>>, vector<1x128xf32>
    %add3A_18 = vector.broadcast %get3A_17 : vector<1x128xf32> to vector<2500x128xf32>
    %add3A_19 = arith.addf %mul3A, %add3A_18 : vector<2500x128xf32>
    %max3A = arith.constant 0.000000e+00 : f32
    %max3A_20 = vector.broadcast %max3A : f32 to vector<2500x128xf32>
    %max3A_21 = arith.maximumf %add3A_19, %max3A_20 : vector<2500x128xf32>
    %mul3A_22 = arith.mulf %max3A_21, %get3A_1 : vector<2500x128xf32>
    %swap3A = arith.constant 0 : index
    %swap3A_23 = arith.constant 0 : index
    %swap3A_24 = vector.load %arg4[%swap3A, %swap3A_23] : memref<2500x128xf32, #tpu.memory_space<vmem>>, vector<2500x128xf32>
    tpu.vector_store %arg4[%swap3A, %swap3A_23], %mul3A_22 {strides = array<i32>} : memref<2500x128xf32, #tpu.memory_space<vmem>>, vector<2500x128xf32>,
    return
  }
}

module attributes {stable_mosaic.version = 14 : i64} {
  func.func @_post_body(%arg0: memref<2x2500x128xf32, #tpu.memory_space<vmem>>, %arg1: memref<2500x128xf32, #tpu.memory_space<vmem>>, %arg2: memref<2500x128xf32, #tpu.memory_space<vmem>>, %arg3: memref<1x160xf32, #tpu.memory_space<vmem>>, %arg4: memref<128x160xf32, #tpu.memory_space<vmem>>, %arg5: memref<2500x160xf32, #tpu.memory_space<vmem>>) attributes {dimension_semantics = [], scalar_prefetch = 0 : i64, scratch_operands = 0 : i64, tpu.core_type = #tpu.core_type<tc>} {
    %get3A = arith.constant 0 : index
    %get3A_0 = arith.constant 0 : index
    %get3A_1 = arith.constant 0 : index
    %get3A_2 = vector.load %arg0[%get3A, %get3A_0, %get3A_1] : memref<2x2500x128xf32, #tpu.memory_space<vmem>>, vector<1x2500x128xf32>
    %get3A_3 = vector.shape_cast %get3A_2 : vector<1x2500x128xf32> to vector<2500x128xf32>
    %get3A_4 = arith.constant 1 : index
    %get3A_5 = arith.constant 0 : index
    %get3A_6 = arith.constant 0 : index
    %get3A_7 = vector.load %arg0[%get3A_4, %get3A_5, %get3A_6] : memref<2x2500x128xf32, #tpu.memory_space<vmem>>, vector<1x2500x128xf32>
    %get3A_8 = vector.shape_cast %get3A_7 : vector<1x2500x128xf32> to vector<2500x128xf32>
    %add3A = arith.addf %get3A_3, %get3A_8 : vector<2500x128xf32>
    %get3A_9 = arith.constant 0 : index
    %get3A_10 = arith.constant 0 : index
    %get3A_11 = vector.load %arg1[%get3A_9, %get3A_10] : memref<2500x128xf32, #tpu.memory_space<vmem>>, vector<2500x128xf32>
    %sub3A = arith.subf %add3A, %get3A_11 : vector<2500x128xf32>
    %get3A_12 = arith.constant 0 : index
    %get3A_13 = arith.constant 0 : index
    %get3A_14 = vector.load %arg2[%get3A_12, %get3A_13] : memref<2500x128xf32, #tpu.memory_space<vmem>>, vector<2500x128xf32>
    %mul3A = arith.mulf %sub3A, %get3A_14 : vector<2500x128xf32>
    %get3A_15 = arith.constant 0 : index
    %get3A_16 = arith.constant 0 : index
    %get3A_17 = vector.load %arg4[%get3A_15, %get3A_16] : memref<128x160xf32, #tpu.memory_space<vmem>>, vector<128x160xf32>
    %dot_general3A = arith.constant dense<0.000000e+00> : vector<2500x160xf32>
    %dot_general3A_18 = tpu.matmul %mul3A, %get3A_17, %dot_general3A {dimension_numbers = #tpu.dot_dimension_numbers<[1], [0], [0], [1], [0, 0, 1, 1], [], []>, transpose_lhs_hint = false} : vector<2500x128xf32>, vector<128x160xf32>, vector<2500x160xf32> -> vector<2500x160xf32>
    %get3A_19 = arith.constant 0 : index
    %get3A_20 = arith.constant 0 : index
    %get3A_21 = vector.load %arg3[%get3A_19, %get3A_20] : memref<1x160xf32, #tpu.memory_space<vmem>>, vector<1x160xf32>
    %add3A_22 = vector.broadcast %get3A_21 : vector<1x160xf32> to vector<2500x160xf32>
    %add3A_23 = arith.addf %dot_general3A_18, %add3A_22 : vector<2500x160xf32>
    %swap3A = arith.constant 0 : index
    %swap3A_24 = arith.constant 0 : index
    %swap3A_25 = vector.load %arg5[%swap3A, %swap3A_24] : memref<2500x160xf32, #tpu.memory_space<vmem>>, vector<2500x160xf32>
    tpu.vector_store %arg5[%swap3A, %swap3A_24], %add3A_23 {strides = array<i32>} : memref<2500x160xf32, #tpu.memory_space<vmem>>, vector<2500x160xf32>,
    return
  }
}

</mosaic_0001>

<sc_bundles>
// kernel: kernel.10.cloned.1.call-start
scs
__scs_entry_jumppad:
0x0: {  	(pc) =	sbr.rel $0x88, $3  }
0x1: {  	(tag) =	ssettag $0x0;
	lr =	simm.s32 $0x1  }
0x2: {  	[smem:$0x3F99] =	sst lr;
	_ =	strace $0xD0000000  }
0x3: {  	_ = 	snop  }
0x4: {  	_ = 	snop  }
0x5: {  	_ = 	snop  }
0x6: {  	_ = 	snop  }
0x7: {  	_ = 	snop  }
__scs_overlays_trampoline_lowered:
0x8: {  	[smem:$0x3FA8] =	sst s0  }
0x9: {  	[smem:$0x3FA9] =	sst s1  }
0xa: {  	[smem:$0x3FAA] =	sst s2  }
0xb: {  	[smem:$0x3FAB] =	sst s3  }
0xc: {  	[smem:$0x3FAC] =	sst s4  }
0xd: {  	[smem:$0x3FAD] =	sst s5  }
0xe: {  	[smem:$0x3FAE] =	sst s6  }
0xf: {  	[smem:$0x3FAF] =	sst s7  }
0x10: {  	[smem:$0x3FB0] =	sst s8  }
0x11: {  	[smem:$0x3FB1] =	sst s9;
	s0 =	simm.s32 @!p0 $0x0  }
0x12: {  	s1 =	sld [smem:$0x3F97];
	s0 =	simm.s32 @p0 $0x1  }
0x13: {  	[smem:$0x3FB2] =	sst s0;
	s0 =	simm.s32 @!p1 $0x0  }
0x14: {  	s2 =	sld [smem:$0x3F96];
	s0 =	simm.s32 @p1 $0x1  }
0x15: {  	[smem:$0x3FB3] =	sst s0;
	s0 =	simm.s32 @!p2 $0x0  }
0x16: {  	s3 =	sld [smem:$0x3FDB];
	s0 =	simm.s32 @p2 $0x1  }
0x17: {  	s4 =	simm.s32 $0x1BF5;
	[smem:$0x3FB5] =	sst s0  }
0x18: {  	s0 =	sld [smem:$0x3F98];
	_ =	swait.ge [sflag:s4], $0x0  }
0x19: {  	s7 =	sld [smem:$0x3F99]  }
0x1a: {  	s8 =	sadd.s32 $0xFFFFE003, lr  }
0x1b: {  	s9 =	sadd.s32 $0xFFFFFEF7, lr;
	s5 =	simm.s32 $0xFFFFFFFF;
	p2 =	slt.u32 s8, $0xFFFFF086  }
0x1c: {  	p1 =	slt.u32 s9, $0xF7A;
	s5 =	simm.s32 @!p2 $0x0  }
0x1d: {  	s5 =	simm.s32 @p1 $0x1;
	p0 =	seq.s32 s7, s2  }
0x1e: {  	s7 =	smul.u32 @!p0 $0xF7A, s2;
	p2 =	seq.s32 @!p0 s5, $0x0  }
0x1f: {  	s9 =	smul.u32 $0xF7A, s1;
	s8 =	simm.s32 @!p0 $0x1BF5;
	p2 =	por !p2, p0  }
0x20: {  	[sflag:s8] =	ssyncset.s32 @!p0 $0xFFFFF086;
	s6 =	sadd.s32 @!p0 s3, s7;
	s7 =	simm.s32 @!p0 $0x108  }
0x21: {  	s3 =	sadd.s32 s3, s9;
	s6 =	sadd.s32 @!p0 $0x88, s6;
	s7 =	simm.s32 @p2 $0x1082  }
0x22: {  	[simem:s7], [sflag:s8] =	dma.local @!p0 [hbm:s6], $0xF7A  }
0x23: {  	s9 =	sor.u32 $0xD0000000, s2;
	s6 =	simm.s32 $0x108;
	_ =	swait.ge @!p0 [sflag:s8], $0x0  }
0x24: {  	s3 =	sadd.s32 $0x88, s3;
	s6 =	simm.s32 @!p1 $0x1082;
	[sflag:s4] =	ssyncset.s32 $0xFFFFF086  }
0x25: {  	[simem:s6], [sflag:s4] =	dma.local [hbm:s3], $0xF7A  }
0x26: {  	[smem:$0x3F99] =	sst s1;
	(tag) =	ssettag s2;
	_ =	strace s9  }
0x27: {  	s1 =	sld [smem:$0x3FA9]  }
0x28: {  	s2 =	sld [smem:$0x3FAA]  }
0x29: {  	s4 =	sld [smem:$0x3FAC]  }
0x2a: {  	p0 =	seq.s32 s5, $0x0;
	s5 =	sld [smem:$0x3FAD]  }
0x2b: {  	s6 =	sld [smem:$0x3FAE]  }
0x2c: {  	s7 =	sld [smem:$0x3FAF]  }
0x2d: {  	s3 =	simm.s32 $0x108;
	s8 =	sld [smem:$0x3FB0]  }
0x2e: {  	s3 =	simm.s32 @!p0 $0x1082;
	s9 =	sld [smem:$0x3FB1]  }
0x2f: {  	lr =	sadd.s32 s0, s3;
	s0 =	sld [smem:$0x3FA8]  }
0x30: {  	s3 =	sld [smem:$0x3FAB]  }
0x31: {  	[smem:$0x3FB4] =	sst s10  }
0x32: {  	s10 =	sld [smem:$0x3FB2];
	_ =	sdelay $0x3  }
0x33: {  	p0 =	seq.s32 s10, $0x1;
	s10 =	sld [smem:$0x3FB4];
	_ =	sdelay $0x3  }
0x34: {  	[smem:$0x3FB4] =	sst s10  }
0x35: {  	s10 =	sld [smem:$0x3FB3];
	_ =	sdelay $0x3  }
0x36: {  	p1 =	seq.s32 s10, $0x1;
	s10 =	sld [smem:$0x3FB4];
	_ =	sdelay $0x3  }
0x37: {  	[smem:$0x3FB4] =	sst s10  }
0x38: {  	s10 =	sld [smem:$0x3FB5]  }
0x39: {  	_ = 	snop;
	(pc) =	sbr.ind lr, $3  }
0x3a: {  	_ = 	snop  }
0x3b: {  	_ = 	snop  }
0x3c: {  	p2 =	seq.s32 s10, $0x1;
	s10 =	sld [smem:$0x3FB4]  }
0x3d: {  	_ =	shalt  }
0x3e: {  	_ =	shalt  }
0x3f: {  	_ =	shalt  }
0x40: {  	_ =	shalt  }
0x41: {  	_ =	shalt  }
0x42: {  	_ =	shalt  }
0x43: {  	_ =	shalt  }
0x44: {  	_ =	shalt  }
0x45: {  	_ =	shalt  }
0x46: {  	_ =	shalt  }
0x47: {  	_ =	shalt  }
0x48: {  	_ =	shalt  }
0x49: {  	_ =	shalt  }
0x4a: {  	_ =	shalt  }
0x4b: {  	_ =	shalt  }
0x4c: {  	_ =	shalt  }
0x4d: {  	_ =	shalt  }
0x4e: {  	_ =	shalt  }
0x4f: {  	_ =	shalt  }
0x50: {  	_ =	shalt  }
0x51: {  	_ =	shalt  }
0x52: {  	_ =	shalt  }
0x53: {  	_ =	shalt  }
0x54: {  	_ =	shalt  }
0x55: {  	_ =	shalt  }
0x56: {  	_ =	shalt  }
0x57: {  	_ =	shalt  }
0x58: {  	_ =	shalt  }
0x59: {  	_ =	shalt  }
0x5a: {  	_ =	shalt  }
0x5b: {  	_ =	shalt  }
0x5c: {  	_ =	shalt  }
0x5d: {  	_ =	shalt  }
0x5e: {  	_ =	shalt  }
0x5f: {  	_ =	shalt  }
0x60: {  	_ =	shalt  }
0x61: {  	_ =	shalt  }
0x62: {  	_ =	shalt  }
0x63: {  	_ =	shalt  }
0x64: {  	_ =	shalt  }
0x65: {  	_ =	shalt  }
0x66: {  	_ =	shalt  }
0x67: {  	_ =	shalt  }
0x68: {  	_ =	shalt  }
0x69: {  	_ =	shalt  }
0x6a: {  	_ =	shalt  }
0x6b: {  	_ =	shalt  }
0x6c: {  	_ =	shalt  }
0x6d: {  	_ =	shalt  }
0x6e: {  	_ =	shalt  }
0x6f: {  	_ =	shalt  }
0x70: {  	_ =	shalt  }
0x71: {  	_ =	shalt  }
0x72: {  	_ =	shalt  }
0x73: {  	_ =	shalt  }
0x74: {  	_ =	shalt  }
0x75: {  	_ =	shalt  }
0x76: {  	_ =	shalt  }
0x77: {  	_ =	shalt  }
0x78: {  	_ =	shalt  }
0x79: {  	_ =	shalt  }
0x7a: {  	_ =	shalt  }
0x7b: {  	_ =	shalt  }
0x7c: {  	_ =	shalt  }
0x7d: {  	_ =	shalt  }
0x7e: {  	_ =	shalt  }
0x7f: {  	_ =	shalt  }
0x80: {  	_ =	shalt  }
0x81: {  	_ =	shalt  }
0x82: {  	_ =	shalt  }
0x83: {  	_ =	shalt  }
0x84: {  	_ =	shalt  }
0x85: {  	_ =	shalt  }
0x86: {  	_ =	shalt  }
0x87: {  	_ =	shalt  }
.Lfunc_end0:
.L_simem_size_0:
called_computation_lowered:
.L_overlay_start_0:
0x88: {  	s2 =	sld [smem:$0x3FD9]  }
0x89: {  	s3 =	sld [smem:$0x3FFE];
	_ =	sdelay $0x1  }
0x8a: {  	s1 =	srdreg.scid  }
0x8b: {  	s0 =	sand.u32 $0x1, s1  }
0x8c: {  	s17 =	sshll.u32 s0, $0xA;
	s2 =	sadd.s32 s3, s2  }
0x8d: {  	s2 =	sadd.s32 s2, s17  }
0x8e: {  	[smem:$0x3FC0] =	sst s2  }
0x8f: {  	_ = 	snop  }
0x90: {  	s2 =	sld [smem:$0x3FC8];
	(tm) =	ssettm $0x1  }
0x91: {  	s18 =	sld [smem:$0x3FFB];
	_ =	sdelay $0x3  }
0x92: {  	_ =	strace s18  }
0x93: {  	s3 =	sld [smem:$0x3FFC];
	_ =	sdelay $0x3  }
0x94: {  	_ =	strace s3  }
0x95: {  	s3 =	sld [smem:$0x3FFD];
	_ =	sdelay $0x3  }
0x96: {  	_ =	strace s3  }
0x97: {  	_ =	strace $0x8FFFFFFF  }
0x98: {  	s19 =	sld [smem:$0x3FDB];
	_ =	sdelay $0x1  }
0x99: {  	s4 =	simm.s32 $_scs_section_size  }
0x9a: {  	s5 =	simm.s32 $_size__tile_overlayer_lowered;
	s6 =	simm.s32 $_tile_overlayer_lowered  }
0x9b: {  	s22 =	simm.s32 $0x1BFF;
	s21 =	sshll.u32 s6, $0x1;
	s3 =	sadd.s32 s4, s19  }
0x9c: {  	s7 =	simm.s32 $0x0;
	s20 =	sshll.u32 s5, $0x1;
	s5 =	sadd.s32 s21, s3  }
0x9d: {  	[timem:s7], [sflag:s22] =	dma.local [hbm:s5], s20  }
0x9e: {  	_ =	swait.ge [sflag:s22], s20  }
0x9f: {  	s4 =	ssub.s32 $0x0, s20;
	[sflag:s22] =	ssyncset.done $0x0  }
0xa0: {  	[sflag:s22] =	ssyncadd.s32 s4;
	_ =	sdelay $0x1  }
0xa1: {  	s23 =	simm.s32 $0x1B8B  }
0xa2: {  	_ =	swait.ge [sflag:s23], $0x1  }
0xa3: {  	[sflag:s23] =	ssyncset.done $0x0  }
0xa4: {  	s25 =	simm.s32 $0x1B8E;
	s24 =	sld [smem:$0x3FFE];
	[sflag:s23] =	ssyncadd.s32 $0xFFFFFFFF  }
0xa5: {  	s26 =	simm.s32 $execute0_lowered;
	[smem:$0x3FD2] =	sst s25  }
0xa6: {  	s5 =	sshll.u32 s26, $0x1;
	_ =	strace $0x80000046;
	[dreg:$0x1] =	wrdreg $0xFFFFFFFF  }
0xa7: {  	s28 =	simm.s32 $_size_execute0_lowered;
	s3 =	sadd.s32 s3, s5;
	[dreg:$0x0] =	wrdreg $0x0  }
0xa8: {  	s5 =	sshll.u32 s28, $0x1;
	[dreg:$0x2] =	wrdreg s3  }
0xa9: {  	[dreg:$0x3] =	wrdreg s5  }
0xaa: {  	[dreg:$0x4] =	wrdreg $0xC0  }
0xab: {  	_ =	task [dreg:s7], $0x5FFFF  }
0xac: {  	[dreg:$0x1] =	wrdreg $0xFFFFFFFF  }
0xad: {  	[dreg:$0x0] =	wrdreg $0x60  }
0xae: {  	[dreg:$0x2] =	wrdreg s2  }
0xaf: {  	[dreg:$0x3] =	wrdreg s24  }
0xb0: {  	[dreg:$0x4] =	wrdreg $0x0  }
0xb1: {  	[dreg:$0x5] =	wrdreg $0x9  }
0xb2: {  	_ =	task.clear_ibuf [dreg:s7], $0x6FFFF;
	_ =	strace $0x90000046  }
0xb3: {  	s29 =	simm.s32 $0x9;
	_ =	strace $0x80000048  }
0xb4: {  	_ =	swait.ge [sflag:s29], $0x1  }
0xb5: {  	[sflag:s29] =	ssyncadd.s32 $0xFFFFFFFF  }
0xb6: {  	_ =	strace $0x90000048  }
0xb7: {  	_ =	sfence  }
0xb8: {  	s30 =	sld [smem:$0x0];
	_ =	sdelay $0x2  }
0xb9: {  	s31 =	sshll.u32 s1, $0xD;
	s1 =	sshrl.u32 s1, $0x2  }
0xba: {  	s3 =	sand.u32 $0x4000, s31;
	s1 =	sadd.s32 s1, s30  }
0xbb: {  	s0 =	sor.u32 s3, s0;
	s1 =	sshll.u32 s1, $0x11  }
0xbc: {  	s0 =	sor.u32 s1, s0  }
0xbd: {  	s0 =	sadd.s32 $0x8F2B, s0  }
0xbe: {  	[sflag:s0] =	ssyncadd.remote.s32 $0x1  }
0xbf: {  	_ =	sfence.sel $0xFFFF  }
0xc0: {  	[dreg:$0x0] =	wrdreg $0xFFFFFFFF;
	(pc) =	sbr.abs _section_cstart, $3  }
0xc1: {  	[dreg:$0x1] =	wrdreg $0xFFFFFFFF  }
0xc2: {  	_ =	task.clear_ibuf [dreg:s7], $0x2FFFF;
	_ =	strace $0x9FFFFFFF  }
0xc3: {  	(tm) =	ssettm $0x7FFFFFFF  }
tec
execute0_lowered:
.L_overlay_start_1:
0x0: {  	(tag) =	ssettag $0x1  }
0x1: {  	s6 =	rddreg [dreg:$0x0]  }
0x2: {  	s4 =	rddreg [dreg:$0x1]  }
0x3: {  	s0 =	srdreg.scid;
	s2 =	rddreg [dreg:$0x2]  }
0x4: {  	s1 =	rddreg [dreg:$0x3];
	s3 =	simm.s32 $0x0;
	s11 =	simm.s32 $0x80  }
0x5: {  	s12 =	simm.s32 $0xE310;
	s13 =	simm.s32 $0x2710;
	s14 =	simm.s32 $0xE410  }
0x6: {  	s15 =	simm.s32 $0xE510;
	s16 =	simm.s32 $0x1;
	s5 =	sand.u32 $0x1, s0  }
0x7: {  	s17 =	simm.s32 $0x6590;
	s0 =	stileid.u32;
	s7 =	smul.u32 $0x4E200, s5  }
0x8: {  	s18 =	simm.s32 $0x0;
	[smem:$0x7FF] =	sst s3;
	s8 =	smul.u32 $0x7D00, s0  }
0x9: {  	_ =	strace $0x80000047;
	s26 =	sshll.u32 s0, $0x1;
	s9 =	ssub.s32 $0x2, s5  }
0xa: {  	s28 =	smul.u32 $0xFA00, s0;
	p0 =	sgt.u32 s0, $0x9;
	s5 =	sor.u32 s5, s26  }
0xb: {  	p1 =	sgt.u32 s0, $0x1;
	s29 =	sshrl.u32 s9, $0x1;
	s10 =	smul.u32 $0x9C0, s5  }
.Ltmp0:
0xc: {  	s7 =	sadd.s32 s8, s7;
	s9 =	ssub.s32 s9, s29;
	(pc) =	sbr.rel .LBB2_1-.Ltmp0, $4  }
0xd: {  	s30 =	sshrl.u32 s28, $0x2;
	s31 =	sshll.u32 s5, $0x5;
	s7 =	sshrl.u32 s7, $0x3  }
0xe: {  	s8 =	smax.u32 s9, $0x1;
	s9 =	simm.s32 $0xE290;
	s7 =	sadd.s32 s7, s4  }
0xf: {  	s4 =	sadd.s32 s30, s2;
	s5 =	sadd.s32 s6, s10;
	s6 =	sadd.s32 s31, s6  }
0x10: {  	v0 =	vimm.f32 $1.000000000e+00;
	s10 =	simm.s32 $0x2;
	s6 =	sadd.s32 $0x13800, s6;
	s7 =	sadd.s32 $0x3200, s7  }
.LBB2_8:
0x11: {  	s19 =	sand.u32 $0x7FE0, s20  }
0x12: {  	[tilespmem:s19+$0x6590] =	vst v1  }
0x13: {  	[tilespmem:s19+$0x65A0] =	vst v1  }
0x14: {  	[hbm4b:s7+s3] =	stream.linear.scatter [tilespmem:s17], [sflag:$0x2], $0x7D00, $0x38;
	[tilespmem:$0x13190] =	vst v63  }
0x15: {  	_ =	swait.ge [sflag:s10], $0x7D00  }
0x16: {  	[sflag:s10] =	ssyncset.done $0x0  }
0x17: {  	[sflag:s10] =	ssyncadd.s32 $0xFFFF8300  }
.LBB2_9:
0x18: {  	s18 =	sadd.s32 $0x1, s18  }
0x19: {  	p2 =	sne.s32 s18, s8  }
.Ltmp1:
0x1a: {  	_ = 	snop;
	(pc) =	sbr.rel @!p2 .LBB2_10-.Ltmp1, $1  }
0x1b: {  	_ =	sdelay $0x3  }
.LBB2_1:
0x1c: {  	s19 =	simm.s32 $0x40;
	s20 =	simm.s32 $0x0  }
.LBB2_2:
0x1d: {  	p2 =	sne.s32 s19, $0xF9C0;
	[tilespmem:s20+$0x2710] =	vst v0;
	s20 =	smov.u32 s19;
	s19 =	sadd.s32 $0x40, s19  }
.Ltmp2:
0x1e: {  	(pc) =	sbr.rel @p2 .LBB2_2-.Ltmp2, $2  }
0x1f: {  	_ =	sdelay $0x2  }
0x20: {  	s20 =	sshra.s32 s20, $0x2  }
0x21: {  	[tilespmem:s20+$0x2710] =	vst v0;
	s19 =	simm.s32 @!p0 $0x2710  }
0x22: {  	[spmem:s4] =	stream.linear.scatter @!p0 [tilespmem:s19], [sflag:$0x2], $0x3E80, $0x38;
	[tilespmem:$0x13190] =	vst v63  }
0x23: {  	s19 =	simm.s32 @!p0 $0x2  }
0x24: {  	_ =	swait.ge @!p0 [sflag:s19], $0x3E80  }
0x25: {  	[sflag:s19] =	ssyncset.done @!p0 $0x0  }
0x26: {  	[sflag:s19] =	ssyncadd.s32 @!p0 $0xFFFFC180  }
0x27: {  	[tilespmem:s9], [sflag:$0x2] =	stream.linear.gather [hbm4b:s5+s3], $0x4E00, $0x38;
	[tilespmem:$0x13190] =	vst v63  }
0x28: {  	_ =	swait.ge [sflag:s10], $0x4E00  }
0x29: {  	[sflag:s10] =	ssyncset.done $0x0  }
0x2a: {  	s20 =	simm.s32 @!p1 $0x13090;
	s19 =	simm.s32 @!p1 $0x0;
	[sflag:s10] =	ssyncadd.s32 $0xFFFFB200  }
0x2b: {  	[tilespmem:s20], [sflag:$0x2] =	stream.linear.gather @!p1 [hbm4b:s6+s19], $0x100, $0x38;
	[tilespmem:$0x13190] =	vst v63  }
0x2c: {  	s19 =	simm.s32 @!p1 $0x2  }
0x2d: {  	_ =	swait.ge @!p1 [sflag:s19], $0x100  }
0x2e: {  	[sflag:s19] =	ssyncset.done @!p1 $0x0  }
0x2f: {  	[sflag:s19] =	ssyncadd.s32 @!p1 $0xFFFFFF00  }
0x30: {  	[bflag:$0x0] =	sbarrier.arrive $0xFFFF  }
0x31: {  	[spmem:s2] =	stream.indirect.scatter.add.f32 [tilespmem:s13], [sflag:$0x1], $0x10, s12, s11, $0xb8;
	[tilespmem:$0x13190] =	vst v63  }
0x32: {  	_ = 	snop  }
0x33: {  	[spmem:s2] =	stream.indirect.scatter.add.f32 [tilespmem:s13], [sflag:$0x1], $0x10, s14, s11, $0xb8;
	[tilespmem:$0x13190] =	vst v63  }
0x34: {  	_ = 	snop  }
0x35: {  	[spmem:s2] =	stream.indirect.scatter.add.f32 [tilespmem:s13], [sflag:$0x1], $0x10, s15, s11, $0xb8;
	[tilespmem:$0x13190] =	vst v63  }
0x36: {  	s31 =	simm.s32 $0xE610  }
0x37: {  	[spmem:s2] =	stream.indirect.scatter.add.f32 [tilespmem:s13], [sflag:$0x1], $0x10, s31, s11, $0xb8;
	[tilespmem:$0x13190] =	vst v63  }
0x38: {  	s19 =	simm.s32 $0x1200;
	_ =	swait.ge [sflag:s16], $0x800  }
.LBB2_4:
0x39: {  	s20 =	sshra.s32 s19, $0x2;
	[sflag:s16] =	ssyncset.done $0x0;
	p2 =	sne.s32 s19, $0x13600  }
.Ltmp3:
0x3a: {  	s20 =	sadd.s32 $0xE290, s20;
	[sflag:s16] =	ssyncadd.s32 $0xFFFFF800;
	(pc) =	sbr.rel @p2 .LBB2_4-.Ltmp3, $3  }
0x3b: {  	[spmem:s2] =	stream.indirect.scatter.add.f32 [tilespmem:s13], [sflag:$0x1], $0x10, s20, s11, $0xb8;
	[tilespmem:$0x13190] =	vst v63  }
0x3c: {  	s19 =	sadd.s32 $0x400, s19;
	_ =	sdelay $0x1  }
0x3d: {  	_ =	swait.ge [sflag:s16], $0x800  }
0x3e: {  	[sflag:s16] =	ssyncset.done $0x0;
	s19 =	simm.s32 @!p1 $0x80  }
0x3f: {  	s20 =	simm.s32 @!p1 $0x13110;
	s21 =	simm.s32 @!p1 $0x2710;
	[sflag:s16] =	ssyncadd.s32 $0xFFFFF800  }
0x40: {  	[spmem:s2] =	stream.indirect.scatter.add.f32 @!p1 [tilespmem:s21], [sflag:$0x1], $0x10, s20, s19, $0xb8;
	[tilespmem:$0x13190] =	vst v63  }
0x41: {  	s19 =	simm.s32 @!p1 $0x1  }
0x42: {  	_ =	swait.ge @!p1 [sflag:s19], $0x800  }
0x43: {  	[sflag:s19] =	ssyncset.done @!p1 $0x0  }
0x44: {  	[sflag:s19] =	ssyncadd.s32 @!p1 $0xFFFFF800  }
0x45: {  	_ =	swait.ge [sflag:s16], $0x800  }
0x46: {  	[sflag:s16] =	ssyncset.done $0x0  }
0x47: {  	[sflag:s16] =	ssyncadd.s32 $0xFFFFF800  }
0x48: {  	_ =	swait.ge [sflag:s16], $0x800  }
0x49: {  	[sflag:s16] =	ssyncset.done $0x0  }
0x4a: {  	[sflag:s16] =	ssyncadd.s32 $0xFFFFF800  }
.Ltmp4:
0x4b: {  	_ =	swait.ge [sflag:s16], $0x800;
	(pc) =	sbr.rel @p0 .LBB2_9-.Ltmp4, $3  }
0x4c: {  	[sflag:s16] =	ssyncset.done $0x0  }
0x4d: {  	[sflag:s16] =	ssyncadd.s32 $0xFFFFF800  }
0x4e: {  	[bflag:$0x0] =	sbarrier.arrive $0xFFFF;
	_ =	sdelay $0x1  }
0x4f: {  	s19 =	simm.s32 $0x2710  }
0x50: {  	[tilespmem:s19], [sflag:$0x2] =	stream.linear.gather [spmem:s4], $0x3E80, $0x38;
	[tilespmem:$0x13190] =	vst v63  }
0x51: {  	_ =	swait.ge [sflag:s10], $0x3E80  }
0x52: {  	[sflag:s10] =	ssyncset.done $0x0  }
0x53: {  	[sflag:s10] =	ssyncadd.s32 $0xFFFFC180  }
0x54: {  	s20 =	simm.s32 $0x0;
	s21 =	simm.s32 $0x20;
	v1 =	vld [tilespmem:s19+$0x0]  }
.LBB2_7:
0x55: {  	p2 =	sne.s32 s21, $0x7CE0;
	_ =	sdelay $0x1  }
.Ltmp5:
0x56: {  	(pc) =	sbr.rel @p2 .LBB2_7-.Ltmp5, $4  }
0x57: {  	s22 =	sand.u32 $0x7FE0, s20;
	s20 =	smov.u32 s21  }
0x58: {  	[tilespmem:s22+$0x6590] =	vst v1  }
0x59: {  	s19 =	sadd.s32 $0x10, s19;
	[tilespmem:s22+$0x65A0] =	vst v1  }
0x5a: {  	s21 =	sadd.s32 $0x20, s21;
	v1 =	vld [tilespmem:s19+$0x0]  }
.Ltmp6:
0x5b: {  	_ = 	snop;
	(pc) =	sbr.rel .LBB2_8-.Ltmp6, $1  }
0x5c: {  	_ =	sdelay $0x3  }
.LBB2_10:
0x5d: {  	_ =	sfence.sel $0x180000  }
0x5e: {  	[bflag:$0x0] =	sbarrier.arrive $0xFFFF  }
0x5f: {  	p0 =	sne.s32 s0, $0x0;
	_ =	strace $0x90000047  }
0x60: {  	s0 =	sadd.s32 @!p0 $0x100000, s1;
	[bflag:$0x2] =	sbarrier.arrive $0xFFFF  }
0x61: {  	[sflag:s0] =	ssyncadd.tile.s32 @!p0 $0x1;
	_ =	shalt  }
.Lfunc_end2:
_tile_overlayer_lowered:
.L_overlay_start_2:
0x62: {  	(tag) =	ssettag $0x2  }
0x63: {  	s0 =	rddreg [dreg:$0x0];
	s2 =	stileid.u32  }
0x64: {  	s1 =	rddreg [dreg:$0x1];
	p0 =	sne.s32 s2, $0x0  }
0x65: {  	s3 =	rddreg [dreg:$0x2];
	[bflag:$0x3] =	sbarrier.arrive $0xFFFF;
	s2 =	simm.s32 @!p0 $0x1C02  }
0x66: {  	[timem:s3], [sflag:s2] =	dma.local @!p0 [hbm:s0], s1  }
0x67: {  	s0 =	simm.s32 @!p0 $0x2  }
0x68: {  	_ =	swait.ge @!p0 [sflag:s0], s1  }
0x69: {  	s1 =	ssub.s32 @!p0 $0x0, s1;
	[sflag:s0] =	ssyncset.done @!p0 $0x0  }
0x6a: {  	[sflag:s0] =	ssyncadd.s32 @!p0 s1  }
0x6b: {  	[bflag:$0x3] =	sbarrier.arrive $0xFFFF  }
0x6c: {  	_ =	shalt  }

// kernel: kernel.13.cloned.1.call-start
scs
__scs_entry_jumppad:
0x0: {  	(pc) =	sbr.rel $0x88, $3  }
0x1: {  	(tag) =	ssettag $0x0;
	lr =	simm.s32 $0x1  }
0x2: {  	[smem:$0x3F99] =	sst lr;
	_ =	strace $0xD0000000  }
0x3: {  	_ = 	snop  }
0x4: {  	_ = 	snop  }
0x5: {  	_ = 	snop  }
0x6: {  	_ = 	snop  }
0x7: {  	_ = 	snop  }
__scs_overlays_trampoline_lowered:
0x8: {  	[smem:$0x3FA8] =	sst s0  }
0x9: {  	[smem:$0x3FA9] =	sst s1  }
0xa: {  	[smem:$0x3FAA] =	sst s2  }
0xb: {  	[smem:$0x3FAB] =	sst s3  }
0xc: {  	[smem:$0x3FAC] =	sst s4  }
0xd: {  	[smem:$0x3FAD] =	sst s5  }
0xe: {  	[smem:$0x3FAE] =	sst s6  }
0xf: {  	[smem:$0x3FAF] =	sst s7  }
0x10: {  	[smem:$0x3FB0] =	sst s8  }
0x11: {  	[smem:$0x3FB1] =	sst s9;
	s0 =	simm.s32 @!p0 $0x0  }
0x12: {  	s1 =	sld [smem:$0x3F97];
	s0 =	simm.s32 @p0 $0x1  }
0x13: {  	[smem:$0x3FB2] =	sst s0;
	s0 =	simm.s32 @!p1 $0x0  }
0x14: {  	s2 =	sld [smem:$0x3F96];
	s0 =	simm.s32 @p1 $0x1  }
0x15: {  	[smem:$0x3FB3] =	sst s0;
	s0 =	simm.s32 @!p2 $0x0  }
0x16: {  	s3 =	sld [smem:$0x3FDB];
	s0 =	simm.s32 @p2 $0x1  }
0x17: {  	s4 =	simm.s32 $0x1BF5;
	[smem:$0x3FB5] =	sst s0  }
0x18: {  	s0 =	sld [smem:$0x3F98];
	_ =	swait.ge [sflag:s4], $0x0  }
0x19: {  	s7 =	sld [smem:$0x3F99]  }
0x1a: {  	s8 =	sadd.s32 $0xFFFFE003, lr  }
0x1b: {  	s9 =	sadd.s32 $0xFFFFFEF7, lr;
	s5 =	simm.s32 $0xFFFFFFFF;
	p2 =	slt.u32 s8, $0xFFFFF086  }
0x1c: {  	p1 =	slt.u32 s9, $0xF7A;
	s5 =	simm.s32 @!p2 $0x0  }
0x1d: {  	s5 =	simm.s32 @p1 $0x1;
	p0 =	seq.s32 s7, s2  }
0x1e: {  	s7 =	smul.u32 @!p0 $0xF7A, s2;
	p2 =	seq.s32 @!p0 s5, $0x0  }
0x1f: {  	s9 =	smul.u32 $0xF7A, s1;
	s8 =	simm.s32 @!p0 $0x1BF5;
	p2 =	por !p2, p0  }
0x20: {  	[sflag:s8] =	ssyncset.s32 @!p0 $0xFFFFF086;
	s6 =	sadd.s32 @!p0 s3, s7;
	s7 =	simm.s32 @!p0 $0x108  }
0x21: {  	s3 =	sadd.s32 s3, s9;
	s6 =	sadd.s32 @!p0 $0x88, s6;
	s7 =	simm.s32 @p2 $0x1082  }
0x22: {  	[simem:s7], [sflag:s8] =	dma.local @!p0 [hbm:s6], $0xF7A  }
0x23: {  	s9 =	sor.u32 $0xD0000000, s2;
	s6 =	simm.s32 $0x108;
	_ =	swait.ge @!p0 [sflag:s8], $0x0  }
0x24: {  	s3 =	sadd.s32 $0x88, s3;
	s6 =	simm.s32 @!p1 $0x1082;
	[sflag:s4] =	ssyncset.s32 $0xFFFFF086  }
0x25: {  	[simem:s6], [sflag:s4] =	dma.local [hbm:s3], $0xF7A  }
0x26: {  	[smem:$0x3F99] =	sst s1;
	(tag) =	ssettag s2;
	_ =	strace s9  }
0x27: {  	s1 =	sld [smem:$0x3FA9]  }
0x28: {  	s2 =	sld [smem:$0x3FAA]  }
0x29: {  	s4 =	sld [smem:$0x3FAC]  }
0x2a: {  	p0 =	seq.s32 s5, $0x0;
	s5 =	sld [smem:$0x3FAD]  }
0x2b: {  	s6 =	sld [smem:$0x3FAE]  }
0x2c: {  	s7 =	sld [smem:$0x3FAF]  }
0x2d: {  	s3 =	simm.s32 $0x108;
	s8 =	sld [smem:$0x3FB0]  }
0x2e: {  	s3 =	simm.s32 @!p0 $0x1082;
	s9 =	sld [smem:$0x3FB1]  }
0x2f: {  	lr =	sadd.s32 s0, s3;
	s0 =	sld [smem:$0x3FA8]  }
0x30: {  	s3 =	sld [smem:$0x3FAB]  }
0x31: {  	[smem:$0x3FB4] =	sst s10  }
0x32: {  	s10 =	sld [smem:$0x3FB2];
	_ =	sdelay $0x3  }
0x33: {  	p0 =	seq.s32 s10, $0x1;
	s10 =	sld [smem:$0x3FB4];
	_ =	sdelay $0x3  }
0x34: {  	[smem:$0x3FB4] =	sst s10  }
0x35: {  	s10 =	sld [smem:$0x3FB3];
	_ =	sdelay $0x3  }
0x36: {  	p1 =	seq.s32 s10, $0x1;
	s10 =	sld [smem:$0x3FB4];
	_ =	sdelay $0x3  }
0x37: {  	[smem:$0x3FB4] =	sst s10  }
0x38: {  	s10 =	sld [smem:$0x3FB5]  }
0x39: {  	_ = 	snop;
	(pc) =	sbr.ind lr, $3  }
0x3a: {  	_ = 	snop  }
0x3b: {  	_ = 	snop  }
0x3c: {  	p2 =	seq.s32 s10, $0x1;
	s10 =	sld [smem:$0x3FB4]  }
0x3d: {  	_ =	shalt  }
0x3e: {  	_ =	shalt  }
0x3f: {  	_ =	shalt  }
0x40: {  	_ =	shalt  }
0x41: {  	_ =	shalt  }
0x42: {  	_ =	shalt  }
0x43: {  	_ =	shalt  }
0x44: {  	_ =	shalt  }
0x45: {  	_ =	shalt  }
0x46: {  	_ =	shalt  }
0x47: {  	_ =	shalt  }
0x48: {  	_ =	shalt  }
0x49: {  	_ =	shalt  }
0x4a: {  	_ =	shalt  }
0x4b: {  	_ =	shalt  }
0x4c: {  	_ =	shalt  }
0x4d: {  	_ =	shalt  }
0x4e: {  	_ =	shalt  }
0x4f: {  	_ =	shalt  }
0x50: {  	_ =	shalt  }
0x51: {  	_ =	shalt  }
0x52: {  	_ =	shalt  }
0x53: {  	_ =	shalt  }
0x54: {  	_ =	shalt  }
0x55: {  	_ =	shalt  }
0x56: {  	_ =	shalt  }
0x57: {  	_ =	shalt  }
0x58: {  	_ =	shalt  }
0x59: {  	_ =	shalt  }
0x5a: {  	_ =	shalt  }
0x5b: {  	_ =	shalt  }
0x5c: {  	_ =	shalt  }
0x5d: {  	_ =	shalt  }
0x5e: {  	_ =	shalt  }
0x5f: {  	_ =	shalt  }
0x60: {  	_ =	shalt  }
0x61: {  	_ =	shalt  }
0x62: {  	_ =	shalt  }
0x63: {  	_ =	shalt  }
0x64: {  	_ =	shalt  }
0x65: {  	_ =	shalt  }
0x66: {  	_ =	shalt  }
0x67: {  	_ =	shalt  }
0x68: {  	_ =	shalt  }
0x69: {  	_ =	shalt  }
0x6a: {  	_ =	shalt  }
0x6b: {  	_ =	shalt  }
0x6c: {  	_ =	shalt  }
0x6d: {  	_ =	shalt  }
0x6e: {  	_ =	shalt  }
0x6f: {  	_ =	shalt  }
0x70: {  	_ =	shalt  }
0x71: {  	_ =	shalt  }
0x72: {  	_ =	shalt  }
0x73: {  	_ =	shalt  }
0x74: {  	_ =	shalt  }
0x75: {  	_ =	shalt  }
0x76: {  	_ =	shalt  }
0x77: {  	_ =	shalt  }
0x78: {  	_ =	shalt  }
0x79: {  	_ =	shalt  }
0x7a: {  	_ =	shalt  }
0x7b: {  	_ =	shalt  }
0x7c: {  	_ =	shalt  }
0x7d: {  	_ =	shalt  }
0x7e: {  	_ =	shalt  }
0x7f: {  	_ =	shalt  }
0x80: {  	_ =	shalt  }
0x81: {  	_ =	shalt  }
0x82: {  	_ =	shalt  }
0x83: {  	_ =	shalt  }
0x84: {  	_ =	shalt  }
0x85: {  	_ =	shalt  }
0x86: {  	_ =	shalt  }
0x87: {  	_ =	shalt  }
.Lfunc_end0:
.L_simem_size_0:
called_computation.1_lowered:
.L_overlay_start_0:
0x88: {  	s2 =	sld [smem:$0x3FD9]  }
0x89: {  	s3 =	sld [smem:$0x3FFE];
	_ =	sdelay $0x1  }
0x8a: {  	s1 =	srdreg.scid  }
0x8b: {  	s0 =	sand.u32 $0x1, s1  }
0x8c: {  	s17 =	sshll.u32 s0, $0xA;
	s2 =	sadd.s32 s3, s2  }
0x8d: {  	s2 =	sadd.s32 s2, s17  }
0x8e: {  	[smem:$0x3FC0] =	sst s2  }
0x8f: {  	_ = 	snop  }
0x90: {  	s2 =	sld [smem:$0x3FC8]  }
0x91: {  	s18 =	sld [smem:$0x3FD0];
	(tm) =	ssettm $0x1  }
0x92: {  	s4 =	sld [smem:$0x3FFB];
	_ =	sdelay $0x3  }
0x93: {  	_ =	strace s4  }
0x94: {  	s4 =	sld [smem:$0x3FFC];
	_ =	sdelay $0x3  }
0x95: {  	_ =	strace s4  }
0x96: {  	s4 =	sld [smem:$0x3FFD];
	_ =	sdelay $0x3  }
0x97: {  	_ =	strace s4  }
0x98: {  	_ =	strace $0x8FFFFFFF  }
0x99: {  	s19 =	sld [smem:$0x3FDB];
	_ =	sdelay $0x1  }
0x9a: {  	s5 =	simm.s32 $_scs_section_size  }
0x9b: {  	s6 =	simm.s32 $_size__tile_overlayer_lowered;
	s7 =	simm.s32 $_tile_overlayer_lowered  }
0x9c: {  	s22 =	simm.s32 $0x1BFF;
	s21 =	sshll.u32 s7, $0x1;
	s4 =	sadd.s32 s5, s19  }
0x9d: {  	s8 =	simm.s32 $0x0;
	s20 =	sshll.u32 s6, $0x1;
	s6 =	sadd.s32 s21, s4  }
0x9e: {  	[timem:s8], [sflag:s22] =	dma.local [hbm:s6], s20  }
0x9f: {  	_ =	swait.ge [sflag:s22], s20  }
0xa0: {  	s5 =	ssub.s32 $0x0, s20;
	[sflag:s22] =	ssyncset.done $0x0  }
0xa1: {  	[sflag:s22] =	ssyncadd.s32 s5;
	_ =	sdelay $0x1  }
0xa2: {  	s23 =	simm.s32 $0x1B8B  }
0xa3: {  	_ =	swait.ge [sflag:s23], $0x1  }
0xa4: {  	[sflag:s23] =	ssyncset.done $0x0  }
0xa5: {  	s25 =	simm.s32 $0x1B8E;
	s24 =	sld [smem:$0x3FFE];
	[sflag:s23] =	ssyncadd.s32 $0xFFFFFFFF  }
0xa6: {  	s26 =	simm.s32 $execute0_lowered;
	[smem:$0x3FD2] =	sst s25  }
0xa7: {  	s6 =	sshll.u32 s26, $0x1;
	_ =	strace $0x80000049;
	[dreg:$0x1] =	wrdreg $0xFFFFFFFF  }
0xa8: {  	s28 =	simm.s32 $_size_execute0_lowered;
	s4 =	sadd.s32 s4, s6;
	[dreg:$0x0] =	wrdreg $0x0  }
0xa9: {  	s6 =	sshll.u32 s28, $0x1;
	[dreg:$0x2] =	wrdreg s4  }
0xaa: {  	[dreg:$0x3] =	wrdreg s6  }
0xab: {  	[dreg:$0x4] =	wrdreg $0xC0  }
0xac: {  	_ =	task [dreg:s8], $0x5FFFF  }
0xad: {  	[dreg:$0x1] =	wrdreg $0xFFFFFFFF  }
0xae: {  	[dreg:$0x0] =	wrdreg $0x60  }
0xaf: {  	[dreg:$0x2] =	wrdreg s18  }
0xb0: {  	[dreg:$0x3] =	wrdreg s2  }
0xb1: {  	[dreg:$0x4] =	wrdreg s24  }
0xb2: {  	[dreg:$0x5] =	wrdreg $0x0  }
0xb3: {  	[dreg:$0x6] =	wrdreg $0x9  }
0xb4: {  	_ =	task.clear_ibuf [dreg:s8], $0x7FFFF;
	_ =	strace $0x90000049  }
0xb5: {  	s29 =	simm.s32 $0x9;
	_ =	strace $0x8000004B  }
0xb6: {  	_ =	swait.ge [sflag:s29], $0x1  }
0xb7: {  	[sflag:s29] =	ssyncadd.s32 $0xFFFFFFFF  }
0xb8: {  	_ =	strace $0x9000004B  }
0xb9: {  	_ =	sfence  }
0xba: {  	s30 =	sld [smem:$0x0];
	_ =	sdelay $0x2  }
0xbb: {  	s31 =	sshll.u32 s1, $0xD;
	s1 =	sshrl.u32 s1, $0x2  }
0xbc: {  	s3 =	sand.u32 $0x4000, s31;
	s1 =	sadd.s32 s1, s30  }
0xbd: {  	s0 =	sor.u32 s3, s0;
	s1 =	sshll.u32 s1, $0x11  }
0xbe: {  	s0 =	sor.u32 s1, s0  }
0xbf: {  	s0 =	sadd.s32 $0x8F2B, s0  }
0xc0: {  	[sflag:s0] =	ssyncadd.remote.s32 $0x1  }
0xc1: {  	_ =	sfence.sel $0xFFFF  }
0xc2: {  	[dreg:$0x0] =	wrdreg $0xFFFFFFFF;
	(pc) =	sbr.abs _section_cstart, $3  }
0xc3: {  	[dreg:$0x1] =	wrdreg $0xFFFFFFFF  }
0xc4: {  	_ =	task.clear_ibuf [dreg:s8], $0x2FFFF;
	_ =	strace $0x9FFFFFFF  }
0xc5: {  	(tm) =	ssettm $0x7FFFFFFF  }
tec
execute0_lowered:
.L_overlay_start_1:
0x0: {  	(tag) =	ssettag $0x1  }
0x1: {  	s1 =	rddreg [dreg:$0x0]  }
0x2: {  	s0 =	rddreg [dreg:$0x1]  }
0x3: {  	s2 =	srdreg.scid;
	s4 =	rddreg [dreg:$0x2]  }
0x4: {  	s13 =	stileid.u32;
	s3 =	rddreg [dreg:$0x3];
	s7 =	simm.s32 $0x0  }
0x5: {  	s11 =	simm.s32 $0x14820;
	s12 =	simm.s32 $0xD;
	s14 =	simm.s32 $0x19720  }
0x6: {  	s16 =	simm.s32 $0x1A720;
	s18 =	simm.s32 $0x1B720;
	s20 =	simm.s32 $0x1C720  }
0x7: {  	s28 =	simm.s32 $0x2;
	s29 =	simm.s32 $0x3;
	s30 =	simm.s32 $0x4  }
0x8: {  	s31 =	simm.s32 $0x5;
	s15 =	simm.s32 $0x7;
	s17 =	simm.s32 $0x8  }
0x9: {  	s19 =	simm.s32 $0x9;
	s2 =	sand.u32 $0x1, s2;
	s5 =	smul.u32 $0x7D00, s13  }
0xa: {  	[smem:$0x7FF] =	sst s7;
	s21 =	sshll.u32 s13, $0x1;
	s9 =	smul.u32 $0x1F400, s13  }
0xb: {  	p0 =	sgt.u32 s13, $0x1;
	p1 =	sgt.u32 s13, $0x9;
	s13 =	simm.s32 $0x80  }
0xc: {  	s6 =	smul.u32 $0x4E200, s2;
	_ =	strace $0x8000004A;
	s7 =	sor.u32 s2, s21  }
0xd: {  	s2 =	ssub.s32 $0x2, s2;
	s21 =	simm.s32 $0xA;
	s22 =	smul.u32 $0x9C0, s7  }
0xe: {  	s8 =	sshrl.u32 s2, $0x1;
	s7 =	sshll.u32 s7, $0x5;
	s23 =	sshrl.u32 s5, $0x3  }
0xf: {  	s24 =	sshrl.u32 s9, $0x2;
	s6 =	sadd.s32 s5, s6;
	s2 =	ssub.s32 s2, s8  }
0x10: {  	s5 =	sadd.s32 s5, s3;
	s25 =	sadd.s32 s24, s3;
	s24 =	simm.s32 $0x1E720  }
0x11: {  	s8 =	simm.s32 $0x0;
	s6 =	sshrl.u32 s6, $0x3;
	[dreg:$0x7] =	wrdreg s25  }
0x12: {  	s10 =	smax.u32 s2, $0x1;
	s25 =	sshrl.u32 @!p1 s5, $0x3;
	s2 =	simm.s32 $0x6  }
.Ltmp0:
0x13: {  	s4 =	sadd.s32 s6, s4;
	s6 =	sadd.s32 s0, s22;
	(pc) =	sbr.rel .LBB2_1-.Ltmp0, $4  }
0x14: {  	s0 =	sadd.s32 s7, s0;
	s7 =	sadd.s32 s1, s23;
	s22 =	simm.s32 $0x1D720  }
0x15: {  	s23 =	simm.s32 $0xB;
	[dreg:$0x5] =	wrdreg s6;
	s0 =	sadd.s32 $0x13800, s0  }
0x16: {  	s6 =	simm.s32 $0x0;
	s26 =	sadd.s32 $0x3200, s4;
	[dreg:$0x6] =	wrdreg s0  }
0x17: {  	[dreg:$0x8] =	wrdreg s26;
	s26 =	simm.s32 $0x1;
	s0 =	simm.s32 $0xC  }
.LBB2_8:
0x18: {  	s5 =	sand.u32 $0x7FE0, s9  }
0x19: {  	[tilespmem:s5+$0xCB20] =	vst v0  }
0x1a: {  	v0 =	vld [tilespmem:s4+$0x0];
	_ =	sdelay $0x4  }
0x1b: {  	s6 =	simm.s32 $0x0;
	s9 =	simm.s32 $0xCB20;
	[tilespmem:s5+$0xCB30] =	vst v0;
	s5 =	rddreg [dreg:$0x8]  }
0x1c: {  	[hbm4b:s5+s6] =	stream.linear.scatter [tilespmem:s9], [sflag:$0xD], $0x7D00, $0x38;
	[tilespmem:$0x1F720] =	vst v63  }
0x1d: {  	_ =	swait.ge [sflag:s12], $0x7D00  }
0x1e: {  	[sflag:s12] =	ssyncset.done $0x0  }
0x1f: {  	[sflag:s12] =	ssyncadd.s32 $0xFFFF8300  }
.LBB2_9:
0x20: {  	s8 =	sadd.s32 $0x1, s8  }
0x21: {  	p2 =	sne.s32 s8, s10  }
.Ltmp1:
0x22: {  	_ = 	snop;
	(pc) =	sbr.rel @!p2 .LBB2_10-.Ltmp1, $1  }
0x23: {  	_ =	sdelay $0x3  }
.LBB2_1:
0x24: {  	s4 =	rddreg [dreg:$0x5]  }
0x25: {  	[tilespmem:s11], [sflag:$0xD] =	stream.linear.gather [hbm4b:s4+s6], $0x4E00, $0x38;
	[tilespmem:$0x1F720] =	vst v63  }
0x26: {  	_ =	swait.ge [sflag:s12], $0x4E00  }
0x27: {  	s5 =	simm.s32 @!p0 $0x19620;
	[sflag:s12] =	ssyncset.done $0x0  }
0x28: {  	s4 =	simm.s32 @!p0 $0x0;
	s9 =	rddreg [dreg:$0x6];
	[sflag:s12] =	ssyncadd.s32 $0xFFFFB200  }
0x29: {  	[tilespmem:s5], [sflag:$0xD] =	stream.linear.gather @!p0 [hbm4b:s9+s4], $0x100, $0x38;
	[tilespmem:$0x1F720] =	vst v63  }
0x2a: {  	s4 =	simm.s32 @!p0 $0xD  }
0x2b: {  	_ =	swait.ge @!p0 [sflag:s4], $0x100  }
0x2c: {  	[sflag:s4] =	ssyncset.done @!p0 $0x0  }
0x2d: {  	[sflag:s4] =	ssyncadd.s32 @!p0 $0xFFFFFF00  }
0x2e: {  	[tilespmem:s14], [sflag:$0x1] =	stream.indirect.gather [hbm4b:s1+s13], $0x20, s11, s13, $0xb8;
	[tilespmem:$0x1F720] =	vst v63  }
0x2f: {  	s5 =	simm.s32 $0x14920  }
0x30: {  	[tilespmem:s16], [sflag:$0x2] =	stream.indirect.gather [hbm4b:s1+s13], $0x20, s5, s13, $0xb8;
	[tilespmem:$0x1F720] =	vst v63  }
0x31: {  	s9 =	simm.s32 $0x14A20  }
0x32: {  	[tilespmem:s18], [sflag:$0x3] =	stream.indirect.gather [hbm4b:s1+s13], $0x20, s9, s13, $0xb8;
	[tilespmem:$0x1F720] =	vst v63  }
0x33: {  	s4 =	stileid.u32;
	s5 =	simm.s32 $0x14B20  }
0x34: {  	[tilespmem:s20], [sflag:$0x4] =	stream.indirect.gather [hbm4b:s1+s13], $0x20, s5, s13, $0xb8;
	[tilespmem:$0x1F720] =	vst v63  }
0x35: {  	s4 =	sshll.u32 @!p1 s4, $0x6;
	s9 =	simm.s32 $0x14C20  }
0x36: {  	[tilespmem:s22], [sflag:$0x5] =	stream.indirect.gather [hbm4b:s1+s13], $0x20, s9, s13, $0xb8;
	[tilespmem:$0x1F720] =	vst v63  }
0x37: {  	s4 =	sor.u32 @!p1 $0x1C0D, s4;
	s5 =	simm.s32 $0x14D20  }
0x38: {  	[tilespmem:s24], [sflag:$0x6] =	stream.indirect.gather [hbm4b:s1+s13], $0x20, s5, s13, $0xb8;
	[tilespmem:$0x1F720] =	vst v63  }
0x39: {  	[spmem:s25], [sflag:s4] =	dma.local @!p1 [hbm:s7], $0xFA0  }
0x3a: {  	s4 =	simm.s32 @!p1 $0xD  }
0x3b: {  	_ =	swait.ge @!p1 [sflag:s4], $0xFA0  }
0x3c: {  	[sflag:s4] =	ssyncset.done @!p1 $0x0  }
0x3d: {  	[sflag:s4] =	ssyncadd.s32 @!p1 $0xFFFFF060  }
0x3e: {  	[bflag:$0x0] =	sbarrier.arrive $0xFFFF  }
0x3f: {  	_ =	swait.ge [sflag:s26], $0x1000  }
0x40: {  	[sflag:s26] =	ssyncset.done $0x0  }
0x41: {  	s9 =	simm.s32 $0x148A0;
	[sflag:s26] =	ssyncadd.s32 $0xFFFFF000  }
0x42: {  	[spmem:s3] =	stream.indirect.scatter.add.f32 [tilespmem:s14], [sflag:$0x7], $0x20, s9, s13, $0xb8;
	[tilespmem:$0x1F720] =	vst v63  }
0x43: {  	_ =	swait.ge [sflag:s28], $0x1000  }
0x44: {  	[sflag:s28] =	ssyncset.done $0x0  }
0x45: {  	s5 =	simm.s32 $0x149A0;
	[sflag:s28] =	ssyncadd.s32 $0xFFFFF000  }
0x46: {  	[spmem:s3] =	stream.indirect.scatter.add.f32 [tilespmem:s16], [sflag:$0x8], $0x20, s5, s13, $0xb8;
	[tilespmem:$0x1F720] =	vst v63  }
0x47: {  	_ =	swait.ge [sflag:s29], $0x1000  }
0x48: {  	[sflag:s29] =	ssyncset.done $0x0  }
0x49: {  	s9 =	simm.s32 $0x14AA0;
	[sflag:s29] =	ssyncadd.s32 $0xFFFFF000  }
0x4a: {  	[spmem:s3] =	stream.indirect.scatter.add.f32 [tilespmem:s18], [sflag:$0x9], $0x20, s9, s13, $0xb8;
	[tilespmem:$0x1F720] =	vst v63  }
0x4b: {  	_ =	swait.ge [sflag:s30], $0x1000  }
0x4c: {  	[sflag:s30] =	ssyncset.done $0x0  }
0x4d: {  	s5 =	simm.s32 $0x14BA0;
	[sflag:s30] =	ssyncadd.s32 $0xFFFFF000  }
0x4e: {  	[spmem:s3] =	stream.indirect.scatter.add.f32 [tilespmem:s20], [sflag:$0xA], $0x20, s5, s13, $0xb8;
	[tilespmem:$0x1F720] =	vst v63  }
0x4f: {  	_ =	swait.ge [sflag:s31], $0x1000  }
0x50: {  	[sflag:s31] =	ssyncset.done $0x0  }
0x51: {  	s9 =	simm.s32 $0x14CA0;
	[sflag:s31] =	ssyncadd.s32 $0xFFFFF000  }
0x52: {  	[spmem:s3] =	stream.indirect.scatter.add.f32 [tilespmem:s22], [sflag:$0xB], $0x20, s9, s13, $0xb8;
	[tilespmem:$0x1F720] =	vst v63  }
0x53: {  	_ =	swait.ge [sflag:s2], $0x1000  }
0x54: {  	[sflag:s2] =	ssyncset.done $0x0  }
0x55: {  	s5 =	simm.s32 $0x14DA0;
	[sflag:s2] =	ssyncadd.s32 $0xFFFFF000  }
0x56: {  	[spmem:s3] =	stream.indirect.scatter.add.f32 [tilespmem:s24], [sflag:$0xC], $0x20, s5, s13, $0xb8;
	[tilespmem:$0x1F720] =	vst v63  }
0x57: {  	_ =	swait.ge [sflag:s15], $0x1000  }
0x58: {  	[sflag:s15] =	ssyncset.done $0x0  }
0x59: {  	s9 =	simm.s32 $0x14E20;
	[sflag:s15] =	ssyncadd.s32 $0xFFFFF000  }
0x5a: {  	[tilespmem:s14], [sflag:$0x1] =	stream.indirect.gather [hbm4b:s1+s13], $0x20, s9, s13, $0xb8;
	[tilespmem:$0x1F720] =	vst v63  }
0x5b: {  	_ =	swait.ge [sflag:s17], $0x1000  }
0x5c: {  	[sflag:s17] =	ssyncset.done $0x0  }
0x5d: {  	s5 =	simm.s32 $0x14F20;
	[sflag:s17] =	ssyncadd.s32 $0xFFFFF000  }
0x5e: {  	[tilespmem:s16], [sflag:$0x2] =	stream.indirect.gather [hbm4b:s1+s13], $0x20, s5, s13, $0xb8;
	[tilespmem:$0x1F720] =	vst v63  }
0x5f: {  	_ =	swait.ge [sflag:s19], $0x1000  }
0x60: {  	[sflag:s19] =	ssyncset.done $0x0  }
0x61: {  	s9 =	simm.s32 $0x15020;
	[sflag:s19] =	ssyncadd.s32 $0xFFFFF000  }
0x62: {  	[tilespmem:s18], [sflag:$0x3] =	stream.indirect.gather [hbm4b:s1+s13], $0x20, s9, s13, $0xb8;
	[tilespmem:$0x1F720] =	vst v63  }
0x63: {  	_ =	swait.ge [sflag:s21], $0x1000  }
0x64: {  	[sflag:s21] =	ssyncset.done $0x0  }
0x65: {  	s5 =	simm.s32 $0x15120;
	[sflag:s21] =	ssyncadd.s32 $0xFFFFF000  }
0x66: {  	[tilespmem:s20], [sflag:$0x4] =	stream.indirect.gather [hbm4b:s1+s13], $0x20, s5, s13, $0xb8;
	[tilespmem:$0x1F720] =	vst v63  }
0x67: {  	_ =	swait.ge [sflag:s23], $0x1000  }
0x68: {  	[sflag:s23] =	ssyncset.done $0x0  }
0x69: {  	s9 =	simm.s32 $0x15220;
	[sflag:s23] =	ssyncadd.s32 $0xFFFFF000  }
0x6a: {  	[tilespmem:s22], [sflag:$0x5] =	stream.indirect.gather [hbm4b:s1+s13], $0x20, s9, s13, $0xb8;
	[tilespmem:$0x1F720] =	vst v63  }
0x6b: {  	_ =	swait.ge [sflag:s0], $0x1000  }
0x6c: {  	[sflag:s0] =	ssyncset.done $0x0  }
0x6d: {  	s4 =	simm.s32 $0x15320;
	s9 =	simm.s32 $0x1800;
	[sflag:s0] =	ssyncadd.s32 $0xFFFFF000  }
.LBB2_2:
0x6e: {  	[tilespmem:s24], [sflag:$0x6] =	stream.indirect.gather [hbm4b:s1+s13], $0x20, s4, s13, $0xb8;
	[tilespmem:$0x1F720] =	vst v63  }
0x6f: {  	s4 =	smov.u32 s9  }
0x70: {  	p2 =	sne.s32 s9, $0x10800;
	s9 =	sadd.s32 $0x1800, s9;
	_ =	swait.ge [sflag:s26], $0x1000  }
0x71: {  	s4 =	sshra.s32 s4, $0x2;
	[sflag:s26] =	ssyncset.done $0x0  }
0x72: {  	s5 =	sadd.s32 $0x148A0, s4;
	[sflag:s26] =	ssyncadd.s32 $0xFFFFF000  }
0x73: {  	[spmem:s3] =	stream.indirect.scatter.add.f32 [tilespmem:s14], [sflag:$0x7], $0x20, s5, s13, $0xb8;
	[tilespmem:$0x1F720] =	vst v63  }
0x74: {  	_ =	swait.ge [sflag:s28], $0x1000  }
0x75: {  	[sflag:s28] =	ssyncset.done $0x0  }
0x76: {  	s5 =	sadd.s32 $0x149A0, s4;
	[sflag:s28] =	ssyncadd.s32 $0xFFFFF000  }
0x77: {  	[spmem:s3] =	stream.indirect.scatter.add.f32 [tilespmem:s16], [sflag:$0x8], $0x20, s5, s13, $0xb8;
	[tilespmem:$0x1F720] =	vst v63  }
0x78: {  	_ =	swait.ge [sflag:s29], $0x1000  }
0x79: {  	[sflag:s29] =	ssyncset.done $0x0  }
0x7a: {  	s5 =	sadd.s32 $0x14AA0, s4;
	[sflag:s29] =	ssyncadd.s32 $0xFFFFF000  }
0x7b: {  	[spmem:s3] =	stream.indirect.scatter.add.f32 [tilespmem:s18], [sflag:$0x9], $0x20, s5, s13, $0xb8;
	[tilespmem:$0x1F720] =	vst v63  }
0x7c: {  	_ =	swait.ge [sflag:s30], $0x1000  }
0x7d: {  	[sflag:s30] =	ssyncset.done $0x0  }
0x7e: {  	s5 =	sadd.s32 $0x14BA0, s4;
	[sflag:s30] =	ssyncadd.s32 $0xFFFFF000  }
0x7f: {  	[spmem:s3] =	stream.indirect.scatter.add.f32 [tilespmem:s20], [sflag:$0xA], $0x20, s5, s13, $0xb8;
	[tilespmem:$0x1F720] =	vst v63  }
0x80: {  	_ =	swait.ge [sflag:s31], $0x1000  }
0x81: {  	[sflag:s31] =	ssyncset.done $0x0  }
0x82: {  	s5 =	sadd.s32 $0x14CA0, s4;
	[sflag:s31] =	ssyncadd.s32 $0xFFFFF000  }
0x83: {  	[spmem:s3] =	stream.indirect.scatter.add.f32 [tilespmem:s22], [sflag:$0xB], $0x20, s5, s13, $0xb8;
	[tilespmem:$0x1F720] =	vst v63  }
0x84: {  	_ =	swait.ge [sflag:s2], $0x1000  }
0x85: {  	[sflag:s2] =	ssyncset.done $0x0  }
0x86: {  	s5 =	sadd.s32 $0x14DA0, s4;
	[sflag:s2] =	ssyncadd.s32 $0xFFFFF000  }
0x87: {  	[spmem:s3] =	stream.indirect.scatter.add.f32 [tilespmem:s24], [sflag:$0xC], $0x20, s5, s13, $0xb8;
	[tilespmem:$0x1F720] =	vst v63  }
0x88: {  	_ =	swait.ge [sflag:s15], $0x1000  }
0x89: {  	[sflag:s15] =	ssyncset.done $0x0  }
0x8a: {  	s5 =	sadd.s32 $0x14E20, s4;
	[sflag:s15] =	ssyncadd.s32 $0xFFFFF000  }
0x8b: {  	[tilespmem:s14], [sflag:$0x1] =	stream.indirect.gather [hbm4b:s1+s13], $0x20, s5, s13, $0xb8;
	[tilespmem:$0x1F720] =	vst v63  }
0x8c: {  	_ =	swait.ge [sflag:s17], $0x1000  }
0x8d: {  	[sflag:s17] =	ssyncset.done $0x0  }
0x8e: {  	s5 =	sadd.s32 $0x14F20, s4;
	[sflag:s17] =	ssyncadd.s32 $0xFFFFF000  }
0x8f: {  	[tilespmem:s16], [sflag:$0x2] =	stream.indirect.gather [hbm4b:s1+s13], $0x20, s5, s13, $0xb8;
	[tilespmem:$0x1F720] =	vst v63  }
0x90: {  	_ =	swait.ge [sflag:s19], $0x1000  }
0x91: {  	[sflag:s19] =	ssyncset.done $0x0  }
0x92: {  	s5 =	sadd.s32 $0x15020, s4;
	[sflag:s19] =	ssyncadd.s32 $0xFFFFF000  }
0x93: {  	[tilespmem:s18], [sflag:$0x3] =	stream.indirect.gather [hbm4b:s1+s13], $0x20, s5, s13, $0xb8;
	[tilespmem:$0x1F720] =	vst v63  }
0x94: {  	_ =	swait.ge [sflag:s21], $0x1000  }
0x95: {  	[sflag:s21] =	ssyncset.done $0x0  }
0x96: {  	s5 =	sadd.s32 $0x15120, s4;
	[sflag:s21] =	ssyncadd.s32 $0xFFFFF000  }
0x97: {  	[tilespmem:s20], [sflag:$0x4] =	stream.indirect.gather [hbm4b:s1+s13], $0x20, s5, s13, $0xb8;
	[tilespmem:$0x1F720] =	vst v63  }
0x98: {  	_ =	swait.ge [sflag:s23], $0x1000  }
0x99: {  	[sflag:s23] =	ssyncset.done $0x0  }
.Ltmp2:
0x9a: {  	s5 =	sadd.s32 $0x15220, s4;
	[sflag:s23] =	ssyncadd.s32 $0xFFFFF000;
	(pc) =	sbr.rel @p2 .LBB2_2-.Ltmp2, $4  }
0x9b: {  	[tilespmem:s22], [sflag:$0x5] =	stream.indirect.gather [hbm4b:s1+s13], $0x20, s5, s13, $0xb8;
	[tilespmem:$0x1F720] =	vst v63  }
0x9c: {  	_ =	swait.ge [sflag:s0], $0x1000  }
0x9d: {  	[sflag:s0] =	ssyncset.done $0x0  }
0x9e: {  	s4 =	sadd.s32 $0x15320, s4;
	[sflag:s0] =	ssyncadd.s32 $0xFFFFF000  }
0x9f: {  	[tilespmem:s24], [sflag:$0x6] =	stream.indirect.gather [hbm4b:s1+s13], $0x20, s4, s13, $0xb8;
	[tilespmem:$0x1F720] =	vst v63  }
0xa0: {  	_ =	swait.ge [sflag:s26], $0x1000  }
0xa1: {  	[sflag:s26] =	ssyncset.done $0x0  }
0xa2: {  	s5 =	simm.s32 $0x190A0;
	[sflag:s26] =	ssyncadd.s32 $0xFFFFF000  }
0xa3: {  	[spmem:s3] =	stream.indirect.scatter.add.f32 [tilespmem:s14], [sflag:$0x7], $0x20, s5, s13, $0xb8;
	[tilespmem:$0x1F720] =	vst v63  }
0xa4: {  	_ =	swait.ge [sflag:s28], $0x1000  }
0xa5: {  	[sflag:s28] =	ssyncset.done $0x0  }
0xa6: {  	s9 =	simm.s32 $0x191A0;
	[sflag:s28] =	ssyncadd.s32 $0xFFFFF000  }
0xa7: {  	[spmem:s3] =	stream.indirect.scatter.add.f32 [tilespmem:s16], [sflag:$0x8], $0x20, s9, s13, $0xb8;
	[tilespmem:$0x1F720] =	vst v63  }
0xa8: {  	_ =	swait.ge [sflag:s29], $0x1000  }
0xa9: {  	[sflag:s29] =	ssyncset.done $0x0  }
0xaa: {  	s5 =	simm.s32 $0x192A0;
	[sflag:s29] =	ssyncadd.s32 $0xFFFFF000  }
0xab: {  	[spmem:s3] =	stream.indirect.scatter.add.f32 [tilespmem:s18], [sflag:$0x9], $0x20, s5, s13, $0xb8;
	[tilespmem:$0x1F720] =	vst v63  }
0xac: {  	_ =	swait.ge [sflag:s30], $0x1000  }
0xad: {  	[sflag:s30] =	ssyncset.done $0x0  }
0xae: {  	s9 =	simm.s32 $0x193A0;
	[sflag:s30] =	ssyncadd.s32 $0xFFFFF000  }
0xaf: {  	[spmem:s3] =	stream.indirect.scatter.add.f32 [tilespmem:s20], [sflag:$0xA], $0x20, s9, s13, $0xb8;
	[tilespmem:$0x1F720] =	vst v63  }
0xb0: {  	_ =	swait.ge [sflag:s31], $0x1000  }
0xb1: {  	[sflag:s31] =	ssyncset.done $0x0  }
0xb2: {  	s5 =	simm.s32 $0x194A0;
	[sflag:s31] =	ssyncadd.s32 $0xFFFFF000  }
0xb3: {  	[spmem:s3] =	stream.indirect.scatter.add.f32 [tilespmem:s22], [sflag:$0xB], $0x20, s5, s13, $0xb8;
	[tilespmem:$0x1F720] =	vst v63  }
0xb4: {  	_ =	swait.ge [sflag:s2], $0x1000  }
0xb5: {  	[sflag:s2] =	ssyncset.done $0x0  }
0xb6: {  	s9 =	simm.s32 $0x195A0;
	[sflag:s2] =	ssyncadd.s32 $0xFFFFF000  }
0xb7: {  	[spmem:s3] =	stream.indirect.scatter.add.f32 [tilespmem:s24], [sflag:$0xC], $0x20, s9, s13, $0xb8;
	[tilespmem:$0x1F720] =	vst v63  }
0xb8: {  	_ =	swait.ge [sflag:s15], $0x1000  }
0xb9: {  	[sflag:s15] =	ssyncset.done $0x0  }
0xba: {  	[sflag:s15] =	ssyncadd.s32 $0xFFFFF000  }
0xbb: {  	_ =	swait.ge [sflag:s17], $0x1000  }
0xbc: {  	[sflag:s17] =	ssyncset.done $0x0  }
0xbd: {  	[sflag:s17] =	ssyncadd.s32 $0xFFFFF000  }
0xbe: {  	_ =	swait.ge [sflag:s19], $0x1000  }
0xbf: {  	[sflag:s19] =	ssyncset.done $0x0  }
0xc0: {  	[sflag:s19] =	ssyncadd.s32 $0xFFFFF000  }
0xc1: {  	_ =	swait.ge [sflag:s21], $0x1000  }
0xc2: {  	[sflag:s21] =	ssyncset.done $0x0  }
0xc3: {  	[sflag:s21] =	ssyncadd.s32 $0xFFFFF000  }
0xc4: {  	_ =	swait.ge [sflag:s23], $0x1000  }
.Ltmp3:
0xc5: {  	[sflag:s23] =	ssyncset.done $0x0;
	(pc) =	sbr.rel @p0 .LBB2_5-.Ltmp3, $4  }
0xc6: {  	[sflag:s23] =	ssyncadd.s32 $0xFFFFF000  }
0xc7: {  	_ =	swait.ge [sflag:s0], $0x1000  }
0xc8: {  	[sflag:s0] =	ssyncset.done $0x0  }
0xc9: {  	[sflag:s0] =	ssyncadd.s32 $0xFFFFF000  }
0xca: {  	s4 =	simm.s32 $0x19620  }
0xcb: {  	[tilespmem:s14], [sflag:$0x1] =	stream.indirect.gather [hbm4b:s1+s13], $0x20, s4, s13, $0xb8;
	[tilespmem:$0x1F720] =	vst v63  }
0xcc: {  	_ =	swait.ge [sflag:s26], $0x1000  }
0xcd: {  	[sflag:s26] =	ssyncset.done $0x0  }
0xce: {  	s9 =	simm.s32 $0x196A0;
	[sflag:s26] =	ssyncadd.s32 $0xFFFFF000  }
0xcf: {  	[spmem:s3] =	stream.indirect.scatter.add.f32 [tilespmem:s14], [sflag:$0x7], $0x20, s9, s13, $0xb8;
	[tilespmem:$0x1F720] =	vst v63  }
.Ltmp4:
0xd0: {  	_ =	swait.ge [sflag:s15], $0x1000;
	(pc) =	sbr.rel .LBB2_6-.Ltmp4, $3  }
0xd1: {  	[sflag:s15] =	ssyncset.done $0x0  }
0xd2: {  	[sflag:s15] =	ssyncadd.s32 $0xFFFFF000  }
0xd3: {  	[bflag:$0x0] =	sbarrier.arrive $0xFFFF;
	_ =	sdelay $0x1  }
.LBB2_5:
.Ltmp5:
0xd4: {  	(pc) =	sbr.rel @p1 .LBB2_9-.Ltmp5, $2  }
0xd5: {  	_ =	sdelay $0x1  }
0xd6: {  	[bflag:$0x0] =	sbarrier.arrive $0xFFFF;
	_ =	sdelay $0x1  }
.LBB2_6:
0xd7: {  	s4 =	rddreg [dreg:$0x7];
	s5 =	simm.s32 $0x4E20  }
0xd8: {  	[tilespmem:s5], [sflag:$0xD] =	stream.linear.gather [spmem:s4], $0x7D00, $0x38;
	[tilespmem:$0x1F720] =	vst v63  }
0xd9: {  	_ =	swait.ge [sflag:s12], $0x7D00  }
0xda: {  	[sflag:s12] =	ssyncset.done $0x0  }
0xdb: {  	s4 =	simm.s32 $0x4E30;
	[sflag:s12] =	ssyncadd.s32 $0xFFFF8300  }
0xdc: {  	s9 =	simm.s32 $0x0;
	s5 =	simm.s32 $0x20;
	v0 =	vld [tilespmem:s4+$0xFFFFFFF0]  }
.LBB2_7:
0xdd: {  	p2 =	sne.s32 s5, $0x7CE0;
	_ =	sdelay $0x2  }
0xde: {  	s6 =	sand.u32 $0x7FE0, s9;
	s9 =	smov.u32 s5  }
0xdf: {  	[tilespmem:s6+$0xCB20] =	vst v0  }
0xe0: {  	v0 =	vld [tilespmem:s4+$0x0];
	_ =	sdelay $0x1  }
.Ltmp6:
0xe1: {  	(pc) =	sbr.rel @p2 .LBB2_7-.Ltmp6, $3  }
0xe2: {  	_ =	sdelay $0x1  }
0xe3: {  	s4 =	sadd.s32 $0x20, s4;
	[tilespmem:s6+$0xCB30] =	vst v0  }
0xe4: {  	s5 =	sadd.s32 $0x20, s5;
	v0 =	vld [tilespmem:s4+$0xFFFFFFF0]  }
.Ltmp7:
0xe5: {  	_ = 	snop;
	(pc) =	sbr.rel .LBB2_8-.Ltmp7, $1  }
0xe6: {  	_ =	sdelay $0x3  }
.LBB2_10:
0xe7: {  	_ =	sfence.sel $0x180000  }
0xe8: {  	[bflag:$0x0] =	sbarrier.arrive $0xFFFF  }
0xe9: {  	_ =	strace $0x9000004A  }
0xea: {  	s0 =	stileid.u32;
	[bflag:$0x2] =	sbarrier.arrive $0xFFFF  }
0xeb: {  	p0 =	sne.s32 s0, $0x0;
	s0 =	rddreg [dreg:$0x4]  }
0xec: {  	s0 =	sadd.s32 @!p0 $0x100000, s0  }
0xed: {  	[sflag:s0] =	ssyncadd.tile.s32 @!p0 $0x1;
	_ =	shalt  }
.Lfunc_end2:
_tile_overlayer_lowered:
.L_overlay_start_2:
0xee: {  	(tag) =	ssettag $0x2  }
0xef: {  	s0 =	rddreg [dreg:$0x0];
	s2 =	stileid.u32  }
0xf0: {  	s1 =	rddreg [dreg:$0x1];
	p0 =	sne.s32 s2, $0x0  }
0xf1: {  	s3 =	rddreg [dreg:$0x2];
	[bflag:$0x3] =	sbarrier.arrive $0xFFFF;
	s2 =	simm.s32 @!p0 $0x1C0D  }
0xf2: {  	[timem:s3], [sflag:s2] =	dma.local @!p0 [hbm:s0], s1  }
0xf3: {  	s0 =	simm.s32 @!p0 $0xD  }
0xf4: {  	_ =	swait.ge @!p0 [sflag:s0], s1  }
0xf5: {  	s1 =	ssub.s32 @!p0 $0x0, s1;
	[sflag:s0] =	ssyncset.done @!p0 $0x0  }
0xf6: {  	[sflag:s0] =	ssyncadd.s32 @!p0 s1  }
0xf7: {  	[bflag:$0x3] =	sbarrier.arrive $0xFFFF  }
0xf8: {  	_ =	shalt  }

// kernel: kernel.16.cloned.1.call-start
scs
__scs_entry_jumppad:
0x0: {  	(pc) =	sbr.rel $0x88, $3  }
0x1: {  	(tag) =	ssettag $0x0;
	lr =	simm.s32 $0x1  }
0x2: {  	[smem:$0x3F99] =	sst lr;
	_ =	strace $0xD0000000  }
0x3: {  	_ = 	snop  }
0x4: {  	_ = 	snop  }
0x5: {  	_ = 	snop  }
0x6: {  	_ = 	snop  }
0x7: {  	_ = 	snop  }
__scs_overlays_trampoline_lowered:
0x8: {  	[smem:$0x3FA8] =	sst s0  }
0x9: {  	[smem:$0x3FA9] =	sst s1  }
0xa: {  	[smem:$0x3FAA] =	sst s2  }
0xb: {  	[smem:$0x3FAB] =	sst s3  }
0xc: {  	[smem:$0x3FAC] =	sst s4  }
0xd: {  	[smem:$0x3FAD] =	sst s5  }
0xe: {  	[smem:$0x3FAE] =	sst s6  }
0xf: {  	[smem:$0x3FAF] =	sst s7  }
0x10: {  	[smem:$0x3FB0] =	sst s8  }
0x11: {  	[smem:$0x3FB1] =	sst s9;
	s0 =	simm.s32 @!p0 $0x0  }
0x12: {  	s1 =	sld [smem:$0x3F97];
	s0 =	simm.s32 @p0 $0x1  }
0x13: {  	[smem:$0x3FB2] =	sst s0;
	s0 =	simm.s32 @!p1 $0x0  }
0x14: {  	s2 =	sld [smem:$0x3F96];
	s0 =	simm.s32 @p1 $0x1  }
0x15: {  	[smem:$0x3FB3] =	sst s0;
	s0 =	simm.s32 @!p2 $0x0  }
0x16: {  	s3 =	sld [smem:$0x3FDB];
	s0 =	simm.s32 @p2 $0x1  }
0x17: {  	s4 =	simm.s32 $0x1BF5;
	[smem:$0x3FB5] =	sst s0  }
0x18: {  	s0 =	sld [smem:$0x3F98];
	_ =	swait.ge [sflag:s4], $0x0  }
0x19: {  	s7 =	sld [smem:$0x3F99]  }
0x1a: {  	s8 =	sadd.s32 $0xFFFFE003, lr  }
0x1b: {  	s9 =	sadd.s32 $0xFFFFFEF7, lr;
	s5 =	simm.s32 $0xFFFFFFFF;
	p2 =	slt.u32 s8, $0xFFFFF086  }
0x1c: {  	p1 =	slt.u32 s9, $0xF7A;
	s5 =	simm.s32 @!p2 $0x0  }
0x1d: {  	s5 =	simm.s32 @p1 $0x1;
	p0 =	seq.s32 s7, s2  }
0x1e: {  	s7 =	smul.u32 @!p0 $0xF7A, s2;
	p2 =	seq.s32 @!p0 s5, $0x0  }
0x1f: {  	s9 =	smul.u32 $0xF7A, s1;
	s8 =	simm.s32 @!p0 $0x1BF5;
	p2 =	por !p2, p0  }
0x20: {  	[sflag:s8] =	ssyncset.s32 @!p0 $0xFFFFF086;
	s6 =	sadd.s32 @!p0 s3, s7;
	s7 =	simm.s32 @!p0 $0x108  }
0x21: {  	s3 =	sadd.s32 s3, s9;
	s6 =	sadd.s32 @!p0 $0x88, s6;
	s7 =	simm.s32 @p2 $0x1082  }
0x22: {  	[simem:s7], [sflag:s8] =	dma.local @!p0 [hbm:s6], $0xF7A  }
0x23: {  	s9 =	sor.u32 $0xD0000000, s2;
	s6 =	simm.s32 $0x108;
	_ =	swait.ge @!p0 [sflag:s8], $0x0  }
0x24: {  	s3 =	sadd.s32 $0x88, s3;
	s6 =	simm.s32 @!p1 $0x1082;
	[sflag:s4] =	ssyncset.s32 $0xFFFFF086  }
0x25: {  	[simem:s6], [sflag:s4] =	dma.local [hbm:s3], $0xF7A  }
0x26: {  	[smem:$0x3F99] =	sst s1;
	(tag) =	ssettag s2;
	_ =	strace s9  }
0x27: {  	s1 =	sld [smem:$0x3FA9]  }
0x28: {  	s2 =	sld [smem:$0x3FAA]  }
0x29: {  	s4 =	sld [smem:$0x3FAC]  }
0x2a: {  	p0 =	seq.s32 s5, $0x0;
	s5 =	sld [smem:$0x3FAD]  }
0x2b: {  	s6 =	sld [smem:$0x3FAE]  }
0x2c: {  	s7 =	sld [smem:$0x3FAF]  }
0x2d: {  	s3 =	simm.s32 $0x108;
	s8 =	sld [smem:$0x3FB0]  }
0x2e: {  	s3 =	simm.s32 @!p0 $0x1082;
	s9 =	sld [smem:$0x3FB1]  }
0x2f: {  	lr =	sadd.s32 s0, s3;
	s0 =	sld [smem:$0x3FA8]  }
0x30: {  	s3 =	sld [smem:$0x3FAB]  }
0x31: {  	[smem:$0x3FB4] =	sst s10  }
0x32: {  	s10 =	sld [smem:$0x3FB2];
	_ =	sdelay $0x3  }
0x33: {  	p0 =	seq.s32 s10, $0x1;
	s10 =	sld [smem:$0x3FB4];
	_ =	sdelay $0x3  }
0x34: {  	[smem:$0x3FB4] =	sst s10  }
0x35: {  	s10 =	sld [smem:$0x3FB3];
	_ =	sdelay $0x3  }
0x36: {  	p1 =	seq.s32 s10, $0x1;
	s10 =	sld [smem:$0x3FB4];
	_ =	sdelay $0x3  }
0x37: {  	[smem:$0x3FB4] =	sst s10  }
0x38: {  	s10 =	sld [smem:$0x3FB5]  }
0x39: {  	_ = 	snop;
	(pc) =	sbr.ind lr, $3  }
0x3a: {  	_ = 	snop  }
0x3b: {  	_ = 	snop  }
0x3c: {  	p2 =	seq.s32 s10, $0x1;
	s10 =	sld [smem:$0x3FB4]  }
0x3d: {  	_ =	shalt  }
0x3e: {  	_ =	shalt  }
0x3f: {  	_ =	shalt  }
0x40: {  	_ =	shalt  }
0x41: {  	_ =	shalt  }
0x42: {  	_ =	shalt  }
0x43: {  	_ =	shalt  }
0x44: {  	_ =	shalt  }
0x45: {  	_ =	shalt  }
0x46: {  	_ =	shalt  }
0x47: {  	_ =	shalt  }
0x48: {  	_ =	shalt  }
0x49: {  	_ =	shalt  }
0x4a: {  	_ =	shalt  }
0x4b: {  	_ =	shalt  }
0x4c: {  	_ =	shalt  }
0x4d: {  	_ =	shalt  }
0x4e: {  	_ =	shalt  }
0x4f: {  	_ =	shalt  }
0x50: {  	_ =	shalt  }
0x51: {  	_ =	shalt  }
0x52: {  	_ =	shalt  }
0x53: {  	_ =	shalt  }
0x54: {  	_ =	shalt  }
0x55: {  	_ =	shalt  }
0x56: {  	_ =	shalt  }
0x57: {  	_ =	shalt  }
0x58: {  	_ =	shalt  }
0x59: {  	_ =	shalt  }
0x5a: {  	_ =	shalt  }
0x5b: {  	_ =	shalt  }
0x5c: {  	_ =	shalt  }
0x5d: {  	_ =	shalt  }
0x5e: {  	_ =	shalt  }
0x5f: {  	_ =	shalt  }
0x60: {  	_ =	shalt  }
0x61: {  	_ =	shalt  }
0x62: {  	_ =	shalt  }
0x63: {  	_ =	shalt  }
0x64: {  	_ =	shalt  }
0x65: {  	_ =	shalt  }
0x66: {  	_ =	shalt  }
0x67: {  	_ =	shalt  }
0x68: {  	_ =	shalt  }
0x69: {  	_ =	shalt  }
0x6a: {  	_ =	shalt  }
0x6b: {  	_ =	shalt  }
0x6c: {  	_ =	shalt  }
0x6d: {  	_ =	shalt  }
0x6e: {  	_ =	shalt  }
0x6f: {  	_ =	shalt  }
0x70: {  	_ =	shalt  }
0x71: {  	_ =	shalt  }
0x72: {  	_ =	shalt  }
0x73: {  	_ =	shalt  }
0x74: {  	_ =	shalt  }
0x75: {  	_ =	shalt  }
0x76: {  	_ =	shalt  }
0x77: {  	_ =	shalt  }
0x78: {  	_ =	shalt  }
0x79: {  	_ =	shalt  }
0x7a: {  	_ =	shalt  }
0x7b: {  	_ =	shalt  }
0x7c: {  	_ =	shalt  }
0x7d: {  	_ =	shalt  }
0x7e: {  	_ =	shalt  }
0x7f: {  	_ =	shalt  }
0x80: {  	_ =	shalt  }
0x81: {  	_ =	shalt  }
0x82: {  	_ =	shalt  }
0x83: {  	_ =	shalt  }
0x84: {  	_ =	shalt  }
0x85: {  	_ =	shalt  }
0x86: {  	_ =	shalt  }
0x87: {  	_ =	shalt  }
.Lfunc_end0:
.L_simem_size_0:
called_computation.2_lowered:
.L_overlay_start_0:
0x88: {  	s2 =	sld [smem:$0x3FD9]  }
0x89: {  	s3 =	sld [smem:$0x3FFE];
	_ =	sdelay $0x1  }
0x8a: {  	s1 =	srdreg.scid  }
0x8b: {  	s0 =	sand.u32 $0x1, s1  }
0x8c: {  	s17 =	sshll.u32 s0, $0xA;
	s2 =	sadd.s32 s3, s2  }
0x8d: {  	s2 =	sadd.s32 s2, s17  }
0x8e: {  	[smem:$0x3FC0] =	sst s2  }
0x8f: {  	_ = 	snop  }
0x90: {  	s2 =	sld [smem:$0x3FC8]  }
0x91: {  	s18 =	sld [smem:$0x3FD0];
	(tm) =	ssettm $0x1  }
0x92: {  	s4 =	sld [smem:$0x3FFB];
	_ =	sdelay $0x3  }
0x93: {  	_ =	strace s4  }
0x94: {  	s4 =	sld [smem:$0x3FFC];
	_ =	sdelay $0x3  }
0x95: {  	_ =	strace s4  }
0x96: {  	s4 =	sld [smem:$0x3FFD];
	_ =	sdelay $0x3  }
0x97: {  	_ =	strace s4  }
0x98: {  	_ =	strace $0x8FFFFFFF  }
0x99: {  	s19 =	sld [smem:$0x3FDB];
	_ =	sdelay $0x1  }
0x9a: {  	s5 =	simm.s32 $_scs_section_size  }
0x9b: {  	s6 =	simm.s32 $_size__tile_overlayer_lowered;
	s7 =	simm.s32 $_tile_overlayer_lowered  }
0x9c: {  	s22 =	simm.s32 $0x1BFF;
	s21 =	sshll.u32 s7, $0x1;
	s4 =	sadd.s32 s5, s19  }
0x9d: {  	s8 =	simm.s32 $0x0;
	s20 =	sshll.u32 s6, $0x1;
	s6 =	sadd.s32 s21, s4  }
0x9e: {  	[timem:s8], [sflag:s22] =	dma.local [hbm:s6], s20  }
0x9f: {  	_ =	swait.ge [sflag:s22], s20  }
0xa0: {  	s5 =	ssub.s32 $0x0, s20;
	[sflag:s22] =	ssyncset.done $0x0  }
0xa1: {  	[sflag:s22] =	ssyncadd.s32 s5;
	_ =	sdelay $0x1  }
0xa2: {  	s23 =	simm.s32 $0x1B8B  }
0xa3: {  	_ =	swait.ge [sflag:s23], $0x1  }
0xa4: {  	[sflag:s23] =	ssyncset.done $0x0  }
0xa5: {  	s25 =	simm.s32 $0x1B8E;
	s24 =	sld [smem:$0x3FFE];
	[sflag:s23] =	ssyncadd.s32 $0xFFFFFFFF  }
0xa6: {  	s26 =	simm.s32 $execute0_lowered;
	[smem:$0x3FD2] =	sst s25  }
0xa7: {  	s6 =	sshll.u32 s26, $0x1;
	_ =	strace $0x8000004C;
	[dreg:$0x1] =	wrdreg $0xFFFFFFFF  }
0xa8: {  	s28 =	simm.s32 $_size_execute0_lowered;
	s4 =	sadd.s32 s4, s6;
	[dreg:$0x0] =	wrdreg $0x0  }
0xa9: {  	s6 =	sshll.u32 s28, $0x1;
	[dreg:$0x2] =	wrdreg s4  }
0xaa: {  	[dreg:$0x3] =	wrdreg s6  }
0xab: {  	[dreg:$0x4] =	wrdreg $0xC0  }
0xac: {  	_ =	task [dreg:s8], $0x5FFFF  }
0xad: {  	[dreg:$0x1] =	wrdreg $0xFFFFFFFF  }
0xae: {  	[dreg:$0x0] =	wrdreg $0x60  }
0xaf: {  	[dreg:$0x2] =	wrdreg s18  }
0xb0: {  	[dreg:$0x3] =	wrdreg s2  }
0xb1: {  	[dreg:$0x4] =	wrdreg s24  }
0xb2: {  	[dreg:$0x5] =	wrdreg $0x0  }
0xb3: {  	[dreg:$0x6] =	wrdreg $0x9  }
0xb4: {  	_ =	task.clear_ibuf [dreg:s8], $0x7FFFF;
	_ =	strace $0x9000004C  }
0xb5: {  	s29 =	simm.s32 $0x9;
	_ =	strace $0x8000004E  }
0xb6: {  	_ =	swait.ge [sflag:s29], $0x1  }
0xb7: {  	[sflag:s29] =	ssyncadd.s32 $0xFFFFFFFF  }
0xb8: {  	_ =	strace $0x9000004E  }
0xb9: {  	_ =	sfence  }
0xba: {  	s30 =	sld [smem:$0x0];
	_ =	sdelay $0x2  }
0xbb: {  	s31 =	sshll.u32 s1, $0xD;
	s1 =	sshrl.u32 s1, $0x2  }
0xbc: {  	s3 =	sand.u32 $0x4000, s31;
	s1 =	sadd.s32 s1, s30  }
0xbd: {  	s0 =	sor.u32 s3, s0;
	s1 =	sshll.u32 s1, $0x11  }
0xbe: {  	s0 =	sor.u32 s1, s0  }
0xbf: {  	s0 =	sadd.s32 $0x8F2B, s0  }
0xc0: {  	[sflag:s0] =	ssyncadd.remote.s32 $0x1  }
0xc1: {  	_ =	sfence.sel $0xFFFF  }
0xc2: {  	[dreg:$0x0] =	wrdreg $0xFFFFFFFF;
	(pc) =	sbr.abs _section_cstart, $3  }
0xc3: {  	[dreg:$0x1] =	wrdreg $0xFFFFFFFF  }
0xc4: {  	_ =	task.clear_ibuf [dreg:s8], $0x2FFFF;
	_ =	strace $0x9FFFFFFF  }
0xc5: {  	(tm) =	ssettm $0x7FFFFFFF  }
tec
execute0_lowered:
.L_overlay_start_1:
0x0: {  	(tag) =	ssettag $0x1  }
0x1: {  	s1 =	rddreg [dreg:$0x0]  }
0x2: {  	s0 =	rddreg [dreg:$0x1]  }
0x3: {  	s2 =	srdreg.scid;
	s4 =	rddreg [dreg:$0x2]  }
0x4: {  	s13 =	stileid.u32;
	s3 =	rddreg [dreg:$0x3];
	s7 =	simm.s32 $0x0  }
0x5: {  	s11 =	simm.s32 $0x14820;
	s12 =	simm.s32 $0xD;
	s14 =	simm.s32 $0x19720  }
0x6: {  	s16 =	simm.s32 $0x1A720;
	s18 =	simm.s32 $0x1B720;
	s20 =	simm.s32 $0x1C720  }
0x7: {  	s28 =	simm.s32 $0x2;
	s29 =	simm.s32 $0x3;
	s30 =	simm.s32 $0x4  }
0x8: {  	s31 =	simm.s32 $0x5;
	s15 =	simm.s32 $0x7;
	s17 =	simm.s32 $0x8  }
0x9: {  	s19 =	simm.s32 $0x9;
	s2 =	sand.u32 $0x1, s2;
	s5 =	smul.u32 $0x7D00, s13  }
0xa: {  	[smem:$0x7FF] =	sst s7;
	s21 =	sshll.u32 s13, $0x1;
	s9 =	smul.u32 $0x1F400, s13  }
0xb: {  	p0 =	sgt.u32 s13, $0x1;
	p1 =	sgt.u32 s13, $0x9;
	s13 =	simm.s32 $0x80  }
0xc: {  	s6 =	smul.u32 $0x4E200, s2;
	_ =	strace $0x8000004D;
	s7 =	sor.u32 s2, s21  }
0xd: {  	s2 =	ssub.s32 $0x2, s2;
	s21 =	simm.s32 $0xA;
	s22 =	smul.u32 $0x9C0, s7  }
0xe: {  	s8 =	sshrl.u32 s2, $0x1;
	s7 =	sshll.u32 s7, $0x5;
	s23 =	sshrl.u32 s5, $0x3  }
0xf: {  	s24 =	sshrl.u32 s9, $0x2;
	s6 =	sadd.s32 s5, s6;
	s2 =	ssub.s32 s2, s8  }
0x10: {  	s5 =	sadd.s32 s5, s3;
	s25 =	sadd.s32 s24, s3;
	s24 =	simm.s32 $0x1E720  }
0x11: {  	s8 =	simm.s32 $0x0;
	s6 =	sshrl.u32 s6, $0x3;
	[dreg:$0x7] =	wrdreg s25  }
0x12: {  	s10 =	smax.u32 s2, $0x1;
	s25 =	sshrl.u32 @!p1 s5, $0x3;
	s2 =	simm.s32 $0x6  }
.Ltmp0:
0x13: {  	s4 =	sadd.s32 s6, s4;
	s6 =	sadd.s32 s0, s22;
	(pc) =	sbr.rel .LBB2_1-.Ltmp0, $4  }
0x14: {  	s0 =	sadd.s32 s7, s0;
	s7 =	sadd.s32 s1, s23;
	s22 =	simm.s32 $0x1D720  }
0x15: {  	s23 =	simm.s32 $0xB;
	[dreg:$0x5] =	wrdreg s6;
	s0 =	sadd.s32 $0x13800, s0  }
0x16: {  	s6 =	simm.s32 $0x0;
	s26 =	sadd.s32 $0x3200, s4;
	[dreg:$0x6] =	wrdreg s0  }
0x17: {  	[dreg:$0x8] =	wrdreg s26;
	s26 =	simm.s32 $0x1;
	s0 =	simm.s32 $0xC  }
.LBB2_8:
0x18: {  	s5 =	sand.u32 $0x7FE0, s9  }
0x19: {  	[tilespmem:s5+$0xCB20] =	vst v0  }
0x1a: {  	v0 =	vld [tilespmem:s4+$0x0];
	_ =	sdelay $0x4  }
0x1b: {  	s6 =	simm.s32 $0x0;
	s9 =	simm.s32 $0xCB20;
	[tilespmem:s5+$0xCB30] =	vst v0;
	s5 =	rddreg [dreg:$0x8]  }
0x1c: {  	[hbm4b:s5+s6] =	stream.linear.scatter [tilespmem:s9], [sflag:$0xD], $0x7D00, $0x38;
	[tilespmem:$0x1F720] =	vst v63  }
0x1d: {  	_ =	swait.ge [sflag:s12], $0x7D00  }
0x1e: {  	[sflag:s12] =	ssyncset.done $0x0  }
0x1f: {  	[sflag:s12] =	ssyncadd.s32 $0xFFFF8300  }
.LBB2_9:
0x20: {  	s8 =	sadd.s32 $0x1, s8  }
0x21: {  	p2 =	sne.s32 s8, s10  }
.Ltmp1:
0x22: {  	_ = 	snop;
	(pc) =	sbr.rel @!p2 .LBB2_10-.Ltmp1, $1  }
0x23: {  	_ =	sdelay $0x3  }
.LBB2_1:
0x24: {  	s4 =	rddreg [dreg:$0x5]  }
0x25: {  	[tilespmem:s11], [sflag:$0xD] =	stream.linear.gather [hbm4b:s4+s6], $0x4E00, $0x38;
	[tilespmem:$0x1F720] =	vst v63  }
0x26: {  	_ =	swait.ge [sflag:s12], $0x4E00  }
0x27: {  	s5 =	simm.s32 @!p0 $0x19620;
	[sflag:s12] =	ssyncset.done $0x0  }
0x28: {  	s4 =	simm.s32 @!p0 $0x0;
	s9 =	rddreg [dreg:$0x6];
	[sflag:s12] =	ssyncadd.s32 $0xFFFFB200  }
0x29: {  	[tilespmem:s5], [sflag:$0xD] =	stream.linear.gather @!p0 [hbm4b:s9+s4], $0x100, $0x38;
	[tilespmem:$0x1F720] =	vst v63  }
0x2a: {  	s4 =	simm.s32 @!p0 $0xD  }
0x2b: {  	_ =	swait.ge @!p0 [sflag:s4], $0x100  }
0x2c: {  	[sflag:s4] =	ssyncset.done @!p0 $0x0  }
0x2d: {  	[sflag:s4] =	ssyncadd.s32 @!p0 $0xFFFFFF00  }
0x2e: {  	[tilespmem:s14], [sflag:$0x1] =	stream.indirect.gather [hbm4b:s1+s13], $0x20, s11, s13, $0xb8;
	[tilespmem:$0x1F720] =	vst v63  }
0x2f: {  	s5 =	simm.s32 $0x14920  }
0x30: {  	[tilespmem:s16], [sflag:$0x2] =	stream.indirect.gather [hbm4b:s1+s13], $0x20, s5, s13, $0xb8;
	[tilespmem:$0x1F720] =	vst v63  }
0x31: {  	s9 =	simm.s32 $0x14A20  }
0x32: {  	[tilespmem:s18], [sflag:$0x3] =	stream.indirect.gather [hbm4b:s1+s13], $0x20, s9, s13, $0xb8;
	[tilespmem:$0x1F720] =	vst v63  }
0x33: {  	s4 =	stileid.u32;
	s5 =	simm.s32 $0x14B20  }
0x34: {  	[tilespmem:s20], [sflag:$0x4] =	stream.indirect.gather [hbm4b:s1+s13], $0x20, s5, s13, $0xb8;
	[tilespmem:$0x1F720] =	vst v63  }
0x35: {  	s4 =	sshll.u32 @!p1 s4, $0x6;
	s9 =	simm.s32 $0x14C20  }
0x36: {  	[tilespmem:s22], [sflag:$0x5] =	stream.indirect.gather [hbm4b:s1+s13], $0x20, s9, s13, $0xb8;
	[tilespmem:$0x1F720] =	vst v63  }
0x37: {  	s4 =	sor.u32 @!p1 $0x1C0D, s4;
	s5 =	simm.s32 $0x14D20  }
0x38: {  	[tilespmem:s24], [sflag:$0x6] =	stream.indirect.gather [hbm4b:s1+s13], $0x20, s5, s13, $0xb8;
	[tilespmem:$0x1F720] =	vst v63  }
0x39: {  	[spmem:s25], [sflag:s4] =	dma.local @!p1 [hbm:s7], $0xFA0  }
0x3a: {  	s4 =	simm.s32 @!p1 $0xD  }
0x3b: {  	_ =	swait.ge @!p1 [sflag:s4], $0xFA0  }
0x3c: {  	[sflag:s4] =	ssyncset.done @!p1 $0x0  }
0x3d: {  	[sflag:s4] =	ssyncadd.s32 @!p1 $0xFFFFF060  }
0x3e: {  	[bflag:$0x0] =	sbarrier.arrive $0xFFFF  }
0x3f: {  	_ =	swait.ge [sflag:s26], $0x1000  }
0x40: {  	[sflag:s26] =	ssyncset.done $0x0  }
0x41: {  	s9 =	simm.s32 $0x148A0;
	[sflag:s26] =	ssyncadd.s32 $0xFFFFF000  }
0x42: {  	[spmem:s3] =	stream.indirect.scatter.add.f32 [tilespmem:s14], [sflag:$0x7], $0x20, s9, s13, $0xb8;
	[tilespmem:$0x1F720] =	vst v63  }
0x43: {  	_ =	swait.ge [sflag:s28], $0x1000  }
0x44: {  	[sflag:s28] =	ssyncset.done $0x0  }
0x45: {  	s5 =	simm.s32 $0x149A0;
	[sflag:s28] =	ssyncadd.s32 $0xFFFFF000  }
0x46: {  	[spmem:s3] =	stream.indirect.scatter.add.f32 [tilespmem:s16], [sflag:$0x8], $0x20, s5, s13, $0xb8;
	[tilespmem:$0x1F720] =	vst v63  }
0x47: {  	_ =	swait.ge [sflag:s29], $0x1000  }
0x48: {  	[sflag:s29] =	ssyncset.done $0x0  }
0x49: {  	s9 =	simm.s32 $0x14AA0;
	[sflag:s29] =	ssyncadd.s32 $0xFFFFF000  }
0x4a: {  	[spmem:s3] =	stream.indirect.scatter.add.f32 [tilespmem:s18], [sflag:$0x9], $0x20, s9, s13, $0xb8;
	[tilespmem:$0x1F720] =	vst v63  }
0x4b: {  	_ =	swait.ge [sflag:s30], $0x1000  }
0x4c: {  	[sflag:s30] =	ssyncset.done $0x0  }
0x4d: {  	s5 =	simm.s32 $0x14BA0;
	[sflag:s30] =	ssyncadd.s32 $0xFFFFF000  }
0x4e: {  	[spmem:s3] =	stream.indirect.scatter.add.f32 [tilespmem:s20], [sflag:$0xA], $0x20, s5, s13, $0xb8;
	[tilespmem:$0x1F720] =	vst v63  }
0x4f: {  	_ =	swait.ge [sflag:s31], $0x1000  }
0x50: {  	[sflag:s31] =	ssyncset.done $0x0  }
0x51: {  	s9 =	simm.s32 $0x14CA0;
	[sflag:s31] =	ssyncadd.s32 $0xFFFFF000  }
0x52: {  	[spmem:s3] =	stream.indirect.scatter.add.f32 [tilespmem:s22], [sflag:$0xB], $0x20, s9, s13, $0xb8;
	[tilespmem:$0x1F720] =	vst v63  }
0x53: {  	_ =	swait.ge [sflag:s2], $0x1000  }
0x54: {  	[sflag:s2] =	ssyncset.done $0x0  }
0x55: {  	s5 =	simm.s32 $0x14DA0;
	[sflag:s2] =	ssyncadd.s32 $0xFFFFF000  }
0x56: {  	[spmem:s3] =	stream.indirect.scatter.add.f32 [tilespmem:s24], [sflag:$0xC], $0x20, s5, s13, $0xb8;
	[tilespmem:$0x1F720] =	vst v63  }
0x57: {  	_ =	swait.ge [sflag:s15], $0x1000  }
0x58: {  	[sflag:s15] =	ssyncset.done $0x0  }
0x59: {  	s9 =	simm.s32 $0x14E20;
	[sflag:s15] =	ssyncadd.s32 $0xFFFFF000  }
0x5a: {  	[tilespmem:s14], [sflag:$0x1] =	stream.indirect.gather [hbm4b:s1+s13], $0x20, s9, s13, $0xb8;
	[tilespmem:$0x1F720] =	vst v63  }
0x5b: {  	_ =	swait.ge [sflag:s17], $0x1000  }
0x5c: {  	[sflag:s17] =	ssyncset.done $0x0  }
0x5d: {  	s5 =	simm.s32 $0x14F20;
	[sflag:s17] =	ssyncadd.s32 $0xFFFFF000  }
0x5e: {  	[tilespmem:s16], [sflag:$0x2] =	stream.indirect.gather [hbm4b:s1+s13], $0x20, s5, s13, $0xb8;
	[tilespmem:$0x1F720] =	vst v63  }
0x5f: {  	_ =	swait.ge [sflag:s19], $0x1000  }
0x60: {  	[sflag:s19] =	ssyncset.done $0x0  }
0x61: {  	s9 =	simm.s32 $0x15020;
	[sflag:s19] =	ssyncadd.s32 $0xFFFFF000  }
0x62: {  	[tilespmem:s18], [sflag:$0x3] =	stream.indirect.gather [hbm4b:s1+s13], $0x20, s9, s13, $0xb8;
	[tilespmem:$0x1F720] =	vst v63  }
0x63: {  	_ =	swait.ge [sflag:s21], $0x1000  }
0x64: {  	[sflag:s21] =	ssyncset.done $0x0  }
0x65: {  	s5 =	simm.s32 $0x15120;
	[sflag:s21] =	ssyncadd.s32 $0xFFFFF000  }
0x66: {  	[tilespmem:s20], [sflag:$0x4] =	stream.indirect.gather [hbm4b:s1+s13], $0x20, s5, s13, $0xb8;
	[tilespmem:$0x1F720] =	vst v63  }
0x67: {  	_ =	swait.ge [sflag:s23], $0x1000  }
0x68: {  	[sflag:s23] =	ssyncset.done $0x0  }
0x69: {  	s9 =	simm.s32 $0x15220;
	[sflag:s23] =	ssyncadd.s32 $0xFFFFF000  }
0x6a: {  	[tilespmem:s22], [sflag:$0x5] =	stream.indirect.gather [hbm4b:s1+s13], $0x20, s9, s13, $0xb8;
	[tilespmem:$0x1F720] =	vst v63  }
0x6b: {  	_ =	swait.ge [sflag:s0], $0x1000  }
0x6c: {  	[sflag:s0] =	ssyncset.done $0x0  }
0x6d: {  	s4 =	simm.s32 $0x15320;
	s9 =	simm.s32 $0x1800;
	[sflag:s0] =	ssyncadd.s32 $0xFFFFF000  }
.LBB2_2:
0x6e: {  	[tilespmem:s24], [sflag:$0x6] =	stream.indirect.gather [hbm4b:s1+s13], $0x20, s4, s13, $0xb8;
	[tilespmem:$0x1F720] =	vst v63  }
0x6f: {  	s4 =	smov.u32 s9  }
0x70: {  	p2 =	sne.s32 s9, $0x10800;
	s9 =	sadd.s32 $0x1800, s9;
	_ =	swait.ge [sflag:s26], $0x1000  }
0x71: {  	s4 =	sshra.s32 s4, $0x2;
	[sflag:s26] =	ssyncset.done $0x0  }
0x72: {  	s5 =	sadd.s32 $0x148A0, s4;
	[sflag:s26] =	ssyncadd.s32 $0xFFFFF000  }
0x73: {  	[spmem:s3] =	stream.indirect.scatter.add.f32 [tilespmem:s14], [sflag:$0x7], $0x20, s5, s13, $0xb8;
	[tilespmem:$0x1F720] =	vst v63  }
0x74: {  	_ =	swait.ge [sflag:s28], $0x1000  }
0x75: {  	[sflag:s28] =	ssyncset.done $0x0  }
0x76: {  	s5 =	sadd.s32 $0x149A0, s4;
	[sflag:s28] =	ssyncadd.s32 $0xFFFFF000  }
0x77: {  	[spmem:s3] =	stream.indirect.scatter.add.f32 [tilespmem:s16], [sflag:$0x8], $0x20, s5, s13, $0xb8;
	[tilespmem:$0x1F720] =	vst v63  }
0x78: {  	_ =	swait.ge [sflag:s29], $0x1000  }
0x79: {  	[sflag:s29] =	ssyncset.done $0x0  }
0x7a: {  	s5 =	sadd.s32 $0x14AA0, s4;
	[sflag:s29] =	ssyncadd.s32 $0xFFFFF000  }
0x7b: {  	[spmem:s3] =	stream.indirect.scatter.add.f32 [tilespmem:s18], [sflag:$0x9], $0x20, s5, s13, $0xb8;
	[tilespmem:$0x1F720] =	vst v63  }
0x7c: {  	_ =	swait.ge [sflag:s30], $0x1000  }
0x7d: {  	[sflag:s30] =	ssyncset.done $0x0  }
0x7e: {  	s5 =	sadd.s32 $0x14BA0, s4;
	[sflag:s30] =	ssyncadd.s32 $0xFFFFF000  }
0x7f: {  	[spmem:s3] =	stream.indirect.scatter.add.f32 [tilespmem:s20], [sflag:$0xA], $0x20, s5, s13, $0xb8;
	[tilespmem:$0x1F720] =	vst v63  }
0x80: {  	_ =	swait.ge [sflag:s31], $0x1000  }
0x81: {  	[sflag:s31] =	ssyncset.done $0x0  }
0x82: {  	s5 =	sadd.s32 $0x14CA0, s4;
	[sflag:s31] =	ssyncadd.s32 $0xFFFFF000  }
0x83: {  	[spmem:s3] =	stream.indirect.scatter.add.f32 [tilespmem:s22], [sflag:$0xB], $0x20, s5, s13, $0xb8;
	[tilespmem:$0x1F720] =	vst v63  }
0x84: {  	_ =	swait.ge [sflag:s2], $0x1000  }
0x85: {  	[sflag:s2] =	ssyncset.done $0x0  }
0x86: {  	s5 =	sadd.s32 $0x14DA0, s4;
	[sflag:s2] =	ssyncadd.s32 $0xFFFFF000  }
0x87: {  	[spmem:s3] =	stream.indirect.scatter.add.f32 [tilespmem:s24], [sflag:$0xC], $0x20, s5, s13, $0xb8;
	[tilespmem:$0x1F720] =	vst v63  }
0x88: {  	_ =	swait.ge [sflag:s15], $0x1000  }
0x89: {  	[sflag:s15] =	ssyncset.done $0x0  }
0x8a: {  	s5 =	sadd.s32 $0x14E20, s4;
	[sflag:s15] =	ssyncadd.s32 $0xFFFFF000  }
0x8b: {  	[tilespmem:s14], [sflag:$0x1] =	stream.indirect.gather [hbm4b:s1+s13], $0x20, s5, s13, $0xb8;
	[tilespmem:$0x1F720] =	vst v63  }
0x8c: {  	_ =	swait.ge [sflag:s17], $0x1000  }
0x8d: {  	[sflag:s17] =	ssyncset.done $0x0  }
0x8e: {  	s5 =	sadd.s32 $0x14F20, s4;
	[sflag:s17] =	ssyncadd.s32 $0xFFFFF000  }
0x8f: {  	[tilespmem:s16], [sflag:$0x2] =	stream.indirect.gather [hbm4b:s1+s13], $0x20, s5, s13, $0xb8;
	[tilespmem:$0x1F720] =	vst v63  }
0x90: {  	_ =	swait.ge [sflag:s19], $0x1000  }
0x91: {  	[sflag:s19] =	ssyncset.done $0x0  }
0x92: {  	s5 =	sadd.s32 $0x15020, s4;
	[sflag:s19] =	ssyncadd.s32 $0xFFFFF000  }
0x93: {  	[tilespmem:s18], [sflag:$0x3] =	stream.indirect.gather [hbm4b:s1+s13], $0x20, s5, s13, $0xb8;
	[tilespmem:$0x1F720] =	vst v63  }
0x94: {  	_ =	swait.ge [sflag:s21], $0x1000  }
0x95: {  	[sflag:s21] =	ssyncset.done $0x0  }
0x96: {  	s5 =	sadd.s32 $0x15120, s4;
	[sflag:s21] =	ssyncadd.s32 $0xFFFFF000  }
0x97: {  	[tilespmem:s20], [sflag:$0x4] =	stream.indirect.gather [hbm4b:s1+s13], $0x20, s5, s13, $0xb8;
	[tilespmem:$0x1F720] =	vst v63  }
0x98: {  	_ =	swait.ge [sflag:s23], $0x1000  }
0x99: {  	[sflag:s23] =	ssyncset.done $0x0  }
.Ltmp2:
0x9a: {  	s5 =	sadd.s32 $0x15220, s4;
	[sflag:s23] =	ssyncadd.s32 $0xFFFFF000;
	(pc) =	sbr.rel @p2 .LBB2_2-.Ltmp2, $4  }
0x9b: {  	[tilespmem:s22], [sflag:$0x5] =	stream.indirect.gather [hbm4b:s1+s13], $0x20, s5, s13, $0xb8;
	[tilespmem:$0x1F720] =	vst v63  }
0x9c: {  	_ =	swait.ge [sflag:s0], $0x1000  }
0x9d: {  	[sflag:s0] =	ssyncset.done $0x0  }
0x9e: {  	s4 =	sadd.s32 $0x15320, s4;
	[sflag:s0] =	ssyncadd.s32 $0xFFFFF000  }
0x9f: {  	[tilespmem:s24], [sflag:$0x6] =	stream.indirect.gather [hbm4b:s1+s13], $0x20, s4, s13, $0xb8;
	[tilespmem:$0x1F720] =	vst v63  }
0xa0: {  	_ =	swait.ge [sflag:s26], $0x1000  }
0xa1: {  	[sflag:s26] =	ssyncset.done $0x0  }
0xa2: {  	s5 =	simm.s32 $0x190A0;
	[sflag:s26] =	ssyncadd.s32 $0xFFFFF000  }
0xa3: {  	[spmem:s3] =	stream.indirect.scatter.add.f32 [tilespmem:s14], [sflag:$0x7], $0x20, s5, s13, $0xb8;
	[tilespmem:$0x1F720] =	vst v63  }
0xa4: {  	_ =	swait.ge [sflag:s28], $0x1000  }
0xa5: {  	[sflag:s28] =	ssyncset.done $0x0  }
0xa6: {  	s9 =	simm.s32 $0x191A0;
	[sflag:s28] =	ssyncadd.s32 $0xFFFFF000  }
0xa7: {  	[spmem:s3] =	stream.indirect.scatter.add.f32 [tilespmem:s16], [sflag:$0x8], $0x20, s9, s13, $0xb8;
	[tilespmem:$0x1F720] =	vst v63  }
0xa8: {  	_ =	swait.ge [sflag:s29], $0x1000  }
0xa9: {  	[sflag:s29] =	ssyncset.done $0x0  }
0xaa: {  	s5 =	simm.s32 $0x192A0;
	[sflag:s29] =	ssyncadd.s32 $0xFFFFF000  }
0xab: {  	[spmem:s3] =	stream.indirect.scatter.add.f32 [tilespmem:s18], [sflag:$0x9], $0x20, s5, s13, $0xb8;
	[tilespmem:$0x1F720] =	vst v63  }
0xac: {  	_ =	swait.ge [sflag:s30], $0x1000  }
0xad: {  	[sflag:s30] =	ssyncset.done $0x0  }
0xae: {  	s9 =	simm.s32 $0x193A0;
	[sflag:s30] =	ssyncadd.s32 $0xFFFFF000  }
0xaf: {  	[spmem:s3] =	stream.indirect.scatter.add.f32 [tilespmem:s20], [sflag:$0xA], $0x20, s9, s13, $0xb8;
	[tilespmem:$0x1F720] =	vst v63  }
0xb0: {  	_ =	swait.ge [sflag:s31], $0x1000  }
0xb1: {  	[sflag:s31] =	ssyncset.done $0x0  }
0xb2: {  	s5 =	simm.s32 $0x194A0;
	[sflag:s31] =	ssyncadd.s32 $0xFFFFF000  }
0xb3: {  	[spmem:s3] =	stream.indirect.scatter.add.f32 [tilespmem:s22], [sflag:$0xB], $0x20, s5, s13, $0xb8;
	[tilespmem:$0x1F720] =	vst v63  }
0xb4: {  	_ =	swait.ge [sflag:s2], $0x1000  }
0xb5: {  	[sflag:s2] =	ssyncset.done $0x0  }
0xb6: {  	s9 =	simm.s32 $0x195A0;
	[sflag:s2] =	ssyncadd.s32 $0xFFFFF000  }
0xb7: {  	[spmem:s3] =	stream.indirect.scatter.add.f32 [tilespmem:s24], [sflag:$0xC], $0x20, s9, s13, $0xb8;
	[tilespmem:$0x1F720] =	vst v63  }
0xb8: {  	_ =	swait.ge [sflag:s15], $0x1000  }
0xb9: {  	[sflag:s15] =	ssyncset.done $0x0  }
0xba: {  	[sflag:s15] =	ssyncadd.s32 $0xFFFFF000  }
0xbb: {  	_ =	swait.ge [sflag:s17], $0x1000  }
0xbc: {  	[sflag:s17] =	ssyncset.done $0x0  }
0xbd: {  	[sflag:s17] =	ssyncadd.s32 $0xFFFFF000  }
0xbe: {  	_ =	swait.ge [sflag:s19], $0x1000  }
0xbf: {  	[sflag:s19] =	ssyncset.done $0x0  }
0xc0: {  	[sflag:s19] =	ssyncadd.s32 $0xFFFFF000  }
0xc1: {  	_ =	swait.ge [sflag:s21], $0x1000  }
0xc2: {  	[sflag:s21] =	ssyncset.done $0x0  }
0xc3: {  	[sflag:s21] =	ssyncadd.s32 $0xFFFFF000  }
0xc4: {  	_ =	swait.ge [sflag:s23], $0x1000  }
.Ltmp3:
0xc5: {  	[sflag:s23] =	ssyncset.done $0x0;
	(pc) =	sbr.rel @p0 .LBB2_5-.Ltmp3, $4  }
0xc6: {  	[sflag:s23] =	ssyncadd.s32 $0xFFFFF000  }
0xc7: {  	_ =	swait.ge [sflag:s0], $0x1000  }
0xc8: {  	[sflag:s0] =	ssyncset.done $0x0  }
0xc9: {  	[sflag:s0] =	ssyncadd.s32 $0xFFFFF000  }
0xca: {  	s4 =	simm.s32 $0x19620  }
0xcb: {  	[tilespmem:s14], [sflag:$0x1] =	stream.indirect.gather [hbm4b:s1+s13], $0x20, s4, s13, $0xb8;
	[tilespmem:$0x1F720] =	vst v63  }
0xcc: {  	_ =	swait.ge [sflag:s26], $0x1000  }
0xcd: {  	[sflag:s26] =	ssyncset.done $0x0  }
0xce: {  	s9 =	simm.s32 $0x196A0;
	[sflag:s26] =	ssyncadd.s32 $0xFFFFF000  }
0xcf: {  	[spmem:s3] =	stream.indirect.scatter.add.f32 [tilespmem:s14], [sflag:$0x7], $0x20, s9, s13, $0xb8;
	[tilespmem:$0x1F720] =	vst v63  }
.Ltmp4:
0xd0: {  	_ =	swait.ge [sflag:s15], $0x1000;
	(pc) =	sbr.rel .LBB2_6-.Ltmp4, $3  }
0xd1: {  	[sflag:s15] =	ssyncset.done $0x0  }
0xd2: {  	[sflag:s15] =	ssyncadd.s32 $0xFFFFF000  }
0xd3: {  	[bflag:$0x0] =	sbarrier.arrive $0xFFFF;
	_ =	sdelay $0x1  }
.LBB2_5:
.Ltmp5:
0xd4: {  	(pc) =	sbr.rel @p1 .LBB2_9-.Ltmp5, $2  }
0xd5: {  	_ =	sdelay $0x1  }
0xd6: {  	[bflag:$0x0] =	sbarrier.arrive $0xFFFF;
	_ =	sdelay $0x1  }
.LBB2_6:
0xd7: {  	s4 =	rddreg [dreg:$0x7];
	s5 =	simm.s32 $0x4E20  }
0xd8: {  	[tilespmem:s5], [sflag:$0xD] =	stream.linear.gather [spmem:s4], $0x7D00, $0x38;
	[tilespmem:$0x1F720] =	vst v63  }
0xd9: {  	_ =	swait.ge [sflag:s12], $0x7D00  }
0xda: {  	[sflag:s12] =	ssyncset.done $0x0  }
0xdb: {  	s4 =	simm.s32 $0x4E30;
	[sflag:s12] =	ssyncadd.s32 $0xFFFF8300  }
0xdc: {  	s9 =	simm.s32 $0x0;
	s5 =	simm.s32 $0x20;
	v0 =	vld [tilespmem:s4+$0xFFFFFFF0]  }
.LBB2_7:
0xdd: {  	p2 =	sne.s32 s5, $0x7CE0;
	_ =	sdelay $0x2  }
0xde: {  	s6 =	sand.u32 $0x7FE0, s9;
	s9 =	smov.u32 s5  }
0xdf: {  	[tilespmem:s6+$0xCB20] =	vst v0  }
0xe0: {  	v0 =	vld [tilespmem:s4+$0x0];
	_ =	sdelay $0x1  }
.Ltmp6:
0xe1: {  	(pc) =	sbr.rel @p2 .LBB2_7-.Ltmp6, $3  }
0xe2: {  	_ =	sdelay $0x1  }
0xe3: {  	s4 =	sadd.s32 $0x20, s4;
	[tilespmem:s6+$0xCB30] =	vst v0  }
0xe4: {  	s5 =	sadd.s32 $0x20, s5;
	v0 =	vld [tilespmem:s4+$0xFFFFFFF0]  }
.Ltmp7:
0xe5: {  	_ = 	snop;
	(pc) =	sbr.rel .LBB2_8-.Ltmp7, $1  }
0xe6: {  	_ =	sdelay $0x3  }
.LBB2_10:
0xe7: {  	_ =	sfence.sel $0x180000  }
0xe8: {  	[bflag:$0x0] =	sbarrier.arrive $0xFFFF  }
0xe9: {  	_ =	strace $0x9000004D  }
0xea: {  	s0 =	stileid.u32;
	[bflag:$0x2] =	sbarrier.arrive $0xFFFF  }
0xeb: {  	p0 =	sne.s32 s0, $0x0;
	s0 =	rddreg [dreg:$0x4]  }
0xec: {  	s0 =	sadd.s32 @!p0 $0x100000, s0  }
0xed: {  	[sflag:s0] =	ssyncadd.tile.s32 @!p0 $0x1;
	_ =	shalt  }
.Lfunc_end2:
_tile_overlayer_lowered:
.L_overlay_start_2:
0xee: {  	(tag) =	ssettag $0x2  }
0xef: {  	s0 =	rddreg [dreg:$0x0];
	s2 =	stileid.u32  }
0xf0: {  	s1 =	rddreg [dreg:$0x1];
	p0 =	sne.s32 s2, $0x0  }
0xf1: {  	s3 =	rddreg [dreg:$0x2];
	[bflag:$0x3] =	sbarrier.arrive $0xFFFF;
	s2 =	simm.s32 @!p0 $0x1C0D  }
0xf2: {  	[timem:s3], [sflag:s2] =	dma.local @!p0 [hbm:s0], s1  }
0xf3: {  	s0 =	simm.s32 @!p0 $0xD  }
0xf4: {  	_ =	swait.ge @!p0 [sflag:s0], s1  }
0xf5: {  	s1 =	ssub.s32 @!p0 $0x0, s1;
	[sflag:s0] =	ssyncset.done @!p0 $0x0  }
0xf6: {  	[sflag:s0] =	ssyncadd.s32 @!p0 s1  }
0xf7: {  	[bflag:$0x3] =	sbarrier.arrive $0xFFFF  }
0xf8: {  	_ =	shalt  }

// kernel: kernel.19.cloned.1.call-start
scs
__scs_entry_jumppad:
0x0: {  	(pc) =	sbr.rel $0x88, $3  }
0x1: {  	(tag) =	ssettag $0x0;
	lr =	simm.s32 $0x1  }
0x2: {  	[smem:$0x3F99] =	sst lr;
	_ =	strace $0xD0000000  }
0x3: {  	_ = 	snop  }
0x4: {  	_ = 	snop  }
0x5: {  	_ = 	snop  }
0x6: {  	_ = 	snop  }
0x7: {  	_ = 	snop  }
__scs_overlays_trampoline_lowered:
0x8: {  	[smem:$0x3FA8] =	sst s0  }
0x9: {  	[smem:$0x3FA9] =	sst s1  }
0xa: {  	[smem:$0x3FAA] =	sst s2  }
0xb: {  	[smem:$0x3FAB] =	sst s3  }
0xc: {  	[smem:$0x3FAC] =	sst s4  }
0xd: {  	[smem:$0x3FAD] =	sst s5  }
0xe: {  	[smem:$0x3FAE] =	sst s6  }
0xf: {  	[smem:$0x3FAF] =	sst s7  }
0x10: {  	[smem:$0x3FB0] =	sst s8  }
0x11: {  	[smem:$0x3FB1] =	sst s9;
	s0 =	simm.s32 @!p0 $0x0  }
0x12: {  	s1 =	sld [smem:$0x3F97];
	s0 =	simm.s32 @p0 $0x1  }
0x13: {  	[smem:$0x3FB2] =	sst s0;
	s0 =	simm.s32 @!p1 $0x0  }
0x14: {  	s2 =	sld [smem:$0x3F96];
	s0 =	simm.s32 @p1 $0x1  }
0x15: {  	[smem:$0x3FB3] =	sst s0;
	s0 =	simm.s32 @!p2 $0x0  }
0x16: {  	s3 =	sld [smem:$0x3FDB];
	s0 =	simm.s32 @p2 $0x1  }
0x17: {  	s4 =	simm.s32 $0x1BF5;
	[smem:$0x3FB5] =	sst s0  }
0x18: {  	s0 =	sld [smem:$0x3F98];
	_ =	swait.ge [sflag:s4], $0x0  }
0x19: {  	s7 =	sld [smem:$0x3F99]  }
0x1a: {  	s8 =	sadd.s32 $0xFFFFE003, lr  }
0x1b: {  	s9 =	sadd.s32 $0xFFFFFEF7, lr;
	s5 =	simm.s32 $0xFFFFFFFF;
	p2 =	slt.u32 s8, $0xFFFFF086  }
0x1c: {  	p1 =	slt.u32 s9, $0xF7A;
	s5 =	simm.s32 @!p2 $0x0  }
0x1d: {  	s5 =	simm.s32 @p1 $0x1;
	p0 =	seq.s32 s7, s2  }
0x1e: {  	s7 =	smul.u32 @!p0 $0xF7A, s2;
	p2 =	seq.s32 @!p0 s5, $0x0  }
0x1f: {  	s9 =	smul.u32 $0xF7A, s1;
	s8 =	simm.s32 @!p0 $0x1BF5;
	p2 =	por !p2, p0  }
0x20: {  	[sflag:s8] =	ssyncset.s32 @!p0 $0xFFFFF086;
	s6 =	sadd.s32 @!p0 s3, s7;
	s7 =	simm.s32 @!p0 $0x108  }
0x21: {  	s3 =	sadd.s32 s3, s9;
	s6 =	sadd.s32 @!p0 $0x88, s6;
	s7 =	simm.s32 @p2 $0x1082  }
0x22: {  	[simem:s7], [sflag:s8] =	dma.local @!p0 [hbm:s6], $0xF7A  }
0x23: {  	s9 =	sor.u32 $0xD0000000, s2;
	s6 =	simm.s32 $0x108;
	_ =	swait.ge @!p0 [sflag:s8], $0x0  }
0x24: {  	s3 =	sadd.s32 $0x88, s3;
	s6 =	simm.s32 @!p1 $0x1082;
	[sflag:s4] =	ssyncset.s32 $0xFFFFF086  }
0x25: {  	[simem:s6], [sflag:s4] =	dma.local [hbm:s3], $0xF7A  }
0x26: {  	[smem:$0x3F99] =	sst s1;
	(tag) =	ssettag s2;
	_ =	strace s9  }
0x27: {  	s1 =	sld [smem:$0x3FA9]  }
0x28: {  	s2 =	sld [smem:$0x3FAA]  }
0x29: {  	s4 =	sld [smem:$0x3FAC]  }
0x2a: {  	p0 =	seq.s32 s5, $0x0;
	s5 =	sld [smem:$0x3FAD]  }
0x2b: {  	s6 =	sld [smem:$0x3FAE]  }
0x2c: {  	s7 =	sld [smem:$0x3FAF]  }
0x2d: {  	s3 =	simm.s32 $0x108;
	s8 =	sld [smem:$0x3FB0]  }
0x2e: {  	s3 =	simm.s32 @!p0 $0x1082;
	s9 =	sld [smem:$0x3FB1]  }
0x2f: {  	lr =	sadd.s32 s0, s3;
	s0 =	sld [smem:$0x3FA8]  }
0x30: {  	s3 =	sld [smem:$0x3FAB]  }
0x31: {  	[smem:$0x3FB4] =	sst s10  }
0x32: {  	s10 =	sld [smem:$0x3FB2];
	_ =	sdelay $0x3  }
0x33: {  	p0 =	seq.s32 s10, $0x1;
	s10 =	sld [smem:$0x3FB4];
	_ =	sdelay $0x3  }
0x34: {  	[smem:$0x3FB4] =	sst s10  }
0x35: {  	s10 =	sld [smem:$0x3FB3];
	_ =	sdelay $0x3  }
0x36: {  	p1 =	seq.s32 s10, $0x1;
	s10 =	sld [smem:$0x3FB4];
	_ =	sdelay $0x3  }
0x37: {  	[smem:$0x3FB4] =	sst s10  }
0x38: {  	s10 =	sld [smem:$0x3FB5]  }
0x39: {  	_ = 	snop;
	(pc) =	sbr.ind lr, $3  }
0x3a: {  	_ = 	snop  }
0x3b: {  	_ = 	snop  }
0x3c: {  	p2 =	seq.s32 s10, $0x1;
	s10 =	sld [smem:$0x3FB4]  }
0x3d: {  	_ =	shalt  }
0x3e: {  	_ =	shalt  }
0x3f: {  	_ =	shalt  }
0x40: {  	_ =	shalt  }
0x41: {  	_ =	shalt  }
0x42: {  	_ =	shalt  }
0x43: {  	_ =	shalt  }
0x44: {  	_ =	shalt  }
0x45: {  	_ =	shalt  }
0x46: {  	_ =	shalt  }
0x47: {  	_ =	shalt  }
0x48: {  	_ =	shalt  }
0x49: {  	_ =	shalt  }
0x4a: {  	_ =	shalt  }
0x4b: {  	_ =	shalt  }
0x4c: {  	_ =	shalt  }
0x4d: {  	_ =	shalt  }
0x4e: {  	_ =	shalt  }
0x4f: {  	_ =	shalt  }
0x50: {  	_ =	shalt  }
0x51: {  	_ =	shalt  }
0x52: {  	_ =	shalt  }
0x53: {  	_ =	shalt  }
0x54: {  	_ =	shalt  }
0x55: {  	_ =	shalt  }
0x56: {  	_ =	shalt  }
0x57: {  	_ =	shalt  }
0x58: {  	_ =	shalt  }
0x59: {  	_ =	shalt  }
0x5a: {  	_ =	shalt  }
0x5b: {  	_ =	shalt  }
0x5c: {  	_ =	shalt  }
0x5d: {  	_ =	shalt  }
0x5e: {  	_ =	shalt  }
0x5f: {  	_ =	shalt  }
0x60: {  	_ =	shalt  }
0x61: {  	_ =	shalt  }
0x62: {  	_ =	shalt  }
0x63: {  	_ =	shalt  }
0x64: {  	_ =	shalt  }
0x65: {  	_ =	shalt  }
0x66: {  	_ =	shalt  }
0x67: {  	_ =	shalt  }
0x68: {  	_ =	shalt  }
0x69: {  	_ =	shalt  }
0x6a: {  	_ =	shalt  }
0x6b: {  	_ =	shalt  }
0x6c: {  	_ =	shalt  }
0x6d: {  	_ =	shalt  }
0x6e: {  	_ =	shalt  }
0x6f: {  	_ =	shalt  }
0x70: {  	_ =	shalt  }
0x71: {  	_ =	shalt  }
0x72: {  	_ =	shalt  }
0x73: {  	_ =	shalt  }
0x74: {  	_ =	shalt  }
0x75: {  	_ =	shalt  }
0x76: {  	_ =	shalt  }
0x77: {  	_ =	shalt  }
0x78: {  	_ =	shalt  }
0x79: {  	_ =	shalt  }
0x7a: {  	_ =	shalt  }
0x7b: {  	_ =	shalt  }
0x7c: {  	_ =	shalt  }
0x7d: {  	_ =	shalt  }
0x7e: {  	_ =	shalt  }
0x7f: {  	_ =	shalt  }
0x80: {  	_ =	shalt  }
0x81: {  	_ =	shalt  }
0x82: {  	_ =	shalt  }
0x83: {  	_ =	shalt  }
0x84: {  	_ =	shalt  }
0x85: {  	_ =	shalt  }
0x86: {  	_ =	shalt  }
0x87: {  	_ =	shalt  }
.Lfunc_end0:
.L_simem_size_0:
called_computation.3_lowered:
.L_overlay_start_0:
0x88: {  	s2 =	sld [smem:$0x3FD9]  }
0x89: {  	s3 =	sld [smem:$0x3FFE];
	_ =	sdelay $0x1  }
0x8a: {  	s1 =	srdreg.scid  }
0x8b: {  	s0 =	sand.u32 $0x1, s1  }
0x8c: {  	s17 =	sshll.u32 s0, $0xA;
	s2 =	sadd.s32 s3, s2  }
0x8d: {  	s2 =	sadd.s32 s2, s17  }
0x8e: {  	[smem:$0x3FC0] =	sst s2  }
0x8f: {  	_ = 	snop  }
0x90: {  	s2 =	sld [smem:$0x3FC8]  }
0x91: {  	s18 =	sld [smem:$0x3FD0];
	(tm) =	ssettm $0x1  }
0x92: {  	s4 =	sld [smem:$0x3FFB];
	_ =	sdelay $0x3  }
0x93: {  	_ =	strace s4  }
0x94: {  	s4 =	sld [smem:$0x3FFC];
	_ =	sdelay $0x3  }
0x95: {  	_ =	strace s4  }
0x96: {  	s4 =	sld [smem:$0x3FFD];
	_ =	sdelay $0x3  }
0x97: {  	_ =	strace s4  }
0x98: {  	_ =	strace $0x8FFFFFFF  }
0x99: {  	s19 =	sld [smem:$0x3FDB];
	_ =	sdelay $0x1  }
0x9a: {  	s5 =	simm.s32 $_scs_section_size  }
0x9b: {  	s6 =	simm.s32 $_size__tile_overlayer_lowered;
	s7 =	simm.s32 $_tile_overlayer_lowered  }
0x9c: {  	s22 =	simm.s32 $0x1BFF;
	s21 =	sshll.u32 s7, $0x1;
	s4 =	sadd.s32 s5, s19  }
0x9d: {  	s8 =	simm.s32 $0x0;
	s20 =	sshll.u32 s6, $0x1;
	s6 =	sadd.s32 s21, s4  }
0x9e: {  	[timem:s8], [sflag:s22] =	dma.local [hbm:s6], s20  }
0x9f: {  	_ =	swait.ge [sflag:s22], s20  }
0xa0: {  	s5 =	ssub.s32 $0x0, s20;
	[sflag:s22] =	ssyncset.done $0x0  }
0xa1: {  	[sflag:s22] =	ssyncadd.s32 s5;
	_ =	sdelay $0x1  }
0xa2: {  	s23 =	simm.s32 $0x1B8B  }
0xa3: {  	_ =	swait.ge [sflag:s23], $0x1  }
0xa4: {  	[sflag:s23] =	ssyncset.done $0x0  }
0xa5: {  	s25 =	simm.s32 $0x1B8E;
	s24 =	sld [smem:$0x3FFE];
	[sflag:s23] =	ssyncadd.s32 $0xFFFFFFFF  }
0xa6: {  	s26 =	simm.s32 $execute0_lowered;
	[smem:$0x3FD2] =	sst s25  }
0xa7: {  	s6 =	sshll.u32 s26, $0x1;
	_ =	strace $0x8000004F;
	[dreg:$0x1] =	wrdreg $0xFFFFFFFF  }
0xa8: {  	s28 =	simm.s32 $_size_execute0_lowered;
	s4 =	sadd.s32 s4, s6;
	[dreg:$0x0] =	wrdreg $0x0  }
0xa9: {  	s6 =	sshll.u32 s28, $0x1;
	[dreg:$0x2] =	wrdreg s4  }
0xaa: {  	[dreg:$0x3] =	wrdreg s6  }
0xab: {  	[dreg:$0x4] =	wrdreg $0xC0  }
0xac: {  	_ =	task [dreg:s8], $0x5FFFF  }
0xad: {  	[dreg:$0x1] =	wrdreg $0xFFFFFFFF  }
0xae: {  	[dreg:$0x0] =	wrdreg $0x60  }
0xaf: {  	[dreg:$0x2] =	wrdreg s18  }
0xb0: {  	[dreg:$0x3] =	wrdreg s2  }
0xb1: {  	[dreg:$0x4] =	wrdreg s24  }
0xb2: {  	[dreg:$0x5] =	wrdreg $0x0  }
0xb3: {  	[dreg:$0x6] =	wrdreg $0x9  }
0xb4: {  	_ =	task.clear_ibuf [dreg:s8], $0x7FFFF;
	_ =	strace $0x9000004F  }
0xb5: {  	s29 =	simm.s32 $0x9;
	_ =	strace $0x80000051  }
0xb6: {  	_ =	swait.ge [sflag:s29], $0x1  }
0xb7: {  	[sflag:s29] =	ssyncadd.s32 $0xFFFFFFFF  }
0xb8: {  	_ =	strace $0x90000051  }
0xb9: {  	_ =	sfence  }
0xba: {  	s30 =	sld [smem:$0x0];
	_ =	sdelay $0x2  }
0xbb: {  	s31 =	sshll.u32 s1, $0xD;
	s1 =	sshrl.u32 s1, $0x2  }
0xbc: {  	s3 =	sand.u32 $0x4000, s31;
	s1 =	sadd.s32 s1, s30  }
0xbd: {  	s0 =	sor.u32 s3, s0;
	s1 =	sshll.u32 s1, $0x11  }
0xbe: {  	s0 =	sor.u32 s1, s0  }
0xbf: {  	s0 =	sadd.s32 $0x8F2B, s0  }
0xc0: {  	[sflag:s0] =	ssyncadd.remote.s32 $0x1  }
0xc1: {  	_ =	sfence.sel $0xFFFF  }
0xc2: {  	[dreg:$0x0] =	wrdreg $0xFFFFFFFF;
	(pc) =	sbr.abs _section_cstart, $3  }
0xc3: {  	[dreg:$0x1] =	wrdreg $0xFFFFFFFF  }
0xc4: {  	_ =	task.clear_ibuf [dreg:s8], $0x2FFFF;
	_ =	strace $0x9FFFFFFF  }
0xc5: {  	(tm) =	ssettm $0x7FFFFFFF  }
tec
execute0_lowered:
.L_overlay_start_1:
0x0: {  	(tag) =	ssettag $0x1  }
0x1: {  	s1 =	rddreg [dreg:$0x0]  }
0x2: {  	s0 =	rddreg [dreg:$0x1]  }
0x3: {  	s2 =	srdreg.scid;
	s4 =	rddreg [dreg:$0x2]  }
0x4: {  	s13 =	stileid.u32;
	s3 =	rddreg [dreg:$0x3];
	s7 =	simm.s32 $0x0  }
0x5: {  	s11 =	simm.s32 $0x14820;
	s12 =	simm.s32 $0xD;
	s14 =	simm.s32 $0x19720  }
0x6: {  	s16 =	simm.s32 $0x1A720;
	s18 =	simm.s32 $0x1B720;
	s20 =	simm.s32 $0x1C720  }
0x7: {  	s28 =	simm.s32 $0x2;
	s29 =	simm.s32 $0x3;
	s30 =	simm.s32 $0x4  }
0x8: {  	s31 =	simm.s32 $0x5;
	s15 =	simm.s32 $0x7;
	s17 =	simm.s32 $0x8  }
0x9: {  	s19 =	simm.s32 $0x9;
	s2 =	sand.u32 $0x1, s2;
	s5 =	smul.u32 $0x7D00, s13  }
0xa: {  	[smem:$0x7FF] =	sst s7;
	s21 =	sshll.u32 s13, $0x1;
	s9 =	smul.u32 $0x1F400, s13  }
0xb: {  	p0 =	sgt.u32 s13, $0x1;
	p1 =	sgt.u32 s13, $0x9;
	s13 =	simm.s32 $0x80  }
0xc: {  	s6 =	smul.u32 $0x4E200, s2;
	_ =	strace $0x80000050;
	s7 =	sor.u32 s2, s21  }
0xd: {  	s2 =	ssub.s32 $0x2, s2;
	s21 =	simm.s32 $0xA;
	s22 =	smul.u32 $0x9C0, s7  }
0xe: {  	s8 =	sshrl.u32 s2, $0x1;
	s7 =	sshll.u32 s7, $0x5;
	s23 =	sshrl.u32 s5, $0x3  }
0xf: {  	s24 =	sshrl.u32 s9, $0x2;
	s6 =	sadd.s32 s5, s6;
	s2 =	ssub.s32 s2, s8  }
0x10: {  	s5 =	sadd.s32 s5, s3;
	s25 =	sadd.s32 s24, s3;
	s24 =	simm.s32 $0x1E720  }
0x11: {  	s8 =	simm.s32 $0x0;
	s6 =	sshrl.u32 s6, $0x3;
	[dreg:$0x7] =	wrdreg s25  }
0x12: {  	s10 =	smax.u32 s2, $0x1;
	s25 =	sshrl.u32 @!p1 s5, $0x3;
	s2 =	simm.s32 $0x6  }
.Ltmp0:
0x13: {  	s4 =	sadd.s32 s6, s4;
	s6 =	sadd.s32 s0, s22;
	(pc) =	sbr.rel .LBB2_1-.Ltmp0, $4  }
0x14: {  	s0 =	sadd.s32 s7, s0;
	s7 =	sadd.s32 s1, s23;
	s22 =	simm.s32 $0x1D720  }
0x15: {  	s23 =	simm.s32 $0xB;
	[dreg:$0x5] =	wrdreg s6;
	s0 =	sadd.s32 $0x13800, s0  }
0x16: {  	s6 =	simm.s32 $0x0;
	s26 =	sadd.s32 $0x3200, s4;
	[dreg:$0x6] =	wrdreg s0  }
0x17: {  	[dreg:$0x8] =	wrdreg s26;
	s26 =	simm.s32 $0x1;
	s0 =	simm.s32 $0xC  }
.LBB2_8:
0x18: {  	s5 =	sand.u32 $0x7FE0, s9  }
0x19: {  	[tilespmem:s5+$0xCB20] =	vst v0  }
0x1a: {  	v0 =	vld [tilespmem:s4+$0x0];
	_ =	sdelay $0x4  }
0x1b: {  	s6 =	simm.s32 $0x0;
	s9 =	simm.s32 $0xCB20;
	[tilespmem:s5+$0xCB30] =	vst v0;
	s5 =	rddreg [dreg:$0x8]  }
0x1c: {  	[hbm4b:s5+s6] =	stream.linear.scatter [tilespmem:s9], [sflag:$0xD], $0x7D00, $0x38;
	[tilespmem:$0x1F720] =	vst v63  }
0x1d: {  	_ =	swait.ge [sflag:s12], $0x7D00  }
0x1e: {  	[sflag:s12] =	ssyncset.done $0x0  }
0x1f: {  	[sflag:s12] =	ssyncadd.s32 $0xFFFF8300  }
.LBB2_9:
0x20: {  	s8 =	sadd.s32 $0x1, s8  }
0x21: {  	p2 =	sne.s32 s8, s10  }
.Ltmp1:
0x22: {  	_ = 	snop;
	(pc) =	sbr.rel @!p2 .LBB2_10-.Ltmp1, $1  }
0x23: {  	_ =	sdelay $0x3  }
.LBB2_1:
0x24: {  	s4 =	rddreg [dreg:$0x5]  }
0x25: {  	[tilespmem:s11], [sflag:$0xD] =	stream.linear.gather [hbm4b:s4+s6], $0x4E00, $0x38;
	[tilespmem:$0x1F720] =	vst v63  }
0x26: {  	_ =	swait.ge [sflag:s12], $0x4E00  }
0x27: {  	s5 =	simm.s32 @!p0 $0x19620;
	[sflag:s12] =	ssyncset.done $0x0  }
0x28: {  	s4 =	simm.s32 @!p0 $0x0;
	s9 =	rddreg [dreg:$0x6];
	[sflag:s12] =	ssyncadd.s32 $0xFFFFB200  }
0x29: {  	[tilespmem:s5], [sflag:$0xD] =	stream.linear.gather @!p0 [hbm4b:s9+s4], $0x100, $0x38;
	[tilespmem:$0x1F720] =	vst v63  }
0x2a: {  	s4 =	simm.s32 @!p0 $0xD  }
0x2b: {  	_ =	swait.ge @!p0 [sflag:s4], $0x100  }
0x2c: {  	[sflag:s4] =	ssyncset.done @!p0 $0x0  }
0x2d: {  	[sflag:s4] =	ssyncadd.s32 @!p0 $0xFFFFFF00  }
0x2e: {  	[tilespmem:s14], [sflag:$0x1] =	stream.indirect.gather [hbm4b:s1+s13], $0x20, s11, s13, $0xb8;
	[tilespmem:$0x1F720] =	vst v63  }
0x2f: {  	s5 =	simm.s32 $0x14920  }
0x30: {  	[tilespmem:s16], [sflag:$0x2] =	stream.indirect.gather [hbm4b:s1+s13], $0x20, s5, s13, $0xb8;
	[tilespmem:$0x1F720] =	vst v63  }
0x31: {  	s9 =	simm.s32 $0x14A20  }
0x32: {  	[tilespmem:s18], [sflag:$0x3] =	stream.indirect.gather [hbm4b:s1+s13], $0x20, s9, s13, $0xb8;
	[tilespmem:$0x1F720] =	vst v63  }
0x33: {  	s4 =	stileid.u32;
	s5 =	simm.s32 $0x14B20  }
0x34: {  	[tilespmem:s20], [sflag:$0x4] =	stream.indirect.gather [hbm4b:s1+s13], $0x20, s5, s13, $0xb8;
	[tilespmem:$0x1F720] =	vst v63  }
0x35: {  	s4 =	sshll.u32 @!p1 s4, $0x6;
	s9 =	simm.s32 $0x14C20  }
0x36: {  	[tilespmem:s22], [sflag:$0x5] =	stream.indirect.gather [hbm4b:s1+s13], $0x20, s9, s13, $0xb8;
	[tilespmem:$0x1F720] =	vst v63  }
0x37: {  	s4 =	sor.u32 @!p1 $0x1C0D, s4;
	s5 =	simm.s32 $0x14D20  }
0x38: {  	[tilespmem:s24], [sflag:$0x6] =	stream.indirect.gather [hbm4b:s1+s13], $0x20, s5, s13, $0xb8;
	[tilespmem:$0x1F720] =	vst v63  }
0x39: {  	[spmem:s25], [sflag:s4] =	dma.local @!p1 [hbm:s7], $0xFA0  }
0x3a: {  	s4 =	simm.s32 @!p1 $0xD  }
0x3b: {  	_ =	swait.ge @!p1 [sflag:s4], $0xFA0  }
0x3c: {  	[sflag:s4] =	ssyncset.done @!p1 $0x0  }
0x3d: {  	[sflag:s4] =	ssyncadd.s32 @!p1 $0xFFFFF060  }
0x3e: {  	[bflag:$0x0] =	sbarrier.arrive $0xFFFF  }
0x3f: {  	_ =	swait.ge [sflag:s26], $0x1000  }
0x40: {  	[sflag:s26] =	ssyncset.done $0x0  }
0x41: {  	s9 =	simm.s32 $0x148A0;
	[sflag:s26] =	ssyncadd.s32 $0xFFFFF000  }
0x42: {  	[spmem:s3] =	stream.indirect.scatter.add.f32 [tilespmem:s14], [sflag:$0x7], $0x20, s9, s13, $0xb8;
	[tilespmem:$0x1F720] =	vst v63  }
0x43: {  	_ =	swait.ge [sflag:s28], $0x1000  }
0x44: {  	[sflag:s28] =	ssyncset.done $0x0  }
0x45: {  	s5 =	simm.s32 $0x149A0;
	[sflag:s28] =	ssyncadd.s32 $0xFFFFF000  }
0x46: {  	[spmem:s3] =	stream.indirect.scatter.add.f32 [tilespmem:s16], [sflag:$0x8], $0x20, s5, s13, $0xb8;
	[tilespmem:$0x1F720] =	vst v63  }
0x47: {  	_ =	swait.ge [sflag:s29], $0x1000  }
0x48: {  	[sflag:s29] =	ssyncset.done $0x0  }
0x49: {  	s9 =	simm.s32 $0x14AA0;
	[sflag:s29] =	ssyncadd.s32 $0xFFFFF000  }
0x4a: {  	[spmem:s3] =	stream.indirect.scatter.add.f32 [tilespmem:s18], [sflag:$0x9], $0x20, s9, s13, $0xb8;
	[tilespmem:$0x1F720] =	vst v63  }
0x4b: {  	_ =	swait.ge [sflag:s30], $0x1000  }
0x4c: {  	[sflag:s30] =	ssyncset.done $0x0  }
0x4d: {  	s5 =	simm.s32 $0x14BA0;
	[sflag:s30] =	ssyncadd.s32 $0xFFFFF000  }
0x4e: {  	[spmem:s3] =	stream.indirect.scatter.add.f32 [tilespmem:s20], [sflag:$0xA], $0x20, s5, s13, $0xb8;
	[tilespmem:$0x1F720] =	vst v63  }
0x4f: {  	_ =	swait.ge [sflag:s31], $0x1000  }
0x50: {  	[sflag:s31] =	ssyncset.done $0x0  }
0x51: {  	s9 =	simm.s32 $0x14CA0;
	[sflag:s31] =	ssyncadd.s32 $0xFFFFF000  }
0x52: {  	[spmem:s3] =	stream.indirect.scatter.add.f32 [tilespmem:s22], [sflag:$0xB], $0x20, s9, s13, $0xb8;
	[tilespmem:$0x1F720] =	vst v63  }
0x53: {  	_ =	swait.ge [sflag:s2], $0x1000  }
0x54: {  	[sflag:s2] =	ssyncset.done $0x0  }
0x55: {  	s5 =	simm.s32 $0x14DA0;
	[sflag:s2] =	ssyncadd.s32 $0xFFFFF000  }
0x56: {  	[spmem:s3] =	stream.indirect.scatter.add.f32 [tilespmem:s24], [sflag:$0xC], $0x20, s5, s13, $0xb8;
	[tilespmem:$0x1F720] =	vst v63  }
0x57: {  	_ =	swait.ge [sflag:s15], $0x1000  }
0x58: {  	[sflag:s15] =	ssyncset.done $0x0  }
0x59: {  	s9 =	simm.s32 $0x14E20;
	[sflag:s15] =	ssyncadd.s32 $0xFFFFF000  }
0x5a: {  	[tilespmem:s14], [sflag:$0x1] =	stream.indirect.gather [hbm4b:s1+s13], $0x20, s9, s13, $0xb8;
	[tilespmem:$0x1F720] =	vst v63  }
0x5b: {  	_ =	swait.ge [sflag:s17], $0x1000  }
0x5c: {  	[sflag:s17] =	ssyncset.done $0x0  }
0x5d: {  	s5 =	simm.s32 $0x14F20;
	[sflag:s17] =	ssyncadd.s32 $0xFFFFF000  }
0x5e: {  	[tilespmem:s16], [sflag:$0x2] =	stream.indirect.gather [hbm4b:s1+s13], $0x20, s5, s13, $0xb8;
	[tilespmem:$0x1F720] =	vst v63  }
0x5f: {  	_ =	swait.ge [sflag:s19], $0x1000  }
0x60: {  	[sflag:s19] =	ssyncset.done $0x0  }
0x61: {  	s9 =	simm.s32 $0x15020;
	[sflag:s19] =	ssyncadd.s32 $0xFFFFF000  }
0x62: {  	[tilespmem:s18], [sflag:$0x3] =	stream.indirect.gather [hbm4b:s1+s13], $0x20, s9, s13, $0xb8;
	[tilespmem:$0x1F720] =	vst v63  }
0x63: {  	_ =	swait.ge [sflag:s21], $0x1000  }
0x64: {  	[sflag:s21] =	ssyncset.done $0x0  }
0x65: {  	s5 =	simm.s32 $0x15120;
	[sflag:s21] =	ssyncadd.s32 $0xFFFFF000  }
0x66: {  	[tilespmem:s20], [sflag:$0x4] =	stream.indirect.gather [hbm4b:s1+s13], $0x20, s5, s13, $0xb8;
	[tilespmem:$0x1F720] =	vst v63  }
0x67: {  	_ =	swait.ge [sflag:s23], $0x1000  }
0x68: {  	[sflag:s23] =	ssyncset.done $0x0  }
0x69: {  	s9 =	simm.s32 $0x15220;
	[sflag:s23] =	ssyncadd.s32 $0xFFFFF000  }
0x6a: {  	[tilespmem:s22], [sflag:$0x5] =	stream.indirect.gather [hbm4b:s1+s13], $0x20, s9, s13, $0xb8;
	[tilespmem:$0x1F720] =	vst v63  }
0x6b: {  	_ =	swait.ge [sflag:s0], $0x1000  }
0x6c: {  	[sflag:s0] =	ssyncset.done $0x0  }
0x6d: {  	s4 =	simm.s32 $0x15320;
	s9 =	simm.s32 $0x1800;
	[sflag:s0] =	ssyncadd.s32 $0xFFFFF000  }
.LBB2_2:
0x6e: {  	[tilespmem:s24], [sflag:$0x6] =	stream.indirect.gather [hbm4b:s1+s13], $0x20, s4, s13, $0xb8;
	[tilespmem:$0x1F720] =	vst v63  }
0x6f: {  	s4 =	smov.u32 s9  }
0x70: {  	p2 =	sne.s32 s9, $0x10800;
	s9 =	sadd.s32 $0x1800, s9;
	_ =	swait.ge [sflag:s26], $0x1000  }
0x71: {  	s4 =	sshra.s32 s4, $0x2;
	[sflag:s26] =	ssyncset.done $0x0  }
0x72: {  	s5 =	sadd.s32 $0x148A0, s4;
	[sflag:s26] =	ssyncadd.s32 $0xFFFFF000  }
0x73: {  	[spmem:s3] =	stream.indirect.scatter.add.f32 [tilespmem:s14], [sflag:$0x7], $0x20, s5, s13, $0xb8;
	[tilespmem:$0x1F720] =	vst v63  }
0x74: {  	_ =	swait.ge [sflag:s28], $0x1000  }
0x75: {  	[sflag:s28] =	ssyncset.done $0x0  }
0x76: {  	s5 =	sadd.s32 $0x149A0, s4;
	[sflag:s28] =	ssyncadd.s32 $0xFFFFF000  }
0x77: {  	[spmem:s3] =	stream.indirect.scatter.add.f32 [tilespmem:s16], [sflag:$0x8], $0x20, s5, s13, $0xb8;
	[tilespmem:$0x1F720] =	vst v63  }
0x78: {  	_ =	swait.ge [sflag:s29], $0x1000  }
0x79: {  	[sflag:s29] =	ssyncset.done $0x0  }
0x7a: {  	s5 =	sadd.s32 $0x14AA0, s4;
	[sflag:s29] =	ssyncadd.s32 $0xFFFFF000  }
0x7b: {  	[spmem:s3] =	stream.indirect.scatter.add.f32 [tilespmem:s18], [sflag:$0x9], $0x20, s5, s13, $0xb8;
	[tilespmem:$0x1F720] =	vst v63  }
0x7c: {  	_ =	swait.ge [sflag:s30], $0x1000  }
0x7d: {  	[sflag:s30] =	ssyncset.done $0x0  }
0x7e: {  	s5 =	sadd.s32 $0x14BA0, s4;
	[sflag:s30] =	ssyncadd.s32 $0xFFFFF000  }
0x7f: {  	[spmem:s3] =	stream.indirect.scatter.add.f32 [tilespmem:s20], [sflag:$0xA], $0x20, s5, s13, $0xb8;
	[tilespmem:$0x1F720] =	vst v63  }
0x80: {  	_ =	swait.ge [sflag:s31], $0x1000  }
0x81: {  	[sflag:s31] =	ssyncset.done $0x0  }
0x82: {  	s5 =	sadd.s32 $0x14CA0, s4;
	[sflag:s31] =	ssyncadd.s32 $0xFFFFF000  }
0x83: {  	[spmem:s3] =	stream.indirect.scatter.add.f32 [tilespmem:s22], [sflag:$0xB], $0x20, s5, s13, $0xb8;
	[tilespmem:$0x1F720] =	vst v63  }
0x84: {  	_ =	swait.ge [sflag:s2], $0x1000  }
0x85: {  	[sflag:s2] =	ssyncset.done $0x0  }
0x86: {  	s5 =	sadd.s32 $0x14DA0, s4;
	[sflag:s2] =	ssyncadd.s32 $0xFFFFF000  }
0x87: {  	[spmem:s3] =	stream.indirect.scatter.add.f32 [tilespmem:s24], [sflag:$0xC], $0x20, s5, s13, $0xb8;
	[tilespmem:$0x1F720] =	vst v63  }
0x88: {  	_ =	swait.ge [sflag:s15], $0x1000  }
0x89: {  	[sflag:s15] =	ssyncset.done $0x0  }
0x8a: {  	s5 =	sadd.s32 $0x14E20, s4;
	[sflag:s15] =	ssyncadd.s32 $0xFFFFF000  }
0x8b: {  	[tilespmem:s14], [sflag:$0x1] =	stream.indirect.gather [hbm4b:s1+s13], $0x20, s5, s13, $0xb8;
	[tilespmem:$0x1F720] =	vst v63  }
0x8c: {  	_ =	swait.ge [sflag:s17], $0x1000  }
0x8d: {  	[sflag:s17] =	ssyncset.done $0x0  }
0x8e: {  	s5 =	sadd.s32 $0x14F20, s4;
	[sflag:s17] =	ssyncadd.s32 $0xFFFFF000  }
0x8f: {  	[tilespmem:s16], [sflag:$0x2] =	stream.indirect.gather [hbm4b:s1+s13], $0x20, s5, s13, $0xb8;
	[tilespmem:$0x1F720] =	vst v63  }
0x90: {  	_ =	swait.ge [sflag:s19], $0x1000  }
0x91: {  	[sflag:s19] =	ssyncset.done $0x0  }
0x92: {  	s5 =	sadd.s32 $0x15020, s4;
	[sflag:s19] =	ssyncadd.s32 $0xFFFFF000  }
0x93: {  	[tilespmem:s18], [sflag:$0x3] =	stream.indirect.gather [hbm4b:s1+s13], $0x20, s5, s13, $0xb8;
	[tilespmem:$0x1F720] =	vst v63  }
0x94: {  	_ =	swait.ge [sflag:s21], $0x1000  }
0x95: {  	[sflag:s21] =	ssyncset.done $0x0  }
0x96: {  	s5 =	sadd.s32 $0x15120, s4;
	[sflag:s21] =	ssyncadd.s32 $0xFFFFF000  }
0x97: {  	[tilespmem:s20], [sflag:$0x4] =	stream.indirect.gather [hbm4b:s1+s13], $0x20, s5, s13, $0xb8;
	[tilespmem:$0x1F720] =	vst v63  }
0x98: {  	_ =	swait.ge [sflag:s23], $0x1000  }
0x99: {  	[sflag:s23] =	ssyncset.done $0x0  }
.Ltmp2:
0x9a: {  	s5 =	sadd.s32 $0x15220, s4;
	[sflag:s23] =	ssyncadd.s32 $0xFFFFF000;
	(pc) =	sbr.rel @p2 .LBB2_2-.Ltmp2, $4  }
0x9b: {  	[tilespmem:s22], [sflag:$0x5] =	stream.indirect.gather [hbm4b:s1+s13], $0x20, s5, s13, $0xb8;
	[tilespmem:$0x1F720] =	vst v63  }
0x9c: {  	_ =	swait.ge [sflag:s0], $0x1000  }
0x9d: {  	[sflag:s0] =	ssyncset.done $0x0  }
0x9e: {  	s4 =	sadd.s32 $0x15320, s4;
	[sflag:s0] =	ssyncadd.s32 $0xFFFFF000  }
0x9f: {  	[tilespmem:s24], [sflag:$0x6] =	stream.indirect.gather [hbm4b:s1+s13], $0x20, s4, s13, $0xb8;
	[tilespmem:$0x1F720] =	vst v63  }
0xa0: {  	_ =	swait.ge [sflag:s26], $0x1000  }
0xa1: {  	[sflag:s26] =	ssyncset.done $0x0  }
0xa2: {  	s5 =	simm.s32 $0x190A0;
	[sflag:s26] =	ssyncadd.s32 $0xFFFFF000  }
0xa3: {  	[spmem:s3] =	stream.indirect.scatter.add.f32 [tilespmem:s14], [sflag:$0x7], $0x20, s5, s13, $0xb8;
	[tilespmem:$0x1F720] =	vst v63  }
0xa4: {  	_ =	swait.ge [sflag:s28], $0x1000  }
0xa5: {  	[sflag:s28] =	ssyncset.done $0x0  }
0xa6: {  	s9 =	simm.s32 $0x191A0;
	[sflag:s28] =	ssyncadd.s32 $0xFFFFF000  }
0xa7: {  	[spmem:s3] =	stream.indirect.scatter.add.f32 [tilespmem:s16], [sflag:$0x8], $0x20, s9, s13, $0xb8;
	[tilespmem:$0x1F720] =	vst v63  }
0xa8: {  	_ =	swait.ge [sflag:s29], $0x1000  }
0xa9: {  	[sflag:s29] =	ssyncset.done $0x0  }
0xaa: {  	s5 =	simm.s32 $0x192A0;
	[sflag:s29] =	ssyncadd.s32 $0xFFFFF000  }
0xab: {  	[spmem:s3] =	stream.indirect.scatter.add.f32 [tilespmem:s18], [sflag:$0x9], $0x20, s5, s13, $0xb8;
	[tilespmem:$0x1F720] =	vst v63  }
0xac: {  	_ =	swait.ge [sflag:s30], $0x1000  }
0xad: {  	[sflag:s30] =	ssyncset.done $0x0  }
0xae: {  	s9 =	simm.s32 $0x193A0;
	[sflag:s30] =	ssyncadd.s32 $0xFFFFF000  }
0xaf: {  	[spmem:s3] =	stream.indirect.scatter.add.f32 [tilespmem:s20], [sflag:$0xA], $0x20, s9, s13, $0xb8;
	[tilespmem:$0x1F720] =	vst v63  }
0xb0: {  	_ =	swait.ge [sflag:s31], $0x1000  }
0xb1: {  	[sflag:s31] =	ssyncset.done $0x0  }
0xb2: {  	s5 =	simm.s32 $0x194A0;
	[sflag:s31] =	ssyncadd.s32 $0xFFFFF000  }
0xb3: {  	[spmem:s3] =	stream.indirect.scatter.add.f32 [tilespmem:s22], [sflag:$0xB], $0x20, s5, s13, $0xb8;
	[tilespmem:$0x1F720] =	vst v63  }
0xb4: {  	_ =	swait.ge [sflag:s2], $0x1000  }
0xb5: {  	[sflag:s2] =	ssyncset.done $0x0  }
0xb6: {  	s9 =	simm.s32 $0x195A0;
	[sflag:s2] =	ssyncadd.s32 $0xFFFFF000  }
0xb7: {  	[spmem:s3] =	stream.indirect.scatter.add.f32 [tilespmem:s24], [sflag:$0xC], $0x20, s9, s13, $0xb8;
	[tilespmem:$0x1F720] =	vst v63  }
0xb8: {  	_ =	swait.ge [sflag:s15], $0x1000  }
0xb9: {  	[sflag:s15] =	ssyncset.done $0x0  }
0xba: {  	[sflag:s15] =	ssyncadd.s32 $0xFFFFF000  }
0xbb: {  	_ =	swait.ge [sflag:s17], $0x1000  }
0xbc: {  	[sflag:s17] =	ssyncset.done $0x0  }
0xbd: {  	[sflag:s17] =	ssyncadd.s32 $0xFFFFF000  }
0xbe: {  	_ =	swait.ge [sflag:s19], $0x1000  }
0xbf: {  	[sflag:s19] =	ssyncset.done $0x0  }
0xc0: {  	[sflag:s19] =	ssyncadd.s32 $0xFFFFF000  }
0xc1: {  	_ =	swait.ge [sflag:s21], $0x1000  }
0xc2: {  	[sflag:s21] =	ssyncset.done $0x0  }
0xc3: {  	[sflag:s21] =	ssyncadd.s32 $0xFFFFF000  }
0xc4: {  	_ =	swait.ge [sflag:s23], $0x1000  }
.Ltmp3:
0xc5: {  	[sflag:s23] =	ssyncset.done $0x0;
	(pc) =	sbr.rel @p0 .LBB2_5-.Ltmp3, $4  }
0xc6: {  	[sflag:s23] =	ssyncadd.s32 $0xFFFFF000  }
0xc7: {  	_ =	swait.ge [sflag:s0], $0x1000  }
0xc8: {  	[sflag:s0] =	ssyncset.done $0x0  }
0xc9: {  	[sflag:s0] =	ssyncadd.s32 $0xFFFFF000  }
0xca: {  	s4 =	simm.s32 $0x19620  }
0xcb: {  	[tilespmem:s14], [sflag:$0x1] =	stream.indirect.gather [hbm4b:s1+s13], $0x20, s4, s13, $0xb8;
	[tilespmem:$0x1F720] =	vst v63  }
0xcc: {  	_ =	swait.ge [sflag:s26], $0x1000  }
0xcd: {  	[sflag:s26] =	ssyncset.done $0x0  }
0xce: {  	s9 =	simm.s32 $0x196A0;
	[sflag:s26] =	ssyncadd.s32 $0xFFFFF000  }
0xcf: {  	[spmem:s3] =	stream.indirect.scatter.add.f32 [tilespmem:s14], [sflag:$0x7], $0x20, s9, s13, $0xb8;
	[tilespmem:$0x1F720] =	vst v63  }
.Ltmp4:
0xd0: {  	_ =	swait.ge [sflag:s15], $0x1000;
	(pc) =	sbr.rel .LBB2_6-.Ltmp4, $3  }
0xd1: {  	[sflag:s15] =	ssyncset.done $0x0  }
0xd2: {  	[sflag:s15] =	ssyncadd.s32 $0xFFFFF000  }
0xd3: {  	[bflag:$0x0] =	sbarrier.arrive $0xFFFF;
	_ =	sdelay $0x1  }
.LBB2_5:
.Ltmp5:
0xd4: {  	(pc) =	sbr.rel @p1 .LBB2_9-.Ltmp5, $2  }
0xd5: {  	_ =	sdelay $0x1  }
0xd6: {  	[bflag:$0x0] =	sbarrier.arrive $0xFFFF;
	_ =	sdelay $0x1  }
.LBB2_6:
0xd7: {  	s4 =	rddreg [dreg:$0x7];
	s5 =	simm.s32 $0x4E20  }
0xd8: {  	[tilespmem:s5], [sflag:$0xD] =	stream.linear.gather [spmem:s4], $0x7D00, $0x38;
	[tilespmem:$0x1F720] =	vst v63  }
0xd9: {  	_ =	swait.ge [sflag:s12], $0x7D00  }
0xda: {  	[sflag:s12] =	ssyncset.done $0x0  }
0xdb: {  	s4 =	simm.s32 $0x4E30;
	[sflag:s12] =	ssyncadd.s32 $0xFFFF8300  }
0xdc: {  	s9 =	simm.s32 $0x0;
	s5 =	simm.s32 $0x20;
	v0 =	vld [tilespmem:s4+$0xFFFFFFF0]  }
.LBB2_7:
0xdd: {  	p2 =	sne.s32 s5, $0x7CE0;
	_ =	sdelay $0x2  }
0xde: {  	s6 =	sand.u32 $0x7FE0, s9;
	s9 =	smov.u32 s5  }
0xdf: {  	[tilespmem:s6+$0xCB20] =	vst v0  }
0xe0: {  	v0 =	vld [tilespmem:s4+$0x0];
	_ =	sdelay $0x1  }
.Ltmp6:
0xe1: {  	(pc) =	sbr.rel @p2 .LBB2_7-.Ltmp6, $3  }
0xe2: {  	_ =	sdelay $0x1  }
0xe3: {  	s4 =	sadd.s32 $0x20, s4;
	[tilespmem:s6+$0xCB30] =	vst v0  }
0xe4: {  	s5 =	sadd.s32 $0x20, s5;
	v0 =	vld [tilespmem:s4+$0xFFFFFFF0]  }
.Ltmp7:
0xe5: {  	_ = 	snop;
	(pc) =	sbr.rel .LBB2_8-.Ltmp7, $1  }
0xe6: {  	_ =	sdelay $0x3  }
.LBB2_10:
0xe7: {  	_ =	sfence.sel $0x180000  }
0xe8: {  	[bflag:$0x0] =	sbarrier.arrive $0xFFFF  }
0xe9: {  	_ =	strace $0x90000050  }
0xea: {  	s0 =	stileid.u32;
	[bflag:$0x2] =	sbarrier.arrive $0xFFFF  }
0xeb: {  	p0 =	sne.s32 s0, $0x0;
	s0 =	rddreg [dreg:$0x4]  }
0xec: {  	s0 =	sadd.s32 @!p0 $0x100000, s0  }
0xed: {  	[sflag:s0] =	ssyncadd.tile.s32 @!p0 $0x1;
	_ =	shalt  }
.Lfunc_end2:
_tile_overlayer_lowered:
.L_overlay_start_2:
0xee: {  	(tag) =	ssettag $0x2  }
0xef: {  	s0 =	rddreg [dreg:$0x0];
	s2 =	stileid.u32  }
0xf0: {  	s1 =	rddreg [dreg:$0x1];
	p0 =	sne.s32 s2, $0x0  }
0xf1: {  	s3 =	rddreg [dreg:$0x2];
	[bflag:$0x3] =	sbarrier.arrive $0xFFFF;
	s2 =	simm.s32 @!p0 $0x1C0D  }
0xf2: {  	[timem:s3], [sflag:s2] =	dma.local @!p0 [hbm:s0], s1  }
0xf3: {  	s0 =	simm.s32 @!p0 $0xD  }
0xf4: {  	_ =	swait.ge @!p0 [sflag:s0], s1  }
0xf5: {  	s1 =	ssub.s32 @!p0 $0x0, s1;
	[sflag:s0] =	ssyncset.done @!p0 $0x0  }
0xf6: {  	[sflag:s0] =	ssyncadd.s32 @!p0 s1  }
0xf7: {  	[bflag:$0x3] =	sbarrier.arrive $0xFFFF  }
0xf8: {  	_ =	shalt  }

</sc_bundles>
